<compile_context>
chip_gen: v7x
topology: tpu7x:2x2x1
jax: 0.10.2.dev20260603
libtpu: 0.0.44.dev20260713+nightly
codegen_flags: <defaults>
</compile_context>

<pallas_src>
import functools

import jax
import jax.numpy as jnp
from jax import lax
from jax.experimental import pallas as pl
from jax.experimental.pallas import tpu as pltpu
from jax.experimental.pallas import tpu_sc as plsc

N = 10000
E = 320000
FEAT = 128
NCLS = 64

NC = 2
NS = 16
NW = NC * NS
NPAD = 10240
NPS = NPAD // NS
K = 128
CPT = 80
EPT = CPT * K
EPAD = NW * EPT
NB = 2
RB = 8
GB = 8

_MESH = plsc.VectorSubcoreMesh(core_axis_name="c", subcore_axis_name="s",
                               num_cores=NC, num_subcores=NS)



@functools.partial(
    pl.kernel,
    out_type=jax.ShapeDtypeStruct((NC, NPAD, FEAT), jnp.float32),
    mesh=_MESH,
    scratch_types=[
        pltpu.VMEM((CPT, K), jnp.int32),
        pltpu.VMEM((K, FEAT), jnp.float32),
        pltpu.VMEM_SHARED((NPAD, FEAT), jnp.float32),
        pltpu.SemaphoreType.DMA,
    ],
)
def _deg_kernel(dst_hbm, ones_hbm, zeros_hbm, out_hbm, didx, ones_v, hist, sem):
    c = lax.axis_index("c")
    s = lax.axis_index("s")
    wid = c * NS + s
    pltpu.sync_copy(ones_hbm, ones_v)
    pltpu.sync_copy(dst_hbm.at[wid], didx)
    pltpu.sync_copy(zeros_hbm.at[pl.ds(s * NPS, NPS)],
                    hist.at[pl.ds(s * NPS, NPS)])
    plsc.subcore_barrier()

    def body(g, carry):
        for b in range(GB):
            pltpu.async_copy(ones_v, hist.at[didx.at[g * GB + b]], sem,
                             add=True)
        for b in range(GB):
            pltpu.make_async_copy(ones_v, hist.at[didx.at[g * GB + b]],
                                  sem).wait()
        return carry

    lax.fori_loop(0, CPT // GB, body, 0)
    plsc.subcore_barrier()
    pltpu.sync_copy(hist.at[pl.ds(s * NPS, NPS)],
                    out_hbm.at[c, pl.ds(s * NPS, NPS)])


def _make_prop(feat):
    @functools.partial(
        pl.kernel,
        out_type=jax.ShapeDtypeStruct((NC, NPAD, feat), jnp.float32),
        mesh=_MESH,
        scratch_types=[
            pltpu.VMEM((RB, K), jnp.int32),
            pltpu.VMEM((RB, K), jnp.int32),
            pltpu.VMEM((NB, K, feat), jnp.float32),
            pltpu.VMEM_SHARED((NPAD, feat), jnp.float32),
            pltpu.SemaphoreType.DMA,
            pltpu.SemaphoreType.DMA,
        ],
    )
    def prop(y_hbm, src_hbm, dst_hbm, zeros_hbm, out_hbm,
             sidx, didx, rows, acc, gsem, isem):
        c = lax.axis_index("c")
        s = lax.axis_index("s")
        wid = c * NS + s
        pltpu.sync_copy(zeros_hbm.at[pl.ds(s * NPS, NPS)],
                        acc.at[pl.ds(s * NPS, NPS)])

        for r in range(RB):
            pltpu.async_copy(src_hbm.at[wid, r], sidx.at[r], isem)
            pltpu.async_copy(dst_hbm.at[wid, r], didx.at[r], isem)
        plsc.subcore_barrier()
        for b in range(NB):
            pltpu.make_async_copy(src_hbm.at[wid, b], sidx.at[b], isem).wait()
            pltpu.make_async_copy(dst_hbm.at[wid, b], didx.at[b], isem).wait()
            pltpu.async_copy(y_hbm.at[sidx.at[b]], rows.at[b], gsem)

        def body(g, carry):
            for b in range(NB):
                j = g * NB + b
                r = lax.rem(j, RB)
                rn = lax.rem(j + NB, RB)
                pltpu.make_async_copy(y_hbm.at[pl.ds(0, K)], rows.at[b],
                                      gsem).wait()
                pltpu.sync_copy(rows.at[b], acc.at[didx.at[r]], add=True)
                jj = jnp.minimum(j + RB, CPT - 1)
                pltpu.async_copy(src_hbm.at[wid, jj], sidx.at[r], isem)
                pltpu.async_copy(dst_hbm.at[wid, jj], didx.at[r], isem)
                pltpu.make_async_copy(src_hbm.at[wid, 0], sidx.at[0],
                                      isem).wait()
                pltpu.make_async_copy(dst_hbm.at[wid, 0], didx.at[0],
                                      isem).wait()
                pltpu.async_copy(y_hbm.at[sidx.at[rn]], rows.at[b], gsem)
            return carry

        lax.fori_loop(0, (CPT - NB) // NB, body, 0)
        for b in range(NB):
            j = CPT - NB + b
            pltpu.make_async_copy(y_hbm.at[pl.ds(0, K)], rows.at[b],
                                  gsem).wait()
            pltpu.sync_copy(rows.at[b], acc.at[didx.at[j % RB]], add=True)
        for _ in range(RB - NB):
            pltpu.make_async_copy(src_hbm.at[wid, 0], sidx.at[0], isem).wait()
            pltpu.make_async_copy(dst_hbm.at[wid, 0], didx.at[0], isem).wait()

        plsc.subcore_barrier()
        pltpu.sync_copy(acc.at[pl.ds(s * NPS, NPS)],
                        out_hbm.at[c, pl.ds(s * NPS, NPS)])

    return prop


_prop128 = _make_prop(FEAT)



_BRP = 1024
_BR = 1000


def _tc_first(x, W1, cnt):
    def body(x_ref, w_ref, c_ref, y_ref, dv_ref):
        h = jnp.dot(x_ref[...], w_ref[...], preferred_element_type=jnp.float32)
        deg = c_ref[0, :, 0] + c_ref[1, :, 0] + 1.0
        dv = lax.rsqrt(deg)
        y_ref[...] = h * dv[:, None]
        dv_ref[...] = dv[:, None]

    return pl.pallas_call(
        body,
        grid=(NPAD // _BRP,),
        in_specs=[
            pl.BlockSpec((_BRP, FEAT), lambda i: (i, 0)),
            pl.BlockSpec((FEAT, FEAT), lambda i: (0, 0)),
            pl.BlockSpec((NC, _BRP, FEAT), lambda i: (0, i, 0)),
        ],
        out_specs=[
            pl.BlockSpec((_BRP, FEAT), lambda i: (i, 0)),
            pl.BlockSpec((_BRP, 1), lambda i: (i, 0)),
        ],
        out_shape=[
            jax.ShapeDtypeStruct((NPAD, FEAT), jnp.float32),
            jax.ShapeDtypeStruct((NPAD, 1), jnp.float32),
        ],
    )(x, W1, cnt)


def _tc_mid(p, y, dinv, b, W):
    def body(p_ref, y_ref, dv_ref, b_ref, w_ref, o_ref):
        t = dv_ref[...] * (p_ref[0] + p_ref[1] + y_ref[...]) + b_ref[...]
        a = jnp.tanh(t)
        o_ref[...] = dv_ref[...] * jnp.dot(
            a, w_ref[...], preferred_element_type=jnp.float32)

    return pl.pallas_call(
        body,
        grid=(NPAD // _BRP,),
        in_specs=[
            pl.BlockSpec((NC, _BRP, FEAT), lambda i: (0, i, 0)),
            pl.BlockSpec((_BRP, FEAT), lambda i: (i, 0)),
            pl.BlockSpec((_BRP, 1), lambda i: (i, 0)),
            pl.BlockSpec((1, FEAT), lambda i: (0, 0)),
            pl.BlockSpec((FEAT, FEAT), lambda i: (0, 0)),
        ],
        out_specs=pl.BlockSpec((_BRP, FEAT), lambda i: (i, 0)),
        out_shape=jax.ShapeDtypeStruct((NPAD, FEAT), jnp.float32),
    )(p, y, dinv, b, W)


def _tc_last(p, y, dinv, b):
    def body(p_ref, y_ref, dv_ref, b_ref, o_ref):
        t = dv_ref[...] * (p_ref[0] + p_ref[1] + y_ref[...])
        o_ref[...] = t[:, :NCLS] + b_ref[...]

    return pl.pallas_call(
        body,
        grid=(N // _BR,),
        in_specs=[
            pl.BlockSpec((NC, _BR, FEAT), lambda i: (0, i, 0)),
            pl.BlockSpec((_BR, FEAT), lambda i: (i, 0)),
            pl.BlockSpec((_BR, 1), lambda i: (i, 0)),
            pl.BlockSpec((1, NCLS), lambda i: (0, 0)),
        ],
        out_specs=pl.BlockSpec((_BR, NCLS), lambda i: (i, 0)),
        out_shape=jax.ShapeDtypeStruct((N, NCLS), jnp.float32),
    )(p, y, dinv, b)



def kernel(x, adj, W1, b1, W2, b2, W3, b3):
    adj = adj.astype(jnp.int32)
    fill = N + jnp.arange(EPAD - E, dtype=jnp.int32) % (NPAD - N)
    src = jnp.concatenate([adj[0], fill]).reshape(NW, CPT, K)
    dst = jnp.concatenate([adj[1], fill]).reshape(NW, CPT, K)
    x_pad = jnp.pad(x, ((0, NPAD - N), (0, 0)))
    ones128 = jnp.ones((K, FEAT), jnp.float32)
    zeros128 = jnp.zeros((NPAD, FEAT), jnp.float32)
    W3p = jnp.pad(W3, ((0, 0), (0, FEAT - NCLS)))

    cnt = _deg_kernel(dst, ones128, zeros128)
    y1, dinv = _tc_first(x_pad, W1, cnt)
    p = _prop128(y1, src, dst, zeros128)
    y2 = _tc_mid(p, y1, dinv, b1.reshape(1, -1), W2)
    p = _prop128(y2, src, dst, zeros128)
    y3 = _tc_mid(p, y2, dinv, b2.reshape(1, -1), W3p)
    p = _prop128(y3, src, dst, zeros128)
    return _tc_last(p, y3, dinv, b3.reshape(1, -1))

# --- scband reference (transcript-rebuilt; emitter-appended) ---
"""Pipeline reference for scband-gcn-31293131719374 (READ-ONLY COPY).

The authoritative reference and input builder live on the scoring server;
editing this copy changes nothing except your own understanding.
"""

import jax, jax.numpy as jnp
import numpy as np

N = 10000
E = 320000
NFEAT = 128
NHID = 128
NCLASS = 64


def gcn_conv(x, edge_index, W, b):
    # linear transform first (same math as PyG GCNConv)
    h = x @ W
    n = h.shape[0]
    src = edge_index[0]
    dst = edge_index[1]
    # add self loops
    loop = jnp.arange(n, dtype=src.dtype)
    src = jnp.concatenate([src, loop])
    dst = jnp.concatenate([dst, loop])
    # symmetric normalization D^-1/2 (A+I) D^-1/2
    ones = jnp.ones_like(dst, dtype=h.dtype)
    deg = jax.ops.segment_sum(ones, dst, num_segments=n)
    dinv = jnp.where(deg > 0, 1.0 / jnp.sqrt(jnp.maximum(deg, 1e-12)), 0.0)
    norm = dinv[src] * dinv[dst]
    msgs = h[src] * norm[:, None]
    out = jax.ops.segment_sum(msgs, dst, num_segments=n)
    return out + b


def setup_inputs(seed: int = 0) -> dict:
    key = jax.random.key(seed)
    k1, k2, k3, k4, k5 = jax.random.split(key, 5)
    x = jax.random.normal(k1, (N, NFEAT), dtype=jnp.float32)
    adj = jax.random.randint(k2, (2, E), 0, N, dtype=jnp.int64)
    s = 1.0 / np.sqrt(NFEAT)
    W1 = jax.random.uniform(k3, (NFEAT, NHID), minval=-s, maxval=s, dtype=jnp.float32)
    b1 = jnp.zeros((NHID,), dtype=jnp.float32)
    W2 = jax.random.uniform(k4, (NHID, NHID), minval=-s, maxval=s, dtype=jnp.float32)
    b2 = jnp.zeros((NHID,), dtype=jnp.float32)
    W3 = jax.random.uniform(k5, (NHID, NCLASS), minval=-s, maxval=s, dtype=jnp.float32)
    b3 = jnp.zeros((NCLASS,), dtype=jnp.float32)
    return {"x": x, "adj": adj, "W1": W1, "b1": b1, "W2": W2, "b2": b2, "W3": W3, "b3": b3}


def reference(x, adj, W1, b1, W2, b2, W3, b3):
    h = gcn_conv(x, adj, W1, b1)
    h = jnp.tanh(h)
    h = gcn_conv(h, adj, W2, b2)
    h = jnp.tanh(h)
    h = gcn_conv(h, adj, W3, b3)
    # dropout is identity in eval / deterministic reference
    return h

if __name__ == "__main__":
    import jax
    _d = setup_inputs()
    print(jax.jit(kernel)(*tuple(_d.values())))

</pallas_src>

<mosaic_0001>
#map = affine_map<(d0, d1) -> (0, 0, 0)>
#map1 = affine_map<(d0, d1) -> (0, 0)>
module attributes {stable_mosaic.version = 14 : i64} {
  func.func @_deg_kernel(%arg0: i32, %arg1: i32, %arg2: memref<32x80x128xi32, #tpu.memory_space<hbm>>, %arg3: memref<128x128xf32, #tpu.memory_space<hbm>>, %arg4: memref<10240x128xf32, #tpu.memory_space<hbm>>, %arg5: memref<2x10240x128xf32, #tpu.memory_space<hbm>>, %arg6: memref<80x128xi32, #tpu.memory_space<vmem>>, %arg7: memref<128x128xf32, #tpu.memory_space<vmem>>, %arg8: memref<10240x128xf32, #tpu.memory_space<vmem_shared>>, %arg9: memref<!tpu.dma_semaphore, #tpu.memory_space<semaphore_mem>>) attributes {dimension_semantics = [#tpu.dimension_semantics<core_parallel>, #tpu.dimension_semantics<subcore_parallel>], iteration_bounds = array<i64: 2, 16>, scalar_prefetch = 0 : i64, scratch_operands = 4 : i64, tpu.core_type = #tpu.core_type<sc_vector_subcore>, window_params = [{transform_indices = #map}, {transform_indices = #map1}, {transform_indices = #map1}, {transform_indices = #map}]} {
    %mul3A = arith.constant 16 : i32
    %mul3A_0 = arith.muli %arg0, %mul3A : i32
    %add3A = arith.addi %mul3A_0, %arg1 : i32
    "tpu.region"() ({
      %run_scoped3A = tpu.sem_alloc : memref<!tpu.dma_semaphore, #tpu.memory_space<semaphore_mem>>
      tpu.enqueue_dma source(%arg3 : memref<128x128xf32, #tpu.memory_space<hbm>>) target(%arg7 : memref<128x128xf32, #tpu.memory_space<vmem>>) target_semaphore(%run_scoped3A : memref<!tpu.dma_semaphore, #tpu.memory_space<semaphore_mem>>)
      tpu.wait_dma2 semaphore(%run_scoped3A : memref<!tpu.dma_semaphore, #tpu.memory_space<semaphore_mem>>) src(%arg3 : memref<128x128xf32, #tpu.memory_space<hbm>>) dst(%arg7 : memref<128x128xf32, #tpu.memory_space<vmem>>)
      tpu.yield
    }) : () -> ()
    "tpu.region"() ({
      %run_scoped3A = tpu.sem_alloc : memref<!tpu.dma_semaphore, #tpu.memory_space<semaphore_mem>>
      %dma_start3A = arith.constant 0 : i32
      %dma_start3A_15 = arith.constant 0 : i32
      %dma_start3A_16 = tpu.memref_slice %arg2[%add3A, %dma_start3A, %dma_start3A_15] : memref<32x80x128xi32, #tpu.memory_space<hbm>> -> memref<1x80x128xi32, #tpu.memory_space<hbm>>
      %dma_start3A_17 = tpu.memref_squeeze %dma_start3A_16 : memref<1x80x128xi32, #tpu.memory_space<hbm>> -> memref<80x128xi32, #tpu.memory_space<hbm>>
      %dma_start3A_18 = arith.constant 0 : i32
      %dma_start3A_19 = arith.constant 0 : i32
      %dma_start3A_20 = tpu.memref_slice %arg2[%add3A, %dma_start3A_18, %dma_start3A_19] : memref<32x80x128xi32, #tpu.memory_space<hbm>> -> memref<1x80x128xi32, #tpu.memory_space<hbm>>
      %dma_start3A_21 = tpu.memref_squeeze %dma_start3A_20 : memref<1x80x128xi32, #tpu.memory_space<hbm>> -> memref<80x128xi32, #tpu.memory_space<hbm>>
      tpu.enqueue_dma source(%dma_start3A_21 : memref<80x128xi32, #tpu.memory_space<hbm>>) target(%arg6 : memref<80x128xi32, #tpu.memory_space<vmem>>) target_semaphore(%run_scoped3A : memref<!tpu.dma_semaphore, #tpu.memory_space<semaphore_mem>>)
      %dma_wait3A = arith.constant 0 : i32
      %dma_wait3A_22 = arith.constant 0 : i32
      %dma_wait3A_23 = tpu.memref_slice %arg2[%add3A, %dma_wait3A, %dma_wait3A_22] : memref<32x80x128xi32, #tpu.memory_space<hbm>> -> memref<1x80x128xi32, #tpu.memory_space<hbm>>
      %dma_wait3A_24 = tpu.memref_squeeze %dma_wait3A_23 : memref<1x80x128xi32, #tpu.memory_space<hbm>> -> memref<80x128xi32, #tpu.memory_space<hbm>>
      %dma_wait3A_25 = arith.constant 0 : i32
      %dma_wait3A_26 = arith.constant 0 : i32
      %dma_wait3A_27 = tpu.memref_slice %arg2[%add3A, %dma_wait3A_25, %dma_wait3A_26] : memref<32x80x128xi32, #tpu.memory_space<hbm>> -> memref<1x80x128xi32, #tpu.memory_space<hbm>>
      %dma_wait3A_28 = tpu.memref_squeeze %dma_wait3A_27 : memref<1x80x128xi32, #tpu.memory_space<hbm>> -> memref<80x128xi32, #tpu.memory_space<hbm>>
      tpu.wait_dma2 semaphore(%run_scoped3A : memref<!tpu.dma_semaphore, #tpu.memory_space<semaphore_mem>>) src(%dma_wait3A_28 : memref<80x128xi32, #tpu.memory_space<hbm>>) dst(%arg6 : memref<80x128xi32, #tpu.memory_space<vmem>>)
      tpu.yield
    }) : () -> ()
    %mul3A_1 = arith.constant 640 : i32
    %mul3A_2 = arith.muli %arg1, %mul3A_1 : i32
    %mul3A_3 = arith.constant 640 : i32
    %mul3A_4 = arith.muli %arg1, %mul3A_3 : i32
    "tpu.region"() ({
      %run_scoped3A = tpu.sem_alloc : memref<!tpu.dma_semaphore, #tpu.memory_space<semaphore_mem>>
      %dma_start3A = arith.constant 0 : i32
      %dma_start3A_15 = tpu.memref_slice %arg8[%mul3A_4, %dma_start3A] : memref<10240x128xf32, #tpu.memory_space<vmem_shared>> -> memref<640x128xf32, #tpu.memory_space<vmem_shared>>
      %dma_start3A_16 = arith.constant 0 : i32
      %dma_start3A_17 = tpu.memref_slice %arg4[%mul3A_2, %dma_start3A_16] : memref<10240x128xf32, #tpu.memory_space<hbm>> -> memref<640x128xf32, #tpu.memory_space<hbm>>
      tpu.enqueue_dma source(%dma_start3A_17 : memref<640x128xf32, #tpu.memory_space<hbm>>) target(%dma_start3A_15 : memref<640x128xf32, #tpu.memory_space<vmem_shared>>) target_semaphore(%run_scoped3A : memref<!tpu.dma_semaphore, #tpu.memory_space<semaphore_mem>>)
      %dma_wait3A = arith.constant 0 : i32
      %dma_wait3A_18 = tpu.memref_slice %arg8[%mul3A_4, %dma_wait3A] : memref<10240x128xf32, #tpu.memory_space<vmem_shared>> -> memref<640x128xf32, #tpu.memory_space<vmem_shared>>
      %dma_wait3A_19 = arith.constant 0 : i32
      %dma_wait3A_20 = tpu.memref_slice %arg4[%mul3A_2, %dma_wait3A_19] : memref<10240x128xf32, #tpu.memory_space<hbm>> -> memref<640x128xf32, #tpu.memory_space<hbm>>
      tpu.wait_dma2 semaphore(%run_scoped3A : memref<!tpu.dma_semaphore, #tpu.memory_space<semaphore_mem>>) src(%dma_wait3A_20 : memref<640x128xf32, #tpu.memory_space<hbm>>) dst(%dma_wait3A_18 : memref<640x128xf32, #tpu.memory_space<vmem_shared>>)
      tpu.yield
    }) : () -> ()
    %barrier3A = arith.constant 0 : index
    tpu.barrier barrier_id(%barrier3A)
    %scan3A = arith.constant 0 : i32
    %scan3A_5 = arith.constant 0 : i32
    %scan3A_6 = arith.constant 10 : i32
    %scan3A_7 = arith.addi %scan3A_5, %scan3A_6 : i32
    %scan3A_8 = arith.constant 1 : i32
    scf.for %scan3A_15 = %scan3A_5 to %scan3A_7 step %scan3A_8  : i32 {
      %mul3A_16 = arith.constant 8 : i32
      %mul3A_17 = arith.muli %scan3A_15, %mul3A_16 : i32
      %add3A_18 = arith.constant 0 : i32
      %add3A_19 = arith.addi %mul3A_17, %add3A_18 : i32
      %dma_start3A = arith.constant 0 : i32
      %dma_start3A_20 = tpu.memref_slice %arg6[%add3A_19, %dma_start3A] : memref<80x128xi32, #tpu.memory_space<vmem>> -> memref<1x128xi32, #tpu.memory_space<vmem>>
      %dma_start3A_21 = tpu.memref_squeeze %dma_start3A_20 : memref<1x128xi32, #tpu.memory_space<vmem>> -> memref<128xi32, #tpu.memory_space<vmem>>
      %dma_start3A_22 = arith.constant 0 : i32
      %dma_start3A_23 = arith.constant 0 : i32
      %dma_start3A_24 = tpu.memref_slice %arg8[%dma_start3A_22, %dma_start3A_23] : memref<10240x128xf32, #tpu.memory_space<vmem_shared>> -> memref<10240x128xf32, #tpu.memory_space<vmem_shared>>
      tpu.enqueue_indirect_dma source(%arg7 : memref<128x128xf32, #tpu.memory_space<vmem>>) target(%dma_start3A_24 : memref<10240x128xf32, #tpu.memory_space<vmem_shared>>) offsets(%dma_start3A_21 : memref<128xi32, #tpu.memory_space<vmem>>) semaphore(%arg9 : memref<!tpu.dma_semaphore, #tpu.memory_space<semaphore_mem>>) {add = true}
      %mul3A_25 = arith.constant 8 : i32
      %mul3A_26 = arith.muli %scan3A_15, %mul3A_25 : i32
      %add3A_27 = arith.constant 1 : i32
      %add3A_28 = arith.addi %mul3A_26, %add3A_27 : i32
      %dma_start3A_29 = arith.constant 0 : i32
      %dma_start3A_30 = tpu.memref_slice %arg6[%add3A_28, %dma_start3A_29] : memref<80x128xi32, #tpu.memory_space<vmem>> -> memref<1x128xi32, #tpu.memory_space<vmem>>
      %dma_start3A_31 = tpu.memref_squeeze %dma_start3A_30 : memref<1x128xi32, #tpu.memory_space<vmem>> -> memref<128xi32, #tpu.memory_space<vmem>>
      %dma_start3A_32 = arith.constant 0 : i32
      %dma_start3A_33 = arith.constant 0 : i32
      %dma_start3A_34 = tpu.memref_slice %arg8[%dma_start3A_32, %dma_start3A_33] : memref<10240x128xf32, #tpu.memory_space<vmem_shared>> -> memref<10240x128xf32, #tpu.memory_space<vmem_shared>>
      tpu.enqueue_indirect_dma source(%arg7 : memref<128x128xf32, #tpu.memory_space<vmem>>) target(%dma_start3A_34 : memref<10240x128xf32, #tpu.memory_space<vmem_shared>>) offsets(%dma_start3A_31 : memref<128xi32, #tpu.memory_space<vmem>>) semaphore(%arg9 : memref<!tpu.dma_semaphore, #tpu.memory_space<semaphore_mem>>) {add = true}
      %mul3A_35 = arith.constant 8 : i32
      %mul3A_36 = arith.muli %scan3A_15, %mul3A_35 : i32
      %add3A_37 = arith.constant 2 : i32
      %add3A_38 = arith.addi %mul3A_36, %add3A_37 : i32
      %dma_start3A_39 = arith.constant 0 : i32
      %dma_start3A_40 = tpu.memref_slice %arg6[%add3A_38, %dma_start3A_39] : memref<80x128xi32, #tpu.memory_space<vmem>> -> memref<1x128xi32, #tpu.memory_space<vmem>>
      %dma_start3A_41 = tpu.memref_squeeze %dma_start3A_40 : memref<1x128xi32, #tpu.memory_space<vmem>> -> memref<128xi32, #tpu.memory_space<vmem>>
      %dma_start3A_42 = arith.constant 0 : i32
      %dma_start3A_43 = arith.constant 0 : i32
      %dma_start3A_44 = tpu.memref_slice %arg8[%dma_start3A_42, %dma_start3A_43] : memref<10240x128xf32, #tpu.memory_space<vmem_shared>> -> memref<10240x128xf32, #tpu.memory_space<vmem_shared>>
      tpu.enqueue_indirect_dma source(%arg7 : memref<128x128xf32, #tpu.memory_space<vmem>>) target(%dma_start3A_44 : memref<10240x128xf32, #tpu.memory_space<vmem_shared>>) offsets(%dma_start3A_41 : memref<128xi32, #tpu.memory_space<vmem>>) semaphore(%arg9 : memref<!tpu.dma_semaphore, #tpu.memory_space<semaphore_mem>>) {add = true}
      %mul3A_45 = arith.constant 8 : i32
      %mul3A_46 = arith.muli %scan3A_15, %mul3A_45 : i32
      %add3A_47 = arith.constant 3 : i32
      %add3A_48 = arith.addi %mul3A_46, %add3A_47 : i32
      %dma_start3A_49 = arith.constant 0 : i32
      %dma_start3A_50 = tpu.memref_slice %arg6[%add3A_48, %dma_start3A_49] : memref<80x128xi32, #tpu.memory_space<vmem>> -> memref<1x128xi32, #tpu.memory_space<vmem>>
      %dma_start3A_51 = tpu.memref_squeeze %dma_start3A_50 : memref<1x128xi32, #tpu.memory_space<vmem>> -> memref<128xi32, #tpu.memory_space<vmem>>
      %dma_start3A_52 = arith.constant 0 : i32
      %dma_start3A_53 = arith.constant 0 : i32
      %dma_start3A_54 = tpu.memref_slice %arg8[%dma_start3A_52, %dma_start3A_53] : memref<10240x128xf32, #tpu.memory_space<vmem_shared>> -> memref<10240x128xf32, #tpu.memory_space<vmem_shared>>
      tpu.enqueue_indirect_dma source(%arg7 : memref<128x128xf32, #tpu.memory_space<vmem>>) target(%dma_start3A_54 : memref<10240x128xf32, #tpu.memory_space<vmem_shared>>) offsets(%dma_start3A_51 : memref<128xi32, #tpu.memory_space<vmem>>) semaphore(%arg9 : memref<!tpu.dma_semaphore, #tpu.memory_space<semaphore_mem>>) {add = true}
      %mul3A_55 = arith.constant 8 : i32
      %mul3A_56 = arith.muli %scan3A_15, %mul3A_55 : i32
      %add3A_57 = arith.constant 4 : i32
      %add3A_58 = arith.addi %mul3A_56, %add3A_57 : i32
      %dma_start3A_59 = arith.constant 0 : i32
      %dma_start3A_60 = tpu.memref_slice %arg6[%add3A_58, %dma_start3A_59] : memref<80x128xi32, #tpu.memory_space<vmem>> -> memref<1x128xi32, #tpu.memory_space<vmem>>
      %dma_start3A_61 = tpu.memref_squeeze %dma_start3A_60 : memref<1x128xi32, #tpu.memory_space<vmem>> -> memref<128xi32, #tpu.memory_space<vmem>>
      %dma_start3A_62 = arith.constant 0 : i32
      %dma_start3A_63 = arith.constant 0 : i32
      %dma_start3A_64 = tpu.memref_slice %arg8[%dma_start3A_62, %dma_start3A_63] : memref<10240x128xf32, #tpu.memory_space<vmem_shared>> -> memref<10240x128xf32, #tpu.memory_space<vmem_shared>>
      tpu.enqueue_indirect_dma source(%arg7 : memref<128x128xf32, #tpu.memory_space<vmem>>) target(%dma_start3A_64 : memref<10240x128xf32, #tpu.memory_space<vmem_shared>>) offsets(%dma_start3A_61 : memref<128xi32, #tpu.memory_space<vmem>>) semaphore(%arg9 : memref<!tpu.dma_semaphore, #tpu.memory_space<semaphore_mem>>) {add = true}
      %mul3A_65 = arith.constant 8 : i32
      %mul3A_66 = arith.muli %scan3A_15, %mul3A_65 : i32
      %add3A_67 = arith.constant 5 : i32
      %add3A_68 = arith.addi %mul3A_66, %add3A_67 : i32
      %dma_start3A_69 = arith.constant 0 : i32
      %dma_start3A_70 = tpu.memref_slice %arg6[%add3A_68, %dma_start3A_69] : memref<80x128xi32, #tpu.memory_space<vmem>> -> memref<1x128xi32, #tpu.memory_space<vmem>>
      %dma_start3A_71 = tpu.memref_squeeze %dma_start3A_70 : memref<1x128xi32, #tpu.memory_space<vmem>> -> memref<128xi32, #tpu.memory_space<vmem>>
      %dma_start3A_72 = arith.constant 0 : i32
      %dma_start3A_73 = arith.constant 0 : i32
      %dma_start3A_74 = tpu.memref_slice %arg8[%dma_start3A_72, %dma_start3A_73] : memref<10240x128xf32, #tpu.memory_space<vmem_shared>> -> memref<10240x128xf32, #tpu.memory_space<vmem_shared>>
      tpu.enqueue_indirect_dma source(%arg7 : memref<128x128xf32, #tpu.memory_space<vmem>>) target(%dma_start3A_74 : memref<10240x128xf32, #tpu.memory_space<vmem_shared>>) offsets(%dma_start3A_71 : memref<128xi32, #tpu.memory_space<vmem>>) semaphore(%arg9 : memref<!tpu.dma_semaphore, #tpu.memory_space<semaphore_mem>>) {add = true}
      %mul3A_75 = arith.constant 8 : i32
      %mul3A_76 = arith.muli %scan3A_15, %mul3A_75 : i32
      %add3A_77 = arith.constant 6 : i32
      %add3A_78 = arith.addi %mul3A_76, %add3A_77 : i32
      %dma_start3A_79 = arith.constant 0 : i32
      %dma_start3A_80 = tpu.memref_slice %arg6[%add3A_78, %dma_start3A_79] : memref<80x128xi32, #tpu.memory_space<vmem>> -> memref<1x128xi32, #tpu.memory_space<vmem>>
      %dma_start3A_81 = tpu.memref_squeeze %dma_start3A_80 : memref<1x128xi32, #tpu.memory_space<vmem>> -> memref<128xi32, #tpu.memory_space<vmem>>
      %dma_start3A_82 = arith.constant 0 : i32
      %dma_start3A_83 = arith.constant 0 : i32
      %dma_start3A_84 = tpu.memref_slice %arg8[%dma_start3A_82, %dma_start3A_83] : memref<10240x128xf32, #tpu.memory_space<vmem_shared>> -> memref<10240x128xf32, #tpu.memory_space<vmem_shared>>
      tpu.enqueue_indirect_dma source(%arg7 : memref<128x128xf32, #tpu.memory_space<vmem>>) target(%dma_start3A_84 : memref<10240x128xf32, #tpu.memory_space<vmem_shared>>) offsets(%dma_start3A_81 : memref<128xi32, #tpu.memory_space<vmem>>) semaphore(%arg9 : memref<!tpu.dma_semaphore, #tpu.memory_space<semaphore_mem>>) {add = true}
      %mul3A_85 = arith.constant 8 : i32
      %mul3A_86 = arith.muli %scan3A_15, %mul3A_85 : i32
      %add3A_87 = arith.constant 7 : i32
      %add3A_88 = arith.addi %mul3A_86, %add3A_87 : i32
      %dma_start3A_89 = arith.constant 0 : i32
      %dma_start3A_90 = tpu.memref_slice %arg6[%add3A_88, %dma_start3A_89] : memref<80x128xi32, #tpu.memory_space<vmem>> -> memref<1x128xi32, #tpu.memory_space<vmem>>
      %dma_start3A_91 = tpu.memref_squeeze %dma_start3A_90 : memref<1x128xi32, #tpu.memory_space<vmem>> -> memref<128xi32, #tpu.memory_space<vmem>>
      %dma_start3A_92 = arith.constant 0 : i32
      %dma_start3A_93 = arith.constant 0 : i32
      %dma_start3A_94 = tpu.memref_slice %arg8[%dma_start3A_92, %dma_start3A_93] : memref<10240x128xf32, #tpu.memory_space<vmem_shared>> -> memref<10240x128xf32, #tpu.memory_space<vmem_shared>>
      tpu.enqueue_indirect_dma source(%arg7 : memref<128x128xf32, #tpu.memory_space<vmem>>) target(%dma_start3A_94 : memref<10240x128xf32, #tpu.memory_space<vmem_shared>>) offsets(%dma_start3A_91 : memref<128xi32, #tpu.memory_space<vmem>>) semaphore(%arg9 : memref<!tpu.dma_semaphore, #tpu.memory_space<semaphore_mem>>) {add = true}
      %mul3A_95 = arith.constant 8 : i32
      %mul3A_96 = arith.muli %scan3A_15, %mul3A_95 : i32
      %add3A_97 = arith.constant 0 : i32
      %add3A_98 = arith.addi %mul3A_96, %add3A_97 : i32
      %dma_wait3A = arith.constant 0 : i32
      %dma_wait3A_99 = tpu.memref_slice %arg6[%add3A_98, %dma_wait3A] : memref<80x128xi32, #tpu.memory_space<vmem>> -> memref<1x128xi32, #tpu.memory_space<vmem>>
      %dma_wait3A_100 = tpu.memref_squeeze %dma_wait3A_99 : memref<1x128xi32, #tpu.memory_space<vmem>> -> memref<128xi32, #tpu.memory_space<vmem>>
      %dma_wait3A_101 = arith.constant 0 : i32
      %dma_wait3A_102 = arith.constant 0 : i32
      %dma_wait3A_103 = tpu.memref_slice %arg8[%dma_wait3A_101, %dma_wait3A_102] : memref<10240x128xf32, #tpu.memory_space<vmem_shared>> -> memref<10240x128xf32, #tpu.memory_space<vmem_shared>>
      tpu.wait_indirect_dma semaphore(%arg9 : memref<!tpu.dma_semaphore, #tpu.memory_space<semaphore_mem>>) src(%arg7 : memref<128x128xf32, #tpu.memory_space<vmem>>) dst(%dma_wait3A_103 : memref<10240x128xf32, #tpu.memory_space<vmem_shared>>)
      %mul3A_104 = arith.constant 8 : i32
      %mul3A_105 = arith.muli %scan3A_15, %mul3A_104 : i32
      %add3A_106 = arith.constant 1 : i32
      %add3A_107 = arith.addi %mul3A_105, %add3A_106 : i32
      %dma_wait3A_108 = arith.constant 0 : i32
      %dma_wait3A_109 = tpu.memref_slice %arg6[%add3A_107, %dma_wait3A_108] : memref<80x128xi32, #tpu.memory_space<vmem>> -> memref<1x128xi32, #tpu.memory_space<vmem>>
      %dma_wait3A_110 = tpu.memref_squeeze %dma_wait3A_109 : memref<1x128xi32, #tpu.memory_space<vmem>> -> memref<128xi32, #tpu.memory_space<vmem>>
      %dma_wait3A_111 = arith.constant 0 : i32
      %dma_wait3A_112 = arith.constant 0 : i32
      %dma_wait3A_113 = tpu.memref_slice %arg8[%dma_wait3A_111, %dma_wait3A_112] : memref<10240x128xf32, #tpu.memory_space<vmem_shared>> -> memref<10240x128xf32, #tpu.memory_space<vmem_shared>>
      tpu.wait_indirect_dma semaphore(%arg9 : memref<!tpu.dma_semaphore, #tpu.memory_space<semaphore_mem>>) src(%arg7 : memref<128x128xf32, #tpu.memory_space<vmem>>) dst(%dma_wait3A_113 : memref<10240x128xf32, #tpu.memory_space<vmem_shared>>)
      %mul3A_114 = arith.constant 8 : i32
      %mul3A_115 = arith.muli %scan3A_15, %mul3A_114 : i32
      %add3A_116 = arith.constant 2 : i32
      %add3A_117 = arith.addi %mul3A_115, %add3A_116 : i32
      %dma_wait3A_118 = arith.constant 0 : i32
      %dma_wait3A_119 = tpu.memref_slice %arg6[%add3A_117, %dma_wait3A_118] : memref<80x128xi32, #tpu.memory_space<vmem>> -> memref<1x128xi32, #tpu.memory_space<vmem>>
      %dma_wait3A_120 = tpu.memref_squeeze %dma_wait3A_119 : memref<1x128xi32, #tpu.memory_space<vmem>> -> memref<128xi32, #tpu.memory_space<vmem>>
      %dma_wait3A_121 = arith.constant 0 : i32
      %dma_wait3A_122 = arith.constant 0 : i32
      %dma_wait3A_123 = tpu.memref_slice %arg8[%dma_wait3A_121, %dma_wait3A_122] : memref<10240x128xf32, #tpu.memory_space<vmem_shared>> -> memref<10240x128xf32, #tpu.memory_space<vmem_shared>>
      tpu.wait_indirect_dma semaphore(%arg9 : memref<!tpu.dma_semaphore, #tpu.memory_space<semaphore_mem>>) src(%arg7 : memref<128x128xf32, #tpu.memory_space<vmem>>) dst(%dma_wait3A_123 : memref<10240x128xf32, #tpu.memory_space<vmem_shared>>)
      %mul3A_124 = arith.constant 8 : i32
      %mul3A_125 = arith.muli %scan3A_15, %mul3A_124 : i32
      %add3A_126 = arith.constant 3 : i32
      %add3A_127 = arith.addi %mul3A_125, %add3A_126 : i32
      %dma_wait3A_128 = arith.constant 0 : i32
      %dma_wait3A_129 = tpu.memref_slice %arg6[%add3A_127, %dma_wait3A_128] : memref<80x128xi32, #tpu.memory_space<vmem>> -> memref<1x128xi32, #tpu.memory_space<vmem>>
      %dma_wait3A_130 = tpu.memref_squeeze %dma_wait3A_129 : memref<1x128xi32, #tpu.memory_space<vmem>> -> memref<128xi32, #tpu.memory_space<vmem>>
      %dma_wait3A_131 = arith.constant 0 : i32
      %dma_wait3A_132 = arith.constant 0 : i32
      %dma_wait3A_133 = tpu.memref_slice %arg8[%dma_wait3A_131, %dma_wait3A_132] : memref<10240x128xf32, #tpu.memory_space<vmem_shared>> -> memref<10240x128xf32, #tpu.memory_space<vmem_shared>>
      tpu.wait_indirect_dma semaphore(%arg9 : memref<!tpu.dma_semaphore, #tpu.memory_space<semaphore_mem>>) src(%arg7 : memref<128x128xf32, #tpu.memory_space<vmem>>) dst(%dma_wait3A_133 : memref<10240x128xf32, #tpu.memory_space<vmem_shared>>)
      %mul3A_134 = arith.constant 8 : i32
      %mul3A_135 = arith.muli %scan3A_15, %mul3A_134 : i32
      %add3A_136 = arith.constant 4 : i32
      %add3A_137 = arith.addi %mul3A_135, %add3A_136 : i32
      %dma_wait3A_138 = arith.constant 0 : i32
      %dma_wait3A_139 = tpu.memref_slice %arg6[%add3A_137, %dma_wait3A_138] : memref<80x128xi32, #tpu.memory_space<vmem>> -> memref<1x128xi32, #tpu.memory_space<vmem>>
      %dma_wait3A_140 = tpu.memref_squeeze %dma_wait3A_139 : memref<1x128xi32, #tpu.memory_space<vmem>> -> memref<128xi32, #tpu.memory_space<vmem>>
      %dma_wait3A_141 = arith.constant 0 : i32
      %dma_wait3A_142 = arith.constant 0 : i32
      %dma_wait3A_143 = tpu.memref_slice %arg8[%dma_wait3A_141, %dma_wait3A_142] : memref<10240x128xf32, #tpu.memory_space<vmem_shared>> -> memref<10240x128xf32, #tpu.memory_space<vmem_shared>>
      tpu.wait_indirect_dma semaphore(%arg9 : memref<!tpu.dma_semaphore, #tpu.memory_space<semaphore_mem>>) src(%arg7 : memref<128x128xf32, #tpu.memory_space<vmem>>) dst(%dma_wait3A_143 : memref<10240x128xf32, #tpu.memory_space<vmem_shared>>)
      %mul3A_144 = arith.constant 8 : i32
      %mul3A_145 = arith.muli %scan3A_15, %mul3A_144 : i32
      %add3A_146 = arith.constant 5 : i32
      %add3A_147 = arith.addi %mul3A_145, %add3A_146 : i32
      %dma_wait3A_148 = arith.constant 0 : i32
      %dma_wait3A_149 = tpu.memref_slice %arg6[%add3A_147, %dma_wait3A_148] : memref<80x128xi32, #tpu.memory_space<vmem>> -> memref<1x128xi32, #tpu.memory_space<vmem>>
      %dma_wait3A_150 = tpu.memref_squeeze %dma_wait3A_149 : memref<1x128xi32, #tpu.memory_space<vmem>> -> memref<128xi32, #tpu.memory_space<vmem>>
      %dma_wait3A_151 = arith.constant 0 : i32
      %dma_wait3A_152 = arith.constant 0 : i32
      %dma_wait3A_153 = tpu.memref_slice %arg8[%dma_wait3A_151, %dma_wait3A_152] : memref<10240x128xf32, #tpu.memory_space<vmem_shared>> -> memref<10240x128xf32, #tpu.memory_space<vmem_shared>>
      tpu.wait_indirect_dma semaphore(%arg9 : memref<!tpu.dma_semaphore, #tpu.memory_space<semaphore_mem>>) src(%arg7 : memref<128x128xf32, #tpu.memory_space<vmem>>) dst(%dma_wait3A_153 : memref<10240x128xf32, #tpu.memory_space<vmem_shared>>)
      %mul3A_154 = arith.constant 8 : i32
      %mul3A_155 = arith.muli %scan3A_15, %mul3A_154 : i32
      %add3A_156 = arith.constant 6 : i32
      %add3A_157 = arith.addi %mul3A_155, %add3A_156 : i32
      %dma_wait3A_158 = arith.constant 0 : i32
      %dma_wait3A_159 = tpu.memref_slice %arg6[%add3A_157, %dma_wait3A_158] : memref<80x128xi32, #tpu.memory_space<vmem>> -> memref<1x128xi32, #tpu.memory_space<vmem>>
      %dma_wait3A_160 = tpu.memref_squeeze %dma_wait3A_159 : memref<1x128xi32, #tpu.memory_space<vmem>> -> memref<128xi32, #tpu.memory_space<vmem>>
      %dma_wait3A_161 = arith.constant 0 : i32
      %dma_wait3A_162 = arith.constant 0 : i32
      %dma_wait3A_163 = tpu.memref_slice %arg8[%dma_wait3A_161, %dma_wait3A_162] : memref<10240x128xf32, #tpu.memory_space<vmem_shared>> -> memref<10240x128xf32, #tpu.memory_space<vmem_shared>>
      tpu.wait_indirect_dma semaphore(%arg9 : memref<!tpu.dma_semaphore, #tpu.memory_space<semaphore_mem>>) src(%arg7 : memref<128x128xf32, #tpu.memory_space<vmem>>) dst(%dma_wait3A_163 : memref<10240x128xf32, #tpu.memory_space<vmem_shared>>)
      %mul3A_164 = arith.constant 8 : i32
      %mul3A_165 = arith.muli %scan3A_15, %mul3A_164 : i32
      %add3A_166 = arith.constant 7 : i32
      %add3A_167 = arith.addi %mul3A_165, %add3A_166 : i32
      %dma_wait3A_168 = arith.constant 0 : i32
      %dma_wait3A_169 = tpu.memref_slice %arg6[%add3A_167, %dma_wait3A_168] : memref<80x128xi32, #tpu.memory_space<vmem>> -> memref<1x128xi32, #tpu.memory_space<vmem>>
      %dma_wait3A_170 = tpu.memref_squeeze %dma_wait3A_169 : memref<1x128xi32, #tpu.memory_space<vmem>> -> memref<128xi32, #tpu.memory_space<vmem>>
      %dma_wait3A_171 = arith.constant 0 : i32
      %dma_wait3A_172 = arith.constant 0 : i32
      %dma_wait3A_173 = tpu.memref_slice %arg8[%dma_wait3A_171, %dma_wait3A_172] : memref<10240x128xf32, #tpu.memory_space<vmem_shared>> -> memref<10240x128xf32, #tpu.memory_space<vmem_shared>>
      tpu.wait_indirect_dma semaphore(%arg9 : memref<!tpu.dma_semaphore, #tpu.memory_space<semaphore_mem>>) src(%arg7 : memref<128x128xf32, #tpu.memory_space<vmem>>) dst(%dma_wait3A_173 : memref<10240x128xf32, #tpu.memory_space<vmem_shared>>)
    }
    %scan3A_9 = arith.constant 10 : i32
    %barrier3A_10 = arith.constant 0 : index
    tpu.barrier barrier_id(%barrier3A_10)
    %mul3A_11 = arith.constant 640 : i32
    %mul3A_12 = arith.muli %arg1, %mul3A_11 : i32
    %mul3A_13 = arith.constant 640 : i32
    %mul3A_14 = arith.muli %arg1, %mul3A_13 : i32
    "tpu.region"() ({
      %run_scoped3A = tpu.sem_alloc : memref<!tpu.dma_semaphore, #tpu.memory_space<semaphore_mem>>
      %dma_start3A = arith.constant 0 : i32
      %dma_start3A_15 = tpu.memref_slice %arg5[%arg0, %mul3A_14, %dma_start3A] : memref<2x10240x128xf32, #tpu.memory_space<hbm>> -> memref<1x640x128xf32, #tpu.memory_space<hbm>>
      %dma_start3A_16 = tpu.memref_squeeze %dma_start3A_15 : memref<1x640x128xf32, #tpu.memory_space<hbm>> -> memref<640x128xf32, #tpu.memory_space<hbm>>
      %dma_start3A_17 = arith.constant 0 : i32
      %dma_start3A_18 = tpu.memref_slice %arg8[%mul3A_12, %dma_start3A_17] : memref<10240x128xf32, #tpu.memory_space<vmem_shared>> -> memref<640x128xf32, #tpu.memory_space<vmem_shared>>
      tpu.enqueue_dma source(%dma_start3A_18 : memref<640x128xf32, #tpu.memory_space<vmem_shared>>) target(%dma_start3A_16 : memref<640x128xf32, #tpu.memory_space<hbm>>) target_semaphore(%run_scoped3A : memref<!tpu.dma_semaphore, #tpu.memory_space<semaphore_mem>>)
      %dma_wait3A = arith.constant 0 : i32
      %dma_wait3A_19 = tpu.memref_slice %arg5[%arg0, %mul3A_14, %dma_wait3A] : memref<2x10240x128xf32, #tpu.memory_space<hbm>> -> memref<1x640x128xf32, #tpu.memory_space<hbm>>
      %dma_wait3A_20 = tpu.memref_squeeze %dma_wait3A_19 : memref<1x640x128xf32, #tpu.memory_space<hbm>> -> memref<640x128xf32, #tpu.memory_space<hbm>>
      %dma_wait3A_21 = arith.constant 0 : i32
      %dma_wait3A_22 = tpu.memref_slice %arg8[%mul3A_12, %dma_wait3A_21] : memref<10240x128xf32, #tpu.memory_space<vmem_shared>> -> memref<640x128xf32, #tpu.memory_space<vmem_shared>>
      tpu.wait_dma2 semaphore(%run_scoped3A : memref<!tpu.dma_semaphore, #tpu.memory_space<semaphore_mem>>) src(%dma_wait3A_22 : memref<640x128xf32, #tpu.memory_space<vmem_shared>>) dst(%dma_wait3A_20 : memref<640x128xf32, #tpu.memory_space<hbm>>)
      tpu.yield
    }) : () -> ()
    return
  }
}

#map = affine_map<(d0, d1) -> (0, 0)>
#map1 = affine_map<(d0, d1) -> (0, 0, 0)>
module attributes {stable_mosaic.version = 14 : i64} {
  func.func @prop(%arg0: i32, %arg1: i32, %arg2: memref<10240x128xf32, #tpu.memory_space<hbm>>, %arg3: memref<32x80x128xi32, #tpu.memory_space<hbm>>, %arg4: memref<32x80x128xi32, #tpu.memory_space<hbm>>, %arg5: memref<10240x128xf32, #tpu.memory_space<hbm>>, %arg6: memref<2x10240x128xf32, #tpu.memory_space<hbm>>, %arg7: memref<8x128xi32, #tpu.memory_space<vmem>>, %arg8: memref<8x128xi32, #tpu.memory_space<vmem>>, %arg9: memref<2x128x128xf32, #tpu.memory_space<vmem>>, %arg10: memref<10240x128xf32, #tpu.memory_space<vmem_shared>>, %arg11: memref<!tpu.dma_semaphore, #tpu.memory_space<semaphore_mem>>, %arg12: memref<!tpu.dma_semaphore, #tpu.memory_space<semaphore_mem>>) attributes {dimension_semantics = [#tpu.dimension_semantics<core_parallel>, #tpu.dimension_semantics<subcore_parallel>], iteration_bounds = array<i64: 2, 16>, scalar_prefetch = 0 : i64, scratch_operands = 6 : i64, tpu.core_type = #tpu.core_type<sc_vector_subcore>, window_params = [{transform_indices = #map}, {transform_indices = #map1}, {transform_indices = #map1}, {transform_indices = #map}, {transform_indices = #map1}]} {
    %mul3A = arith.constant 16 : i32
    %mul3A_0 = arith.muli %arg0, %mul3A : i32
    %add3A = arith.addi %mul3A_0, %arg1 : i32
    %mul3A_1 = arith.constant 640 : i32
    %mul3A_2 = arith.muli %arg1, %mul3A_1 : i32
    %mul3A_3 = arith.constant 640 : i32
    %mul3A_4 = arith.muli %arg1, %mul3A_3 : i32
    "tpu.region"() ({
      %run_scoped3A_518 = tpu.sem_alloc : memref<!tpu.dma_semaphore, #tpu.memory_space<semaphore_mem>>
      %dma_start3A_519 = arith.constant 0 : i32
      %dma_start3A_520 = tpu.memref_slice %arg10[%mul3A_4, %dma_start3A_519] : memref<10240x128xf32, #tpu.memory_space<vmem_shared>> -> memref<640x128xf32, #tpu.memory_space<vmem_shared>>
      %dma_start3A_521 = arith.constant 0 : i32
      %dma_start3A_522 = tpu.memref_slice %arg5[%mul3A_2, %dma_start3A_521] : memref<10240x128xf32, #tpu.memory_space<hbm>> -> memref<640x128xf32, #tpu.memory_space<hbm>>
      tpu.enqueue_dma source(%dma_start3A_522 : memref<640x128xf32, #tpu.memory_space<hbm>>) target(%dma_start3A_520 : memref<640x128xf32, #tpu.memory_space<vmem_shared>>) target_semaphore(%run_scoped3A_518 : memref<!tpu.dma_semaphore, #tpu.memory_space<semaphore_mem>>)
      %dma_wait3A_523 = arith.constant 0 : i32
      %dma_wait3A_524 = tpu.memref_slice %arg10[%mul3A_4, %dma_wait3A_523] : memref<10240x128xf32, #tpu.memory_space<vmem_shared>> -> memref<640x128xf32, #tpu.memory_space<vmem_shared>>
      %dma_wait3A_525 = arith.constant 0 : i32
      %dma_wait3A_526 = tpu.memref_slice %arg5[%mul3A_2, %dma_wait3A_525] : memref<10240x128xf32, #tpu.memory_space<hbm>> -> memref<640x128xf32, #tpu.memory_space<hbm>>
      tpu.wait_dma2 semaphore(%run_scoped3A_518 : memref<!tpu.dma_semaphore, #tpu.memory_space<semaphore_mem>>) src(%dma_wait3A_526 : memref<640x128xf32, #tpu.memory_space<hbm>>) dst(%dma_wait3A_524 : memref<640x128xf32, #tpu.memory_space<vmem_shared>>)
      tpu.yield
    }) : () -> ()
    %dma_start3A = arith.constant 0 : i32
    %dma_start3A_5 = arith.constant 0 : i32
    %dma_start3A_6 = arith.constant 0 : i32
    %dma_start3A_7 = tpu.memref_slice %arg7[%dma_start3A_5, %dma_start3A_6] : memref<8x128xi32, #tpu.memory_space<vmem>> -> memref<1x128xi32, #tpu.memory_space<vmem>>
    %dma_start3A_8 = tpu.memref_squeeze %dma_start3A_7 : memref<1x128xi32, #tpu.memory_space<vmem>> -> memref<128xi32, #tpu.memory_space<vmem>>
    %dma_start3A_9 = arith.constant 0 : i32
    %dma_start3A_10 = tpu.memref_slice %arg3[%add3A, %dma_start3A, %dma_start3A_9] : memref<32x80x128xi32, #tpu.memory_space<hbm>> -> memref<1x1x128xi32, #tpu.memory_space<hbm>>
    %dma_start3A_11 = tpu.memref_squeeze %dma_start3A_10 : memref<1x1x128xi32, #tpu.memory_space<hbm>> -> memref<128xi32, #tpu.memory_space<hbm>>
    %dma_start3A_12 = arith.constant 0 : i32
    %dma_start3A_13 = tpu.memref_slice %arg7[%dma_start3A_5, %dma_start3A_12] : memref<8x128xi32, #tpu.memory_space<vmem>> -> memref<1x128xi32, #tpu.memory_space<vmem>>
    %dma_start3A_14 = tpu.memref_squeeze %dma_start3A_13 : memref<1x128xi32, #tpu.memory_space<vmem>> -> memref<128xi32, #tpu.memory_space<vmem>>
    %dma_start3A_15 = arith.constant 0 : i32
    %dma_start3A_16 = tpu.memref_slice %arg3[%add3A, %dma_start3A, %dma_start3A_15] : memref<32x80x128xi32, #tpu.memory_space<hbm>> -> memref<1x1x128xi32, #tpu.memory_space<hbm>>
    %dma_start3A_17 = tpu.memref_squeeze %dma_start3A_16 : memref<1x1x128xi32, #tpu.memory_space<hbm>> -> memref<128xi32, #tpu.memory_space<hbm>>
    tpu.enqueue_dma source(%dma_start3A_17 : memref<128xi32, #tpu.memory_space<hbm>>) target(%dma_start3A_14 : memref<128xi32, #tpu.memory_space<vmem>>) target_semaphore(%arg12 : memref<!tpu.dma_semaphore, #tpu.memory_space<semaphore_mem>>)
    %dma_start3A_18 = arith.constant 0 : i32
    %dma_start3A_19 = arith.constant 0 : i32
    %dma_start3A_20 = arith.constant 0 : i32
    %dma_start3A_21 = tpu.memref_slice %arg8[%dma_start3A_19, %dma_start3A_20] : memref<8x128xi32, #tpu.memory_space<vmem>> -> memref<1x128xi32, #tpu.memory_space<vmem>>
    %dma_start3A_22 = tpu.memref_squeeze %dma_start3A_21 : memref<1x128xi32, #tpu.memory_space<vmem>> -> memref<128xi32, #tpu.memory_space<vmem>>
    %dma_start3A_23 = arith.constant 0 : i32
    %dma_start3A_24 = tpu.memref_slice %arg4[%add3A, %dma_start3A_18, %dma_start3A_23] : memref<32x80x128xi32, #tpu.memory_space<hbm>> -> memref<1x1x128xi32, #tpu.memory_space<hbm>>
    %dma_start3A_25 = tpu.memref_squeeze %dma_start3A_24 : memref<1x1x128xi32, #tpu.memory_space<hbm>> -> memref<128xi32, #tpu.memory_space<hbm>>
    %dma_start3A_26 = arith.constant 0 : i32
    %dma_start3A_27 = tpu.memref_slice %arg8[%dma_start3A_19, %dma_start3A_26] : memref<8x128xi32, #tpu.memory_space<vmem>> -> memref<1x128xi32, #tpu.memory_space<vmem>>
    %dma_start3A_28 = tpu.memref_squeeze %dma_start3A_27 : memref<1x128xi32, #tpu.memory_space<vmem>> -> memref<128xi32, #tpu.memory_space<vmem>>
    %dma_start3A_29 = arith.constant 0 : i32
    %dma_start3A_30 = tpu.memref_slice %arg4[%add3A, %dma_start3A_18, %dma_start3A_29] : memref<32x80x128xi32, #tpu.memory_space<hbm>> -> memref<1x1x128xi32, #tpu.memory_space<hbm>>
    %dma_start3A_31 = tpu.memref_squeeze %dma_start3A_30 : memref<1x1x128xi32, #tpu.memory_space<hbm>> -> memref<128xi32, #tpu.memory_space<hbm>>
    tpu.enqueue_dma source(%dma_start3A_31 : memref<128xi32, #tpu.memory_space<hbm>>) target(%dma_start3A_28 : memref<128xi32, #tpu.memory_space<vmem>>) target_semaphore(%arg12 : memref<!tpu.dma_semaphore, #tpu.memory_space<semaphore_mem>>)
    %dma_start3A_32 = arith.constant 1 : i32
    %dma_start3A_33 = arith.constant 1 : i32
    %dma_start3A_34 = arith.constant 0 : i32
    %dma_start3A_35 = tpu.memref_slice %arg7[%dma_start3A_33, %dma_start3A_34] : memref<8x128xi32, #tpu.memory_space<vmem>> -> memref<1x128xi32, #tpu.memory_space<vmem>>
    %dma_start3A_36 = tpu.memref_squeeze %dma_start3A_35 : memref<1x128xi32, #tpu.memory_space<vmem>> -> memref<128xi32, #tpu.memory_space<vmem>>
    %dma_start3A_37 = arith.constant 0 : i32
    %dma_start3A_38 = tpu.memref_slice %arg3[%add3A, %dma_start3A_32, %dma_start3A_37] : memref<32x80x128xi32, #tpu.memory_space<hbm>> -> memref<1x1x128xi32, #tpu.memory_space<hbm>>
    %dma_start3A_39 = tpu.memref_squeeze %dma_start3A_38 : memref<1x1x128xi32, #tpu.memory_space<hbm>> -> memref<128xi32, #tpu.memory_space<hbm>>
    %dma_start3A_40 = arith.constant 0 : i32
    %dma_start3A_41 = tpu.memref_slice %arg7[%dma_start3A_33, %dma_start3A_40] : memref<8x128xi32, #tpu.memory_space<vmem>> -> memref<1x128xi32, #tpu.memory_space<vmem>>
    %dma_start3A_42 = tpu.memref_squeeze %dma_start3A_41 : memref<1x128xi32, #tpu.memory_space<vmem>> -> memref<128xi32, #tpu.memory_space<vmem>>
    %dma_start3A_43 = arith.constant 0 : i32
    %dma_start3A_44 = tpu.memref_slice %arg3[%add3A, %dma_start3A_32, %dma_start3A_43] : memref<32x80x128xi32, #tpu.memory_space<hbm>> -> memref<1x1x128xi32, #tpu.memory_space<hbm>>
    %dma_start3A_45 = tpu.memref_squeeze %dma_start3A_44 : memref<1x1x128xi32, #tpu.memory_space<hbm>> -> memref<128xi32, #tpu.memory_space<hbm>>
    tpu.enqueue_dma source(%dma_start3A_45 : memref<128xi32, #tpu.memory_space<hbm>>) target(%dma_start3A_42 : memref<128xi32, #tpu.memory_space<vmem>>) target_semaphore(%arg12 : memref<!tpu.dma_semaphore, #tpu.memory_space<semaphore_mem>>)
    %dma_start3A_46 = arith.constant 1 : i32
    %dma_start3A_47 = arith.constant 1 : i32
    %dma_start3A_48 = arith.constant 0 : i32
    %dma_start3A_49 = tpu.memref_slice %arg8[%dma_start3A_47, %dma_start3A_48] : memref<8x128xi32, #tpu.memory_space<vmem>> -> memref<1x128xi32, #tpu.memory_space<vmem>>
    %dma_start3A_50 = tpu.memref_squeeze %dma_start3A_49 : memref<1x128xi32, #tpu.memory_space<vmem>> -> memref<128xi32, #tpu.memory_space<vmem>>
    %dma_start3A_51 = arith.constant 0 : i32
    %dma_start3A_52 = tpu.memref_slice %arg4[%add3A, %dma_start3A_46, %dma_start3A_51] : memref<32x80x128xi32, #tpu.memory_space<hbm>> -> memref<1x1x128xi32, #tpu.memory_space<hbm>>
    %dma_start3A_53 = tpu.memref_squeeze %dma_start3A_52 : memref<1x1x128xi32, #tpu.memory_space<hbm>> -> memref<128xi32, #tpu.memory_space<hbm>>
    %dma_start3A_54 = arith.constant 0 : i32
    %dma_start3A_55 = tpu.memref_slice %arg8[%dma_start3A_47, %dma_start3A_54] : memref<8x128xi32, #tpu.memory_space<vmem>> -> memref<1x128xi32, #tpu.memory_space<vmem>>
    %dma_start3A_56 = tpu.memref_squeeze %dma_start3A_55 : memref<1x128xi32, #tpu.memory_space<vmem>> -> memref<128xi32, #tpu.memory_space<vmem>>
    %dma_start3A_57 = arith.constant 0 : i32
    %dma_start3A_58 = tpu.memref_slice %arg4[%add3A, %dma_start3A_46, %dma_start3A_57] : memref<32x80x128xi32, #tpu.memory_space<hbm>> -> memref<1x1x128xi32, #tpu.memory_space<hbm>>
    %dma_start3A_59 = tpu.memref_squeeze %dma_start3A_58 : memref<1x1x128xi32, #tpu.memory_space<hbm>> -> memref<128xi32, #tpu.memory_space<hbm>>
    tpu.enqueue_dma source(%dma_start3A_59 : memref<128xi32, #tpu.memory_space<hbm>>) target(%dma_start3A_56 : memref<128xi32, #tpu.memory_space<vmem>>) target_semaphore(%arg12 : memref<!tpu.dma_semaphore, #tpu.memory_space<semaphore_mem>>)
    %dma_start3A_60 = arith.constant 2 : i32
    %dma_start3A_61 = arith.constant 2 : i32
    %dma_start3A_62 = arith.constant 0 : i32
    %dma_start3A_63 = tpu.memref_slice %arg7[%dma_start3A_61, %dma_start3A_62] : memref<8x128xi32, #tpu.memory_space<vmem>> -> memref<1x128xi32, #tpu.memory_space<vmem>>
    %dma_start3A_64 = tpu.memref_squeeze %dma_start3A_63 : memref<1x128xi32, #tpu.memory_space<vmem>> -> memref<128xi32, #tpu.memory_space<vmem>>
    %dma_start3A_65 = arith.constant 0 : i32
    %dma_start3A_66 = tpu.memref_slice %arg3[%add3A, %dma_start3A_60, %dma_start3A_65] : memref<32x80x128xi32, #tpu.memory_space<hbm>> -> memref<1x1x128xi32, #tpu.memory_space<hbm>>
    %dma_start3A_67 = tpu.memref_squeeze %dma_start3A_66 : memref<1x1x128xi32, #tpu.memory_space<hbm>> -> memref<128xi32, #tpu.memory_space<hbm>>
    %dma_start3A_68 = arith.constant 0 : i32
    %dma_start3A_69 = tpu.memref_slice %arg7[%dma_start3A_61, %dma_start3A_68] : memref<8x128xi32, #tpu.memory_space<vmem>> -> memref<1x128xi32, #tpu.memory_space<vmem>>
    %dma_start3A_70 = tpu.memref_squeeze %dma_start3A_69 : memref<1x128xi32, #tpu.memory_space<vmem>> -> memref<128xi32, #tpu.memory_space<vmem>>
    %dma_start3A_71 = arith.constant 0 : i32
    %dma_start3A_72 = tpu.memref_slice %arg3[%add3A, %dma_start3A_60, %dma_start3A_71] : memref<32x80x128xi32, #tpu.memory_space<hbm>> -> memref<1x1x128xi32, #tpu.memory_space<hbm>>
    %dma_start3A_73 = tpu.memref_squeeze %dma_start3A_72 : memref<1x1x128xi32, #tpu.memory_space<hbm>> -> memref<128xi32, #tpu.memory_space<hbm>>
    tpu.enqueue_dma source(%dma_start3A_73 : memref<128xi32, #tpu.memory_space<hbm>>) target(%dma_start3A_70 : memref<128xi32, #tpu.memory_space<vmem>>) target_semaphore(%arg12 : memref<!tpu.dma_semaphore, #tpu.memory_space<semaphore_mem>>)
    %dma_start3A_74 = arith.constant 2 : i32
    %dma_start3A_75 = arith.constant 2 : i32
    %dma_start3A_76 = arith.constant 0 : i32
    %dma_start3A_77 = tpu.memref_slice %arg8[%dma_start3A_75, %dma_start3A_76] : memref<8x128xi32, #tpu.memory_space<vmem>> -> memref<1x128xi32, #tpu.memory_space<vmem>>
    %dma_start3A_78 = tpu.memref_squeeze %dma_start3A_77 : memref<1x128xi32, #tpu.memory_space<vmem>> -> memref<128xi32, #tpu.memory_space<vmem>>
    %dma_start3A_79 = arith.constant 0 : i32
    %dma_start3A_80 = tpu.memref_slice %arg4[%add3A, %dma_start3A_74, %dma_start3A_79] : memref<32x80x128xi32, #tpu.memory_space<hbm>> -> memref<1x1x128xi32, #tpu.memory_space<hbm>>
    %dma_start3A_81 = tpu.memref_squeeze %dma_start3A_80 : memref<1x1x128xi32, #tpu.memory_space<hbm>> -> memref<128xi32, #tpu.memory_space<hbm>>
    %dma_start3A_82 = arith.constant 0 : i32
    %dma_start3A_83 = tpu.memref_slice %arg8[%dma_start3A_75, %dma_start3A_82] : memref<8x128xi32, #tpu.memory_space<vmem>> -> memref<1x128xi32, #tpu.memory_space<vmem>>
    %dma_start3A_84 = tpu.memref_squeeze %dma_start3A_83 : memref<1x128xi32, #tpu.memory_space<vmem>> -> memref<128xi32, #tpu.memory_space<vmem>>
    %dma_start3A_85 = arith.constant 0 : i32
    %dma_start3A_86 = tpu.memref_slice %arg4[%add3A, %dma_start3A_74, %dma_start3A_85] : memref<32x80x128xi32, #tpu.memory_space<hbm>> -> memref<1x1x128xi32, #tpu.memory_space<hbm>>
    %dma_start3A_87 = tpu.memref_squeeze %dma_start3A_86 : memref<1x1x128xi32, #tpu.memory_space<hbm>> -> memref<128xi32, #tpu.memory_space<hbm>>
    tpu.enqueue_dma source(%dma_start3A_87 : memref<128xi32, #tpu.memory_space<hbm>>) target(%dma_start3A_84 : memref<128xi32, #tpu.memory_space<vmem>>) target_semaphore(%arg12 : memref<!tpu.dma_semaphore, #tpu.memory_space<semaphore_mem>>)
    %dma_start3A_88 = arith.constant 3 : i32
    %dma_start3A_89 = arith.constant 3 : i32
    %dma_start3A_90 = arith.constant 0 : i32
    %dma_start3A_91 = tpu.memref_slice %arg7[%dma_start3A_89, %dma_start3A_90] : memref<8x128xi32, #tpu.memory_space<vmem>> -> memref<1x128xi32, #tpu.memory_space<vmem>>
    %dma_start3A_92 = tpu.memref_squeeze %dma_start3A_91 : memref<1x128xi32, #tpu.memory_space<vmem>> -> memref<128xi32, #tpu.memory_space<vmem>>
    %dma_start3A_93 = arith.constant 0 : i32
    %dma_start3A_94 = tpu.memref_slice %arg3[%add3A, %dma_start3A_88, %dma_start3A_93] : memref<32x80x128xi32, #tpu.memory_space<hbm>> -> memref<1x1x128xi32, #tpu.memory_space<hbm>>
    %dma_start3A_95 = tpu.memref_squeeze %dma_start3A_94 : memref<1x1x128xi32, #tpu.memory_space<hbm>> -> memref<128xi32, #tpu.memory_space<hbm>>
    %dma_start3A_96 = arith.constant 0 : i32
    %dma_start3A_97 = tpu.memref_slice %arg7[%dma_start3A_89, %dma_start3A_96] : memref<8x128xi32, #tpu.memory_space<vmem>> -> memref<1x128xi32, #tpu.memory_space<vmem>>
    %dma_start3A_98 = tpu.memref_squeeze %dma_start3A_97 : memref<1x128xi32, #tpu.memory_space<vmem>> -> memref<128xi32, #tpu.memory_space<vmem>>
    %dma_start3A_99 = arith.constant 0 : i32
    %dma_start3A_100 = tpu.memref_slice %arg3[%add3A, %dma_start3A_88, %dma_start3A_99] : memref<32x80x128xi32, #tpu.memory_space<hbm>> -> memref<1x1x128xi32, #tpu.memory_space<hbm>>
    %dma_start3A_101 = tpu.memref_squeeze %dma_start3A_100 : memref<1x1x128xi32, #tpu.memory_space<hbm>> -> memref<128xi32, #tpu.memory_space<hbm>>
    tpu.enqueue_dma source(%dma_start3A_101 : memref<128xi32, #tpu.memory_space<hbm>>) target(%dma_start3A_98 : memref<128xi32, #tpu.memory_space<vmem>>) target_semaphore(%arg12 : memref<!tpu.dma_semaphore, #tpu.memory_space<semaphore_mem>>)
    %dma_start3A_102 = arith.constant 3 : i32
    %dma_start3A_103 = arith.constant 3 : i32
    %dma_start3A_104 = arith.constant 0 : i32
    %dma_start3A_105 = tpu.memref_slice %arg8[%dma_start3A_103, %dma_start3A_104] : memref<8x128xi32, #tpu.memory_space<vmem>> -> memref<1x128xi32, #tpu.memory_space<vmem>>
    %dma_start3A_106 = tpu.memref_squeeze %dma_start3A_105 : memref<1x128xi32, #tpu.memory_space<vmem>> -> memref<128xi32, #tpu.memory_space<vmem>>
    %dma_start3A_107 = arith.constant 0 : i32
    %dma_start3A_108 = tpu.memref_slice %arg4[%add3A, %dma_start3A_102, %dma_start3A_107] : memref<32x80x128xi32, #tpu.memory_space<hbm>> -> memref<1x1x128xi32, #tpu.memory_space<hbm>>
    %dma_start3A_109 = tpu.memref_squeeze %dma_start3A_108 : memref<1x1x128xi32, #tpu.memory_space<hbm>> -> memref<128xi32, #tpu.memory_space<hbm>>
    %dma_start3A_110 = arith.constant 0 : i32
    %dma_start3A_111 = tpu.memref_slice %arg8[%dma_start3A_103, %dma_start3A_110] : memref<8x128xi32, #tpu.memory_space<vmem>> -> memref<1x128xi32, #tpu.memory_space<vmem>>
    %dma_start3A_112 = tpu.memref_squeeze %dma_start3A_111 : memref<1x128xi32, #tpu.memory_space<vmem>> -> memref<128xi32, #tpu.memory_space<vmem>>
    %dma_start3A_113 = arith.constant 0 : i32
    %dma_start3A_114 = tpu.memref_slice %arg4[%add3A, %dma_start3A_102, %dma_start3A_113] : memref<32x80x128xi32, #tpu.memory_space<hbm>> -> memref<1x1x128xi32, #tpu.memory_space<hbm>>
    %dma_start3A_115 = tpu.memref_squeeze %dma_start3A_114 : memref<1x1x128xi32, #tpu.memory_space<hbm>> -> memref<128xi32, #tpu.memory_space<hbm>>
    tpu.enqueue_dma source(%dma_start3A_115 : memref<128xi32, #tpu.memory_space<hbm>>) target(%dma_start3A_112 : memref<128xi32, #tpu.memory_space<vmem>>) target_semaphore(%arg12 : memref<!tpu.dma_semaphore, #tpu.memory_space<semaphore_mem>>)
    %dma_start3A_116 = arith.constant 4 : i32
    %dma_start3A_117 = arith.constant 4 : i32
    %dma_start3A_118 = arith.constant 0 : i32
    %dma_start3A_119 = tpu.memref_slice %arg7[%dma_start3A_117, %dma_start3A_118] : memref<8x128xi32, #tpu.memory_space<vmem>> -> memref<1x128xi32, #tpu.memory_space<vmem>>
    %dma_start3A_120 = tpu.memref_squeeze %dma_start3A_119 : memref<1x128xi32, #tpu.memory_space<vmem>> -> memref<128xi32, #tpu.memory_space<vmem>>
    %dma_start3A_121 = arith.constant 0 : i32
    %dma_start3A_122 = tpu.memref_slice %arg3[%add3A, %dma_start3A_116, %dma_start3A_121] : memref<32x80x128xi32, #tpu.memory_space<hbm>> -> memref<1x1x128xi32, #tpu.memory_space<hbm>>
    %dma_start3A_123 = tpu.memref_squeeze %dma_start3A_122 : memref<1x1x128xi32, #tpu.memory_space<hbm>> -> memref<128xi32, #tpu.memory_space<hbm>>
    %dma_start3A_124 = arith.constant 0 : i32
    %dma_start3A_125 = tpu.memref_slice %arg7[%dma_start3A_117, %dma_start3A_124] : memref<8x128xi32, #tpu.memory_space<vmem>> -> memref<1x128xi32, #tpu.memory_space<vmem>>
    %dma_start3A_126 = tpu.memref_squeeze %dma_start3A_125 : memref<1x128xi32, #tpu.memory_space<vmem>> -> memref<128xi32, #tpu.memory_space<vmem>>
    %dma_start3A_127 = arith.constant 0 : i32
    %dma_start3A_128 = tpu.memref_slice %arg3[%add3A, %dma_start3A_116, %dma_start3A_127] : memref<32x80x128xi32, #tpu.memory_space<hbm>> -> memref<1x1x128xi32, #tpu.memory_space<hbm>>
    %dma_start3A_129 = tpu.memref_squeeze %dma_start3A_128 : memref<1x1x128xi32, #tpu.memory_space<hbm>> -> memref<128xi32, #tpu.memory_space<hbm>>
    tpu.enqueue_dma source(%dma_start3A_129 : memref<128xi32, #tpu.memory_space<hbm>>) target(%dma_start3A_126 : memref<128xi32, #tpu.memory_space<vmem>>) target_semaphore(%arg12 : memref<!tpu.dma_semaphore, #tpu.memory_space<semaphore_mem>>)
    %dma_start3A_130 = arith.constant 4 : i32
    %dma_start3A_131 = arith.constant 4 : i32
    %dma_start3A_132 = arith.constant 0 : i32
    %dma_start3A_133 = tpu.memref_slice %arg8[%dma_start3A_131, %dma_start3A_132] : memref<8x128xi32, #tpu.memory_space<vmem>> -> memref<1x128xi32, #tpu.memory_space<vmem>>
    %dma_start3A_134 = tpu.memref_squeeze %dma_start3A_133 : memref<1x128xi32, #tpu.memory_space<vmem>> -> memref<128xi32, #tpu.memory_space<vmem>>
    %dma_start3A_135 = arith.constant 0 : i32
    %dma_start3A_136 = tpu.memref_slice %arg4[%add3A, %dma_start3A_130, %dma_start3A_135] : memref<32x80x128xi32, #tpu.memory_space<hbm>> -> memref<1x1x128xi32, #tpu.memory_space<hbm>>
    %dma_start3A_137 = tpu.memref_squeeze %dma_start3A_136 : memref<1x1x128xi32, #tpu.memory_space<hbm>> -> memref<128xi32, #tpu.memory_space<hbm>>
    %dma_start3A_138 = arith.constant 0 : i32
    %dma_start3A_139 = tpu.memref_slice %arg8[%dma_start3A_131, %dma_start3A_138] : memref<8x128xi32, #tpu.memory_space<vmem>> -> memref<1x128xi32, #tpu.memory_space<vmem>>
    %dma_start3A_140 = tpu.memref_squeeze %dma_start3A_139 : memref<1x128xi32, #tpu.memory_space<vmem>> -> memref<128xi32, #tpu.memory_space<vmem>>
    %dma_start3A_141 = arith.constant 0 : i32
    %dma_start3A_142 = tpu.memref_slice %arg4[%add3A, %dma_start3A_130, %dma_start3A_141] : memref<32x80x128xi32, #tpu.memory_space<hbm>> -> memref<1x1x128xi32, #tpu.memory_space<hbm>>
    %dma_start3A_143 = tpu.memref_squeeze %dma_start3A_142 : memref<1x1x128xi32, #tpu.memory_space<hbm>> -> memref<128xi32, #tpu.memory_space<hbm>>
    tpu.enqueue_dma source(%dma_start3A_143 : memref<128xi32, #tpu.memory_space<hbm>>) target(%dma_start3A_140 : memref<128xi32, #tpu.memory_space<vmem>>) target_semaphore(%arg12 : memref<!tpu.dma_semaphore, #tpu.memory_space<semaphore_mem>>)
    %dma_start3A_144 = arith.constant 5 : i32
    %dma_start3A_145 = arith.constant 5 : i32
    %dma_start3A_146 = arith.constant 0 : i32
    %dma_start3A_147 = tpu.memref_slice %arg7[%dma_start3A_145, %dma_start3A_146] : memref<8x128xi32, #tpu.memory_space<vmem>> -> memref<1x128xi32, #tpu.memory_space<vmem>>
    %dma_start3A_148 = tpu.memref_squeeze %dma_start3A_147 : memref<1x128xi32, #tpu.memory_space<vmem>> -> memref<128xi32, #tpu.memory_space<vmem>>
    %dma_start3A_149 = arith.constant 0 : i32
    %dma_start3A_150 = tpu.memref_slice %arg3[%add3A, %dma_start3A_144, %dma_start3A_149] : memref<32x80x128xi32, #tpu.memory_space<hbm>> -> memref<1x1x128xi32, #tpu.memory_space<hbm>>
    %dma_start3A_151 = tpu.memref_squeeze %dma_start3A_150 : memref<1x1x128xi32, #tpu.memory_space<hbm>> -> memref<128xi32, #tpu.memory_space<hbm>>
    %dma_start3A_152 = arith.constant 0 : i32
    %dma_start3A_153 = tpu.memref_slice %arg7[%dma_start3A_145, %dma_start3A_152] : memref<8x128xi32, #tpu.memory_space<vmem>> -> memref<1x128xi32, #tpu.memory_space<vmem>>
    %dma_start3A_154 = tpu.memref_squeeze %dma_start3A_153 : memref<1x128xi32, #tpu.memory_space<vmem>> -> memref<128xi32, #tpu.memory_space<vmem>>
    %dma_start3A_155 = arith.constant 0 : i32
    %dma_start3A_156 = tpu.memref_slice %arg3[%add3A, %dma_start3A_144, %dma_start3A_155] : memref<32x80x128xi32, #tpu.memory_space<hbm>> -> memref<1x1x128xi32, #tpu.memory_space<hbm>>
    %dma_start3A_157 = tpu.memref_squeeze %dma_start3A_156 : memref<1x1x128xi32, #tpu.memory_space<hbm>> -> memref<128xi32, #tpu.memory_space<hbm>>
    tpu.enqueue_dma source(%dma_start3A_157 : memref<128xi32, #tpu.memory_space<hbm>>) target(%dma_start3A_154 : memref<128xi32, #tpu.memory_space<vmem>>) target_semaphore(%arg12 : memref<!tpu.dma_semaphore, #tpu.memory_space<semaphore_mem>>)
    %dma_start3A_158 = arith.constant 5 : i32
    %dma_start3A_159 = arith.constant 5 : i32
    %dma_start3A_160 = arith.constant 0 : i32
    %dma_start3A_161 = tpu.memref_slice %arg8[%dma_start3A_159, %dma_start3A_160] : memref<8x128xi32, #tpu.memory_space<vmem>> -> memref<1x128xi32, #tpu.memory_space<vmem>>
    %dma_start3A_162 = tpu.memref_squeeze %dma_start3A_161 : memref<1x128xi32, #tpu.memory_space<vmem>> -> memref<128xi32, #tpu.memory_space<vmem>>
    %dma_start3A_163 = arith.constant 0 : i32
    %dma_start3A_164 = tpu.memref_slice %arg4[%add3A, %dma_start3A_158, %dma_start3A_163] : memref<32x80x128xi32, #tpu.memory_space<hbm>> -> memref<1x1x128xi32, #tpu.memory_space<hbm>>
    %dma_start3A_165 = tpu.memref_squeeze %dma_start3A_164 : memref<1x1x128xi32, #tpu.memory_space<hbm>> -> memref<128xi32, #tpu.memory_space<hbm>>
    %dma_start3A_166 = arith.constant 0 : i32
    %dma_start3A_167 = tpu.memref_slice %arg8[%dma_start3A_159, %dma_start3A_166] : memref<8x128xi32, #tpu.memory_space<vmem>> -> memref<1x128xi32, #tpu.memory_space<vmem>>
    %dma_start3A_168 = tpu.memref_squeeze %dma_start3A_167 : memref<1x128xi32, #tpu.memory_space<vmem>> -> memref<128xi32, #tpu.memory_space<vmem>>
    %dma_start3A_169 = arith.constant 0 : i32
    %dma_start3A_170 = tpu.memref_slice %arg4[%add3A, %dma_start3A_158, %dma_start3A_169] : memref<32x80x128xi32, #tpu.memory_space<hbm>> -> memref<1x1x128xi32, #tpu.memory_space<hbm>>
    %dma_start3A_171 = tpu.memref_squeeze %dma_start3A_170 : memref<1x1x128xi32, #tpu.memory_space<hbm>> -> memref<128xi32, #tpu.memory_space<hbm>>
    tpu.enqueue_dma source(%dma_start3A_171 : memref<128xi32, #tpu.memory_space<hbm>>) target(%dma_start3A_168 : memref<128xi32, #tpu.memory_space<vmem>>) target_semaphore(%arg12 : memref<!tpu.dma_semaphore, #tpu.memory_space<semaphore_mem>>)
    %dma_start3A_172 = arith.constant 6 : i32
    %dma_start3A_173 = arith.constant 6 : i32
    %dma_start3A_174 = arith.constant 0 : i32
    %dma_start3A_175 = tpu.memref_slice %arg7[%dma_start3A_173, %dma_start3A_174] : memref<8x128xi32, #tpu.memory_space<vmem>> -> memref<1x128xi32, #tpu.memory_space<vmem>>
    %dma_start3A_176 = tpu.memref_squeeze %dma_start3A_175 : memref<1x128xi32, #tpu.memory_space<vmem>> -> memref<128xi32, #tpu.memory_space<vmem>>
    %dma_start3A_177 = arith.constant 0 : i32
    %dma_start3A_178 = tpu.memref_slice %arg3[%add3A, %dma_start3A_172, %dma_start3A_177] : memref<32x80x128xi32, #tpu.memory_space<hbm>> -> memref<1x1x128xi32, #tpu.memory_space<hbm>>
    %dma_start3A_179 = tpu.memref_squeeze %dma_start3A_178 : memref<1x1x128xi32, #tpu.memory_space<hbm>> -> memref<128xi32, #tpu.memory_space<hbm>>
    %dma_start3A_180 = arith.constant 0 : i32
    %dma_start3A_181 = tpu.memref_slice %arg7[%dma_start3A_173, %dma_start3A_180] : memref<8x128xi32, #tpu.memory_space<vmem>> -> memref<1x128xi32, #tpu.memory_space<vmem>>
    %dma_start3A_182 = tpu.memref_squeeze %dma_start3A_181 : memref<1x128xi32, #tpu.memory_space<vmem>> -> memref<128xi32, #tpu.memory_space<vmem>>
    %dma_start3A_183 = arith.constant 0 : i32
    %dma_start3A_184 = tpu.memref_slice %arg3[%add3A, %dma_start3A_172, %dma_start3A_183] : memref<32x80x128xi32, #tpu.memory_space<hbm>> -> memref<1x1x128xi32, #tpu.memory_space<hbm>>
    %dma_start3A_185 = tpu.memref_squeeze %dma_start3A_184 : memref<1x1x128xi32, #tpu.memory_space<hbm>> -> memref<128xi32, #tpu.memory_space<hbm>>
    tpu.enqueue_dma source(%dma_start3A_185 : memref<128xi32, #tpu.memory_space<hbm>>) target(%dma_start3A_182 : memref<128xi32, #tpu.memory_space<vmem>>) target_semaphore(%arg12 : memref<!tpu.dma_semaphore, #tpu.memory_space<semaphore_mem>>)
    %dma_start3A_186 = arith.constant 6 : i32
    %dma_start3A_187 = arith.constant 6 : i32
    %dma_start3A_188 = arith.constant 0 : i32
    %dma_start3A_189 = tpu.memref_slice %arg8[%dma_start3A_187, %dma_start3A_188] : memref<8x128xi32, #tpu.memory_space<vmem>> -> memref<1x128xi32, #tpu.memory_space<vmem>>
    %dma_start3A_190 = tpu.memref_squeeze %dma_start3A_189 : memref<1x128xi32, #tpu.memory_space<vmem>> -> memref<128xi32, #tpu.memory_space<vmem>>
    %dma_start3A_191 = arith.constant 0 : i32
    %dma_start3A_192 = tpu.memref_slice %arg4[%add3A, %dma_start3A_186, %dma_start3A_191] : memref<32x80x128xi32, #tpu.memory_space<hbm>> -> memref<1x1x128xi32, #tpu.memory_space<hbm>>
    %dma_start3A_193 = tpu.memref_squeeze %dma_start3A_192 : memref<1x1x128xi32, #tpu.memory_space<hbm>> -> memref<128xi32, #tpu.memory_space<hbm>>
    %dma_start3A_194 = arith.constant 0 : i32
    %dma_start3A_195 = tpu.memref_slice %arg8[%dma_start3A_187, %dma_start3A_194] : memref<8x128xi32, #tpu.memory_space<vmem>> -> memref<1x128xi32, #tpu.memory_space<vmem>>
    %dma_start3A_196 = tpu.memref_squeeze %dma_start3A_195 : memref<1x128xi32, #tpu.memory_space<vmem>> -> memref<128xi32, #tpu.memory_space<vmem>>
    %dma_start3A_197 = arith.constant 0 : i32
    %dma_start3A_198 = tpu.memref_slice %arg4[%add3A, %dma_start3A_186, %dma_start3A_197] : memref<32x80x128xi32, #tpu.memory_space<hbm>> -> memref<1x1x128xi32, #tpu.memory_space<hbm>>
    %dma_start3A_199 = tpu.memref_squeeze %dma_start3A_198 : memref<1x1x128xi32, #tpu.memory_space<hbm>> -> memref<128xi32, #tpu.memory_space<hbm>>
    tpu.enqueue_dma source(%dma_start3A_199 : memref<128xi32, #tpu.memory_space<hbm>>) target(%dma_start3A_196 : memref<128xi32, #tpu.memory_space<vmem>>) target_semaphore(%arg12 : memref<!tpu.dma_semaphore, #tpu.memory_space<semaphore_mem>>)
    %dma_start3A_200 = arith.constant 7 : i32
    %dma_start3A_201 = arith.constant 7 : i32
    %dma_start3A_202 = arith.constant 0 : i32
    %dma_start3A_203 = tpu.memref_slice %arg7[%dma_start3A_201, %dma_start3A_202] : memref<8x128xi32, #tpu.memory_space<vmem>> -> memref<1x128xi32, #tpu.memory_space<vmem>>
    %dma_start3A_204 = tpu.memref_squeeze %dma_start3A_203 : memref<1x128xi32, #tpu.memory_space<vmem>> -> memref<128xi32, #tpu.memory_space<vmem>>
    %dma_start3A_205 = arith.constant 0 : i32
    %dma_start3A_206 = tpu.memref_slice %arg3[%add3A, %dma_start3A_200, %dma_start3A_205] : memref<32x80x128xi32, #tpu.memory_space<hbm>> -> memref<1x1x128xi32, #tpu.memory_space<hbm>>
    %dma_start3A_207 = tpu.memref_squeeze %dma_start3A_206 : memref<1x1x128xi32, #tpu.memory_space<hbm>> -> memref<128xi32, #tpu.memory_space<hbm>>
    %dma_start3A_208 = arith.constant 0 : i32
    %dma_start3A_209 = tpu.memref_slice %arg7[%dma_start3A_201, %dma_start3A_208] : memref<8x128xi32, #tpu.memory_space<vmem>> -> memref<1x128xi32, #tpu.memory_space<vmem>>
    %dma_start3A_210 = tpu.memref_squeeze %dma_start3A_209 : memref<1x128xi32, #tpu.memory_space<vmem>> -> memref<128xi32, #tpu.memory_space<vmem>>
    %dma_start3A_211 = arith.constant 0 : i32
    %dma_start3A_212 = tpu.memref_slice %arg3[%add3A, %dma_start3A_200, %dma_start3A_211] : memref<32x80x128xi32, #tpu.memory_space<hbm>> -> memref<1x1x128xi32, #tpu.memory_space<hbm>>
    %dma_start3A_213 = tpu.memref_squeeze %dma_start3A_212 : memref<1x1x128xi32, #tpu.memory_space<hbm>> -> memref<128xi32, #tpu.memory_space<hbm>>
    tpu.enqueue_dma source(%dma_start3A_213 : memref<128xi32, #tpu.memory_space<hbm>>) target(%dma_start3A_210 : memref<128xi32, #tpu.memory_space<vmem>>) target_semaphore(%arg12 : memref<!tpu.dma_semaphore, #tpu.memory_space<semaphore_mem>>)
    %dma_start3A_214 = arith.constant 7 : i32
    %dma_start3A_215 = arith.constant 7 : i32
    %dma_start3A_216 = arith.constant 0 : i32
    %dma_start3A_217 = tpu.memref_slice %arg8[%dma_start3A_215, %dma_start3A_216] : memref<8x128xi32, #tpu.memory_space<vmem>> -> memref<1x128xi32, #tpu.memory_space<vmem>>
    %dma_start3A_218 = tpu.memref_squeeze %dma_start3A_217 : memref<1x128xi32, #tpu.memory_space<vmem>> -> memref<128xi32, #tpu.memory_space<vmem>>
    %dma_start3A_219 = arith.constant 0 : i32
    %dma_start3A_220 = tpu.memref_slice %arg4[%add3A, %dma_start3A_214, %dma_start3A_219] : memref<32x80x128xi32, #tpu.memory_space<hbm>> -> memref<1x1x128xi32, #tpu.memory_space<hbm>>
    %dma_start3A_221 = tpu.memref_squeeze %dma_start3A_220 : memref<1x1x128xi32, #tpu.memory_space<hbm>> -> memref<128xi32, #tpu.memory_space<hbm>>
    %dma_start3A_222 = arith.constant 0 : i32
    %dma_start3A_223 = tpu.memref_slice %arg8[%dma_start3A_215, %dma_start3A_222] : memref<8x128xi32, #tpu.memory_space<vmem>> -> memref<1x128xi32, #tpu.memory_space<vmem>>
    %dma_start3A_224 = tpu.memref_squeeze %dma_start3A_223 : memref<1x128xi32, #tpu.memory_space<vmem>> -> memref<128xi32, #tpu.memory_space<vmem>>
    %dma_start3A_225 = arith.constant 0 : i32
    %dma_start3A_226 = tpu.memref_slice %arg4[%add3A, %dma_start3A_214, %dma_start3A_225] : memref<32x80x128xi32, #tpu.memory_space<hbm>> -> memref<1x1x128xi32, #tpu.memory_space<hbm>>
    %dma_start3A_227 = tpu.memref_squeeze %dma_start3A_226 : memref<1x1x128xi32, #tpu.memory_space<hbm>> -> memref<128xi32, #tpu.memory_space<hbm>>
    tpu.enqueue_dma source(%dma_start3A_227 : memref<128xi32, #tpu.memory_space<hbm>>) target(%dma_start3A_224 : memref<128xi32, #tpu.memory_space<vmem>>) target_semaphore(%arg12 : memref<!tpu.dma_semaphore, #tpu.memory_space<semaphore_mem>>)
    %barrier3A = arith.constant 0 : index
    tpu.barrier barrier_id(%barrier3A)
    %dma_wait3A = arith.constant 0 : i32
    %dma_wait3A_228 = arith.constant 0 : i32
    %dma_wait3A_229 = arith.constant 0 : i32
    %dma_wait3A_230 = tpu.memref_slice %arg7[%dma_wait3A_228, %dma_wait3A_229] : memref<8x128xi32, #tpu.memory_space<vmem>> -> memref<1x128xi32, #tpu.memory_space<vmem>>
    %dma_wait3A_231 = tpu.memref_squeeze %dma_wait3A_230 : memref<1x128xi32, #tpu.memory_space<vmem>> -> memref<128xi32, #tpu.memory_space<vmem>>
    %dma_wait3A_232 = arith.constant 0 : i32
    %dma_wait3A_233 = tpu.memref_slice %arg3[%add3A, %dma_wait3A, %dma_wait3A_232] : memref<32x80x128xi32, #tpu.memory_space<hbm>> -> memref<1x1x128xi32, #tpu.memory_space<hbm>>
    %dma_wait3A_234 = tpu.memref_squeeze %dma_wait3A_233 : memref<1x1x128xi32, #tpu.memory_space<hbm>> -> memref<128xi32, #tpu.memory_space<hbm>>
    %dma_wait3A_235 = arith.constant 0 : i32
    %dma_wait3A_236 = tpu.memref_slice %arg7[%dma_wait3A_228, %dma_wait3A_235] : memref<8x128xi32, #tpu.memory_space<vmem>> -> memref<1x128xi32, #tpu.memory_space<vmem>>
    %dma_wait3A_237 = tpu.memref_squeeze %dma_wait3A_236 : memref<1x128xi32, #tpu.memory_space<vmem>> -> memref<128xi32, #tpu.memory_space<vmem>>
    %dma_wait3A_238 = arith.constant 0 : i32
    %dma_wait3A_239 = tpu.memref_slice %arg3[%add3A, %dma_wait3A, %dma_wait3A_238] : memref<32x80x128xi32, #tpu.memory_space<hbm>> -> memref<1x1x128xi32, #tpu.memory_space<hbm>>
    %dma_wait3A_240 = tpu.memref_squeeze %dma_wait3A_239 : memref<1x1x128xi32, #tpu.memory_space<hbm>> -> memref<128xi32, #tpu.memory_space<hbm>>
    tpu.wait_dma2 semaphore(%arg12 : memref<!tpu.dma_semaphore, #tpu.memory_space<semaphore_mem>>) src(%dma_wait3A_240 : memref<128xi32, #tpu.memory_space<hbm>>) dst(%dma_wait3A_237 : memref<128xi32, #tpu.memory_space<vmem>>)
    %dma_wait3A_241 = arith.constant 0 : i32
    %dma_wait3A_242 = arith.constant 0 : i32
    %dma_wait3A_243 = arith.constant 0 : i32
    %dma_wait3A_244 = tpu.memref_slice %arg8[%dma_wait3A_242, %dma_wait3A_243] : memref<8x128xi32, #tpu.memory_space<vmem>> -> memref<1x128xi32, #tpu.memory_space<vmem>>
    %dma_wait3A_245 = tpu.memref_squeeze %dma_wait3A_244 : memref<1x128xi32, #tpu.memory_space<vmem>> -> memref<128xi32, #tpu.memory_space<vmem>>
    %dma_wait3A_246 = arith.constant 0 : i32
    %dma_wait3A_247 = tpu.memref_slice %arg4[%add3A, %dma_wait3A_241, %dma_wait3A_246] : memref<32x80x128xi32, #tpu.memory_space<hbm>> -> memref<1x1x128xi32, #tpu.memory_space<hbm>>
    %dma_wait3A_248 = tpu.memref_squeeze %dma_wait3A_247 : memref<1x1x128xi32, #tpu.memory_space<hbm>> -> memref<128xi32, #tpu.memory_space<hbm>>
    %dma_wait3A_249 = arith.constant 0 : i32
    %dma_wait3A_250 = tpu.memref_slice %arg8[%dma_wait3A_242, %dma_wait3A_249] : memref<8x128xi32, #tpu.memory_space<vmem>> -> memref<1x128xi32, #tpu.memory_space<vmem>>
    %dma_wait3A_251 = tpu.memref_squeeze %dma_wait3A_250 : memref<1x128xi32, #tpu.memory_space<vmem>> -> memref<128xi32, #tpu.memory_space<vmem>>
    %dma_wait3A_252 = arith.constant 0 : i32
    %dma_wait3A_253 = tpu.memref_slice %arg4[%add3A, %dma_wait3A_241, %dma_wait3A_252] : memref<32x80x128xi32, #tpu.memory_space<hbm>> -> memref<1x1x128xi32, #tpu.memory_space<hbm>>
    %dma_wait3A_254 = tpu.memref_squeeze %dma_wait3A_253 : memref<1x1x128xi32, #tpu.memory_space<hbm>> -> memref<128xi32, #tpu.memory_space<hbm>>
    tpu.wait_dma2 semaphore(%arg12 : memref<!tpu.dma_semaphore, #tpu.memory_space<semaphore_mem>>) src(%dma_wait3A_254 : memref<128xi32, #tpu.memory_space<hbm>>) dst(%dma_wait3A_251 : memref<128xi32, #tpu.memory_space<vmem>>)
    %dma_start3A_255 = arith.constant 0 : i32
    %dma_start3A_256 = arith.constant 0 : i32
    %dma_start3A_257 = arith.constant 0 : i32
    %dma_start3A_258 = arith.constant 0 : i32
    %dma_start3A_259 = tpu.memref_slice %arg9[%dma_start3A_256, %dma_start3A_257, %dma_start3A_258] : memref<2x128x128xf32, #tpu.memory_space<vmem>> -> memref<1x128x128xf32, #tpu.memory_space<vmem>>
    %dma_start3A_260 = tpu.memref_squeeze %dma_start3A_259 : memref<1x128x128xf32, #tpu.memory_space<vmem>> -> memref<128x128xf32, #tpu.memory_space<vmem>>
    %dma_start3A_261 = arith.constant 0 : i32
    %dma_start3A_262 = tpu.memref_slice %arg7[%dma_start3A_255, %dma_start3A_261] : memref<8x128xi32, #tpu.memory_space<vmem>> -> memref<1x128xi32, #tpu.memory_space<vmem>>
    %dma_start3A_263 = tpu.memref_squeeze %dma_start3A_262 : memref<1x128xi32, #tpu.memory_space<vmem>> -> memref<128xi32, #tpu.memory_space<vmem>>
    %dma_start3A_264 = arith.constant 0 : i32
    %dma_start3A_265 = arith.constant 0 : i32
    %dma_start3A_266 = tpu.memref_slice %arg2[%dma_start3A_264, %dma_start3A_265] : memref<10240x128xf32, #tpu.memory_space<hbm>> -> memref<10240x128xf32, #tpu.memory_space<hbm>>
    tpu.enqueue_indirect_dma source(%dma_start3A_266 : memref<10240x128xf32, #tpu.memory_space<hbm>>) target(%dma_start3A_260 : memref<128x128xf32, #tpu.memory_space<vmem>>) offsets(%dma_start3A_263 : memref<128xi32, #tpu.memory_space<vmem>>) semaphore(%arg11 : memref<!tpu.dma_semaphore, #tpu.memory_space<semaphore_mem>>)
    %dma_wait3A_267 = arith.constant 1 : i32
    %dma_wait3A_268 = arith.constant 1 : i32
    %dma_wait3A_269 = arith.constant 0 : i32
    %dma_wait3A_270 = tpu.memref_slice %arg7[%dma_wait3A_268, %dma_wait3A_269] : memref<8x128xi32, #tpu.memory_space<vmem>> -> memref<1x128xi32, #tpu.memory_space<vmem>>
    %dma_wait3A_271 = tpu.memref_squeeze %dma_wait3A_270 : memref<1x128xi32, #tpu.memory_space<vmem>> -> memref<128xi32, #tpu.memory_space<vmem>>
    %dma_wait3A_272 = arith.constant 0 : i32
    %dma_wait3A_273 = tpu.memref_slice %arg3[%add3A, %dma_wait3A_267, %dma_wait3A_272] : memref<32x80x128xi32, #tpu.memory_space<hbm>> -> memref<1x1x128xi32, #tpu.memory_space<hbm>>
    %dma_wait3A_274 = tpu.memref_squeeze %dma_wait3A_273 : memref<1x1x128xi32, #tpu.memory_space<hbm>> -> memref<128xi32, #tpu.memory_space<hbm>>
    %dma_wait3A_275 = arith.constant 0 : i32
    %dma_wait3A_276 = tpu.memref_slice %arg7[%dma_wait3A_268, %dma_wait3A_275] : memref<8x128xi32, #tpu.memory_space<vmem>> -> memref<1x128xi32, #tpu.memory_space<vmem>>
    %dma_wait3A_277 = tpu.memref_squeeze %dma_wait3A_276 : memref<1x128xi32, #tpu.memory_space<vmem>> -> memref<128xi32, #tpu.memory_space<vmem>>
    %dma_wait3A_278 = arith.constant 0 : i32
    %dma_wait3A_279 = tpu.memref_slice %arg3[%add3A, %dma_wait3A_267, %dma_wait3A_278] : memref<32x80x128xi32, #tpu.memory_space<hbm>> -> memref<1x1x128xi32, #tpu.memory_space<hbm>>
    %dma_wait3A_280 = tpu.memref_squeeze %dma_wait3A_279 : memref<1x1x128xi32, #tpu.memory_space<hbm>> -> memref<128xi32, #tpu.memory_space<hbm>>
    tpu.wait_dma2 semaphore(%arg12 : memref<!tpu.dma_semaphore, #tpu.memory_space<semaphore_mem>>) src(%dma_wait3A_280 : memref<128xi32, #tpu.memory_space<hbm>>) dst(%dma_wait3A_277 : memref<128xi32, #tpu.memory_space<vmem>>)
    %dma_wait3A_281 = arith.constant 1 : i32
    %dma_wait3A_282 = arith.constant 1 : i32
    %dma_wait3A_283 = arith.constant 0 : i32
    %dma_wait3A_284 = tpu.memref_slice %arg8[%dma_wait3A_282, %dma_wait3A_283] : memref<8x128xi32, #tpu.memory_space<vmem>> -> memref<1x128xi32, #tpu.memory_space<vmem>>
    %dma_wait3A_285 = tpu.memref_squeeze %dma_wait3A_284 : memref<1x128xi32, #tpu.memory_space<vmem>> -> memref<128xi32, #tpu.memory_space<vmem>>
    %dma_wait3A_286 = arith.constant 0 : i32
    %dma_wait3A_287 = tpu.memref_slice %arg4[%add3A, %dma_wait3A_281, %dma_wait3A_286] : memref<32x80x128xi32, #tpu.memory_space<hbm>> -> memref<1x1x128xi32, #tpu.memory_space<hbm>>
    %dma_wait3A_288 = tpu.memref_squeeze %dma_wait3A_287 : memref<1x1x128xi32, #tpu.memory_space<hbm>> -> memref<128xi32, #tpu.memory_space<hbm>>
    %dma_wait3A_289 = arith.constant 0 : i32
    %dma_wait3A_290 = tpu.memref_slice %arg8[%dma_wait3A_282, %dma_wait3A_289] : memref<8x128xi32, #tpu.memory_space<vmem>> -> memref<1x128xi32, #tpu.memory_space<vmem>>
    %dma_wait3A_291 = tpu.memref_squeeze %dma_wait3A_290 : memref<1x128xi32, #tpu.memory_space<vmem>> -> memref<128xi32, #tpu.memory_space<vmem>>
    %dma_wait3A_292 = arith.constant 0 : i32
    %dma_wait3A_293 = tpu.memref_slice %arg4[%add3A, %dma_wait3A_281, %dma_wait3A_292] : memref<32x80x128xi32, #tpu.memory_space<hbm>> -> memref<1x1x128xi32, #tpu.memory_space<hbm>>
    %dma_wait3A_294 = tpu.memref_squeeze %dma_wait3A_293 : memref<1x1x128xi32, #tpu.memory_space<hbm>> -> memref<128xi32, #tpu.memory_space<hbm>>
    tpu.wait_dma2 semaphore(%arg12 : memref<!tpu.dma_semaphore, #tpu.memory_space<semaphore_mem>>) src(%dma_wait3A_294 : memref<128xi32, #tpu.memory_space<hbm>>) dst(%dma_wait3A_291 : memref<128xi32, #tpu.memory_space<vmem>>)
    %dma_start3A_295 = arith.constant 1 : i32
    %dma_start3A_296 = arith.constant 1 : i32
    %dma_start3A_297 = arith.constant 0 : i32
    %dma_start3A_298 = arith.constant 0 : i32
    %dma_start3A_299 = tpu.memref_slice %arg9[%dma_start3A_296, %dma_start3A_297, %dma_start3A_298] : memref<2x128x128xf32, #tpu.memory_space<vmem>> -> memref<1x128x128xf32, #tpu.memory_space<vmem>>
    %dma_start3A_300 = tpu.memref_squeeze %dma_start3A_299 : memref<1x128x128xf32, #tpu.memory_space<vmem>> -> memref<128x128xf32, #tpu.memory_space<vmem>>
    %dma_start3A_301 = arith.constant 0 : i32
    %dma_start3A_302 = tpu.memref_slice %arg7[%dma_start3A_295, %dma_start3A_301] : memref<8x128xi32, #tpu.memory_space<vmem>> -> memref<1x128xi32, #tpu.memory_space<vmem>>
    %dma_start3A_303 = tpu.memref_squeeze %dma_start3A_302 : memref<1x128xi32, #tpu.memory_space<vmem>> -> memref<128xi32, #tpu.memory_space<vmem>>
    %dma_start3A_304 = arith.constant 0 : i32
    %dma_start3A_305 = arith.constant 0 : i32
    %dma_start3A_306 = tpu.memref_slice %arg2[%dma_start3A_304, %dma_start3A_305] : memref<10240x128xf32, #tpu.memory_space<hbm>> -> memref<10240x128xf32, #tpu.memory_space<hbm>>
    tpu.enqueue_indirect_dma source(%dma_start3A_306 : memref<10240x128xf32, #tpu.memory_space<hbm>>) target(%dma_start3A_300 : memref<128x128xf32, #tpu.memory_space<vmem>>) offsets(%dma_start3A_303 : memref<128xi32, #tpu.memory_space<vmem>>) semaphore(%arg11 : memref<!tpu.dma_semaphore, #tpu.memory_space<semaphore_mem>>)
    %scan3A = arith.constant 0 : i32
    %scan3A_307 = arith.constant 0 : i32
    %scan3A_308 = arith.constant 39 : i32
    %scan3A_309 = arith.addi %scan3A_307, %scan3A_308 : i32
    %scan3A_310 = arith.constant 1 : i32
    scf.for %scan3A_518 = %scan3A_307 to %scan3A_309 step %scan3A_310  : i32 {
      %mul3A_519 = arith.constant 2 : i32
      %mul3A_520 = arith.muli %scan3A_518, %mul3A_519 : i32
      %add3A_521 = arith.constant 0 : i32
      %add3A_522 = arith.addi %mul3A_520, %add3A_521 : i32
      %rem3A = arith.constant 8 : i32
      %rem3A_523 = arith.remsi %add3A_522, %rem3A : i32
      %add3A_524 = arith.constant 2 : i32
      %add3A_525 = arith.addi %add3A_522, %add3A_524 : i32
      %rem3A_526 = arith.constant 8 : i32
      %rem3A_527 = arith.remsi %add3A_525, %rem3A_526 : i32
      %dma_wait3A_528 = arith.constant 0 : i32
      %dma_wait3A_529 = arith.constant 0 : i32
      %dma_wait3A_530 = arith.constant 0 : i32
      %dma_wait3A_531 = tpu.memref_slice %arg9[%dma_wait3A_528, %dma_wait3A_529, %dma_wait3A_530] : memref<2x128x128xf32, #tpu.memory_space<vmem>> -> memref<1x128x128xf32, #tpu.memory_space<vmem>>
      %dma_wait3A_532 = tpu.memref_squeeze %dma_wait3A_531 : memref<1x128x128xf32, #tpu.memory_space<vmem>> -> memref<128x128xf32, #tpu.memory_space<vmem>>
      %dma_wait3A_533 = arith.constant 0 : i32
      %dma_wait3A_534 = arith.constant 0 : i32
      %dma_wait3A_535 = tpu.memref_slice %arg2[%dma_wait3A_533, %dma_wait3A_534] : memref<10240x128xf32, #tpu.memory_space<hbm>> -> memref<128x128xf32, #tpu.memory_space<hbm>>
      %dma_wait3A_536 = arith.constant 0 : i32
      %dma_wait3A_537 = arith.constant 0 : i32
      %dma_wait3A_538 = tpu.memref_slice %arg9[%dma_wait3A_528, %dma_wait3A_536, %dma_wait3A_537] : memref<2x128x128xf32, #tpu.memory_space<vmem>> -> memref<1x128x128xf32, #tpu.memory_space<vmem>>
      %dma_wait3A_539 = tpu.memref_squeeze %dma_wait3A_538 : memref<1x128x128xf32, #tpu.memory_space<vmem>> -> memref<128x128xf32, #tpu.memory_space<vmem>>
      %dma_wait3A_540 = arith.constant 0 : i32
      %dma_wait3A_541 = arith.constant 0 : i32
      %dma_wait3A_542 = tpu.memref_slice %arg2[%dma_wait3A_540, %dma_wait3A_541] : memref<10240x128xf32, #tpu.memory_space<hbm>> -> memref<128x128xf32, #tpu.memory_space<hbm>>
      tpu.wait_dma2 semaphore(%arg11 : memref<!tpu.dma_semaphore, #tpu.memory_space<semaphore_mem>>) src(%dma_wait3A_542 : memref<128x128xf32, #tpu.memory_space<hbm>>) dst(%dma_wait3A_539 : memref<128x128xf32, #tpu.memory_space<vmem>>)
      %run_scoped3A_543 = arith.constant 0 : i32
      "tpu.region"() ({
        %run_scoped3A_703 = tpu.sem_alloc : memref<!tpu.dma_semaphore, #tpu.memory_space<semaphore_mem>>
        %dma_start3A_704 = arith.constant 0 : i32
        %dma_start3A_705 = arith.constant 0 : i32
        %dma_start3A_706 = tpu.memref_slice %arg9[%run_scoped3A_543, %dma_start3A_704, %dma_start3A_705] : memref<2x128x128xf32, #tpu.memory_space<vmem>> -> memref<1x128x128xf32, #tpu.memory_space<vmem>>
        %dma_start3A_707 = tpu.memref_squeeze %dma_start3A_706 : memref<1x128x128xf32, #tpu.memory_space<vmem>> -> memref<128x128xf32, #tpu.memory_space<vmem>>
        %dma_start3A_708 = arith.constant 0 : i32
        %dma_start3A_709 = tpu.memref_slice %arg8[%rem3A_523, %dma_start3A_708] : memref<8x128xi32, #tpu.memory_space<vmem>> -> memref<1x128xi32, #tpu.memory_space<vmem>>
        %dma_start3A_710 = tpu.memref_squeeze %dma_start3A_709 : memref<1x128xi32, #tpu.memory_space<vmem>> -> memref<128xi32, #tpu.memory_space<vmem>>
        %dma_start3A_711 = arith.constant 0 : i32
        %dma_start3A_712 = arith.constant 0 : i32
        %dma_start3A_713 = tpu.memref_slice %arg10[%dma_start3A_711, %dma_start3A_712] : memref<10240x128xf32, #tpu.memory_space<vmem_shared>> -> memref<10240x128xf32, #tpu.memory_space<vmem_shared>>
        tpu.enqueue_indirect_dma source(%dma_start3A_707 : memref<128x128xf32, #tpu.memory_space<vmem>>) target(%dma_start3A_713 : memref<10240x128xf32, #tpu.memory_space<vmem_shared>>) offsets(%dma_start3A_710 : memref<128xi32, #tpu.memory_space<vmem>>) semaphore(%run_scoped3A_703 : memref<!tpu.dma_semaphore, #tpu.memory_space<semaphore_mem>>) {add = true}
        %dma_wait3A_714 = arith.constant 0 : i32
        %dma_wait3A_715 = arith.constant 0 : i32
        %dma_wait3A_716 = tpu.memref_slice %arg9[%run_scoped3A_543, %dma_wait3A_714, %dma_wait3A_715] : memref<2x128x128xf32, #tpu.memory_space<vmem>> -> memref<1x128x128xf32, #tpu.memory_space<vmem>>
        %dma_wait3A_717 = tpu.memref_squeeze %dma_wait3A_716 : memref<1x128x128xf32, #tpu.memory_space<vmem>> -> memref<128x128xf32, #tpu.memory_space<vmem>>
        %dma_wait3A_718 = arith.constant 0 : i32
        %dma_wait3A_719 = tpu.memref_slice %arg8[%rem3A_523, %dma_wait3A_718] : memref<8x128xi32, #tpu.memory_space<vmem>> -> memref<1x128xi32, #tpu.memory_space<vmem>>
        %dma_wait3A_720 = tpu.memref_squeeze %dma_wait3A_719 : memref<1x128xi32, #tpu.memory_space<vmem>> -> memref<128xi32, #tpu.memory_space<vmem>>
        %dma_wait3A_721 = arith.constant 0 : i32
        %dma_wait3A_722 = arith.constant 0 : i32
        %dma_wait3A_723 = tpu.memref_slice %arg10[%dma_wait3A_721, %dma_wait3A_722] : memref<10240x128xf32, #tpu.memory_space<vmem_shared>> -> memref<10240x128xf32, #tpu.memory_space<vmem_shared>>
        tpu.wait_indirect_dma semaphore(%run_scoped3A_703 : memref<!tpu.dma_semaphore, #tpu.memory_space<semaphore_mem>>) src(%dma_wait3A_717 : memref<128x128xf32, #tpu.memory_space<vmem>>) dst(%dma_wait3A_723 : memref<10240x128xf32, #tpu.memory_space<vmem_shared>>)
        tpu.yield
      }) : () -> ()
      %add3A_544 = arith.constant 8 : i32
      %add3A_545 = arith.addi %add3A_522, %add3A_544 : i32
      %min3A = arith.constant 79 : i32
      %min3A_546 = arith.minsi %add3A_545, %min3A : i32
      %dma_start3A_547 = arith.constant 0 : i32
      %dma_start3A_548 = tpu.memref_slice %arg7[%rem3A_523, %dma_start3A_547] : memref<8x128xi32, #tpu.memory_space<vmem>> -> memref<1x128xi32, #tpu.memory_space<vmem>>
      %dma_start3A_549 = tpu.memref_squeeze %dma_start3A_548 : memref<1x128xi32, #tpu.memory_space<vmem>> -> memref<128xi32, #tpu.memory_space<vmem>>
      %dma_start3A_550 = arith.constant 0 : i32
      %dma_start3A_551 = tpu.memref_slice %arg3[%add3A, %min3A_546, %dma_start3A_550] : memref<32x80x128xi32, #tpu.memory_space<hbm>> -> memref<1x1x128xi32, #tpu.memory_space<hbm>>
      %dma_start3A_552 = tpu.memref_squeeze %dma_start3A_551 : memref<1x1x128xi32, #tpu.memory_space<hbm>> -> memref<128xi32, #tpu.memory_space<hbm>>
      %dma_start3A_553 = arith.constant 0 : i32
      %dma_start3A_554 = tpu.memref_slice %arg7[%rem3A_523, %dma_start3A_553] : memref<8x128xi32, #tpu.memory_space<vmem>> -> memref<1x128xi32, #tpu.memory_space<vmem>>
      %dma_start3A_555 = tpu.memref_squeeze %dma_start3A_554 : memref<1x128xi32, #tpu.memory_space<vmem>> -> memref<128xi32, #tpu.memory_space<vmem>>
      %dma_start3A_556 = arith.constant 0 : i32
      %dma_start3A_557 = tpu.memref_slice %arg3[%add3A, %min3A_546, %dma_start3A_556] : memref<32x80x128xi32, #tpu.memory_space<hbm>> -> memref<1x1x128xi32, #tpu.memory_space<hbm>>
      %dma_start3A_558 = tpu.memref_squeeze %dma_start3A_557 : memref<1x1x128xi32, #tpu.memory_space<hbm>> -> memref<128xi32, #tpu.memory_space<hbm>>
      tpu.enqueue_dma source(%dma_start3A_558 : memref<128xi32, #tpu.memory_space<hbm>>) target(%dma_start3A_555 : memref<128xi32, #tpu.memory_space<vmem>>) target_semaphore(%arg12 : memref<!tpu.dma_semaphore, #tpu.memory_space<semaphore_mem>>)
      %dma_start3A_559 = arith.constant 0 : i32
      %dma_start3A_560 = tpu.memref_slice %arg8[%rem3A_523, %dma_start3A_559] : memref<8x128xi32, #tpu.memory_space<vmem>> -> memref<1x128xi32, #tpu.memory_space<vmem>>
      %dma_start3A_561 = tpu.memref_squeeze %dma_start3A_560 : memref<1x128xi32, #tpu.memory_space<vmem>> -> memref<128xi32, #tpu.memory_space<vmem>>
      %dma_start3A_562 = arith.constant 0 : i32
      %dma_start3A_563 = tpu.memref_slice %arg4[%add3A, %min3A_546, %dma_start3A_562] : memref<32x80x128xi32, #tpu.memory_space<hbm>> -> memref<1x1x128xi32, #tpu.memory_space<hbm>>
      %dma_start3A_564 = tpu.memref_squeeze %dma_start3A_563 : memref<1x1x128xi32, #tpu.memory_space<hbm>> -> memref<128xi32, #tpu.memory_space<hbm>>
      %dma_start3A_565 = arith.constant 0 : i32
      %dma_start3A_566 = tpu.memref_slice %arg8[%rem3A_523, %dma_start3A_565] : memref<8x128xi32, #tpu.memory_space<vmem>> -> memref<1x128xi32, #tpu.memory_space<vmem>>
      %dma_start3A_567 = tpu.memref_squeeze %dma_start3A_566 : memref<1x128xi32, #tpu.memory_space<vmem>> -> memref<128xi32, #tpu.memory_space<vmem>>
      %dma_start3A_568 = arith.constant 0 : i32
      %dma_start3A_569 = tpu.memref_slice %arg4[%add3A, %min3A_546, %dma_start3A_568] : memref<32x80x128xi32, #tpu.memory_space<hbm>> -> memref<1x1x128xi32, #tpu.memory_space<hbm>>
      %dma_start3A_570 = tpu.memref_squeeze %dma_start3A_569 : memref<1x1x128xi32, #tpu.memory_space<hbm>> -> memref<128xi32, #tpu.memory_space<hbm>>
      tpu.enqueue_dma source(%dma_start3A_570 : memref<128xi32, #tpu.memory_space<hbm>>) target(%dma_start3A_567 : memref<128xi32, #tpu.memory_space<vmem>>) target_semaphore(%arg12 : memref<!tpu.dma_semaphore, #tpu.memory_space<semaphore_mem>>)
      %dma_wait3A_571 = arith.constant 0 : i32
      %dma_wait3A_572 = arith.constant 0 : i32
      %dma_wait3A_573 = arith.constant 0 : i32
      %dma_wait3A_574 = tpu.memref_slice %arg7[%dma_wait3A_572, %dma_wait3A_573] : memref<8x128xi32, #tpu.memory_space<vmem>> -> memref<1x128xi32, #tpu.memory_space<vmem>>
      %dma_wait3A_575 = tpu.memref_squeeze %dma_wait3A_574 : memref<1x128xi32, #tpu.memory_space<vmem>> -> memref<128xi32, #tpu.memory_space<vmem>>
      %dma_wait3A_576 = arith.constant 0 : i32
      %dma_wait3A_577 = tpu.memref_slice %arg3[%add3A, %dma_wait3A_571, %dma_wait3A_576] : memref<32x80x128xi32, #tpu.memory_space<hbm>> -> memref<1x1x128xi32, #tpu.memory_space<hbm>>
      %dma_wait3A_578 = tpu.memref_squeeze %dma_wait3A_577 : memref<1x1x128xi32, #tpu.memory_space<hbm>> -> memref<128xi32, #tpu.memory_space<hbm>>
      %dma_wait3A_579 = arith.constant 0 : i32
      %dma_wait3A_580 = tpu.memref_slice %arg7[%dma_wait3A_572, %dma_wait3A_579] : memref<8x128xi32, #tpu.memory_space<vmem>> -> memref<1x128xi32, #tpu.memory_space<vmem>>
      %dma_wait3A_581 = tpu.memref_squeeze %dma_wait3A_580 : memref<1x128xi32, #tpu.memory_space<vmem>> -> memref<128xi32, #tpu.memory_space<vmem>>
      %dma_wait3A_582 = arith.constant 0 : i32
      %dma_wait3A_583 = tpu.memref_slice %arg3[%add3A, %dma_wait3A_571, %dma_wait3A_582] : memref<32x80x128xi32, #tpu.memory_space<hbm>> -> memref<1x1x128xi32, #tpu.memory_space<hbm>>
      %dma_wait3A_584 = tpu.memref_squeeze %dma_wait3A_583 : memref<1x1x128xi32, #tpu.memory_space<hbm>> -> memref<128xi32, #tpu.memory_space<hbm>>
      tpu.wait_dma2 semaphore(%arg12 : memref<!tpu.dma_semaphore, #tpu.memory_space<semaphore_mem>>) src(%dma_wait3A_584 : memref<128xi32, #tpu.memory_space<hbm>>) dst(%dma_wait3A_581 : memref<128xi32, #tpu.memory_space<vmem>>)
      %dma_wait3A_585 = arith.constant 0 : i32
      %dma_wait3A_586 = arith.constant 0 : i32
      %dma_wait3A_587 = arith.constant 0 : i32
      %dma_wait3A_588 = tpu.memref_slice %arg8[%dma_wait3A_586, %dma_wait3A_587] : memref<8x128xi32, #tpu.memory_space<vmem>> -> memref<1x128xi32, #tpu.memory_space<vmem>>
      %dma_wait3A_589 = tpu.memref_squeeze %dma_wait3A_588 : memref<1x128xi32, #tpu.memory_space<vmem>> -> memref<128xi32, #tpu.memory_space<vmem>>
      %dma_wait3A_590 = arith.constant 0 : i32
      %dma_wait3A_591 = tpu.memref_slice %arg4[%add3A, %dma_wait3A_585, %dma_wait3A_590] : memref<32x80x128xi32, #tpu.memory_space<hbm>> -> memref<1x1x128xi32, #tpu.memory_space<hbm>>
      %dma_wait3A_592 = tpu.memref_squeeze %dma_wait3A_591 : memref<1x1x128xi32, #tpu.memory_space<hbm>> -> memref<128xi32, #tpu.memory_space<hbm>>
      %dma_wait3A_593 = arith.constant 0 : i32
      %dma_wait3A_594 = tpu.memref_slice %arg8[%dma_wait3A_586, %dma_wait3A_593] : memref<8x128xi32, #tpu.memory_space<vmem>> -> memref<1x128xi32, #tpu.memory_space<vmem>>
      %dma_wait3A_595 = tpu.memref_squeeze %dma_wait3A_594 : memref<1x128xi32, #tpu.memory_space<vmem>> -> memref<128xi32, #tpu.memory_space<vmem>>
      %dma_wait3A_596 = arith.constant 0 : i32
      %dma_wait3A_597 = tpu.memref_slice %arg4[%add3A, %dma_wait3A_585, %dma_wait3A_596] : memref<32x80x128xi32, #tpu.memory_space<hbm>> -> memref<1x1x128xi32, #tpu.memory_space<hbm>>
      %dma_wait3A_598 = tpu.memref_squeeze %dma_wait3A_597 : memref<1x1x128xi32, #tpu.memory_space<hbm>> -> memref<128xi32, #tpu.memory_space<hbm>>
      tpu.wait_dma2 semaphore(%arg12 : memref<!tpu.dma_semaphore, #tpu.memory_space<semaphore_mem>>) src(%dma_wait3A_598 : memref<128xi32, #tpu.memory_space<hbm>>) dst(%dma_wait3A_595 : memref<128xi32, #tpu.memory_space<vmem>>)
      %dma_start3A_599 = arith.constant 0 : i32
      %dma_start3A_600 = arith.constant 0 : i32
      %dma_start3A_601 = arith.constant 0 : i32
      %dma_start3A_602 = tpu.memref_slice %arg9[%dma_start3A_599, %dma_start3A_600, %dma_start3A_601] : memref<2x128x128xf32, #tpu.memory_space<vmem>> -> memref<1x128x128xf32, #tpu.memory_space<vmem>>
      %dma_start3A_603 = tpu.memref_squeeze %dma_start3A_602 : memref<1x128x128xf32, #tpu.memory_space<vmem>> -> memref<128x128xf32, #tpu.memory_space<vmem>>
      %dma_start3A_604 = arith.constant 0 : i32
      %dma_start3A_605 = tpu.memref_slice %arg7[%rem3A_527, %dma_start3A_604] : memref<8x128xi32, #tpu.memory_space<vmem>> -> memref<1x128xi32, #tpu.memory_space<vmem>>
      %dma_start3A_606 = tpu.memref_squeeze %dma_start3A_605 : memref<1x128xi32, #tpu.memory_space<vmem>> -> memref<128xi32, #tpu.memory_space<vmem>>
      %dma_start3A_607 = arith.constant 0 : i32
      %dma_start3A_608 = arith.constant 0 : i32
      %dma_start3A_609 = tpu.memref_slice %arg2[%dma_start3A_607, %dma_start3A_608] : memref<10240x128xf32, #tpu.memory_space<hbm>> -> memref<10240x128xf32, #tpu.memory_space<hbm>>
      tpu.enqueue_indirect_dma source(%dma_start3A_609 : memref<10240x128xf32, #tpu.memory_space<hbm>>) target(%dma_start3A_603 : memref<128x128xf32, #tpu.memory_space<vmem>>) offsets(%dma_start3A_606 : memref<128xi32, #tpu.memory_space<vmem>>) semaphore(%arg11 : memref<!tpu.dma_semaphore, #tpu.memory_space<semaphore_mem>>)
      %mul3A_610 = arith.constant 2 : i32
      %mul3A_611 = arith.muli %scan3A_518, %mul3A_610 : i32
      %add3A_612 = arith.constant 1 : i32
      %add3A_613 = arith.addi %mul3A_611, %add3A_612 : i32
      %rem3A_614 = arith.constant 8 : i32
      %rem3A_615 = arith.remsi %add3A_613, %rem3A_614 : i32
      %add3A_616 = arith.constant 2 : i32
      %add3A_617 = arith.addi %add3A_613, %add3A_616 : i32
      %rem3A_618 = arith.constant 8 : i32
      %rem3A_619 = arith.remsi %add3A_617, %rem3A_618 : i32
      %dma_wait3A_620 = arith.constant 1 : i32
      %dma_wait3A_621 = arith.constant 0 : i32
      %dma_wait3A_622 = arith.constant 0 : i32
      %dma_wait3A_623 = tpu.memref_slice %arg9[%dma_wait3A_620, %dma_wait3A_621, %dma_wait3A_622] : memref<2x128x128xf32, #tpu.memory_space<vmem>> -> memref<1x128x128xf32, #tpu.memory_space<vmem>>
      %dma_wait3A_624 = tpu.memref_squeeze %dma_wait3A_623 : memref<1x128x128xf32, #tpu.memory_space<vmem>> -> memref<128x128xf32, #tpu.memory_space<vmem>>
      %dma_wait3A_625 = arith.constant 0 : i32
      %dma_wait3A_626 = arith.constant 0 : i32
      %dma_wait3A_627 = tpu.memref_slice %arg2[%dma_wait3A_625, %dma_wait3A_626] : memref<10240x128xf32, #tpu.memory_space<hbm>> -> memref<128x128xf32, #tpu.memory_space<hbm>>
      %dma_wait3A_628 = arith.constant 0 : i32
      %dma_wait3A_629 = arith.constant 0 : i32
      %dma_wait3A_630 = tpu.memref_slice %arg9[%dma_wait3A_620, %dma_wait3A_628, %dma_wait3A_629] : memref<2x128x128xf32, #tpu.memory_space<vmem>> -> memref<1x128x128xf32, #tpu.memory_space<vmem>>
      %dma_wait3A_631 = tpu.memref_squeeze %dma_wait3A_630 : memref<1x128x128xf32, #tpu.memory_space<vmem>> -> memref<128x128xf32, #tpu.memory_space<vmem>>
      %dma_wait3A_632 = arith.constant 0 : i32
      %dma_wait3A_633 = arith.constant 0 : i32
      %dma_wait3A_634 = tpu.memref_slice %arg2[%dma_wait3A_632, %dma_wait3A_633] : memref<10240x128xf32, #tpu.memory_space<hbm>> -> memref<128x128xf32, #tpu.memory_space<hbm>>
      tpu.wait_dma2 semaphore(%arg11 : memref<!tpu.dma_semaphore, #tpu.memory_space<semaphore_mem>>) src(%dma_wait3A_634 : memref<128x128xf32, #tpu.memory_space<hbm>>) dst(%dma_wait3A_631 : memref<128x128xf32, #tpu.memory_space<vmem>>)
      %run_scoped3A_635 = arith.constant 1 : i32
      "tpu.region"() ({
        %run_scoped3A_703 = tpu.sem_alloc : memref<!tpu.dma_semaphore, #tpu.memory_space<semaphore_mem>>
        %dma_start3A_704 = arith.constant 0 : i32
        %dma_start3A_705 = arith.constant 0 : i32
        %dma_start3A_706 = tpu.memref_slice %arg9[%run_scoped3A_635, %dma_start3A_704, %dma_start3A_705] : memref<2x128x128xf32, #tpu.memory_space<vmem>> -> memref<1x128x128xf32, #tpu.memory_space<vmem>>
        %dma_start3A_707 = tpu.memref_squeeze %dma_start3A_706 : memref<1x128x128xf32, #tpu.memory_space<vmem>> -> memref<128x128xf32, #tpu.memory_space<vmem>>
        %dma_start3A_708 = arith.constant 0 : i32
        %dma_start3A_709 = tpu.memref_slice %arg8[%rem3A_615, %dma_start3A_708] : memref<8x128xi32, #tpu.memory_space<vmem>> -> memref<1x128xi32, #tpu.memory_space<vmem>>
        %dma_start3A_710 = tpu.memref_squeeze %dma_start3A_709 : memref<1x128xi32, #tpu.memory_space<vmem>> -> memref<128xi32, #tpu.memory_space<vmem>>
        %dma_start3A_711 = arith.constant 0 : i32
        %dma_start3A_712 = arith.constant 0 : i32
        %dma_start3A_713 = tpu.memref_slice %arg10[%dma_start3A_711, %dma_start3A_712] : memref<10240x128xf32, #tpu.memory_space<vmem_shared>> -> memref<10240x128xf32, #tpu.memory_space<vmem_shared>>
        tpu.enqueue_indirect_dma source(%dma_start3A_707 : memref<128x128xf32, #tpu.memory_space<vmem>>) target(%dma_start3A_713 : memref<10240x128xf32, #tpu.memory_space<vmem_shared>>) offsets(%dma_start3A_710 : memref<128xi32, #tpu.memory_space<vmem>>) semaphore(%run_scoped3A_703 : memref<!tpu.dma_semaphore, #tpu.memory_space<semaphore_mem>>) {add = true}
        %dma_wait3A_714 = arith.constant 0 : i32
        %dma_wait3A_715 = arith.constant 0 : i32
        %dma_wait3A_716 = tpu.memref_slice %arg9[%run_scoped3A_635, %dma_wait3A_714, %dma_wait3A_715] : memref<2x128x128xf32, #tpu.memory_space<vmem>> -> memref<1x128x128xf32, #tpu.memory_space<vmem>>
        %dma_wait3A_717 = tpu.memref_squeeze %dma_wait3A_716 : memref<1x128x128xf32, #tpu.memory_space<vmem>> -> memref<128x128xf32, #tpu.memory_space<vmem>>
        %dma_wait3A_718 = arith.constant 0 : i32
        %dma_wait3A_719 = tpu.memref_slice %arg8[%rem3A_615, %dma_wait3A_718] : memref<8x128xi32, #tpu.memory_space<vmem>> -> memref<1x128xi32, #tpu.memory_space<vmem>>
        %dma_wait3A_720 = tpu.memref_squeeze %dma_wait3A_719 : memref<1x128xi32, #tpu.memory_space<vmem>> -> memref<128xi32, #tpu.memory_space<vmem>>
        %dma_wait3A_721 = arith.constant 0 : i32
        %dma_wait3A_722 = arith.constant 0 : i32
        %dma_wait3A_723 = tpu.memref_slice %arg10[%dma_wait3A_721, %dma_wait3A_722] : memref<10240x128xf32, #tpu.memory_space<vmem_shared>> -> memref<10240x128xf32, #tpu.memory_space<vmem_shared>>
        tpu.wait_indirect_dma semaphore(%run_scoped3A_703 : memref<!tpu.dma_semaphore, #tpu.memory_space<semaphore_mem>>) src(%dma_wait3A_717 : memref<128x128xf32, #tpu.memory_space<vmem>>) dst(%dma_wait3A_723 : memref<10240x128xf32, #tpu.memory_space<vmem_shared>>)
        tpu.yield
      }) : () -> ()
      %add3A_636 = arith.constant 8 : i32
      %add3A_637 = arith.addi %add3A_613, %add3A_636 : i32
      %min3A_638 = arith.constant 79 : i32
      %min3A_639 = arith.minsi %add3A_637, %min3A_638 : i32
      %dma_start3A_640 = arith.constant 0 : i32
      %dma_start3A_641 = tpu.memref_slice %arg7[%rem3A_615, %dma_start3A_640] : memref<8x128xi32, #tpu.memory_space<vmem>> -> memref<1x128xi32, #tpu.memory_space<vmem>>
      %dma_start3A_642 = tpu.memref_squeeze %dma_start3A_641 : memref<1x128xi32, #tpu.memory_space<vmem>> -> memref<128xi32, #tpu.memory_space<vmem>>
      %dma_start3A_643 = arith.constant 0 : i32
      %dma_start3A_644 = tpu.memref_slice %arg3[%add3A, %min3A_639, %dma_start3A_643] : memref<32x80x128xi32, #tpu.memory_space<hbm>> -> memref<1x1x128xi32, #tpu.memory_space<hbm>>
      %dma_start3A_645 = tpu.memref_squeeze %dma_start3A_644 : memref<1x1x128xi32, #tpu.memory_space<hbm>> -> memref<128xi32, #tpu.memory_space<hbm>>
      %dma_start3A_646 = arith.constant 0 : i32
      %dma_start3A_647 = tpu.memref_slice %arg7[%rem3A_615, %dma_start3A_646] : memref<8x128xi32, #tpu.memory_space<vmem>> -> memref<1x128xi32, #tpu.memory_space<vmem>>
      %dma_start3A_648 = tpu.memref_squeeze %dma_start3A_647 : memref<1x128xi32, #tpu.memory_space<vmem>> -> memref<128xi32, #tpu.memory_space<vmem>>
      %dma_start3A_649 = arith.constant 0 : i32
      %dma_start3A_650 = tpu.memref_slice %arg3[%add3A, %min3A_639, %dma_start3A_649] : memref<32x80x128xi32, #tpu.memory_space<hbm>> -> memref<1x1x128xi32, #tpu.memory_space<hbm>>
      %dma_start3A_651 = tpu.memref_squeeze %dma_start3A_650 : memref<1x1x128xi32, #tpu.memory_space<hbm>> -> memref<128xi32, #tpu.memory_space<hbm>>
      tpu.enqueue_dma source(%dma_start3A_651 : memref<128xi32, #tpu.memory_space<hbm>>) target(%dma_start3A_648 : memref<128xi32, #tpu.memory_space<vmem>>) target_semaphore(%arg12 : memref<!tpu.dma_semaphore, #tpu.memory_space<semaphore_mem>>)
      %dma_start3A_652 = arith.constant 0 : i32
      %dma_start3A_653 = tpu.memref_slice %arg8[%rem3A_615, %dma_start3A_652] : memref<8x128xi32, #tpu.memory_space<vmem>> -> memref<1x128xi32, #tpu.memory_space<vmem>>
      %dma_start3A_654 = tpu.memref_squeeze %dma_start3A_653 : memref<1x128xi32, #tpu.memory_space<vmem>> -> memref<128xi32, #tpu.memory_space<vmem>>
      %dma_start3A_655 = arith.constant 0 : i32
      %dma_start3A_656 = tpu.memref_slice %arg4[%add3A, %min3A_639, %dma_start3A_655] : memref<32x80x128xi32, #tpu.memory_space<hbm>> -> memref<1x1x128xi32, #tpu.memory_space<hbm>>
      %dma_start3A_657 = tpu.memref_squeeze %dma_start3A_656 : memref<1x1x128xi32, #tpu.memory_space<hbm>> -> memref<128xi32, #tpu.memory_space<hbm>>
      %dma_start3A_658 = arith.constant 0 : i32
      %dma_start3A_659 = tpu.memref_slice %arg8[%rem3A_615, %dma_start3A_658] : memref<8x128xi32, #tpu.memory_space<vmem>> -> memref<1x128xi32, #tpu.memory_space<vmem>>
      %dma_start3A_660 = tpu.memref_squeeze %dma_start3A_659 : memref<1x128xi32, #tpu.memory_space<vmem>> -> memref<128xi32, #tpu.memory_space<vmem>>
      %dma_start3A_661 = arith.constant 0 : i32
      %dma_start3A_662 = tpu.memref_slice %arg4[%add3A, %min3A_639, %dma_start3A_661] : memref<32x80x128xi32, #tpu.memory_space<hbm>> -> memref<1x1x128xi32, #tpu.memory_space<hbm>>
      %dma_start3A_663 = tpu.memref_squeeze %dma_start3A_662 : memref<1x1x128xi32, #tpu.memory_space<hbm>> -> memref<128xi32, #tpu.memory_space<hbm>>
      tpu.enqueue_dma source(%dma_start3A_663 : memref<128xi32, #tpu.memory_space<hbm>>) target(%dma_start3A_660 : memref<128xi32, #tpu.memory_space<vmem>>) target_semaphore(%arg12 : memref<!tpu.dma_semaphore, #tpu.memory_space<semaphore_mem>>)
      %dma_wait3A_664 = arith.constant 0 : i32
      %dma_wait3A_665 = arith.constant 0 : i32
      %dma_wait3A_666 = arith.constant 0 : i32
      %dma_wait3A_667 = tpu.memref_slice %arg7[%dma_wait3A_665, %dma_wait3A_666] : memref<8x128xi32, #tpu.memory_space<vmem>> -> memref<1x128xi32, #tpu.memory_space<vmem>>
      %dma_wait3A_668 = tpu.memref_squeeze %dma_wait3A_667 : memref<1x128xi32, #tpu.memory_space<vmem>> -> memref<128xi32, #tpu.memory_space<vmem>>
      %dma_wait3A_669 = arith.constant 0 : i32
      %dma_wait3A_670 = tpu.memref_slice %arg3[%add3A, %dma_wait3A_664, %dma_wait3A_669] : memref<32x80x128xi32, #tpu.memory_space<hbm>> -> memref<1x1x128xi32, #tpu.memory_space<hbm>>
      %dma_wait3A_671 = tpu.memref_squeeze %dma_wait3A_670 : memref<1x1x128xi32, #tpu.memory_space<hbm>> -> memref<128xi32, #tpu.memory_space<hbm>>
      %dma_wait3A_672 = arith.constant 0 : i32
      %dma_wait3A_673 = tpu.memref_slice %arg7[%dma_wait3A_665, %dma_wait3A_672] : memref<8x128xi32, #tpu.memory_space<vmem>> -> memref<1x128xi32, #tpu.memory_space<vmem>>
      %dma_wait3A_674 = tpu.memref_squeeze %dma_wait3A_673 : memref<1x128xi32, #tpu.memory_space<vmem>> -> memref<128xi32, #tpu.memory_space<vmem>>
      %dma_wait3A_675 = arith.constant 0 : i32
      %dma_wait3A_676 = tpu.memref_slice %arg3[%add3A, %dma_wait3A_664, %dma_wait3A_675] : memref<32x80x128xi32, #tpu.memory_space<hbm>> -> memref<1x1x128xi32, #tpu.memory_space<hbm>>
      %dma_wait3A_677 = tpu.memref_squeeze %dma_wait3A_676 : memref<1x1x128xi32, #tpu.memory_space<hbm>> -> memref<128xi32, #tpu.memory_space<hbm>>
      tpu.wait_dma2 semaphore(%arg12 : memref<!tpu.dma_semaphore, #tpu.memory_space<semaphore_mem>>) src(%dma_wait3A_677 : memref<128xi32, #tpu.memory_space<hbm>>) dst(%dma_wait3A_674 : memref<128xi32, #tpu.memory_space<vmem>>)
      %dma_wait3A_678 = arith.constant 0 : i32
      %dma_wait3A_679 = arith.constant 0 : i32
      %dma_wait3A_680 = arith.constant 0 : i32
      %dma_wait3A_681 = tpu.memref_slice %arg8[%dma_wait3A_679, %dma_wait3A_680] : memref<8x128xi32, #tpu.memory_space<vmem>> -> memref<1x128xi32, #tpu.memory_space<vmem>>
      %dma_wait3A_682 = tpu.memref_squeeze %dma_wait3A_681 : memref<1x128xi32, #tpu.memory_space<vmem>> -> memref<128xi32, #tpu.memory_space<vmem>>
      %dma_wait3A_683 = arith.constant 0 : i32
      %dma_wait3A_684 = tpu.memref_slice %arg4[%add3A, %dma_wait3A_678, %dma_wait3A_683] : memref<32x80x128xi32, #tpu.memory_space<hbm>> -> memref<1x1x128xi32, #tpu.memory_space<hbm>>
      %dma_wait3A_685 = tpu.memref_squeeze %dma_wait3A_684 : memref<1x1x128xi32, #tpu.memory_space<hbm>> -> memref<128xi32, #tpu.memory_space<hbm>>
      %dma_wait3A_686 = arith.constant 0 : i32
      %dma_wait3A_687 = tpu.memref_slice %arg8[%dma_wait3A_679, %dma_wait3A_686] : memref<8x128xi32, #tpu.memory_space<vmem>> -> memref<1x128xi32, #tpu.memory_space<vmem>>
      %dma_wait3A_688 = tpu.memref_squeeze %dma_wait3A_687 : memref<1x128xi32, #tpu.memory_space<vmem>> -> memref<128xi32, #tpu.memory_space<vmem>>
      %dma_wait3A_689 = arith.constant 0 : i32
      %dma_wait3A_690 = tpu.memref_slice %arg4[%add3A, %dma_wait3A_678, %dma_wait3A_689] : memref<32x80x128xi32, #tpu.memory_space<hbm>> -> memref<1x1x128xi32, #tpu.memory_space<hbm>>
      %dma_wait3A_691 = tpu.memref_squeeze %dma_wait3A_690 : memref<1x1x128xi32, #tpu.memory_space<hbm>> -> memref<128xi32, #tpu.memory_space<hbm>>
      tpu.wait_dma2 semaphore(%arg12 : memref<!tpu.dma_semaphore, #tpu.memory_space<semaphore_mem>>) src(%dma_wait3A_691 : memref<128xi32, #tpu.memory_space<hbm>>) dst(%dma_wait3A_688 : memref<128xi32, #tpu.memory_space<vmem>>)
      %dma_start3A_692 = arith.constant 1 : i32
      %dma_start3A_693 = arith.constant 0 : i32
      %dma_start3A_694 = arith.constant 0 : i32
      %dma_start3A_695 = tpu.memref_slice %arg9[%dma_start3A_692, %dma_start3A_693, %dma_start3A_694] : memref<2x128x128xf32, #tpu.memory_space<vmem>> -> memref<1x128x128xf32, #tpu.memory_space<vmem>>
      %dma_start3A_696 = tpu.memref_squeeze %dma_start3A_695 : memref<1x128x128xf32, #tpu.memory_space<vmem>> -> memref<128x128xf32, #tpu.memory_space<vmem>>
      %dma_start3A_697 = arith.constant 0 : i32
      %dma_start3A_698 = tpu.memref_slice %arg7[%rem3A_619, %dma_start3A_697] : memref<8x128xi32, #tpu.memory_space<vmem>> -> memref<1x128xi32, #tpu.memory_space<vmem>>
      %dma_start3A_699 = tpu.memref_squeeze %dma_start3A_698 : memref<1x128xi32, #tpu.memory_space<vmem>> -> memref<128xi32, #tpu.memory_space<vmem>>
      %dma_start3A_700 = arith.constant 0 : i32
      %dma_start3A_701 = arith.constant 0 : i32
      %dma_start3A_702 = tpu.memref_slice %arg2[%dma_start3A_700, %dma_start3A_701] : memref<10240x128xf32, #tpu.memory_space<hbm>> -> memref<10240x128xf32, #tpu.memory_space<hbm>>
      tpu.enqueue_indirect_dma source(%dma_start3A_702 : memref<10240x128xf32, #tpu.memory_space<hbm>>) target(%dma_start3A_696 : memref<128x128xf32, #tpu.memory_space<vmem>>) offsets(%dma_start3A_699 : memref<128xi32, #tpu.memory_space<vmem>>) semaphore(%arg11 : memref<!tpu.dma_semaphore, #tpu.memory_space<semaphore_mem>>)
    }
    %scan3A_311 = arith.constant 39 : i32
    %dma_wait3A_312 = arith.constant 0 : i32
    %dma_wait3A_313 = arith.constant 0 : i32
    %dma_wait3A_314 = arith.constant 0 : i32
    %dma_wait3A_315 = tpu.memref_slice %arg9[%dma_wait3A_312, %dma_wait3A_313, %dma_wait3A_314] : memref<2x128x128xf32, #tpu.memory_space<vmem>> -> memref<1x128x128xf32, #tpu.memory_space<vmem>>
    %dma_wait3A_316 = tpu.memref_squeeze %dma_wait3A_315 : memref<1x128x128xf32, #tpu.memory_space<vmem>> -> memref<128x128xf32, #tpu.memory_space<vmem>>
    %dma_wait3A_317 = arith.constant 0 : i32
    %dma_wait3A_318 = arith.constant 0 : i32
    %dma_wait3A_319 = tpu.memref_slice %arg2[%dma_wait3A_317, %dma_wait3A_318] : memref<10240x128xf32, #tpu.memory_space<hbm>> -> memref<128x128xf32, #tpu.memory_space<hbm>>
    %dma_wait3A_320 = arith.constant 0 : i32
    %dma_wait3A_321 = arith.constant 0 : i32
    %dma_wait3A_322 = tpu.memref_slice %arg9[%dma_wait3A_312, %dma_wait3A_320, %dma_wait3A_321] : memref<2x128x128xf32, #tpu.memory_space<vmem>> -> memref<1x128x128xf32, #tpu.memory_space<vmem>>
    %dma_wait3A_323 = tpu.memref_squeeze %dma_wait3A_322 : memref<1x128x128xf32, #tpu.memory_space<vmem>> -> memref<128x128xf32, #tpu.memory_space<vmem>>
    %dma_wait3A_324 = arith.constant 0 : i32
    %dma_wait3A_325 = arith.constant 0 : i32
    %dma_wait3A_326 = tpu.memref_slice %arg2[%dma_wait3A_324, %dma_wait3A_325] : memref<10240x128xf32, #tpu.memory_space<hbm>> -> memref<128x128xf32, #tpu.memory_space<hbm>>
    tpu.wait_dma2 semaphore(%arg11 : memref<!tpu.dma_semaphore, #tpu.memory_space<semaphore_mem>>) src(%dma_wait3A_326 : memref<128x128xf32, #tpu.memory_space<hbm>>) dst(%dma_wait3A_323 : memref<128x128xf32, #tpu.memory_space<vmem>>)
    %run_scoped3A = arith.constant 0 : i32
    %run_scoped3A_327 = arith.constant 6 : i32
    "tpu.region"() ({
      %run_scoped3A_518 = tpu.sem_alloc : memref<!tpu.dma_semaphore, #tpu.memory_space<semaphore_mem>>
      %dma_start3A_519 = arith.constant 0 : i32
      %dma_start3A_520 = arith.constant 0 : i32
      %dma_start3A_521 = tpu.memref_slice %arg9[%run_scoped3A, %dma_start3A_519, %dma_start3A_520] : memref<2x128x128xf32, #tpu.memory_space<vmem>> -> memref<1x128x128xf32, #tpu.memory_space<vmem>>
      %dma_start3A_522 = tpu.memref_squeeze %dma_start3A_521 : memref<1x128x128xf32, #tpu.memory_space<vmem>> -> memref<128x128xf32, #tpu.memory_space<vmem>>
      %dma_start3A_523 = arith.constant 0 : i32
      %dma_start3A_524 = tpu.memref_slice %arg8[%run_scoped3A_327, %dma_start3A_523] : memref<8x128xi32, #tpu.memory_space<vmem>> -> memref<1x128xi32, #tpu.memory_space<vmem>>
      %dma_start3A_525 = tpu.memref_squeeze %dma_start3A_524 : memref<1x128xi32, #tpu.memory_space<vmem>> -> memref<128xi32, #tpu.memory_space<vmem>>
      %dma_start3A_526 = arith.constant 0 : i32
      %dma_start3A_527 = arith.constant 0 : i32
      %dma_start3A_528 = tpu.memref_slice %arg10[%dma_start3A_526, %dma_start3A_527] : memref<10240x128xf32, #tpu.memory_space<vmem_shared>> -> memref<10240x128xf32, #tpu.memory_space<vmem_shared>>
      tpu.enqueue_indirect_dma source(%dma_start3A_522 : memref<128x128xf32, #tpu.memory_space<vmem>>) target(%dma_start3A_528 : memref<10240x128xf32, #tpu.memory_space<vmem_shared>>) offsets(%dma_start3A_525 : memref<128xi32, #tpu.memory_space<vmem>>) semaphore(%run_scoped3A_518 : memref<!tpu.dma_semaphore, #tpu.memory_space<semaphore_mem>>) {add = true}
      %dma_wait3A_529 = arith.constant 0 : i32
      %dma_wait3A_530 = arith.constant 0 : i32
      %dma_wait3A_531 = tpu.memref_slice %arg9[%run_scoped3A, %dma_wait3A_529, %dma_wait3A_530] : memref<2x128x128xf32, #tpu.memory_space<vmem>> -> memref<1x128x128xf32, #tpu.memory_space<vmem>>
      %dma_wait3A_532 = tpu.memref_squeeze %dma_wait3A_531 : memref<1x128x128xf32, #tpu.memory_space<vmem>> -> memref<128x128xf32, #tpu.memory_space<vmem>>
      %dma_wait3A_533 = arith.constant 0 : i32
      %dma_wait3A_534 = tpu.memref_slice %arg8[%run_scoped3A_327, %dma_wait3A_533] : memref<8x128xi32, #tpu.memory_space<vmem>> -> memref<1x128xi32, #tpu.memory_space<vmem>>
      %dma_wait3A_535 = tpu.memref_squeeze %dma_wait3A_534 : memref<1x128xi32, #tpu.memory_space<vmem>> -> memref<128xi32, #tpu.memory_space<vmem>>
      %dma_wait3A_536 = arith.constant 0 : i32
      %dma_wait3A_537 = arith.constant 0 : i32
      %dma_wait3A_538 = tpu.memref_slice %arg10[%dma_wait3A_536, %dma_wait3A_537] : memref<10240x128xf32, #tpu.memory_space<vmem_shared>> -> memref<10240x128xf32, #tpu.memory_space<vmem_shared>>
      tpu.wait_indirect_dma semaphore(%run_scoped3A_518 : memref<!tpu.dma_semaphore, #tpu.memory_space<semaphore_mem>>) src(%dma_wait3A_532 : memref<128x128xf32, #tpu.memory_space<vmem>>) dst(%dma_wait3A_538 : memref<10240x128xf32, #tpu.memory_space<vmem_shared>>)
      tpu.yield
    }) : () -> ()
    %dma_wait3A_328 = arith.constant 1 : i32
    %dma_wait3A_329 = arith.constant 0 : i32
    %dma_wait3A_330 = arith.constant 0 : i32
    %dma_wait3A_331 = tpu.memref_slice %arg9[%dma_wait3A_328, %dma_wait3A_329, %dma_wait3A_330] : memref<2x128x128xf32, #tpu.memory_space<vmem>> -> memref<1x128x128xf32, #tpu.memory_space<vmem>>
    %dma_wait3A_332 = tpu.memref_squeeze %dma_wait3A_331 : memref<1x128x128xf32, #tpu.memory_space<vmem>> -> memref<128x128xf32, #tpu.memory_space<vmem>>
    %dma_wait3A_333 = arith.constant 0 : i32
    %dma_wait3A_334 = arith.constant 0 : i32
    %dma_wait3A_335 = tpu.memref_slice %arg2[%dma_wait3A_333, %dma_wait3A_334] : memref<10240x128xf32, #tpu.memory_space<hbm>> -> memref<128x128xf32, #tpu.memory_space<hbm>>
    %dma_wait3A_336 = arith.constant 0 : i32
    %dma_wait3A_337 = arith.constant 0 : i32
    %dma_wait3A_338 = tpu.memref_slice %arg9[%dma_wait3A_328, %dma_wait3A_336, %dma_wait3A_337] : memref<2x128x128xf32, #tpu.memory_space<vmem>> -> memref<1x128x128xf32, #tpu.memory_space<vmem>>
    %dma_wait3A_339 = tpu.memref_squeeze %dma_wait3A_338 : memref<1x128x128xf32, #tpu.memory_space<vmem>> -> memref<128x128xf32, #tpu.memory_space<vmem>>
    %dma_wait3A_340 = arith.constant 0 : i32
    %dma_wait3A_341 = arith.constant 0 : i32
    %dma_wait3A_342 = tpu.memref_slice %arg2[%dma_wait3A_340, %dma_wait3A_341] : memref<10240x128xf32, #tpu.memory_space<hbm>> -> memref<128x128xf32, #tpu.memory_space<hbm>>
    tpu.wait_dma2 semaphore(%arg11 : memref<!tpu.dma_semaphore, #tpu.memory_space<semaphore_mem>>) src(%dma_wait3A_342 : memref<128x128xf32, #tpu.memory_space<hbm>>) dst(%dma_wait3A_339 : memref<128x128xf32, #tpu.memory_space<vmem>>)
    %run_scoped3A_343 = arith.constant 1 : i32
    %run_scoped3A_344 = arith.constant 7 : i32
    "tpu.region"() ({
      %run_scoped3A_518 = tpu.sem_alloc : memref<!tpu.dma_semaphore, #tpu.memory_space<semaphore_mem>>
      %dma_start3A_519 = arith.constant 0 : i32
      %dma_start3A_520 = arith.constant 0 : i32
      %dma_start3A_521 = tpu.memref_slice %arg9[%run_scoped3A_343, %dma_start3A_519, %dma_start3A_520] : memref<2x128x128xf32, #tpu.memory_space<vmem>> -> memref<1x128x128xf32, #tpu.memory_space<vmem>>
      %dma_start3A_522 = tpu.memref_squeeze %dma_start3A_521 : memref<1x128x128xf32, #tpu.memory_space<vmem>> -> memref<128x128xf32, #tpu.memory_space<vmem>>
      %dma_start3A_523 = arith.constant 0 : i32
      %dma_start3A_524 = tpu.memref_slice %arg8[%run_scoped3A_344, %dma_start3A_523] : memref<8x128xi32, #tpu.memory_space<vmem>> -> memref<1x128xi32, #tpu.memory_space<vmem>>
      %dma_start3A_525 = tpu.memref_squeeze %dma_start3A_524 : memref<1x128xi32, #tpu.memory_space<vmem>> -> memref<128xi32, #tpu.memory_space<vmem>>
      %dma_start3A_526 = arith.constant 0 : i32
      %dma_start3A_527 = arith.constant 0 : i32
      %dma_start3A_528 = tpu.memref_slice %arg10[%dma_start3A_526, %dma_start3A_527] : memref<10240x128xf32, #tpu.memory_space<vmem_shared>> -> memref<10240x128xf32, #tpu.memory_space<vmem_shared>>
      tpu.enqueue_indirect_dma source(%dma_start3A_522 : memref<128x128xf32, #tpu.memory_space<vmem>>) target(%dma_start3A_528 : memref<10240x128xf32, #tpu.memory_space<vmem_shared>>) offsets(%dma_start3A_525 : memref<128xi32, #tpu.memory_space<vmem>>) semaphore(%run_scoped3A_518 : memref<!tpu.dma_semaphore, #tpu.memory_space<semaphore_mem>>) {add = true}
      %dma_wait3A_529 = arith.constant 0 : i32
      %dma_wait3A_530 = arith.constant 0 : i32
      %dma_wait3A_531 = tpu.memref_slice %arg9[%run_scoped3A_343, %dma_wait3A_529, %dma_wait3A_530] : memref<2x128x128xf32, #tpu.memory_space<vmem>> -> memref<1x128x128xf32, #tpu.memory_space<vmem>>
      %dma_wait3A_532 = tpu.memref_squeeze %dma_wait3A_531 : memref<1x128x128xf32, #tpu.memory_space<vmem>> -> memref<128x128xf32, #tpu.memory_space<vmem>>
      %dma_wait3A_533 = arith.constant 0 : i32
      %dma_wait3A_534 = tpu.memref_slice %arg8[%run_scoped3A_344, %dma_wait3A_533] : memref<8x128xi32, #tpu.memory_space<vmem>> -> memref<1x128xi32, #tpu.memory_space<vmem>>
      %dma_wait3A_535 = tpu.memref_squeeze %dma_wait3A_534 : memref<1x128xi32, #tpu.memory_space<vmem>> -> memref<128xi32, #tpu.memory_space<vmem>>
      %dma_wait3A_536 = arith.constant 0 : i32
      %dma_wait3A_537 = arith.constant 0 : i32
      %dma_wait3A_538 = tpu.memref_slice %arg10[%dma_wait3A_536, %dma_wait3A_537] : memref<10240x128xf32, #tpu.memory_space<vmem_shared>> -> memref<10240x128xf32, #tpu.memory_space<vmem_shared>>
      tpu.wait_indirect_dma semaphore(%run_scoped3A_518 : memref<!tpu.dma_semaphore, #tpu.memory_space<semaphore_mem>>) src(%dma_wait3A_532 : memref<128x128xf32, #tpu.memory_space<vmem>>) dst(%dma_wait3A_538 : memref<10240x128xf32, #tpu.memory_space<vmem_shared>>)
      tpu.yield
    }) : () -> ()
    %dma_wait3A_345 = arith.constant 0 : i32
    %dma_wait3A_346 = arith.constant 0 : i32
    %dma_wait3A_347 = arith.constant 0 : i32
    %dma_wait3A_348 = tpu.memref_slice %arg7[%dma_wait3A_346, %dma_wait3A_347] : memref<8x128xi32, #tpu.memory_space<vmem>> -> memref<1x128xi32, #tpu.memory_space<vmem>>
    %dma_wait3A_349 = tpu.memref_squeeze %dma_wait3A_348 : memref<1x128xi32, #tpu.memory_space<vmem>> -> memref<128xi32, #tpu.memory_space<vmem>>
    %dma_wait3A_350 = arith.constant 0 : i32
    %dma_wait3A_351 = tpu.memref_slice %arg3[%add3A, %dma_wait3A_345, %dma_wait3A_350] : memref<32x80x128xi32, #tpu.memory_space<hbm>> -> memref<1x1x128xi32, #tpu.memory_space<hbm>>
    %dma_wait3A_352 = tpu.memref_squeeze %dma_wait3A_351 : memref<1x1x128xi32, #tpu.memory_space<hbm>> -> memref<128xi32, #tpu.memory_space<hbm>>
    %dma_wait3A_353 = arith.constant 0 : i32
    %dma_wait3A_354 = tpu.memref_slice %arg7[%dma_wait3A_346, %dma_wait3A_353] : memref<8x128xi32, #tpu.memory_space<vmem>> -> memref<1x128xi32, #tpu.memory_space<vmem>>
    %dma_wait3A_355 = tpu.memref_squeeze %dma_wait3A_354 : memref<1x128xi32, #tpu.memory_space<vmem>> -> memref<128xi32, #tpu.memory_space<vmem>>
    %dma_wait3A_356 = arith.constant 0 : i32
    %dma_wait3A_357 = tpu.memref_slice %arg3[%add3A, %dma_wait3A_345, %dma_wait3A_356] : memref<32x80x128xi32, #tpu.memory_space<hbm>> -> memref<1x1x128xi32, #tpu.memory_space<hbm>>
    %dma_wait3A_358 = tpu.memref_squeeze %dma_wait3A_357 : memref<1x1x128xi32, #tpu.memory_space<hbm>> -> memref<128xi32, #tpu.memory_space<hbm>>
    tpu.wait_dma2 semaphore(%arg12 : memref<!tpu.dma_semaphore, #tpu.memory_space<semaphore_mem>>) src(%dma_wait3A_358 : memref<128xi32, #tpu.memory_space<hbm>>) dst(%dma_wait3A_355 : memref<128xi32, #tpu.memory_space<vmem>>)
    %dma_wait3A_359 = arith.constant 0 : i32
    %dma_wait3A_360 = arith.constant 0 : i32
    %dma_wait3A_361 = arith.constant 0 : i32
    %dma_wait3A_362 = tpu.memref_slice %arg8[%dma_wait3A_360, %dma_wait3A_361] : memref<8x128xi32, #tpu.memory_space<vmem>> -> memref<1x128xi32, #tpu.memory_space<vmem>>
    %dma_wait3A_363 = tpu.memref_squeeze %dma_wait3A_362 : memref<1x128xi32, #tpu.memory_space<vmem>> -> memref<128xi32, #tpu.memory_space<vmem>>
    %dma_wait3A_364 = arith.constant 0 : i32
    %dma_wait3A_365 = tpu.memref_slice %arg4[%add3A, %dma_wait3A_359, %dma_wait3A_364] : memref<32x80x128xi32, #tpu.memory_space<hbm>> -> memref<1x1x128xi32, #tpu.memory_space<hbm>>
    %dma_wait3A_366 = tpu.memref_squeeze %dma_wait3A_365 : memref<1x1x128xi32, #tpu.memory_space<hbm>> -> memref<128xi32, #tpu.memory_space<hbm>>
    %dma_wait3A_367 = arith.constant 0 : i32
    %dma_wait3A_368 = tpu.memref_slice %arg8[%dma_wait3A_360, %dma_wait3A_367] : memref<8x128xi32, #tpu.memory_space<vmem>> -> memref<1x128xi32, #tpu.memory_space<vmem>>
    %dma_wait3A_369 = tpu.memref_squeeze %dma_wait3A_368 : memref<1x128xi32, #tpu.memory_space<vmem>> -> memref<128xi32, #tpu.memory_space<vmem>>
    %dma_wait3A_370 = arith.constant 0 : i32
    %dma_wait3A_371 = tpu.memref_slice %arg4[%add3A, %dma_wait3A_359, %dma_wait3A_370] : memref<32x80x128xi32, #tpu.memory_space<hbm>> -> memref<1x1x128xi32, #tpu.memory_space<hbm>>
    %dma_wait3A_372 = tpu.memref_squeeze %dma_wait3A_371 : memref<1x1x128xi32, #tpu.memory_space<hbm>> -> memref<128xi32, #tpu.memory_space<hbm>>
    tpu.wait_dma2 semaphore(%arg12 : memref<!tpu.dma_semaphore, #tpu.memory_space<semaphore_mem>>) src(%dma_wait3A_372 : memref<128xi32, #tpu.memory_space<hbm>>) dst(%dma_wait3A_369 : memref<128xi32, #tpu.memory_space<vmem>>)
    %dma_wait3A_373 = arith.constant 0 : i32
    %dma_wait3A_374 = arith.constant 0 : i32
    %dma_wait3A_375 = arith.constant 0 : i32
    %dma_wait3A_376 = tpu.memref_slice %arg7[%dma_wait3A_374, %dma_wait3A_375] : memref<8x128xi32, #tpu.memory_space<vmem>> -> memref<1x128xi32, #tpu.memory_space<vmem>>
    %dma_wait3A_377 = tpu.memref_squeeze %dma_wait3A_376 : memref<1x128xi32, #tpu.memory_space<vmem>> -> memref<128xi32, #tpu.memory_space<vmem>>
    %dma_wait3A_378 = arith.constant 0 : i32
    %dma_wait3A_379 = tpu.memref_slice %arg3[%add3A, %dma_wait3A_373, %dma_wait3A_378] : memref<32x80x128xi32, #tpu.memory_space<hbm>> -> memref<1x1x128xi32, #tpu.memory_space<hbm>>
    %dma_wait3A_380 = tpu.memref_squeeze %dma_wait3A_379 : memref<1x1x128xi32, #tpu.memory_space<hbm>> -> memref<128xi32, #tpu.memory_space<hbm>>
    %dma_wait3A_381 = arith.constant 0 : i32
    %dma_wait3A_382 = tpu.memref_slice %arg7[%dma_wait3A_374, %dma_wait3A_381] : memref<8x128xi32, #tpu.memory_space<vmem>> -> memref<1x128xi32, #tpu.memory_space<vmem>>
    %dma_wait3A_383 = tpu.memref_squeeze %dma_wait3A_382 : memref<1x128xi32, #tpu.memory_space<vmem>> -> memref<128xi32, #tpu.memory_space<vmem>>
    %dma_wait3A_384 = arith.constant 0 : i32
    %dma_wait3A_385 = tpu.memref_slice %arg3[%add3A, %dma_wait3A_373, %dma_wait3A_384] : memref<32x80x128xi32, #tpu.memory_space<hbm>> -> memref<1x1x128xi32, #tpu.memory_space<hbm>>
    %dma_wait3A_386 = tpu.memref_squeeze %dma_wait3A_385 : memref<1x1x128xi32, #tpu.memory_space<hbm>> -> memref<128xi32, #tpu.memory_space<hbm>>
    tpu.wait_dma2 semaphore(%arg12 : memref<!tpu.dma_semaphore, #tpu.memory_space<semaphore_mem>>) src(%dma_wait3A_386 : memref<128xi32, #tpu.memory_space<hbm>>) dst(%dma_wait3A_383 : memref<128xi32, #tpu.memory_space<vmem>>)
    %dma_wait3A_387 = arith.constant 0 : i32
    %dma_wait3A_388 = arith.constant 0 : i32
    %dma_wait3A_389 = arith.constant 0 : i32
    %dma_wait3A_390 = tpu.memref_slice %arg8[%dma_wait3A_388, %dma_wait3A_389] : memref<8x128xi32, #tpu.memory_space<vmem>> -> memref<1x128xi32, #tpu.memory_space<vmem>>
    %dma_wait3A_391 = tpu.memref_squeeze %dma_wait3A_390 : memref<1x128xi32, #tpu.memory_space<vmem>> -> memref<128xi32, #tpu.memory_space<vmem>>
    %dma_wait3A_392 = arith.constant 0 : i32
    %dma_wait3A_393 = tpu.memref_slice %arg4[%add3A, %dma_wait3A_387, %dma_wait3A_392] : memref<32x80x128xi32, #tpu.memory_space<hbm>> -> memref<1x1x128xi32, #tpu.memory_space<hbm>>
    %dma_wait3A_394 = tpu.memref_squeeze %dma_wait3A_393 : memref<1x1x128xi32, #tpu.memory_space<hbm>> -> memref<128xi32, #tpu.memory_space<hbm>>
    %dma_wait3A_395 = arith.constant 0 : i32
    %dma_wait3A_396 = tpu.memref_slice %arg8[%dma_wait3A_388, %dma_wait3A_395] : memref<8x128xi32, #tpu.memory_space<vmem>> -> memref<1x128xi32, #tpu.memory_space<vmem>>
    %dma_wait3A_397 = tpu.memref_squeeze %dma_wait3A_396 : memref<1x128xi32, #tpu.memory_space<vmem>> -> memref<128xi32, #tpu.memory_space<vmem>>
    %dma_wait3A_398 = arith.constant 0 : i32
    %dma_wait3A_399 = tpu.memref_slice %arg4[%add3A, %dma_wait3A_387, %dma_wait3A_398] : memref<32x80x128xi32, #tpu.memory_space<hbm>> -> memref<1x1x128xi32, #tpu.memory_space<hbm>>
    %dma_wait3A_400 = tpu.memref_squeeze %dma_wait3A_399 : memref<1x1x128xi32, #tpu.memory_space<hbm>> -> memref<128xi32, #tpu.memory_space<hbm>>
    tpu.wait_dma2 semaphore(%arg12 : memref<!tpu.dma_semaphore, #tpu.memory_space<semaphore_mem>>) src(%dma_wait3A_400 : memref<128xi32, #tpu.memory_space<hbm>>) dst(%dma_wait3A_397 : memref<128xi32, #tpu.memory_space<vmem>>)
    %dma_wait3A_401 = arith.constant 0 : i32
    %dma_wait3A_402 = arith.constant 0 : i32
    %dma_wait3A_403 = arith.constant 0 : i32
    %dma_wait3A_404 = tpu.memref_slice %arg7[%dma_wait3A_402, %dma_wait3A_403] : memref<8x128xi32, #tpu.memory_space<vmem>> -> memref<1x128xi32, #tpu.memory_space<vmem>>
    %dma_wait3A_405 = tpu.memref_squeeze %dma_wait3A_404 : memref<1x128xi32, #tpu.memory_space<vmem>> -> memref<128xi32, #tpu.memory_space<vmem>>
    %dma_wait3A_406 = arith.constant 0 : i32
    %dma_wait3A_407 = tpu.memref_slice %arg3[%add3A, %dma_wait3A_401, %dma_wait3A_406] : memref<32x80x128xi32, #tpu.memory_space<hbm>> -> memref<1x1x128xi32, #tpu.memory_space<hbm>>
    %dma_wait3A_408 = tpu.memref_squeeze %dma_wait3A_407 : memref<1x1x128xi32, #tpu.memory_space<hbm>> -> memref<128xi32, #tpu.memory_space<hbm>>
    %dma_wait3A_409 = arith.constant 0 : i32
    %dma_wait3A_410 = tpu.memref_slice %arg7[%dma_wait3A_402, %dma_wait3A_409] : memref<8x128xi32, #tpu.memory_space<vmem>> -> memref<1x128xi32, #tpu.memory_space<vmem>>
    %dma_wait3A_411 = tpu.memref_squeeze %dma_wait3A_410 : memref<1x128xi32, #tpu.memory_space<vmem>> -> memref<128xi32, #tpu.memory_space<vmem>>
    %dma_wait3A_412 = arith.constant 0 : i32
    %dma_wait3A_413 = tpu.memref_slice %arg3[%add3A, %dma_wait3A_401, %dma_wait3A_412] : memref<32x80x128xi32, #tpu.memory_space<hbm>> -> memref<1x1x128xi32, #tpu.memory_space<hbm>>
    %dma_wait3A_414 = tpu.memref_squeeze %dma_wait3A_413 : memref<1x1x128xi32, #tpu.memory_space<hbm>> -> memref<128xi32, #tpu.memory_space<hbm>>
    tpu.wait_dma2 semaphore(%arg12 : memref<!tpu.dma_semaphore, #tpu.memory_space<semaphore_mem>>) src(%dma_wait3A_414 : memref<128xi32, #tpu.memory_space<hbm>>) dst(%dma_wait3A_411 : memref<128xi32, #tpu.memory_space<vmem>>)
    %dma_wait3A_415 = arith.constant 0 : i32
    %dma_wait3A_416 = arith.constant 0 : i32
    %dma_wait3A_417 = arith.constant 0 : i32
    %dma_wait3A_418 = tpu.memref_slice %arg8[%dma_wait3A_416, %dma_wait3A_417] : memref<8x128xi32, #tpu.memory_space<vmem>> -> memref<1x128xi32, #tpu.memory_space<vmem>>
    %dma_wait3A_419 = tpu.memref_squeeze %dma_wait3A_418 : memref<1x128xi32, #tpu.memory_space<vmem>> -> memref<128xi32, #tpu.memory_space<vmem>>
    %dma_wait3A_420 = arith.constant 0 : i32
    %dma_wait3A_421 = tpu.memref_slice %arg4[%add3A, %dma_wait3A_415, %dma_wait3A_420] : memref<32x80x128xi32, #tpu.memory_space<hbm>> -> memref<1x1x128xi32, #tpu.memory_space<hbm>>
    %dma_wait3A_422 = tpu.memref_squeeze %dma_wait3A_421 : memref<1x1x128xi32, #tpu.memory_space<hbm>> -> memref<128xi32, #tpu.memory_space<hbm>>
    %dma_wait3A_423 = arith.constant 0 : i32
    %dma_wait3A_424 = tpu.memref_slice %arg8[%dma_wait3A_416, %dma_wait3A_423] : memref<8x128xi32, #tpu.memory_space<vmem>> -> memref<1x128xi32, #tpu.memory_space<vmem>>
    %dma_wait3A_425 = tpu.memref_squeeze %dma_wait3A_424 : memref<1x128xi32, #tpu.memory_space<vmem>> -> memref<128xi32, #tpu.memory_space<vmem>>
    %dma_wait3A_426 = arith.constant 0 : i32
    %dma_wait3A_427 = tpu.memref_slice %arg4[%add3A, %dma_wait3A_415, %dma_wait3A_426] : memref<32x80x128xi32, #tpu.memory_space<hbm>> -> memref<1x1x128xi32, #tpu.memory_space<hbm>>
    %dma_wait3A_428 = tpu.memref_squeeze %dma_wait3A_427 : memref<1x1x128xi32, #tpu.memory_space<hbm>> -> memref<128xi32, #tpu.memory_space<hbm>>
    tpu.wait_dma2 semaphore(%arg12 : memref<!tpu.dma_semaphore, #tpu.memory_space<semaphore_mem>>) src(%dma_wait3A_428 : memref<128xi32, #tpu.memory_space<hbm>>) dst(%dma_wait3A_425 : memref<128xi32, #tpu.memory_space<vmem>>)
    %dma_wait3A_429 = arith.constant 0 : i32
    %dma_wait3A_430 = arith.constant 0 : i32
    %dma_wait3A_431 = arith.constant 0 : i32
    %dma_wait3A_432 = tpu.memref_slice %arg7[%dma_wait3A_430, %dma_wait3A_431] : memref<8x128xi32, #tpu.memory_space<vmem>> -> memref<1x128xi32, #tpu.memory_space<vmem>>
    %dma_wait3A_433 = tpu.memref_squeeze %dma_wait3A_432 : memref<1x128xi32, #tpu.memory_space<vmem>> -> memref<128xi32, #tpu.memory_space<vmem>>
    %dma_wait3A_434 = arith.constant 0 : i32
    %dma_wait3A_435 = tpu.memref_slice %arg3[%add3A, %dma_wait3A_429, %dma_wait3A_434] : memref<32x80x128xi32, #tpu.memory_space<hbm>> -> memref<1x1x128xi32, #tpu.memory_space<hbm>>
    %dma_wait3A_436 = tpu.memref_squeeze %dma_wait3A_435 : memref<1x1x128xi32, #tpu.memory_space<hbm>> -> memref<128xi32, #tpu.memory_space<hbm>>
    %dma_wait3A_437 = arith.constant 0 : i32
    %dma_wait3A_438 = tpu.memref_slice %arg7[%dma_wait3A_430, %dma_wait3A_437] : memref<8x128xi32, #tpu.memory_space<vmem>> -> memref<1x128xi32, #tpu.memory_space<vmem>>
    %dma_wait3A_439 = tpu.memref_squeeze %dma_wait3A_438 : memref<1x128xi32, #tpu.memory_space<vmem>> -> memref<128xi32, #tpu.memory_space<vmem>>
    %dma_wait3A_440 = arith.constant 0 : i32
    %dma_wait3A_441 = tpu.memref_slice %arg3[%add3A, %dma_wait3A_429, %dma_wait3A_440] : memref<32x80x128xi32, #tpu.memory_space<hbm>> -> memref<1x1x128xi32, #tpu.memory_space<hbm>>
    %dma_wait3A_442 = tpu.memref_squeeze %dma_wait3A_441 : memref<1x1x128xi32, #tpu.memory_space<hbm>> -> memref<128xi32, #tpu.memory_space<hbm>>
    tpu.wait_dma2 semaphore(%arg12 : memref<!tpu.dma_semaphore, #tpu.memory_space<semaphore_mem>>) src(%dma_wait3A_442 : memref<128xi32, #tpu.memory_space<hbm>>) dst(%dma_wait3A_439 : memref<128xi32, #tpu.memory_space<vmem>>)
    %dma_wait3A_443 = arith.constant 0 : i32
    %dma_wait3A_444 = arith.constant 0 : i32
    %dma_wait3A_445 = arith.constant 0 : i32
    %dma_wait3A_446 = tpu.memref_slice %arg8[%dma_wait3A_444, %dma_wait3A_445] : memref<8x128xi32, #tpu.memory_space<vmem>> -> memref<1x128xi32, #tpu.memory_space<vmem>>
    %dma_wait3A_447 = tpu.memref_squeeze %dma_wait3A_446 : memref<1x128xi32, #tpu.memory_space<vmem>> -> memref<128xi32, #tpu.memory_space<vmem>>
    %dma_wait3A_448 = arith.constant 0 : i32
    %dma_wait3A_449 = tpu.memref_slice %arg4[%add3A, %dma_wait3A_443, %dma_wait3A_448] : memref<32x80x128xi32, #tpu.memory_space<hbm>> -> memref<1x1x128xi32, #tpu.memory_space<hbm>>
    %dma_wait3A_450 = tpu.memref_squeeze %dma_wait3A_449 : memref<1x1x128xi32, #tpu.memory_space<hbm>> -> memref<128xi32, #tpu.memory_space<hbm>>
    %dma_wait3A_451 = arith.constant 0 : i32
    %dma_wait3A_452 = tpu.memref_slice %arg8[%dma_wait3A_444, %dma_wait3A_451] : memref<8x128xi32, #tpu.memory_space<vmem>> -> memref<1x128xi32, #tpu.memory_space<vmem>>
    %dma_wait3A_453 = tpu.memref_squeeze %dma_wait3A_452 : memref<1x128xi32, #tpu.memory_space<vmem>> -> memref<128xi32, #tpu.memory_space<vmem>>
    %dma_wait3A_454 = arith.constant 0 : i32
    %dma_wait3A_455 = tpu.memref_slice %arg4[%add3A, %dma_wait3A_443, %dma_wait3A_454] : memref<32x80x128xi32, #tpu.memory_space<hbm>> -> memref<1x1x128xi32, #tpu.memory_space<hbm>>
    %dma_wait3A_456 = tpu.memref_squeeze %dma_wait3A_455 : memref<1x1x128xi32, #tpu.memory_space<hbm>> -> memref<128xi32, #tpu.memory_space<hbm>>
    tpu.wait_dma2 semaphore(%arg12 : memref<!tpu.dma_semaphore, #tpu.memory_space<semaphore_mem>>) src(%dma_wait3A_456 : memref<128xi32, #tpu.memory_space<hbm>>) dst(%dma_wait3A_453 : memref<128xi32, #tpu.memory_space<vmem>>)
    %dma_wait3A_457 = arith.constant 0 : i32
    %dma_wait3A_458 = arith.constant 0 : i32
    %dma_wait3A_459 = arith.constant 0 : i32
    %dma_wait3A_460 = tpu.memref_slice %arg7[%dma_wait3A_458, %dma_wait3A_459] : memref<8x128xi32, #tpu.memory_space<vmem>> -> memref<1x128xi32, #tpu.memory_space<vmem>>
    %dma_wait3A_461 = tpu.memref_squeeze %dma_wait3A_460 : memref<1x128xi32, #tpu.memory_space<vmem>> -> memref<128xi32, #tpu.memory_space<vmem>>
    %dma_wait3A_462 = arith.constant 0 : i32
    %dma_wait3A_463 = tpu.memref_slice %arg3[%add3A, %dma_wait3A_457, %dma_wait3A_462] : memref<32x80x128xi32, #tpu.memory_space<hbm>> -> memref<1x1x128xi32, #tpu.memory_space<hbm>>
    %dma_wait3A_464 = tpu.memref_squeeze %dma_wait3A_463 : memref<1x1x128xi32, #tpu.memory_space<hbm>> -> memref<128xi32, #tpu.memory_space<hbm>>
    %dma_wait3A_465 = arith.constant 0 : i32
    %dma_wait3A_466 = tpu.memref_slice %arg7[%dma_wait3A_458, %dma_wait3A_465] : memref<8x128xi32, #tpu.memory_space<vmem>> -> memref<1x128xi32, #tpu.memory_space<vmem>>
    %dma_wait3A_467 = tpu.memref_squeeze %dma_wait3A_466 : memref<1x128xi32, #tpu.memory_space<vmem>> -> memref<128xi32, #tpu.memory_space<vmem>>
    %dma_wait3A_468 = arith.constant 0 : i32
    %dma_wait3A_469 = tpu.memref_slice %arg3[%add3A, %dma_wait3A_457, %dma_wait3A_468] : memref<32x80x128xi32, #tpu.memory_space<hbm>> -> memref<1x1x128xi32, #tpu.memory_space<hbm>>
    %dma_wait3A_470 = tpu.memref_squeeze %dma_wait3A_469 : memref<1x1x128xi32, #tpu.memory_space<hbm>> -> memref<128xi32, #tpu.memory_space<hbm>>
    tpu.wait_dma2 semaphore(%arg12 : memref<!tpu.dma_semaphore, #tpu.memory_space<semaphore_mem>>) src(%dma_wait3A_470 : memref<128xi32, #tpu.memory_space<hbm>>) dst(%dma_wait3A_467 : memref<128xi32, #tpu.memory_space<vmem>>)
    %dma_wait3A_471 = arith.constant 0 : i32
    %dma_wait3A_472 = arith.constant 0 : i32
    %dma_wait3A_473 = arith.constant 0 : i32
    %dma_wait3A_474 = tpu.memref_slice %arg8[%dma_wait3A_472, %dma_wait3A_473] : memref<8x128xi32, #tpu.memory_space<vmem>> -> memref<1x128xi32, #tpu.memory_space<vmem>>
    %dma_wait3A_475 = tpu.memref_squeeze %dma_wait3A_474 : memref<1x128xi32, #tpu.memory_space<vmem>> -> memref<128xi32, #tpu.memory_space<vmem>>
    %dma_wait3A_476 = arith.constant 0 : i32
    %dma_wait3A_477 = tpu.memref_slice %arg4[%add3A, %dma_wait3A_471, %dma_wait3A_476] : memref<32x80x128xi32, #tpu.memory_space<hbm>> -> memref<1x1x128xi32, #tpu.memory_space<hbm>>
    %dma_wait3A_478 = tpu.memref_squeeze %dma_wait3A_477 : memref<1x1x128xi32, #tpu.memory_space<hbm>> -> memref<128xi32, #tpu.memory_space<hbm>>
    %dma_wait3A_479 = arith.constant 0 : i32
    %dma_wait3A_480 = tpu.memref_slice %arg8[%dma_wait3A_472, %dma_wait3A_479] : memref<8x128xi32, #tpu.memory_space<vmem>> -> memref<1x128xi32, #tpu.memory_space<vmem>>
    %dma_wait3A_481 = tpu.memref_squeeze %dma_wait3A_480 : memref<1x128xi32, #tpu.memory_space<vmem>> -> memref<128xi32, #tpu.memory_space<vmem>>
    %dma_wait3A_482 = arith.constant 0 : i32
    %dma_wait3A_483 = tpu.memref_slice %arg4[%add3A, %dma_wait3A_471, %dma_wait3A_482] : memref<32x80x128xi32, #tpu.memory_space<hbm>> -> memref<1x1x128xi32, #tpu.memory_space<hbm>>
    %dma_wait3A_484 = tpu.memref_squeeze %dma_wait3A_483 : memref<1x1x128xi32, #tpu.memory_space<hbm>> -> memref<128xi32, #tpu.memory_space<hbm>>
    tpu.wait_dma2 semaphore(%arg12 : memref<!tpu.dma_semaphore, #tpu.memory_space<semaphore_mem>>) src(%dma_wait3A_484 : memref<128xi32, #tpu.memory_space<hbm>>) dst(%dma_wait3A_481 : memref<128xi32, #tpu.memory_space<vmem>>)
    %dma_wait3A_485 = arith.constant 0 : i32
    %dma_wait3A_486 = arith.constant 0 : i32
    %dma_wait3A_487 = arith.constant 0 : i32
    %dma_wait3A_488 = tpu.memref_slice %arg7[%dma_wait3A_486, %dma_wait3A_487] : memref<8x128xi32, #tpu.memory_space<vmem>> -> memref<1x128xi32, #tpu.memory_space<vmem>>
    %dma_wait3A_489 = tpu.memref_squeeze %dma_wait3A_488 : memref<1x128xi32, #tpu.memory_space<vmem>> -> memref<128xi32, #tpu.memory_space<vmem>>
    %dma_wait3A_490 = arith.constant 0 : i32
    %dma_wait3A_491 = tpu.memref_slice %arg3[%add3A, %dma_wait3A_485, %dma_wait3A_490] : memref<32x80x128xi32, #tpu.memory_space<hbm>> -> memref<1x1x128xi32, #tpu.memory_space<hbm>>
    %dma_wait3A_492 = tpu.memref_squeeze %dma_wait3A_491 : memref<1x1x128xi32, #tpu.memory_space<hbm>> -> memref<128xi32, #tpu.memory_space<hbm>>
    %dma_wait3A_493 = arith.constant 0 : i32
    %dma_wait3A_494 = tpu.memref_slice %arg7[%dma_wait3A_486, %dma_wait3A_493] : memref<8x128xi32, #tpu.memory_space<vmem>> -> memref<1x128xi32, #tpu.memory_space<vmem>>
    %dma_wait3A_495 = tpu.memref_squeeze %dma_wait3A_494 : memref<1x128xi32, #tpu.memory_space<vmem>> -> memref<128xi32, #tpu.memory_space<vmem>>
    %dma_wait3A_496 = arith.constant 0 : i32
    %dma_wait3A_497 = tpu.memref_slice %arg3[%add3A, %dma_wait3A_485, %dma_wait3A_496] : memref<32x80x128xi32, #tpu.memory_space<hbm>> -> memref<1x1x128xi32, #tpu.memory_space<hbm>>
    %dma_wait3A_498 = tpu.memref_squeeze %dma_wait3A_497 : memref<1x1x128xi32, #tpu.memory_space<hbm>> -> memref<128xi32, #tpu.memory_space<hbm>>
    tpu.wait_dma2 semaphore(%arg12 : memref<!tpu.dma_semaphore, #tpu.memory_space<semaphore_mem>>) src(%dma_wait3A_498 : memref<128xi32, #tpu.memory_space<hbm>>) dst(%dma_wait3A_495 : memref<128xi32, #tpu.memory_space<vmem>>)
    %dma_wait3A_499 = arith.constant 0 : i32
    %dma_wait3A_500 = arith.constant 0 : i32
    %dma_wait3A_501 = arith.constant 0 : i32
    %dma_wait3A_502 = tpu.memref_slice %arg8[%dma_wait3A_500, %dma_wait3A_501] : memref<8x128xi32, #tpu.memory_space<vmem>> -> memref<1x128xi32, #tpu.memory_space<vmem>>
    %dma_wait3A_503 = tpu.memref_squeeze %dma_wait3A_502 : memref<1x128xi32, #tpu.memory_space<vmem>> -> memref<128xi32, #tpu.memory_space<vmem>>
    %dma_wait3A_504 = arith.constant 0 : i32
    %dma_wait3A_505 = tpu.memref_slice %arg4[%add3A, %dma_wait3A_499, %dma_wait3A_504] : memref<32x80x128xi32, #tpu.memory_space<hbm>> -> memref<1x1x128xi32, #tpu.memory_space<hbm>>
    %dma_wait3A_506 = tpu.memref_squeeze %dma_wait3A_505 : memref<1x1x128xi32, #tpu.memory_space<hbm>> -> memref<128xi32, #tpu.memory_space<hbm>>
    %dma_wait3A_507 = arith.constant 0 : i32
    %dma_wait3A_508 = tpu.memref_slice %arg8[%dma_wait3A_500, %dma_wait3A_507] : memref<8x128xi32, #tpu.memory_space<vmem>> -> memref<1x128xi32, #tpu.memory_space<vmem>>
    %dma_wait3A_509 = tpu.memref_squeeze %dma_wait3A_508 : memref<1x128xi32, #tpu.memory_space<vmem>> -> memref<128xi32, #tpu.memory_space<vmem>>
    %dma_wait3A_510 = arith.constant 0 : i32
    %dma_wait3A_511 = tpu.memref_slice %arg4[%add3A, %dma_wait3A_499, %dma_wait3A_510] : memref<32x80x128xi32, #tpu.memory_space<hbm>> -> memref<1x1x128xi32, #tpu.memory_space<hbm>>
    %dma_wait3A_512 = tpu.memref_squeeze %dma_wait3A_511 : memref<1x1x128xi32, #tpu.memory_space<hbm>> -> memref<128xi32, #tpu.memory_space<hbm>>
    tpu.wait_dma2 semaphore(%arg12 : memref<!tpu.dma_semaphore, #tpu.memory_space<semaphore_mem>>) src(%dma_wait3A_512 : memref<128xi32, #tpu.memory_space<hbm>>) dst(%dma_wait3A_509 : memref<128xi32, #tpu.memory_space<vmem>>)
    %barrier3A_513 = arith.constant 0 : index
    tpu.barrier barrier_id(%barrier3A_513)
    %mul3A_514 = arith.constant 640 : i32
    %mul3A_515 = arith.muli %arg1, %mul3A_514 : i32
    %mul3A_516 = arith.constant 640 : i32
    %mul3A_517 = arith.muli %arg1, %mul3A_516 : i32
    "tpu.region"() ({
      %run_scoped3A_518 = tpu.sem_alloc : memref<!tpu.dma_semaphore, #tpu.memory_space<semaphore_mem>>
      %dma_start3A_519 = arith.constant 0 : i32
      %dma_start3A_520 = tpu.memref_slice %arg6[%arg0, %mul3A_517, %dma_start3A_519] : memref<2x10240x128xf32, #tpu.memory_space<hbm>> -> memref<1x640x128xf32, #tpu.memory_space<hbm>>
      %dma_start3A_521 = tpu.memref_squeeze %dma_start3A_520 : memref<1x640x128xf32, #tpu.memory_space<hbm>> -> memref<640x128xf32, #tpu.memory_space<hbm>>
      %dma_start3A_522 = arith.constant 0 : i32
      %dma_start3A_523 = tpu.memref_slice %arg10[%mul3A_515, %dma_start3A_522] : memref<10240x128xf32, #tpu.memory_space<vmem_shared>> -> memref<640x128xf32, #tpu.memory_space<vmem_shared>>
      tpu.enqueue_dma source(%dma_start3A_523 : memref<640x128xf32, #tpu.memory_space<vmem_shared>>) target(%dma_start3A_521 : memref<640x128xf32, #tpu.memory_space<hbm>>) target_semaphore(%run_scoped3A_518 : memref<!tpu.dma_semaphore, #tpu.memory_space<semaphore_mem>>)
      %dma_wait3A_524 = arith.constant 0 : i32
      %dma_wait3A_525 = tpu.memref_slice %arg6[%arg0, %mul3A_517, %dma_wait3A_524] : memref<2x10240x128xf32, #tpu.memory_space<hbm>> -> memref<1x640x128xf32, #tpu.memory_space<hbm>>
      %dma_wait3A_526 = tpu.memref_squeeze %dma_wait3A_525 : memref<1x640x128xf32, #tpu.memory_space<hbm>> -> memref<640x128xf32, #tpu.memory_space<hbm>>
      %dma_wait3A_527 = arith.constant 0 : i32
      %dma_wait3A_528 = tpu.memref_slice %arg10[%mul3A_515, %dma_wait3A_527] : memref<10240x128xf32, #tpu.memory_space<vmem_shared>> -> memref<640x128xf32, #tpu.memory_space<vmem_shared>>
      tpu.wait_dma2 semaphore(%run_scoped3A_518 : memref<!tpu.dma_semaphore, #tpu.memory_space<semaphore_mem>>) src(%dma_wait3A_528 : memref<640x128xf32, #tpu.memory_space<vmem_shared>>) dst(%dma_wait3A_526 : memref<640x128xf32, #tpu.memory_space<hbm>>)
      tpu.yield
    }) : () -> ()
    return
  }
}

#map = affine_map<(d0, d1) -> (0, 0)>
#map1 = affine_map<(d0, d1) -> (0, 0, 0)>
module attributes {stable_mosaic.version = 14 : i64} {
  func.func @prop(%arg0: i32, %arg1: i32, %arg2: memref<10240x128xf32, #tpu.memory_space<hbm>>, %arg3: memref<32x80x128xi32, #tpu.memory_space<hbm>>, %arg4: memref<32x80x128xi32, #tpu.memory_space<hbm>>, %arg5: memref<10240x128xf32, #tpu.memory_space<hbm>>, %arg6: memref<2x10240x128xf32, #tpu.memory_space<hbm>>, %arg7: memref<8x128xi32, #tpu.memory_space<vmem>>, %arg8: memref<8x128xi32, #tpu.memory_space<vmem>>, %arg9: memref<2x128x128xf32, #tpu.memory_space<vmem>>, %arg10: memref<10240x128xf32, #tpu.memory_space<vmem_shared>>, %arg11: memref<!tpu.dma_semaphore, #tpu.memory_space<semaphore_mem>>, %arg12: memref<!tpu.dma_semaphore, #tpu.memory_space<semaphore_mem>>) attributes {dimension_semantics = [#tpu.dimension_semantics<core_parallel>, #tpu.dimension_semantics<subcore_parallel>], iteration_bounds = array<i64: 2, 16>, scalar_prefetch = 0 : i64, scratch_operands = 6 : i64, tpu.core_type = #tpu.core_type<sc_vector_subcore>, window_params = [{transform_indices = #map}, {transform_indices = #map1}, {transform_indices = #map1}, {transform_indices = #map}, {transform_indices = #map1}]} {
    %mul3A = arith.constant 16 : i32
    %mul3A_0 = arith.muli %arg0, %mul3A : i32
    %add3A = arith.addi %mul3A_0, %arg1 : i32
    %mul3A_1 = arith.constant 640 : i32
    %mul3A_2 = arith.muli %arg1, %mul3A_1 : i32
    %mul3A_3 = arith.constant 640 : i32
    %mul3A_4 = arith.muli %arg1, %mul3A_3 : i32
    "tpu.region"() ({
      %run_scoped3A_518 = tpu.sem_alloc : memref<!tpu.dma_semaphore, #tpu.memory_space<semaphore_mem>>
      %dma_start3A_519 = arith.constant 0 : i32
      %dma_start3A_520 = tpu.memref_slice %arg10[%mul3A_4, %dma_start3A_519] : memref<10240x128xf32, #tpu.memory_space<vmem_shared>> -> memref<640x128xf32, #tpu.memory_space<vmem_shared>>
      %dma_start3A_521 = arith.constant 0 : i32
      %dma_start3A_522 = tpu.memref_slice %arg5[%mul3A_2, %dma_start3A_521] : memref<10240x128xf32, #tpu.memory_space<hbm>> -> memref<640x128xf32, #tpu.memory_space<hbm>>
      tpu.enqueue_dma source(%dma_start3A_522 : memref<640x128xf32, #tpu.memory_space<hbm>>) target(%dma_start3A_520 : memref<640x128xf32, #tpu.memory_space<vmem_shared>>) target_semaphore(%run_scoped3A_518 : memref<!tpu.dma_semaphore, #tpu.memory_space<semaphore_mem>>)
      %dma_wait3A_523 = arith.constant 0 : i32
      %dma_wait3A_524 = tpu.memref_slice %arg10[%mul3A_4, %dma_wait3A_523] : memref<10240x128xf32, #tpu.memory_space<vmem_shared>> -> memref<640x128xf32, #tpu.memory_space<vmem_shared>>
      %dma_wait3A_525 = arith.constant 0 : i32
      %dma_wait3A_526 = tpu.memref_slice %arg5[%mul3A_2, %dma_wait3A_525] : memref<10240x128xf32, #tpu.memory_space<hbm>> -> memref<640x128xf32, #tpu.memory_space<hbm>>
      tpu.wait_dma2 semaphore(%run_scoped3A_518 : memref<!tpu.dma_semaphore, #tpu.memory_space<semaphore_mem>>) src(%dma_wait3A_526 : memref<640x128xf32, #tpu.memory_space<hbm>>) dst(%dma_wait3A_524 : memref<640x128xf32, #tpu.memory_space<vmem_shared>>)
      tpu.yield
    }) : () -> ()
    %dma_start3A = arith.constant 0 : i32
    %dma_start3A_5 = arith.constant 0 : i32
    %dma_start3A_6 = arith.constant 0 : i32
    %dma_start3A_7 = tpu.memref_slice %arg7[%dma_start3A_5, %dma_start3A_6] : memref<8x128xi32, #tpu.memory_space<vmem>> -> memref<1x128xi32, #tpu.memory_space<vmem>>
    %dma_start3A_8 = tpu.memref_squeeze %dma_start3A_7 : memref<1x128xi32, #tpu.memory_space<vmem>> -> memref<128xi32, #tpu.memory_space<vmem>>
    %dma_start3A_9 = arith.constant 0 : i32
    %dma_start3A_10 = tpu.memref_slice %arg3[%add3A, %dma_start3A, %dma_start3A_9] : memref<32x80x128xi32, #tpu.memory_space<hbm>> -> memref<1x1x128xi32, #tpu.memory_space<hbm>>
    %dma_start3A_11 = tpu.memref_squeeze %dma_start3A_10 : memref<1x1x128xi32, #tpu.memory_space<hbm>> -> memref<128xi32, #tpu.memory_space<hbm>>
    %dma_start3A_12 = arith.constant 0 : i32
    %dma_start3A_13 = tpu.memref_slice %arg7[%dma_start3A_5, %dma_start3A_12] : memref<8x128xi32, #tpu.memory_space<vmem>> -> memref<1x128xi32, #tpu.memory_space<vmem>>
    %dma_start3A_14 = tpu.memref_squeeze %dma_start3A_13 : memref<1x128xi32, #tpu.memory_space<vmem>> -> memref<128xi32, #tpu.memory_space<vmem>>
    %dma_start3A_15 = arith.constant 0 : i32
    %dma_start3A_16 = tpu.memref_slice %arg3[%add3A, %dma_start3A, %dma_start3A_15] : memref<32x80x128xi32, #tpu.memory_space<hbm>> -> memref<1x1x128xi32, #tpu.memory_space<hbm>>
    %dma_start3A_17 = tpu.memref_squeeze %dma_start3A_16 : memref<1x1x128xi32, #tpu.memory_space<hbm>> -> memref<128xi32, #tpu.memory_space<hbm>>
    tpu.enqueue_dma source(%dma_start3A_17 : memref<128xi32, #tpu.memory_space<hbm>>) target(%dma_start3A_14 : memref<128xi32, #tpu.memory_space<vmem>>) target_semaphore(%arg12 : memref<!tpu.dma_semaphore, #tpu.memory_space<semaphore_mem>>)
    %dma_start3A_18 = arith.constant 0 : i32
    %dma_start3A_19 = arith.constant 0 : i32
    %dma_start3A_20 = arith.constant 0 : i32
    %dma_start3A_21 = tpu.memref_slice %arg8[%dma_start3A_19, %dma_start3A_20] : memref<8x128xi32, #tpu.memory_space<vmem>> -> memref<1x128xi32, #tpu.memory_space<vmem>>
    %dma_start3A_22 = tpu.memref_squeeze %dma_start3A_21 : memref<1x128xi32, #tpu.memory_space<vmem>> -> memref<128xi32, #tpu.memory_space<vmem>>
    %dma_start3A_23 = arith.constant 0 : i32
    %dma_start3A_24 = tpu.memref_slice %arg4[%add3A, %dma_start3A_18, %dma_start3A_23] : memref<32x80x128xi32, #tpu.memory_space<hbm>> -> memref<1x1x128xi32, #tpu.memory_space<hbm>>
    %dma_start3A_25 = tpu.memref_squeeze %dma_start3A_24 : memref<1x1x128xi32, #tpu.memory_space<hbm>> -> memref<128xi32, #tpu.memory_space<hbm>>
    %dma_start3A_26 = arith.constant 0 : i32
    %dma_start3A_27 = tpu.memref_slice %arg8[%dma_start3A_19, %dma_start3A_26] : memref<8x128xi32, #tpu.memory_space<vmem>> -> memref<1x128xi32, #tpu.memory_space<vmem>>
    %dma_start3A_28 = tpu.memref_squeeze %dma_start3A_27 : memref<1x128xi32, #tpu.memory_space<vmem>> -> memref<128xi32, #tpu.memory_space<vmem>>
    %dma_start3A_29 = arith.constant 0 : i32
    %dma_start3A_30 = tpu.memref_slice %arg4[%add3A, %dma_start3A_18, %dma_start3A_29] : memref<32x80x128xi32, #tpu.memory_space<hbm>> -> memref<1x1x128xi32, #tpu.memory_space<hbm>>
    %dma_start3A_31 = tpu.memref_squeeze %dma_start3A_30 : memref<1x1x128xi32, #tpu.memory_space<hbm>> -> memref<128xi32, #tpu.memory_space<hbm>>
    tpu.enqueue_dma source(%dma_start3A_31 : memref<128xi32, #tpu.memory_space<hbm>>) target(%dma_start3A_28 : memref<128xi32, #tpu.memory_space<vmem>>) target_semaphore(%arg12 : memref<!tpu.dma_semaphore, #tpu.memory_space<semaphore_mem>>)
    %dma_start3A_32 = arith.constant 1 : i32
    %dma_start3A_33 = arith.constant 1 : i32
    %dma_start3A_34 = arith.constant 0 : i32
    %dma_start3A_35 = tpu.memref_slice %arg7[%dma_start3A_33, %dma_start3A_34] : memref<8x128xi32, #tpu.memory_space<vmem>> -> memref<1x128xi32, #tpu.memory_space<vmem>>
    %dma_start3A_36 = tpu.memref_squeeze %dma_start3A_35 : memref<1x128xi32, #tpu.memory_space<vmem>> -> memref<128xi32, #tpu.memory_space<vmem>>
    %dma_start3A_37 = arith.constant 0 : i32
    %dma_start3A_38 = tpu.memref_slice %arg3[%add3A, %dma_start3A_32, %dma_start3A_37] : memref<32x80x128xi32, #tpu.memory_space<hbm>> -> memref<1x1x128xi32, #tpu.memory_space<hbm>>
    %dma_start3A_39 = tpu.memref_squeeze %dma_start3A_38 : memref<1x1x128xi32, #tpu.memory_space<hbm>> -> memref<128xi32, #tpu.memory_space<hbm>>
    %dma_start3A_40 = arith.constant 0 : i32
    %dma_start3A_41 = tpu.memref_slice %arg7[%dma_start3A_33, %dma_start3A_40] : memref<8x128xi32, #tpu.memory_space<vmem>> -> memref<1x128xi32, #tpu.memory_space<vmem>>
    %dma_start3A_42 = tpu.memref_squeeze %dma_start3A_41 : memref<1x128xi32, #tpu.memory_space<vmem>> -> memref<128xi32, #tpu.memory_space<vmem>>
    %dma_start3A_43 = arith.constant 0 : i32
    %dma_start3A_44 = tpu.memref_slice %arg3[%add3A, %dma_start3A_32, %dma_start3A_43] : memref<32x80x128xi32, #tpu.memory_space<hbm>> -> memref<1x1x128xi32, #tpu.memory_space<hbm>>
    %dma_start3A_45 = tpu.memref_squeeze %dma_start3A_44 : memref<1x1x128xi32, #tpu.memory_space<hbm>> -> memref<128xi32, #tpu.memory_space<hbm>>
    tpu.enqueue_dma source(%dma_start3A_45 : memref<128xi32, #tpu.memory_space<hbm>>) target(%dma_start3A_42 : memref<128xi32, #tpu.memory_space<vmem>>) target_semaphore(%arg12 : memref<!tpu.dma_semaphore, #tpu.memory_space<semaphore_mem>>)
    %dma_start3A_46 = arith.constant 1 : i32
    %dma_start3A_47 = arith.constant 1 : i32
    %dma_start3A_48 = arith.constant 0 : i32
    %dma_start3A_49 = tpu.memref_slice %arg8[%dma_start3A_47, %dma_start3A_48] : memref<8x128xi32, #tpu.memory_space<vmem>> -> memref<1x128xi32, #tpu.memory_space<vmem>>
    %dma_start3A_50 = tpu.memref_squeeze %dma_start3A_49 : memref<1x128xi32, #tpu.memory_space<vmem>> -> memref<128xi32, #tpu.memory_space<vmem>>
    %dma_start3A_51 = arith.constant 0 : i32
    %dma_start3A_52 = tpu.memref_slice %arg4[%add3A, %dma_start3A_46, %dma_start3A_51] : memref<32x80x128xi32, #tpu.memory_space<hbm>> -> memref<1x1x128xi32, #tpu.memory_space<hbm>>
    %dma_start3A_53 = tpu.memref_squeeze %dma_start3A_52 : memref<1x1x128xi32, #tpu.memory_space<hbm>> -> memref<128xi32, #tpu.memory_space<hbm>>
    %dma_start3A_54 = arith.constant 0 : i32
    %dma_start3A_55 = tpu.memref_slice %arg8[%dma_start3A_47, %dma_start3A_54] : memref<8x128xi32, #tpu.memory_space<vmem>> -> memref<1x128xi32, #tpu.memory_space<vmem>>
    %dma_start3A_56 = tpu.memref_squeeze %dma_start3A_55 : memref<1x128xi32, #tpu.memory_space<vmem>> -> memref<128xi32, #tpu.memory_space<vmem>>
    %dma_start3A_57 = arith.constant 0 : i32
    %dma_start3A_58 = tpu.memref_slice %arg4[%add3A, %dma_start3A_46, %dma_start3A_57] : memref<32x80x128xi32, #tpu.memory_space<hbm>> -> memref<1x1x128xi32, #tpu.memory_space<hbm>>
    %dma_start3A_59 = tpu.memref_squeeze %dma_start3A_58 : memref<1x1x128xi32, #tpu.memory_space<hbm>> -> memref<128xi32, #tpu.memory_space<hbm>>
    tpu.enqueue_dma source(%dma_start3A_59 : memref<128xi32, #tpu.memory_space<hbm>>) target(%dma_start3A_56 : memref<128xi32, #tpu.memory_space<vmem>>) target_semaphore(%arg12 : memref<!tpu.dma_semaphore, #tpu.memory_space<semaphore_mem>>)
    %dma_start3A_60 = arith.constant 2 : i32
    %dma_start3A_61 = arith.constant 2 : i32
    %dma_start3A_62 = arith.constant 0 : i32
    %dma_start3A_63 = tpu.memref_slice %arg7[%dma_start3A_61, %dma_start3A_62] : memref<8x128xi32, #tpu.memory_space<vmem>> -> memref<1x128xi32, #tpu.memory_space<vmem>>
    %dma_start3A_64 = tpu.memref_squeeze %dma_start3A_63 : memref<1x128xi32, #tpu.memory_space<vmem>> -> memref<128xi32, #tpu.memory_space<vmem>>
    %dma_start3A_65 = arith.constant 0 : i32
    %dma_start3A_66 = tpu.memref_slice %arg3[%add3A, %dma_start3A_60, %dma_start3A_65] : memref<32x80x128xi32, #tpu.memory_space<hbm>> -> memref<1x1x128xi32, #tpu.memory_space<hbm>>
    %dma_start3A_67 = tpu.memref_squeeze %dma_start3A_66 : memref<1x1x128xi32, #tpu.memory_space<hbm>> -> memref<128xi32, #tpu.memory_space<hbm>>
    %dma_start3A_68 = arith.constant 0 : i32
    %dma_start3A_69 = tpu.memref_slice %arg7[%dma_start3A_61, %dma_start3A_68] : memref<8x128xi32, #tpu.memory_space<vmem>> -> memref<1x128xi32, #tpu.memory_space<vmem>>
    %dma_start3A_70 = tpu.memref_squeeze %dma_start3A_69 : memref<1x128xi32, #tpu.memory_space<vmem>> -> memref<128xi32, #tpu.memory_space<vmem>>
    %dma_start3A_71 = arith.constant 0 : i32
    %dma_start3A_72 = tpu.memref_slice %arg3[%add3A, %dma_start3A_60, %dma_start3A_71] : memref<32x80x128xi32, #tpu.memory_space<hbm>> -> memref<1x1x128xi32, #tpu.memory_space<hbm>>
    %dma_start3A_73 = tpu.memref_squeeze %dma_start3A_72 : memref<1x1x128xi32, #tpu.memory_space<hbm>> -> memref<128xi32, #tpu.memory_space<hbm>>
    tpu.enqueue_dma source(%dma_start3A_73 : memref<128xi32, #tpu.memory_space<hbm>>) target(%dma_start3A_70 : memref<128xi32, #tpu.memory_space<vmem>>) target_semaphore(%arg12 : memref<!tpu.dma_semaphore, #tpu.memory_space<semaphore_mem>>)
    %dma_start3A_74 = arith.constant 2 : i32
    %dma_start3A_75 = arith.constant 2 : i32
    %dma_start3A_76 = arith.constant 0 : i32
    %dma_start3A_77 = tpu.memref_slice %arg8[%dma_start3A_75, %dma_start3A_76] : memref<8x128xi32, #tpu.memory_space<vmem>> -> memref<1x128xi32, #tpu.memory_space<vmem>>
    %dma_start3A_78 = tpu.memref_squeeze %dma_start3A_77 : memref<1x128xi32, #tpu.memory_space<vmem>> -> memref<128xi32, #tpu.memory_space<vmem>>
    %dma_start3A_79 = arith.constant 0 : i32
    %dma_start3A_80 = tpu.memref_slice %arg4[%add3A, %dma_start3A_74, %dma_start3A_79] : memref<32x80x128xi32, #tpu.memory_space<hbm>> -> memref<1x1x128xi32, #tpu.memory_space<hbm>>
    %dma_start3A_81 = tpu.memref_squeeze %dma_start3A_80 : memref<1x1x128xi32, #tpu.memory_space<hbm>> -> memref<128xi32, #tpu.memory_space<hbm>>
    %dma_start3A_82 = arith.constant 0 : i32
    %dma_start3A_83 = tpu.memref_slice %arg8[%dma_start3A_75, %dma_start3A_82] : memref<8x128xi32, #tpu.memory_space<vmem>> -> memref<1x128xi32, #tpu.memory_space<vmem>>
    %dma_start3A_84 = tpu.memref_squeeze %dma_start3A_83 : memref<1x128xi32, #tpu.memory_space<vmem>> -> memref<128xi32, #tpu.memory_space<vmem>>
    %dma_start3A_85 = arith.constant 0 : i32
    %dma_start3A_86 = tpu.memref_slice %arg4[%add3A, %dma_start3A_74, %dma_start3A_85] : memref<32x80x128xi32, #tpu.memory_space<hbm>> -> memref<1x1x128xi32, #tpu.memory_space<hbm>>
    %dma_start3A_87 = tpu.memref_squeeze %dma_start3A_86 : memref<1x1x128xi32, #tpu.memory_space<hbm>> -> memref<128xi32, #tpu.memory_space<hbm>>
    tpu.enqueue_dma source(%dma_start3A_87 : memref<128xi32, #tpu.memory_space<hbm>>) target(%dma_start3A_84 : memref<128xi32, #tpu.memory_space<vmem>>) target_semaphore(%arg12 : memref<!tpu.dma_semaphore, #tpu.memory_space<semaphore_mem>>)
    %dma_start3A_88 = arith.constant 3 : i32
    %dma_start3A_89 = arith.constant 3 : i32
    %dma_start3A_90 = arith.constant 0 : i32
    %dma_start3A_91 = tpu.memref_slice %arg7[%dma_start3A_89, %dma_start3A_90] : memref<8x128xi32, #tpu.memory_space<vmem>> -> memref<1x128xi32, #tpu.memory_space<vmem>>
    %dma_start3A_92 = tpu.memref_squeeze %dma_start3A_91 : memref<1x128xi32, #tpu.memory_space<vmem>> -> memref<128xi32, #tpu.memory_space<vmem>>
    %dma_start3A_93 = arith.constant 0 : i32
    %dma_start3A_94 = tpu.memref_slice %arg3[%add3A, %dma_start3A_88, %dma_start3A_93] : memref<32x80x128xi32, #tpu.memory_space<hbm>> -> memref<1x1x128xi32, #tpu.memory_space<hbm>>
    %dma_start3A_95 = tpu.memref_squeeze %dma_start3A_94 : memref<1x1x128xi32, #tpu.memory_space<hbm>> -> memref<128xi32, #tpu.memory_space<hbm>>
    %dma_start3A_96 = arith.constant 0 : i32
    %dma_start3A_97 = tpu.memref_slice %arg7[%dma_start3A_89, %dma_start3A_96] : memref<8x128xi32, #tpu.memory_space<vmem>> -> memref<1x128xi32, #tpu.memory_space<vmem>>
    %dma_start3A_98 = tpu.memref_squeeze %dma_start3A_97 : memref<1x128xi32, #tpu.memory_space<vmem>> -> memref<128xi32, #tpu.memory_space<vmem>>
    %dma_start3A_99 = arith.constant 0 : i32
    %dma_start3A_100 = tpu.memref_slice %arg3[%add3A, %dma_start3A_88, %dma_start3A_99] : memref<32x80x128xi32, #tpu.memory_space<hbm>> -> memref<1x1x128xi32, #tpu.memory_space<hbm>>
    %dma_start3A_101 = tpu.memref_squeeze %dma_start3A_100 : memref<1x1x128xi32, #tpu.memory_space<hbm>> -> memref<128xi32, #tpu.memory_space<hbm>>
    tpu.enqueue_dma source(%dma_start3A_101 : memref<128xi32, #tpu.memory_space<hbm>>) target(%dma_start3A_98 : memref<128xi32, #tpu.memory_space<vmem>>) target_semaphore(%arg12 : memref<!tpu.dma_semaphore, #tpu.memory_space<semaphore_mem>>)
    %dma_start3A_102 = arith.constant 3 : i32
    %dma_start3A_103 = arith.constant 3 : i32
    %dma_start3A_104 = arith.constant 0 : i32
    %dma_start3A_105 = tpu.memref_slice %arg8[%dma_start3A_103, %dma_start3A_104] : memref<8x128xi32, #tpu.memory_space<vmem>> -> memref<1x128xi32, #tpu.memory_space<vmem>>
    %dma_start3A_106 = tpu.memref_squeeze %dma_start3A_105 : memref<1x128xi32, #tpu.memory_space<vmem>> -> memref<128xi32, #tpu.memory_space<vmem>>
    %dma_start3A_107 = arith.constant 0 : i32
    %dma_start3A_108 = tpu.memref_slice %arg4[%add3A, %dma_start3A_102, %dma_start3A_107] : memref<32x80x128xi32, #tpu.memory_space<hbm>> -> memref<1x1x128xi32, #tpu.memory_space<hbm>>
    %dma_start3A_109 = tpu.memref_squeeze %dma_start3A_108 : memref<1x1x128xi32, #tpu.memory_space<hbm>> -> memref<128xi32, #tpu.memory_space<hbm>>
    %dma_start3A_110 = arith.constant 0 : i32
    %dma_start3A_111 = tpu.memref_slice %arg8[%dma_start3A_103, %dma_start3A_110] : memref<8x128xi32, #tpu.memory_space<vmem>> -> memref<1x128xi32, #tpu.memory_space<vmem>>
    %dma_start3A_112 = tpu.memref_squeeze %dma_start3A_111 : memref<1x128xi32, #tpu.memory_space<vmem>> -> memref<128xi32, #tpu.memory_space<vmem>>
    %dma_start3A_113 = arith.constant 0 : i32
    %dma_start3A_114 = tpu.memref_slice %arg4[%add3A, %dma_start3A_102, %dma_start3A_113] : memref<32x80x128xi32, #tpu.memory_space<hbm>> -> memref<1x1x128xi32, #tpu.memory_space<hbm>>
    %dma_start3A_115 = tpu.memref_squeeze %dma_start3A_114 : memref<1x1x128xi32, #tpu.memory_space<hbm>> -> memref<128xi32, #tpu.memory_space<hbm>>
    tpu.enqueue_dma source(%dma_start3A_115 : memref<128xi32, #tpu.memory_space<hbm>>) target(%dma_start3A_112 : memref<128xi32, #tpu.memory_space<vmem>>) target_semaphore(%arg12 : memref<!tpu.dma_semaphore, #tpu.memory_space<semaphore_mem>>)
    %dma_start3A_116 = arith.constant 4 : i32
    %dma_start3A_117 = arith.constant 4 : i32
    %dma_start3A_118 = arith.constant 0 : i32
    %dma_start3A_119 = tpu.memref_slice %arg7[%dma_start3A_117, %dma_start3A_118] : memref<8x128xi32, #tpu.memory_space<vmem>> -> memref<1x128xi32, #tpu.memory_space<vmem>>
    %dma_start3A_120 = tpu.memref_squeeze %dma_start3A_119 : memref<1x128xi32, #tpu.memory_space<vmem>> -> memref<128xi32, #tpu.memory_space<vmem>>
    %dma_start3A_121 = arith.constant 0 : i32
    %dma_start3A_122 = tpu.memref_slice %arg3[%add3A, %dma_start3A_116, %dma_start3A_121] : memref<32x80x128xi32, #tpu.memory_space<hbm>> -> memref<1x1x128xi32, #tpu.memory_space<hbm>>
    %dma_start3A_123 = tpu.memref_squeeze %dma_start3A_122 : memref<1x1x128xi32, #tpu.memory_space<hbm>> -> memref<128xi32, #tpu.memory_space<hbm>>
    %dma_start3A_124 = arith.constant 0 : i32
    %dma_start3A_125 = tpu.memref_slice %arg7[%dma_start3A_117, %dma_start3A_124] : memref<8x128xi32, #tpu.memory_space<vmem>> -> memref<1x128xi32, #tpu.memory_space<vmem>>
    %dma_start3A_126 = tpu.memref_squeeze %dma_start3A_125 : memref<1x128xi32, #tpu.memory_space<vmem>> -> memref<128xi32, #tpu.memory_space<vmem>>
    %dma_start3A_127 = arith.constant 0 : i32
    %dma_start3A_128 = tpu.memref_slice %arg3[%add3A, %dma_start3A_116, %dma_start3A_127] : memref<32x80x128xi32, #tpu.memory_space<hbm>> -> memref<1x1x128xi32, #tpu.memory_space<hbm>>
    %dma_start3A_129 = tpu.memref_squeeze %dma_start3A_128 : memref<1x1x128xi32, #tpu.memory_space<hbm>> -> memref<128xi32, #tpu.memory_space<hbm>>
    tpu.enqueue_dma source(%dma_start3A_129 : memref<128xi32, #tpu.memory_space<hbm>>) target(%dma_start3A_126 : memref<128xi32, #tpu.memory_space<vmem>>) target_semaphore(%arg12 : memref<!tpu.dma_semaphore, #tpu.memory_space<semaphore_mem>>)
    %dma_start3A_130 = arith.constant 4 : i32
    %dma_start3A_131 = arith.constant 4 : i32
    %dma_start3A_132 = arith.constant 0 : i32
    %dma_start3A_133 = tpu.memref_slice %arg8[%dma_start3A_131, %dma_start3A_132] : memref<8x128xi32, #tpu.memory_space<vmem>> -> memref<1x128xi32, #tpu.memory_space<vmem>>
    %dma_start3A_134 = tpu.memref_squeeze %dma_start3A_133 : memref<1x128xi32, #tpu.memory_space<vmem>> -> memref<128xi32, #tpu.memory_space<vmem>>
    %dma_start3A_135 = arith.constant 0 : i32
    %dma_start3A_136 = tpu.memref_slice %arg4[%add3A, %dma_start3A_130, %dma_start3A_135] : memref<32x80x128xi32, #tpu.memory_space<hbm>> -> memref<1x1x128xi32, #tpu.memory_space<hbm>>
    %dma_start3A_137 = tpu.memref_squeeze %dma_start3A_136 : memref<1x1x128xi32, #tpu.memory_space<hbm>> -> memref<128xi32, #tpu.memory_space<hbm>>
    %dma_start3A_138 = arith.constant 0 : i32
    %dma_start3A_139 = tpu.memref_slice %arg8[%dma_start3A_131, %dma_start3A_138] : memref<8x128xi32, #tpu.memory_space<vmem>> -> memref<1x128xi32, #tpu.memory_space<vmem>>
    %dma_start3A_140 = tpu.memref_squeeze %dma_start3A_139 : memref<1x128xi32, #tpu.memory_space<vmem>> -> memref<128xi32, #tpu.memory_space<vmem>>
    %dma_start3A_141 = arith.constant 0 : i32
    %dma_start3A_142 = tpu.memref_slice %arg4[%add3A, %dma_start3A_130, %dma_start3A_141] : memref<32x80x128xi32, #tpu.memory_space<hbm>> -> memref<1x1x128xi32, #tpu.memory_space<hbm>>
    %dma_start3A_143 = tpu.memref_squeeze %dma_start3A_142 : memref<1x1x128xi32, #tpu.memory_space<hbm>> -> memref<128xi32, #tpu.memory_space<hbm>>
    tpu.enqueue_dma source(%dma_start3A_143 : memref<128xi32, #tpu.memory_space<hbm>>) target(%dma_start3A_140 : memref<128xi32, #tpu.memory_space<vmem>>) target_semaphore(%arg12 : memref<!tpu.dma_semaphore, #tpu.memory_space<semaphore_mem>>)
    %dma_start3A_144 = arith.constant 5 : i32
    %dma_start3A_145 = arith.constant 5 : i32
    %dma_start3A_146 = arith.constant 0 : i32
    %dma_start3A_147 = tpu.memref_slice %arg7[%dma_start3A_145, %dma_start3A_146] : memref<8x128xi32, #tpu.memory_space<vmem>> -> memref<1x128xi32, #tpu.memory_space<vmem>>
    %dma_start3A_148 = tpu.memref_squeeze %dma_start3A_147 : memref<1x128xi32, #tpu.memory_space<vmem>> -> memref<128xi32, #tpu.memory_space<vmem>>
    %dma_start3A_149 = arith.constant 0 : i32
    %dma_start3A_150 = tpu.memref_slice %arg3[%add3A, %dma_start3A_144, %dma_start3A_149] : memref<32x80x128xi32, #tpu.memory_space<hbm>> -> memref<1x1x128xi32, #tpu.memory_space<hbm>>
    %dma_start3A_151 = tpu.memref_squeeze %dma_start3A_150 : memref<1x1x128xi32, #tpu.memory_space<hbm>> -> memref<128xi32, #tpu.memory_space<hbm>>
    %dma_start3A_152 = arith.constant 0 : i32
    %dma_start3A_153 = tpu.memref_slice %arg7[%dma_start3A_145, %dma_start3A_152] : memref<8x128xi32, #tpu.memory_space<vmem>> -> memref<1x128xi32, #tpu.memory_space<vmem>>
    %dma_start3A_154 = tpu.memref_squeeze %dma_start3A_153 : memref<1x128xi32, #tpu.memory_space<vmem>> -> memref<128xi32, #tpu.memory_space<vmem>>
    %dma_start3A_155 = arith.constant 0 : i32
    %dma_start3A_156 = tpu.memref_slice %arg3[%add3A, %dma_start3A_144, %dma_start3A_155] : memref<32x80x128xi32, #tpu.memory_space<hbm>> -> memref<1x1x128xi32, #tpu.memory_space<hbm>>
    %dma_start3A_157 = tpu.memref_squeeze %dma_start3A_156 : memref<1x1x128xi32, #tpu.memory_space<hbm>> -> memref<128xi32, #tpu.memory_space<hbm>>
    tpu.enqueue_dma source(%dma_start3A_157 : memref<128xi32, #tpu.memory_space<hbm>>) target(%dma_start3A_154 : memref<128xi32, #tpu.memory_space<vmem>>) target_semaphore(%arg12 : memref<!tpu.dma_semaphore, #tpu.memory_space<semaphore_mem>>)
    %dma_start3A_158 = arith.constant 5 : i32
    %dma_start3A_159 = arith.constant 5 : i32
    %dma_start3A_160 = arith.constant 0 : i32
    %dma_start3A_161 = tpu.memref_slice %arg8[%dma_start3A_159, %dma_start3A_160] : memref<8x128xi32, #tpu.memory_space<vmem>> -> memref<1x128xi32, #tpu.memory_space<vmem>>
    %dma_start3A_162 = tpu.memref_squeeze %dma_start3A_161 : memref<1x128xi32, #tpu.memory_space<vmem>> -> memref<128xi32, #tpu.memory_space<vmem>>
    %dma_start3A_163 = arith.constant 0 : i32
    %dma_start3A_164 = tpu.memref_slice %arg4[%add3A, %dma_start3A_158, %dma_start3A_163] : memref<32x80x128xi32, #tpu.memory_space<hbm>> -> memref<1x1x128xi32, #tpu.memory_space<hbm>>
    %dma_start3A_165 = tpu.memref_squeeze %dma_start3A_164 : memref<1x1x128xi32, #tpu.memory_space<hbm>> -> memref<128xi32, #tpu.memory_space<hbm>>
    %dma_start3A_166 = arith.constant 0 : i32
    %dma_start3A_167 = tpu.memref_slice %arg8[%dma_start3A_159, %dma_start3A_166] : memref<8x128xi32, #tpu.memory_space<vmem>> -> memref<1x128xi32, #tpu.memory_space<vmem>>
    %dma_start3A_168 = tpu.memref_squeeze %dma_start3A_167 : memref<1x128xi32, #tpu.memory_space<vmem>> -> memref<128xi32, #tpu.memory_space<vmem>>
    %dma_start3A_169 = arith.constant 0 : i32
    %dma_start3A_170 = tpu.memref_slice %arg4[%add3A, %dma_start3A_158, %dma_start3A_169] : memref<32x80x128xi32, #tpu.memory_space<hbm>> -> memref<1x1x128xi32, #tpu.memory_space<hbm>>
    %dma_start3A_171 = tpu.memref_squeeze %dma_start3A_170 : memref<1x1x128xi32, #tpu.memory_space<hbm>> -> memref<128xi32, #tpu.memory_space<hbm>>
    tpu.enqueue_dma source(%dma_start3A_171 : memref<128xi32, #tpu.memory_space<hbm>>) target(%dma_start3A_168 : memref<128xi32, #tpu.memory_space<vmem>>) target_semaphore(%arg12 : memref<!tpu.dma_semaphore, #tpu.memory_space<semaphore_mem>>)
    %dma_start3A_172 = arith.constant 6 : i32
    %dma_start3A_173 = arith.constant 6 : i32
    %dma_start3A_174 = arith.constant 0 : i32
    %dma_start3A_175 = tpu.memref_slice %arg7[%dma_start3A_173, %dma_start3A_174] : memref<8x128xi32, #tpu.memory_space<vmem>> -> memref<1x128xi32, #tpu.memory_space<vmem>>
    %dma_start3A_176 = tpu.memref_squeeze %dma_start3A_175 : memref<1x128xi32, #tpu.memory_space<vmem>> -> memref<128xi32, #tpu.memory_space<vmem>>
    %dma_start3A_177 = arith.constant 0 : i32
    %dma_start3A_178 = tpu.memref_slice %arg3[%add3A, %dma_start3A_172, %dma_start3A_177] : memref<32x80x128xi32, #tpu.memory_space<hbm>> -> memref<1x1x128xi32, #tpu.memory_space<hbm>>
    %dma_start3A_179 = tpu.memref_squeeze %dma_start3A_178 : memref<1x1x128xi32, #tpu.memory_space<hbm>> -> memref<128xi32, #tpu.memory_space<hbm>>
    %dma_start3A_180 = arith.constant 0 : i32
    %dma_start3A_181 = tpu.memref_slice %arg7[%dma_start3A_173, %dma_start3A_180] : memref<8x128xi32, #tpu.memory_space<vmem>> -> memref<1x128xi32, #tpu.memory_space<vmem>>
    %dma_start3A_182 = tpu.memref_squeeze %dma_start3A_181 : memref<1x128xi32, #tpu.memory_space<vmem>> -> memref<128xi32, #tpu.memory_space<vmem>>
    %dma_start3A_183 = arith.constant 0 : i32
    %dma_start3A_184 = tpu.memref_slice %arg3[%add3A, %dma_start3A_172, %dma_start3A_183] : memref<32x80x128xi32, #tpu.memory_space<hbm>> -> memref<1x1x128xi32, #tpu.memory_space<hbm>>
    %dma_start3A_185 = tpu.memref_squeeze %dma_start3A_184 : memref<1x1x128xi32, #tpu.memory_space<hbm>> -> memref<128xi32, #tpu.memory_space<hbm>>
    tpu.enqueue_dma source(%dma_start3A_185 : memref<128xi32, #tpu.memory_space<hbm>>) target(%dma_start3A_182 : memref<128xi32, #tpu.memory_space<vmem>>) target_semaphore(%arg12 : memref<!tpu.dma_semaphore, #tpu.memory_space<semaphore_mem>>)
    %dma_start3A_186 = arith.constant 6 : i32
    %dma_start3A_187 = arith.constant 6 : i32
    %dma_start3A_188 = arith.constant 0 : i32
    %dma_start3A_189 = tpu.memref_slice %arg8[%dma_start3A_187, %dma_start3A_188] : memref<8x128xi32, #tpu.memory_space<vmem>> -> memref<1x128xi32, #tpu.memory_space<vmem>>
    %dma_start3A_190 = tpu.memref_squeeze %dma_start3A_189 : memref<1x128xi32, #tpu.memory_space<vmem>> -> memref<128xi32, #tpu.memory_space<vmem>>
    %dma_start3A_191 = arith.constant 0 : i32
    %dma_start3A_192 = tpu.memref_slice %arg4[%add3A, %dma_start3A_186, %dma_start3A_191] : memref<32x80x128xi32, #tpu.memory_space<hbm>> -> memref<1x1x128xi32, #tpu.memory_space<hbm>>
    %dma_start3A_193 = tpu.memref_squeeze %dma_start3A_192 : memref<1x1x128xi32, #tpu.memory_space<hbm>> -> memref<128xi32, #tpu.memory_space<hbm>>
    %dma_start3A_194 = arith.constant 0 : i32
    %dma_start3A_195 = tpu.memref_slice %arg8[%dma_start3A_187, %dma_start3A_194] : memref<8x128xi32, #tpu.memory_space<vmem>> -> memref<1x128xi32, #tpu.memory_space<vmem>>
    %dma_start3A_196 = tpu.memref_squeeze %dma_start3A_195 : memref<1x128xi32, #tpu.memory_space<vmem>> -> memref<128xi32, #tpu.memory_space<vmem>>
    %dma_start3A_197 = arith.constant 0 : i32
    %dma_start3A_198 = tpu.memref_slice %arg4[%add3A, %dma_start3A_186, %dma_start3A_197] : memref<32x80x128xi32, #tpu.memory_space<hbm>> -> memref<1x1x128xi32, #tpu.memory_space<hbm>>
    %dma_start3A_199 = tpu.memref_squeeze %dma_start3A_198 : memref<1x1x128xi32, #tpu.memory_space<hbm>> -> memref<128xi32, #tpu.memory_space<hbm>>
    tpu.enqueue_dma source(%dma_start3A_199 : memref<128xi32, #tpu.memory_space<hbm>>) target(%dma_start3A_196 : memref<128xi32, #tpu.memory_space<vmem>>) target_semaphore(%arg12 : memref<!tpu.dma_semaphore, #tpu.memory_space<semaphore_mem>>)
    %dma_start3A_200 = arith.constant 7 : i32
    %dma_start3A_201 = arith.constant 7 : i32
    %dma_start3A_202 = arith.constant 0 : i32
    %dma_start3A_203 = tpu.memref_slice %arg7[%dma_start3A_201, %dma_start3A_202] : memref<8x128xi32, #tpu.memory_space<vmem>> -> memref<1x128xi32, #tpu.memory_space<vmem>>
    %dma_start3A_204 = tpu.memref_squeeze %dma_start3A_203 : memref<1x128xi32, #tpu.memory_space<vmem>> -> memref<128xi32, #tpu.memory_space<vmem>>
    %dma_start3A_205 = arith.constant 0 : i32
    %dma_start3A_206 = tpu.memref_slice %arg3[%add3A, %dma_start3A_200, %dma_start3A_205] : memref<32x80x128xi32, #tpu.memory_space<hbm>> -> memref<1x1x128xi32, #tpu.memory_space<hbm>>
    %dma_start3A_207 = tpu.memref_squeeze %dma_start3A_206 : memref<1x1x128xi32, #tpu.memory_space<hbm>> -> memref<128xi32, #tpu.memory_space<hbm>>
    %dma_start3A_208 = arith.constant 0 : i32
    %dma_start3A_209 = tpu.memref_slice %arg7[%dma_start3A_201, %dma_start3A_208] : memref<8x128xi32, #tpu.memory_space<vmem>> -> memref<1x128xi32, #tpu.memory_space<vmem>>
    %dma_start3A_210 = tpu.memref_squeeze %dma_start3A_209 : memref<1x128xi32, #tpu.memory_space<vmem>> -> memref<128xi32, #tpu.memory_space<vmem>>
    %dma_start3A_211 = arith.constant 0 : i32
    %dma_start3A_212 = tpu.memref_slice %arg3[%add3A, %dma_start3A_200, %dma_start3A_211] : memref<32x80x128xi32, #tpu.memory_space<hbm>> -> memref<1x1x128xi32, #tpu.memory_space<hbm>>
    %dma_start3A_213 = tpu.memref_squeeze %dma_start3A_212 : memref<1x1x128xi32, #tpu.memory_space<hbm>> -> memref<128xi32, #tpu.memory_space<hbm>>
    tpu.enqueue_dma source(%dma_start3A_213 : memref<128xi32, #tpu.memory_space<hbm>>) target(%dma_start3A_210 : memref<128xi32, #tpu.memory_space<vmem>>) target_semaphore(%arg12 : memref<!tpu.dma_semaphore, #tpu.memory_space<semaphore_mem>>)
    %dma_start3A_214 = arith.constant 7 : i32
    %dma_start3A_215 = arith.constant 7 : i32
    %dma_start3A_216 = arith.constant 0 : i32
    %dma_start3A_217 = tpu.memref_slice %arg8[%dma_start3A_215, %dma_start3A_216] : memref<8x128xi32, #tpu.memory_space<vmem>> -> memref<1x128xi32, #tpu.memory_space<vmem>>
    %dma_start3A_218 = tpu.memref_squeeze %dma_start3A_217 : memref<1x128xi32, #tpu.memory_space<vmem>> -> memref<128xi32, #tpu.memory_space<vmem>>
    %dma_start3A_219 = arith.constant 0 : i32
    %dma_start3A_220 = tpu.memref_slice %arg4[%add3A, %dma_start3A_214, %dma_start3A_219] : memref<32x80x128xi32, #tpu.memory_space<hbm>> -> memref<1x1x128xi32, #tpu.memory_space<hbm>>
    %dma_start3A_221 = tpu.memref_squeeze %dma_start3A_220 : memref<1x1x128xi32, #tpu.memory_space<hbm>> -> memref<128xi32, #tpu.memory_space<hbm>>
    %dma_start3A_222 = arith.constant 0 : i32
    %dma_start3A_223 = tpu.memref_slice %arg8[%dma_start3A_215, %dma_start3A_222] : memref<8x128xi32, #tpu.memory_space<vmem>> -> memref<1x128xi32, #tpu.memory_space<vmem>>
    %dma_start3A_224 = tpu.memref_squeeze %dma_start3A_223 : memref<1x128xi32, #tpu.memory_space<vmem>> -> memref<128xi32, #tpu.memory_space<vmem>>
    %dma_start3A_225 = arith.constant 0 : i32
    %dma_start3A_226 = tpu.memref_slice %arg4[%add3A, %dma_start3A_214, %dma_start3A_225] : memref<32x80x128xi32, #tpu.memory_space<hbm>> -> memref<1x1x128xi32, #tpu.memory_space<hbm>>
    %dma_start3A_227 = tpu.memref_squeeze %dma_start3A_226 : memref<1x1x128xi32, #tpu.memory_space<hbm>> -> memref<128xi32, #tpu.memory_space<hbm>>
    tpu.enqueue_dma source(%dma_start3A_227 : memref<128xi32, #tpu.memory_space<hbm>>) target(%dma_start3A_224 : memref<128xi32, #tpu.memory_space<vmem>>) target_semaphore(%arg12 : memref<!tpu.dma_semaphore, #tpu.memory_space<semaphore_mem>>)
    %barrier3A = arith.constant 0 : index
    tpu.barrier barrier_id(%barrier3A)
    %dma_wait3A = arith.constant 0 : i32
    %dma_wait3A_228 = arith.constant 0 : i32
    %dma_wait3A_229 = arith.constant 0 : i32
    %dma_wait3A_230 = tpu.memref_slice %arg7[%dma_wait3A_228, %dma_wait3A_229] : memref<8x128xi32, #tpu.memory_space<vmem>> -> memref<1x128xi32, #tpu.memory_space<vmem>>
    %dma_wait3A_231 = tpu.memref_squeeze %dma_wait3A_230 : memref<1x128xi32, #tpu.memory_space<vmem>> -> memref<128xi32, #tpu.memory_space<vmem>>
    %dma_wait3A_232 = arith.constant 0 : i32
    %dma_wait3A_233 = tpu.memref_slice %arg3[%add3A, %dma_wait3A, %dma_wait3A_232] : memref<32x80x128xi32, #tpu.memory_space<hbm>> -> memref<1x1x128xi32, #tpu.memory_space<hbm>>
    %dma_wait3A_234 = tpu.memref_squeeze %dma_wait3A_233 : memref<1x1x128xi32, #tpu.memory_space<hbm>> -> memref<128xi32, #tpu.memory_space<hbm>>
    %dma_wait3A_235 = arith.constant 0 : i32
    %dma_wait3A_236 = tpu.memref_slice %arg7[%dma_wait3A_228, %dma_wait3A_235] : memref<8x128xi32, #tpu.memory_space<vmem>> -> memref<1x128xi32, #tpu.memory_space<vmem>>
    %dma_wait3A_237 = tpu.memref_squeeze %dma_wait3A_236 : memref<1x128xi32, #tpu.memory_space<vmem>> -> memref<128xi32, #tpu.memory_space<vmem>>
    %dma_wait3A_238 = arith.constant 0 : i32
    %dma_wait3A_239 = tpu.memref_slice %arg3[%add3A, %dma_wait3A, %dma_wait3A_238] : memref<32x80x128xi32, #tpu.memory_space<hbm>> -> memref<1x1x128xi32, #tpu.memory_space<hbm>>
    %dma_wait3A_240 = tpu.memref_squeeze %dma_wait3A_239 : memref<1x1x128xi32, #tpu.memory_space<hbm>> -> memref<128xi32, #tpu.memory_space<hbm>>
    tpu.wait_dma2 semaphore(%arg12 : memref<!tpu.dma_semaphore, #tpu.memory_space<semaphore_mem>>) src(%dma_wait3A_240 : memref<128xi32, #tpu.memory_space<hbm>>) dst(%dma_wait3A_237 : memref<128xi32, #tpu.memory_space<vmem>>)
    %dma_wait3A_241 = arith.constant 0 : i32
    %dma_wait3A_242 = arith.constant 0 : i32
    %dma_wait3A_243 = arith.constant 0 : i32
    %dma_wait3A_244 = tpu.memref_slice %arg8[%dma_wait3A_242, %dma_wait3A_243] : memref<8x128xi32, #tpu.memory_space<vmem>> -> memref<1x128xi32, #tpu.memory_space<vmem>>
    %dma_wait3A_245 = tpu.memref_squeeze %dma_wait3A_244 : memref<1x128xi32, #tpu.memory_space<vmem>> -> memref<128xi32, #tpu.memory_space<vmem>>
    %dma_wait3A_246 = arith.constant 0 : i32
    %dma_wait3A_247 = tpu.memref_slice %arg4[%add3A, %dma_wait3A_241, %dma_wait3A_246] : memref<32x80x128xi32, #tpu.memory_space<hbm>> -> memref<1x1x128xi32, #tpu.memory_space<hbm>>
    %dma_wait3A_248 = tpu.memref_squeeze %dma_wait3A_247 : memref<1x1x128xi32, #tpu.memory_space<hbm>> -> memref<128xi32, #tpu.memory_space<hbm>>
    %dma_wait3A_249 = arith.constant 0 : i32
    %dma_wait3A_250 = tpu.memref_slice %arg8[%dma_wait3A_242, %dma_wait3A_249] : memref<8x128xi32, #tpu.memory_space<vmem>> -> memref<1x128xi32, #tpu.memory_space<vmem>>
    %dma_wait3A_251 = tpu.memref_squeeze %dma_wait3A_250 : memref<1x128xi32, #tpu.memory_space<vmem>> -> memref<128xi32, #tpu.memory_space<vmem>>
    %dma_wait3A_252 = arith.constant 0 : i32
    %dma_wait3A_253 = tpu.memref_slice %arg4[%add3A, %dma_wait3A_241, %dma_wait3A_252] : memref<32x80x128xi32, #tpu.memory_space<hbm>> -> memref<1x1x128xi32, #tpu.memory_space<hbm>>
    %dma_wait3A_254 = tpu.memref_squeeze %dma_wait3A_253 : memref<1x1x128xi32, #tpu.memory_space<hbm>> -> memref<128xi32, #tpu.memory_space<hbm>>
    tpu.wait_dma2 semaphore(%arg12 : memref<!tpu.dma_semaphore, #tpu.memory_space<semaphore_mem>>) src(%dma_wait3A_254 : memref<128xi32, #tpu.memory_space<hbm>>) dst(%dma_wait3A_251 : memref<128xi32, #tpu.memory_space<vmem>>)
    %dma_start3A_255 = arith.constant 0 : i32
    %dma_start3A_256 = arith.constant 0 : i32
    %dma_start3A_257 = arith.constant 0 : i32
    %dma_start3A_258 = arith.constant 0 : i32
    %dma_start3A_259 = tpu.memref_slice %arg9[%dma_start3A_256, %dma_start3A_257, %dma_start3A_258] : memref<2x128x128xf32, #tpu.memory_space<vmem>> -> memref<1x128x128xf32, #tpu.memory_space<vmem>>
    %dma_start3A_260 = tpu.memref_squeeze %dma_start3A_259 : memref<1x128x128xf32, #tpu.memory_space<vmem>> -> memref<128x128xf32, #tpu.memory_space<vmem>>
    %dma_start3A_261 = arith.constant 0 : i32
    %dma_start3A_262 = tpu.memref_slice %arg7[%dma_start3A_255, %dma_start3A_261] : memref<8x128xi32, #tpu.memory_space<vmem>> -> memref<1x128xi32, #tpu.memory_space<vmem>>
    %dma_start3A_263 = tpu.memref_squeeze %dma_start3A_262 : memref<1x128xi32, #tpu.memory_space<vmem>> -> memref<128xi32, #tpu.memory_space<vmem>>
    %dma_start3A_264 = arith.constant 0 : i32
    %dma_start3A_265 = arith.constant 0 : i32
    %dma_start3A_266 = tpu.memref_slice %arg2[%dma_start3A_264, %dma_start3A_265] : memref<10240x128xf32, #tpu.memory_space<hbm>> -> memref<10240x128xf32, #tpu.memory_space<hbm>>
    tpu.enqueue_indirect_dma source(%dma_start3A_266 : memref<10240x128xf32, #tpu.memory_space<hbm>>) target(%dma_start3A_260 : memref<128x128xf32, #tpu.memory_space<vmem>>) offsets(%dma_start3A_263 : memref<128xi32, #tpu.memory_space<vmem>>) semaphore(%arg11 : memref<!tpu.dma_semaphore, #tpu.memory_space<semaphore_mem>>)
    %dma_wait3A_267 = arith.constant 1 : i32
    %dma_wait3A_268 = arith.constant 1 : i32
    %dma_wait3A_269 = arith.constant 0 : i32
    %dma_wait3A_270 = tpu.memref_slice %arg7[%dma_wait3A_268, %dma_wait3A_269] : memref<8x128xi32, #tpu.memory_space<vmem>> -> memref<1x128xi32, #tpu.memory_space<vmem>>
    %dma_wait3A_271 = tpu.memref_squeeze %dma_wait3A_270 : memref<1x128xi32, #tpu.memory_space<vmem>> -> memref<128xi32, #tpu.memory_space<vmem>>
    %dma_wait3A_272 = arith.constant 0 : i32
    %dma_wait3A_273 = tpu.memref_slice %arg3[%add3A, %dma_wait3A_267, %dma_wait3A_272] : memref<32x80x128xi32, #tpu.memory_space<hbm>> -> memref<1x1x128xi32, #tpu.memory_space<hbm>>
    %dma_wait3A_274 = tpu.memref_squeeze %dma_wait3A_273 : memref<1x1x128xi32, #tpu.memory_space<hbm>> -> memref<128xi32, #tpu.memory_space<hbm>>
    %dma_wait3A_275 = arith.constant 0 : i32
    %dma_wait3A_276 = tpu.memref_slice %arg7[%dma_wait3A_268, %dma_wait3A_275] : memref<8x128xi32, #tpu.memory_space<vmem>> -> memref<1x128xi32, #tpu.memory_space<vmem>>
    %dma_wait3A_277 = tpu.memref_squeeze %dma_wait3A_276 : memref<1x128xi32, #tpu.memory_space<vmem>> -> memref<128xi32, #tpu.memory_space<vmem>>
    %dma_wait3A_278 = arith.constant 0 : i32
    %dma_wait3A_279 = tpu.memref_slice %arg3[%add3A, %dma_wait3A_267, %dma_wait3A_278] : memref<32x80x128xi32, #tpu.memory_space<hbm>> -> memref<1x1x128xi32, #tpu.memory_space<hbm>>
    %dma_wait3A_280 = tpu.memref_squeeze %dma_wait3A_279 : memref<1x1x128xi32, #tpu.memory_space<hbm>> -> memref<128xi32, #tpu.memory_space<hbm>>
    tpu.wait_dma2 semaphore(%arg12 : memref<!tpu.dma_semaphore, #tpu.memory_space<semaphore_mem>>) src(%dma_wait3A_280 : memref<128xi32, #tpu.memory_space<hbm>>) dst(%dma_wait3A_277 : memref<128xi32, #tpu.memory_space<vmem>>)
    %dma_wait3A_281 = arith.constant 1 : i32
    %dma_wait3A_282 = arith.constant 1 : i32
    %dma_wait3A_283 = arith.constant 0 : i32
    %dma_wait3A_284 = tpu.memref_slice %arg8[%dma_wait3A_282, %dma_wait3A_283] : memref<8x128xi32, #tpu.memory_space<vmem>> -> memref<1x128xi32, #tpu.memory_space<vmem>>
    %dma_wait3A_285 = tpu.memref_squeeze %dma_wait3A_284 : memref<1x128xi32, #tpu.memory_space<vmem>> -> memref<128xi32, #tpu.memory_space<vmem>>
    %dma_wait3A_286 = arith.constant 0 : i32
    %dma_wait3A_287 = tpu.memref_slice %arg4[%add3A, %dma_wait3A_281, %dma_wait3A_286] : memref<32x80x128xi32, #tpu.memory_space<hbm>> -> memref<1x1x128xi32, #tpu.memory_space<hbm>>
    %dma_wait3A_288 = tpu.memref_squeeze %dma_wait3A_287 : memref<1x1x128xi32, #tpu.memory_space<hbm>> -> memref<128xi32, #tpu.memory_space<hbm>>
    %dma_wait3A_289 = arith.constant 0 : i32
    %dma_wait3A_290 = tpu.memref_slice %arg8[%dma_wait3A_282, %dma_wait3A_289] : memref<8x128xi32, #tpu.memory_space<vmem>> -> memref<1x128xi32, #tpu.memory_space<vmem>>
    %dma_wait3A_291 = tpu.memref_squeeze %dma_wait3A_290 : memref<1x128xi32, #tpu.memory_space<vmem>> -> memref<128xi32, #tpu.memory_space<vmem>>
    %dma_wait3A_292 = arith.constant 0 : i32
    %dma_wait3A_293 = tpu.memref_slice %arg4[%add3A, %dma_wait3A_281, %dma_wait3A_292] : memref<32x80x128xi32, #tpu.memory_space<hbm>> -> memref<1x1x128xi32, #tpu.memory_space<hbm>>
    %dma_wait3A_294 = tpu.memref_squeeze %dma_wait3A_293 : memref<1x1x128xi32, #tpu.memory_space<hbm>> -> memref<128xi32, #tpu.memory_space<hbm>>
    tpu.wait_dma2 semaphore(%arg12 : memref<!tpu.dma_semaphore, #tpu.memory_space<semaphore_mem>>) src(%dma_wait3A_294 : memref<128xi32, #tpu.memory_space<hbm>>) dst(%dma_wait3A_291 : memref<128xi32, #tpu.memory_space<vmem>>)
    %dma_start3A_295 = arith.constant 1 : i32
    %dma_start3A_296 = arith.constant 1 : i32
    %dma_start3A_297 = arith.constant 0 : i32
    %dma_start3A_298 = arith.constant 0 : i32
    %dma_start3A_299 = tpu.memref_slice %arg9[%dma_start3A_296, %dma_start3A_297, %dma_start3A_298] : memref<2x128x128xf32, #tpu.memory_space<vmem>> -> memref<1x128x128xf32, #tpu.memory_space<vmem>>
    %dma_start3A_300 = tpu.memref_squeeze %dma_start3A_299 : memref<1x128x128xf32, #tpu.memory_space<vmem>> -> memref<128x128xf32, #tpu.memory_space<vmem>>
    %dma_start3A_301 = arith.constant 0 : i32
    %dma_start3A_302 = tpu.memref_slice %arg7[%dma_start3A_295, %dma_start3A_301] : memref<8x128xi32, #tpu.memory_space<vmem>> -> memref<1x128xi32, #tpu.memory_space<vmem>>
    %dma_start3A_303 = tpu.memref_squeeze %dma_start3A_302 : memref<1x128xi32, #tpu.memory_space<vmem>> -> memref<128xi32, #tpu.memory_space<vmem>>
    %dma_start3A_304 = arith.constant 0 : i32
    %dma_start3A_305 = arith.constant 0 : i32
    %dma_start3A_306 = tpu.memref_slice %arg2[%dma_start3A_304, %dma_start3A_305] : memref<10240x128xf32, #tpu.memory_space<hbm>> -> memref<10240x128xf32, #tpu.memory_space<hbm>>
    tpu.enqueue_indirect_dma source(%dma_start3A_306 : memref<10240x128xf32, #tpu.memory_space<hbm>>) target(%dma_start3A_300 : memref<128x128xf32, #tpu.memory_space<vmem>>) offsets(%dma_start3A_303 : memref<128xi32, #tpu.memory_space<vmem>>) semaphore(%arg11 : memref<!tpu.dma_semaphore, #tpu.memory_space<semaphore_mem>>)
    %scan3A = arith.constant 0 : i32
    %scan3A_307 = arith.constant 0 : i32
    %scan3A_308 = arith.constant 39 : i32
    %scan3A_309 = arith.addi %scan3A_307, %scan3A_308 : i32
    %scan3A_310 = arith.constant 1 : i32
    scf.for %scan3A_518 = %scan3A_307 to %scan3A_309 step %scan3A_310  : i32 {
      %mul3A_519 = arith.constant 2 : i32
      %mul3A_520 = arith.muli %scan3A_518, %mul3A_519 : i32
      %add3A_521 = arith.constant 0 : i32
      %add3A_522 = arith.addi %mul3A_520, %add3A_521 : i32
      %rem3A = arith.constant 8 : i32
      %rem3A_523 = arith.remsi %add3A_522, %rem3A : i32
      %add3A_524 = arith.constant 2 : i32
      %add3A_525 = arith.addi %add3A_522, %add3A_524 : i32
      %rem3A_526 = arith.constant 8 : i32
      %rem3A_527 = arith.remsi %add3A_525, %rem3A_526 : i32
      %dma_wait3A_528 = arith.constant 0 : i32
      %dma_wait3A_529 = arith.constant 0 : i32
      %dma_wait3A_530 = arith.constant 0 : i32
      %dma_wait3A_531 = tpu.memref_slice %arg9[%dma_wait3A_528, %dma_wait3A_529, %dma_wait3A_530] : memref<2x128x128xf32, #tpu.memory_space<vmem>> -> memref<1x128x128xf32, #tpu.memory_space<vmem>>
      %dma_wait3A_532 = tpu.memref_squeeze %dma_wait3A_531 : memref<1x128x128xf32, #tpu.memory_space<vmem>> -> memref<128x128xf32, #tpu.memory_space<vmem>>
      %dma_wait3A_533 = arith.constant 0 : i32
      %dma_wait3A_534 = arith.constant 0 : i32
      %dma_wait3A_535 = tpu.memref_slice %arg2[%dma_wait3A_533, %dma_wait3A_534] : memref<10240x128xf32, #tpu.memory_space<hbm>> -> memref<128x128xf32, #tpu.memory_space<hbm>>
      %dma_wait3A_536 = arith.constant 0 : i32
      %dma_wait3A_537 = arith.constant 0 : i32
      %dma_wait3A_538 = tpu.memref_slice %arg9[%dma_wait3A_528, %dma_wait3A_536, %dma_wait3A_537] : memref<2x128x128xf32, #tpu.memory_space<vmem>> -> memref<1x128x128xf32, #tpu.memory_space<vmem>>
      %dma_wait3A_539 = tpu.memref_squeeze %dma_wait3A_538 : memref<1x128x128xf32, #tpu.memory_space<vmem>> -> memref<128x128xf32, #tpu.memory_space<vmem>>
      %dma_wait3A_540 = arith.constant 0 : i32
      %dma_wait3A_541 = arith.constant 0 : i32
      %dma_wait3A_542 = tpu.memref_slice %arg2[%dma_wait3A_540, %dma_wait3A_541] : memref<10240x128xf32, #tpu.memory_space<hbm>> -> memref<128x128xf32, #tpu.memory_space<hbm>>
      tpu.wait_dma2 semaphore(%arg11 : memref<!tpu.dma_semaphore, #tpu.memory_space<semaphore_mem>>) src(%dma_wait3A_542 : memref<128x128xf32, #tpu.memory_space<hbm>>) dst(%dma_wait3A_539 : memref<128x128xf32, #tpu.memory_space<vmem>>)
      %run_scoped3A_543 = arith.constant 0 : i32
      "tpu.region"() ({
        %run_scoped3A_703 = tpu.sem_alloc : memref<!tpu.dma_semaphore, #tpu.memory_space<semaphore_mem>>
        %dma_start3A_704 = arith.constant 0 : i32
        %dma_start3A_705 = arith.constant 0 : i32
        %dma_start3A_706 = tpu.memref_slice %arg9[%run_scoped3A_543, %dma_start3A_704, %dma_start3A_705] : memref<2x128x128xf32, #tpu.memory_space<vmem>> -> memref<1x128x128xf32, #tpu.memory_space<vmem>>
        %dma_start3A_707 = tpu.memref_squeeze %dma_start3A_706 : memref<1x128x128xf32, #tpu.memory_space<vmem>> -> memref<128x128xf32, #tpu.memory_space<vmem>>
        %dma_start3A_708 = arith.constant 0 : i32
        %dma_start3A_709 = tpu.memref_slice %arg8[%rem3A_523, %dma_start3A_708] : memref<8x128xi32, #tpu.memory_space<vmem>> -> memref<1x128xi32, #tpu.memory_space<vmem>>
        %dma_start3A_710 = tpu.memref_squeeze %dma_start3A_709 : memref<1x128xi32, #tpu.memory_space<vmem>> -> memref<128xi32, #tpu.memory_space<vmem>>
        %dma_start3A_711 = arith.constant 0 : i32
        %dma_start3A_712 = arith.constant 0 : i32
        %dma_start3A_713 = tpu.memref_slice %arg10[%dma_start3A_711, %dma_start3A_712] : memref<10240x128xf32, #tpu.memory_space<vmem_shared>> -> memref<10240x128xf32, #tpu.memory_space<vmem_shared>>
        tpu.enqueue_indirect_dma source(%dma_start3A_707 : memref<128x128xf32, #tpu.memory_space<vmem>>) target(%dma_start3A_713 : memref<10240x128xf32, #tpu.memory_space<vmem_shared>>) offsets(%dma_start3A_710 : memref<128xi32, #tpu.memory_space<vmem>>) semaphore(%run_scoped3A_703 : memref<!tpu.dma_semaphore, #tpu.memory_space<semaphore_mem>>) {add = true}
        %dma_wait3A_714 = arith.constant 0 : i32
        %dma_wait3A_715 = arith.constant 0 : i32
        %dma_wait3A_716 = tpu.memref_slice %arg9[%run_scoped3A_543, %dma_wait3A_714, %dma_wait3A_715] : memref<2x128x128xf32, #tpu.memory_space<vmem>> -> memref<1x128x128xf32, #tpu.memory_space<vmem>>
        %dma_wait3A_717 = tpu.memref_squeeze %dma_wait3A_716 : memref<1x128x128xf32, #tpu.memory_space<vmem>> -> memref<128x128xf32, #tpu.memory_space<vmem>>
        %dma_wait3A_718 = arith.constant 0 : i32
        %dma_wait3A_719 = tpu.memref_slice %arg8[%rem3A_523, %dma_wait3A_718] : memref<8x128xi32, #tpu.memory_space<vmem>> -> memref<1x128xi32, #tpu.memory_space<vmem>>
        %dma_wait3A_720 = tpu.memref_squeeze %dma_wait3A_719 : memref<1x128xi32, #tpu.memory_space<vmem>> -> memref<128xi32, #tpu.memory_space<vmem>>
        %dma_wait3A_721 = arith.constant 0 : i32
        %dma_wait3A_722 = arith.constant 0 : i32
        %dma_wait3A_723 = tpu.memref_slice %arg10[%dma_wait3A_721, %dma_wait3A_722] : memref<10240x128xf32, #tpu.memory_space<vmem_shared>> -> memref<10240x128xf32, #tpu.memory_space<vmem_shared>>
        tpu.wait_indirect_dma semaphore(%run_scoped3A_703 : memref<!tpu.dma_semaphore, #tpu.memory_space<semaphore_mem>>) src(%dma_wait3A_717 : memref<128x128xf32, #tpu.memory_space<vmem>>) dst(%dma_wait3A_723 : memref<10240x128xf32, #tpu.memory_space<vmem_shared>>)
        tpu.yield
      }) : () -> ()
      %add3A_544 = arith.constant 8 : i32
      %add3A_545 = arith.addi %add3A_522, %add3A_544 : i32
      %min3A = arith.constant 79 : i32
      %min3A_546 = arith.minsi %add3A_545, %min3A : i32
      %dma_start3A_547 = arith.constant 0 : i32
      %dma_start3A_548 = tpu.memref_slice %arg7[%rem3A_523, %dma_start3A_547] : memref<8x128xi32, #tpu.memory_space<vmem>> -> memref<1x128xi32, #tpu.memory_space<vmem>>
      %dma_start3A_549 = tpu.memref_squeeze %dma_start3A_548 : memref<1x128xi32, #tpu.memory_space<vmem>> -> memref<128xi32, #tpu.memory_space<vmem>>
      %dma_start3A_550 = arith.constant 0 : i32
      %dma_start3A_551 = tpu.memref_slice %arg3[%add3A, %min3A_546, %dma_start3A_550] : memref<32x80x128xi32, #tpu.memory_space<hbm>> -> memref<1x1x128xi32, #tpu.memory_space<hbm>>
      %dma_start3A_552 = tpu.memref_squeeze %dma_start3A_551 : memref<1x1x128xi32, #tpu.memory_space<hbm>> -> memref<128xi32, #tpu.memory_space<hbm>>
      %dma_start3A_553 = arith.constant 0 : i32
      %dma_start3A_554 = tpu.memref_slice %arg7[%rem3A_523, %dma_start3A_553] : memref<8x128xi32, #tpu.memory_space<vmem>> -> memref<1x128xi32, #tpu.memory_space<vmem>>
      %dma_start3A_555 = tpu.memref_squeeze %dma_start3A_554 : memref<1x128xi32, #tpu.memory_space<vmem>> -> memref<128xi32, #tpu.memory_space<vmem>>
      %dma_start3A_556 = arith.constant 0 : i32
      %dma_start3A_557 = tpu.memref_slice %arg3[%add3A, %min3A_546, %dma_start3A_556] : memref<32x80x128xi32, #tpu.memory_space<hbm>> -> memref<1x1x128xi32, #tpu.memory_space<hbm>>
      %dma_start3A_558 = tpu.memref_squeeze %dma_start3A_557 : memref<1x1x128xi32, #tpu.memory_space<hbm>> -> memref<128xi32, #tpu.memory_space<hbm>>
      tpu.enqueue_dma source(%dma_start3A_558 : memref<128xi32, #tpu.memory_space<hbm>>) target(%dma_start3A_555 : memref<128xi32, #tpu.memory_space<vmem>>) target_semaphore(%arg12 : memref<!tpu.dma_semaphore, #tpu.memory_space<semaphore_mem>>)
      %dma_start3A_559 = arith.constant 0 : i32
      %dma_start3A_560 = tpu.memref_slice %arg8[%rem3A_523, %dma_start3A_559] : memref<8x128xi32, #tpu.memory_space<vmem>> -> memref<1x128xi32, #tpu.memory_space<vmem>>
      %dma_start3A_561 = tpu.memref_squeeze %dma_start3A_560 : memref<1x128xi32, #tpu.memory_space<vmem>> -> memref<128xi32, #tpu.memory_space<vmem>>
      %dma_start3A_562 = arith.constant 0 : i32
      %dma_start3A_563 = tpu.memref_slice %arg4[%add3A, %min3A_546, %dma_start3A_562] : memref<32x80x128xi32, #tpu.memory_space<hbm>> -> memref<1x1x128xi32, #tpu.memory_space<hbm>>
      %dma_start3A_564 = tpu.memref_squeeze %dma_start3A_563 : memref<1x1x128xi32, #tpu.memory_space<hbm>> -> memref<128xi32, #tpu.memory_space<hbm>>
      %dma_start3A_565 = arith.constant 0 : i32
      %dma_start3A_566 = tpu.memref_slice %arg8[%rem3A_523, %dma_start3A_565] : memref<8x128xi32, #tpu.memory_space<vmem>> -> memref<1x128xi32, #tpu.memory_space<vmem>>
      %dma_start3A_567 = tpu.memref_squeeze %dma_start3A_566 : memref<1x128xi32, #tpu.memory_space<vmem>> -> memref<128xi32, #tpu.memory_space<vmem>>
      %dma_start3A_568 = arith.constant 0 : i32
      %dma_start3A_569 = tpu.memref_slice %arg4[%add3A, %min3A_546, %dma_start3A_568] : memref<32x80x128xi32, #tpu.memory_space<hbm>> -> memref<1x1x128xi32, #tpu.memory_space<hbm>>
      %dma_start3A_570 = tpu.memref_squeeze %dma_start3A_569 : memref<1x1x128xi32, #tpu.memory_space<hbm>> -> memref<128xi32, #tpu.memory_space<hbm>>
      tpu.enqueue_dma source(%dma_start3A_570 : memref<128xi32, #tpu.memory_space<hbm>>) target(%dma_start3A_567 : memref<128xi32, #tpu.memory_space<vmem>>) target_semaphore(%arg12 : memref<!tpu.dma_semaphore, #tpu.memory_space<semaphore_mem>>)
      %dma_wait3A_571 = arith.constant 0 : i32
      %dma_wait3A_572 = arith.constant 0 : i32
      %dma_wait3A_573 = arith.constant 0 : i32
      %dma_wait3A_574 = tpu.memref_slice %arg7[%dma_wait3A_572, %dma_wait3A_573] : memref<8x128xi32, #tpu.memory_space<vmem>> -> memref<1x128xi32, #tpu.memory_space<vmem>>
      %dma_wait3A_575 = tpu.memref_squeeze %dma_wait3A_574 : memref<1x128xi32, #tpu.memory_space<vmem>> -> memref<128xi32, #tpu.memory_space<vmem>>
      %dma_wait3A_576 = arith.constant 0 : i32
      %dma_wait3A_577 = tpu.memref_slice %arg3[%add3A, %dma_wait3A_571, %dma_wait3A_576] : memref<32x80x128xi32, #tpu.memory_space<hbm>> -> memref<1x1x128xi32, #tpu.memory_space<hbm>>
      %dma_wait3A_578 = tpu.memref_squeeze %dma_wait3A_577 : memref<1x1x128xi32, #tpu.memory_space<hbm>> -> memref<128xi32, #tpu.memory_space<hbm>>
      %dma_wait3A_579 = arith.constant 0 : i32
      %dma_wait3A_580 = tpu.memref_slice %arg7[%dma_wait3A_572, %dma_wait3A_579] : memref<8x128xi32, #tpu.memory_space<vmem>> -> memref<1x128xi32, #tpu.memory_space<vmem>>
      %dma_wait3A_581 = tpu.memref_squeeze %dma_wait3A_580 : memref<1x128xi32, #tpu.memory_space<vmem>> -> memref<128xi32, #tpu.memory_space<vmem>>
      %dma_wait3A_582 = arith.constant 0 : i32
      %dma_wait3A_583 = tpu.memref_slice %arg3[%add3A, %dma_wait3A_571, %dma_wait3A_582] : memref<32x80x128xi32, #tpu.memory_space<hbm>> -> memref<1x1x128xi32, #tpu.memory_space<hbm>>
      %dma_wait3A_584 = tpu.memref_squeeze %dma_wait3A_583 : memref<1x1x128xi32, #tpu.memory_space<hbm>> -> memref<128xi32, #tpu.memory_space<hbm>>
      tpu.wait_dma2 semaphore(%arg12 : memref<!tpu.dma_semaphore, #tpu.memory_space<semaphore_mem>>) src(%dma_wait3A_584 : memref<128xi32, #tpu.memory_space<hbm>>) dst(%dma_wait3A_581 : memref<128xi32, #tpu.memory_space<vmem>>)
      %dma_wait3A_585 = arith.constant 0 : i32
      %dma_wait3A_586 = arith.constant 0 : i32
      %dma_wait3A_587 = arith.constant 0 : i32
      %dma_wait3A_588 = tpu.memref_slice %arg8[%dma_wait3A_586, %dma_wait3A_587] : memref<8x128xi32, #tpu.memory_space<vmem>> -> memref<1x128xi32, #tpu.memory_space<vmem>>
      %dma_wait3A_589 = tpu.memref_squeeze %dma_wait3A_588 : memref<1x128xi32, #tpu.memory_space<vmem>> -> memref<128xi32, #tpu.memory_space<vmem>>
      %dma_wait3A_590 = arith.constant 0 : i32
      %dma_wait3A_591 = tpu.memref_slice %arg4[%add3A, %dma_wait3A_585, %dma_wait3A_590] : memref<32x80x128xi32, #tpu.memory_space<hbm>> -> memref<1x1x128xi32, #tpu.memory_space<hbm>>
      %dma_wait3A_592 = tpu.memref_squeeze %dma_wait3A_591 : memref<1x1x128xi32, #tpu.memory_space<hbm>> -> memref<128xi32, #tpu.memory_space<hbm>>
      %dma_wait3A_593 = arith.constant 0 : i32
      %dma_wait3A_594 = tpu.memref_slice %arg8[%dma_wait3A_586, %dma_wait3A_593] : memref<8x128xi32, #tpu.memory_space<vmem>> -> memref<1x128xi32, #tpu.memory_space<vmem>>
      %dma_wait3A_595 = tpu.memref_squeeze %dma_wait3A_594 : memref<1x128xi32, #tpu.memory_space<vmem>> -> memref<128xi32, #tpu.memory_space<vmem>>
      %dma_wait3A_596 = arith.constant 0 : i32
      %dma_wait3A_597 = tpu.memref_slice %arg4[%add3A, %dma_wait3A_585, %dma_wait3A_596] : memref<32x80x128xi32, #tpu.memory_space<hbm>> -> memref<1x1x128xi32, #tpu.memory_space<hbm>>
      %dma_wait3A_598 = tpu.memref_squeeze %dma_wait3A_597 : memref<1x1x128xi32, #tpu.memory_space<hbm>> -> memref<128xi32, #tpu.memory_space<hbm>>
      tpu.wait_dma2 semaphore(%arg12 : memref<!tpu.dma_semaphore, #tpu.memory_space<semaphore_mem>>) src(%dma_wait3A_598 : memref<128xi32, #tpu.memory_space<hbm>>) dst(%dma_wait3A_595 : memref<128xi32, #tpu.memory_space<vmem>>)
      %dma_start3A_599 = arith.constant 0 : i32
      %dma_start3A_600 = arith.constant 0 : i32
      %dma_start3A_601 = arith.constant 0 : i32
      %dma_start3A_602 = tpu.memref_slice %arg9[%dma_start3A_599, %dma_start3A_600, %dma_start3A_601] : memref<2x128x128xf32, #tpu.memory_space<vmem>> -> memref<1x128x128xf32, #tpu.memory_space<vmem>>
      %dma_start3A_603 = tpu.memref_squeeze %dma_start3A_602 : memref<1x128x128xf32, #tpu.memory_space<vmem>> -> memref<128x128xf32, #tpu.memory_space<vmem>>
      %dma_start3A_604 = arith.constant 0 : i32
      %dma_start3A_605 = tpu.memref_slice %arg7[%rem3A_527, %dma_start3A_604] : memref<8x128xi32, #tpu.memory_space<vmem>> -> memref<1x128xi32, #tpu.memory_space<vmem>>
      %dma_start3A_606 = tpu.memref_squeeze %dma_start3A_605 : memref<1x128xi32, #tpu.memory_space<vmem>> -> memref<128xi32, #tpu.memory_space<vmem>>
      %dma_start3A_607 = arith.constant 0 : i32
      %dma_start3A_608 = arith.constant 0 : i32
      %dma_start3A_609 = tpu.memref_slice %arg2[%dma_start3A_607, %dma_start3A_608] : memref<10240x128xf32, #tpu.memory_space<hbm>> -> memref<10240x128xf32, #tpu.memory_space<hbm>>
      tpu.enqueue_indirect_dma source(%dma_start3A_609 : memref<10240x128xf32, #tpu.memory_space<hbm>>) target(%dma_start3A_603 : memref<128x128xf32, #tpu.memory_space<vmem>>) offsets(%dma_start3A_606 : memref<128xi32, #tpu.memory_space<vmem>>) semaphore(%arg11 : memref<!tpu.dma_semaphore, #tpu.memory_space<semaphore_mem>>)
      %mul3A_610 = arith.constant 2 : i32
      %mul3A_611 = arith.muli %scan3A_518, %mul3A_610 : i32
      %add3A_612 = arith.constant 1 : i32
      %add3A_613 = arith.addi %mul3A_611, %add3A_612 : i32
      %rem3A_614 = arith.constant 8 : i32
      %rem3A_615 = arith.remsi %add3A_613, %rem3A_614 : i32
      %add3A_616 = arith.constant 2 : i32
      %add3A_617 = arith.addi %add3A_613, %add3A_616 : i32
      %rem3A_618 = arith.constant 8 : i32
      %rem3A_619 = arith.remsi %add3A_617, %rem3A_618 : i32
      %dma_wait3A_620 = arith.constant 1 : i32
      %dma_wait3A_621 = arith.constant 0 : i32
      %dma_wait3A_622 = arith.constant 0 : i32
      %dma_wait3A_623 = tpu.memref_slice %arg9[%dma_wait3A_620, %dma_wait3A_621, %dma_wait3A_622] : memref<2x128x128xf32, #tpu.memory_space<vmem>> -> memref<1x128x128xf32, #tpu.memory_space<vmem>>
      %dma_wait3A_624 = tpu.memref_squeeze %dma_wait3A_623 : memref<1x128x128xf32, #tpu.memory_space<vmem>> -> memref<128x128xf32, #tpu.memory_space<vmem>>
      %dma_wait3A_625 = arith.constant 0 : i32
      %dma_wait3A_626 = arith.constant 0 : i32
      %dma_wait3A_627 = tpu.memref_slice %arg2[%dma_wait3A_625, %dma_wait3A_626] : memref<10240x128xf32, #tpu.memory_space<hbm>> -> memref<128x128xf32, #tpu.memory_space<hbm>>
      %dma_wait3A_628 = arith.constant 0 : i32
      %dma_wait3A_629 = arith.constant 0 : i32
      %dma_wait3A_630 = tpu.memref_slice %arg9[%dma_wait3A_620, %dma_wait3A_628, %dma_wait3A_629] : memref<2x128x128xf32, #tpu.memory_space<vmem>> -> memref<1x128x128xf32, #tpu.memory_space<vmem>>
      %dma_wait3A_631 = tpu.memref_squeeze %dma_wait3A_630 : memref<1x128x128xf32, #tpu.memory_space<vmem>> -> memref<128x128xf32, #tpu.memory_space<vmem>>
      %dma_wait3A_632 = arith.constant 0 : i32
      %dma_wait3A_633 = arith.constant 0 : i32
      %dma_wait3A_634 = tpu.memref_slice %arg2[%dma_wait3A_632, %dma_wait3A_633] : memref<10240x128xf32, #tpu.memory_space<hbm>> -> memref<128x128xf32, #tpu.memory_space<hbm>>
      tpu.wait_dma2 semaphore(%arg11 : memref<!tpu.dma_semaphore, #tpu.memory_space<semaphore_mem>>) src(%dma_wait3A_634 : memref<128x128xf32, #tpu.memory_space<hbm>>) dst(%dma_wait3A_631 : memref<128x128xf32, #tpu.memory_space<vmem>>)
      %run_scoped3A_635 = arith.constant 1 : i32
      "tpu.region"() ({
        %run_scoped3A_703 = tpu.sem_alloc : memref<!tpu.dma_semaphore, #tpu.memory_space<semaphore_mem>>
        %dma_start3A_704 = arith.constant 0 : i32
        %dma_start3A_705 = arith.constant 0 : i32
        %dma_start3A_706 = tpu.memref_slice %arg9[%run_scoped3A_635, %dma_start3A_704, %dma_start3A_705] : memref<2x128x128xf32, #tpu.memory_space<vmem>> -> memref<1x128x128xf32, #tpu.memory_space<vmem>>
        %dma_start3A_707 = tpu.memref_squeeze %dma_start3A_706 : memref<1x128x128xf32, #tpu.memory_space<vmem>> -> memref<128x128xf32, #tpu.memory_space<vmem>>
        %dma_start3A_708 = arith.constant 0 : i32
        %dma_start3A_709 = tpu.memref_slice %arg8[%rem3A_615, %dma_start3A_708] : memref<8x128xi32, #tpu.memory_space<vmem>> -> memref<1x128xi32, #tpu.memory_space<vmem>>
        %dma_start3A_710 = tpu.memref_squeeze %dma_start3A_709 : memref<1x128xi32, #tpu.memory_space<vmem>> -> memref<128xi32, #tpu.memory_space<vmem>>
        %dma_start3A_711 = arith.constant 0 : i32
        %dma_start3A_712 = arith.constant 0 : i32
        %dma_start3A_713 = tpu.memref_slice %arg10[%dma_start3A_711, %dma_start3A_712] : memref<10240x128xf32, #tpu.memory_space<vmem_shared>> -> memref<10240x128xf32, #tpu.memory_space<vmem_shared>>
        tpu.enqueue_indirect_dma source(%dma_start3A_707 : memref<128x128xf32, #tpu.memory_space<vmem>>) target(%dma_start3A_713 : memref<10240x128xf32, #tpu.memory_space<vmem_shared>>) offsets(%dma_start3A_710 : memref<128xi32, #tpu.memory_space<vmem>>) semaphore(%run_scoped3A_703 : memref<!tpu.dma_semaphore, #tpu.memory_space<semaphore_mem>>) {add = true}
        %dma_wait3A_714 = arith.constant 0 : i32
        %dma_wait3A_715 = arith.constant 0 : i32
        %dma_wait3A_716 = tpu.memref_slice %arg9[%run_scoped3A_635, %dma_wait3A_714, %dma_wait3A_715] : memref<2x128x128xf32, #tpu.memory_space<vmem>> -> memref<1x128x128xf32, #tpu.memory_space<vmem>>
        %dma_wait3A_717 = tpu.memref_squeeze %dma_wait3A_716 : memref<1x128x128xf32, #tpu.memory_space<vmem>> -> memref<128x128xf32, #tpu.memory_space<vmem>>
        %dma_wait3A_718 = arith.constant 0 : i32
        %dma_wait3A_719 = tpu.memref_slice %arg8[%rem3A_615, %dma_wait3A_718] : memref<8x128xi32, #tpu.memory_space<vmem>> -> memref<1x128xi32, #tpu.memory_space<vmem>>
        %dma_wait3A_720 = tpu.memref_squeeze %dma_wait3A_719 : memref<1x128xi32, #tpu.memory_space<vmem>> -> memref<128xi32, #tpu.memory_space<vmem>>
        %dma_wait3A_721 = arith.constant 0 : i32
        %dma_wait3A_722 = arith.constant 0 : i32
        %dma_wait3A_723 = tpu.memref_slice %arg10[%dma_wait3A_721, %dma_wait3A_722] : memref<10240x128xf32, #tpu.memory_space<vmem_shared>> -> memref<10240x128xf32, #tpu.memory_space<vmem_shared>>
        tpu.wait_indirect_dma semaphore(%run_scoped3A_703 : memref<!tpu.dma_semaphore, #tpu.memory_space<semaphore_mem>>) src(%dma_wait3A_717 : memref<128x128xf32, #tpu.memory_space<vmem>>) dst(%dma_wait3A_723 : memref<10240x128xf32, #tpu.memory_space<vmem_shared>>)
        tpu.yield
      }) : () -> ()
      %add3A_636 = arith.constant 8 : i32
      %add3A_637 = arith.addi %add3A_613, %add3A_636 : i32
      %min3A_638 = arith.constant 79 : i32
      %min3A_639 = arith.minsi %add3A_637, %min3A_638 : i32
      %dma_start3A_640 = arith.constant 0 : i32
      %dma_start3A_641 = tpu.memref_slice %arg7[%rem3A_615, %dma_start3A_640] : memref<8x128xi32, #tpu.memory_space<vmem>> -> memref<1x128xi32, #tpu.memory_space<vmem>>
      %dma_start3A_642 = tpu.memref_squeeze %dma_start3A_641 : memref<1x128xi32, #tpu.memory_space<vmem>> -> memref<128xi32, #tpu.memory_space<vmem>>
      %dma_start3A_643 = arith.constant 0 : i32
      %dma_start3A_644 = tpu.memref_slice %arg3[%add3A, %min3A_639, %dma_start3A_643] : memref<32x80x128xi32, #tpu.memory_space<hbm>> -> memref<1x1x128xi32, #tpu.memory_space<hbm>>
      %dma_start3A_645 = tpu.memref_squeeze %dma_start3A_644 : memref<1x1x128xi32, #tpu.memory_space<hbm>> -> memref<128xi32, #tpu.memory_space<hbm>>
      %dma_start3A_646 = arith.constant 0 : i32
      %dma_start3A_647 = tpu.memref_slice %arg7[%rem3A_615, %dma_start3A_646] : memref<8x128xi32, #tpu.memory_space<vmem>> -> memref<1x128xi32, #tpu.memory_space<vmem>>
      %dma_start3A_648 = tpu.memref_squeeze %dma_start3A_647 : memref<1x128xi32, #tpu.memory_space<vmem>> -> memref<128xi32, #tpu.memory_space<vmem>>
      %dma_start3A_649 = arith.constant 0 : i32
      %dma_start3A_650 = tpu.memref_slice %arg3[%add3A, %min3A_639, %dma_start3A_649] : memref<32x80x128xi32, #tpu.memory_space<hbm>> -> memref<1x1x128xi32, #tpu.memory_space<hbm>>
      %dma_start3A_651 = tpu.memref_squeeze %dma_start3A_650 : memref<1x1x128xi32, #tpu.memory_space<hbm>> -> memref<128xi32, #tpu.memory_space<hbm>>
      tpu.enqueue_dma source(%dma_start3A_651 : memref<128xi32, #tpu.memory_space<hbm>>) target(%dma_start3A_648 : memref<128xi32, #tpu.memory_space<vmem>>) target_semaphore(%arg12 : memref<!tpu.dma_semaphore, #tpu.memory_space<semaphore_mem>>)
      %dma_start3A_652 = arith.constant 0 : i32
      %dma_start3A_653 = tpu.memref_slice %arg8[%rem3A_615, %dma_start3A_652] : memref<8x128xi32, #tpu.memory_space<vmem>> -> memref<1x128xi32, #tpu.memory_space<vmem>>
      %dma_start3A_654 = tpu.memref_squeeze %dma_start3A_653 : memref<1x128xi32, #tpu.memory_space<vmem>> -> memref<128xi32, #tpu.memory_space<vmem>>
      %dma_start3A_655 = arith.constant 0 : i32
      %dma_start3A_656 = tpu.memref_slice %arg4[%add3A, %min3A_639, %dma_start3A_655] : memref<32x80x128xi32, #tpu.memory_space<hbm>> -> memref<1x1x128xi32, #tpu.memory_space<hbm>>
      %dma_start3A_657 = tpu.memref_squeeze %dma_start3A_656 : memref<1x1x128xi32, #tpu.memory_space<hbm>> -> memref<128xi32, #tpu.memory_space<hbm>>
      %dma_start3A_658 = arith.constant 0 : i32
      %dma_start3A_659 = tpu.memref_slice %arg8[%rem3A_615, %dma_start3A_658] : memref<8x128xi32, #tpu.memory_space<vmem>> -> memref<1x128xi32, #tpu.memory_space<vmem>>
      %dma_start3A_660 = tpu.memref_squeeze %dma_start3A_659 : memref<1x128xi32, #tpu.memory_space<vmem>> -> memref<128xi32, #tpu.memory_space<vmem>>
      %dma_start3A_661 = arith.constant 0 : i32
      %dma_start3A_662 = tpu.memref_slice %arg4[%add3A, %min3A_639, %dma_start3A_661] : memref<32x80x128xi32, #tpu.memory_space<hbm>> -> memref<1x1x128xi32, #tpu.memory_space<hbm>>
      %dma_start3A_663 = tpu.memref_squeeze %dma_start3A_662 : memref<1x1x128xi32, #tpu.memory_space<hbm>> -> memref<128xi32, #tpu.memory_space<hbm>>
      tpu.enqueue_dma source(%dma_start3A_663 : memref<128xi32, #tpu.memory_space<hbm>>) target(%dma_start3A_660 : memref<128xi32, #tpu.memory_space<vmem>>) target_semaphore(%arg12 : memref<!tpu.dma_semaphore, #tpu.memory_space<semaphore_mem>>)
      %dma_wait3A_664 = arith.constant 0 : i32
      %dma_wait3A_665 = arith.constant 0 : i32
      %dma_wait3A_666 = arith.constant 0 : i32
      %dma_wait3A_667 = tpu.memref_slice %arg7[%dma_wait3A_665, %dma_wait3A_666] : memref<8x128xi32, #tpu.memory_space<vmem>> -> memref<1x128xi32, #tpu.memory_space<vmem>>
      %dma_wait3A_668 = tpu.memref_squeeze %dma_wait3A_667 : memref<1x128xi32, #tpu.memory_space<vmem>> -> memref<128xi32, #tpu.memory_space<vmem>>
      %dma_wait3A_669 = arith.constant 0 : i32
      %dma_wait3A_670 = tpu.memref_slice %arg3[%add3A, %dma_wait3A_664, %dma_wait3A_669] : memref<32x80x128xi32, #tpu.memory_space<hbm>> -> memref<1x1x128xi32, #tpu.memory_space<hbm>>
      %dma_wait3A_671 = tpu.memref_squeeze %dma_wait3A_670 : memref<1x1x128xi32, #tpu.memory_space<hbm>> -> memref<128xi32, #tpu.memory_space<hbm>>
      %dma_wait3A_672 = arith.constant 0 : i32
      %dma_wait3A_673 = tpu.memref_slice %arg7[%dma_wait3A_665, %dma_wait3A_672] : memref<8x128xi32, #tpu.memory_space<vmem>> -> memref<1x128xi32, #tpu.memory_space<vmem>>
      %dma_wait3A_674 = tpu.memref_squeeze %dma_wait3A_673 : memref<1x128xi32, #tpu.memory_space<vmem>> -> memref<128xi32, #tpu.memory_space<vmem>>
      %dma_wait3A_675 = arith.constant 0 : i32
      %dma_wait3A_676 = tpu.memref_slice %arg3[%add3A, %dma_wait3A_664, %dma_wait3A_675] : memref<32x80x128xi32, #tpu.memory_space<hbm>> -> memref<1x1x128xi32, #tpu.memory_space<hbm>>
      %dma_wait3A_677 = tpu.memref_squeeze %dma_wait3A_676 : memref<1x1x128xi32, #tpu.memory_space<hbm>> -> memref<128xi32, #tpu.memory_space<hbm>>
      tpu.wait_dma2 semaphore(%arg12 : memref<!tpu.dma_semaphore, #tpu.memory_space<semaphore_mem>>) src(%dma_wait3A_677 : memref<128xi32, #tpu.memory_space<hbm>>) dst(%dma_wait3A_674 : memref<128xi32, #tpu.memory_space<vmem>>)
      %dma_wait3A_678 = arith.constant 0 : i32
      %dma_wait3A_679 = arith.constant 0 : i32
      %dma_wait3A_680 = arith.constant 0 : i32
      %dma_wait3A_681 = tpu.memref_slice %arg8[%dma_wait3A_679, %dma_wait3A_680] : memref<8x128xi32, #tpu.memory_space<vmem>> -> memref<1x128xi32, #tpu.memory_space<vmem>>
      %dma_wait3A_682 = tpu.memref_squeeze %dma_wait3A_681 : memref<1x128xi32, #tpu.memory_space<vmem>> -> memref<128xi32, #tpu.memory_space<vmem>>
      %dma_wait3A_683 = arith.constant 0 : i32
      %dma_wait3A_684 = tpu.memref_slice %arg4[%add3A, %dma_wait3A_678, %dma_wait3A_683] : memref<32x80x128xi32, #tpu.memory_space<hbm>> -> memref<1x1x128xi32, #tpu.memory_space<hbm>>
      %dma_wait3A_685 = tpu.memref_squeeze %dma_wait3A_684 : memref<1x1x128xi32, #tpu.memory_space<hbm>> -> memref<128xi32, #tpu.memory_space<hbm>>
      %dma_wait3A_686 = arith.constant 0 : i32
      %dma_wait3A_687 = tpu.memref_slice %arg8[%dma_wait3A_679, %dma_wait3A_686] : memref<8x128xi32, #tpu.memory_space<vmem>> -> memref<1x128xi32, #tpu.memory_space<vmem>>
      %dma_wait3A_688 = tpu.memref_squeeze %dma_wait3A_687 : memref<1x128xi32, #tpu.memory_space<vmem>> -> memref<128xi32, #tpu.memory_space<vmem>>
      %dma_wait3A_689 = arith.constant 0 : i32
      %dma_wait3A_690 = tpu.memref_slice %arg4[%add3A, %dma_wait3A_678, %dma_wait3A_689] : memref<32x80x128xi32, #tpu.memory_space<hbm>> -> memref<1x1x128xi32, #tpu.memory_space<hbm>>
      %dma_wait3A_691 = tpu.memref_squeeze %dma_wait3A_690 : memref<1x1x128xi32, #tpu.memory_space<hbm>> -> memref<128xi32, #tpu.memory_space<hbm>>
      tpu.wait_dma2 semaphore(%arg12 : memref<!tpu.dma_semaphore, #tpu.memory_space<semaphore_mem>>) src(%dma_wait3A_691 : memref<128xi32, #tpu.memory_space<hbm>>) dst(%dma_wait3A_688 : memref<128xi32, #tpu.memory_space<vmem>>)
      %dma_start3A_692 = arith.constant 1 : i32
      %dma_start3A_693 = arith.constant 0 : i32
      %dma_start3A_694 = arith.constant 0 : i32
      %dma_start3A_695 = tpu.memref_slice %arg9[%dma_start3A_692, %dma_start3A_693, %dma_start3A_694] : memref<2x128x128xf32, #tpu.memory_space<vmem>> -> memref<1x128x128xf32, #tpu.memory_space<vmem>>
      %dma_start3A_696 = tpu.memref_squeeze %dma_start3A_695 : memref<1x128x128xf32, #tpu.memory_space<vmem>> -> memref<128x128xf32, #tpu.memory_space<vmem>>
      %dma_start3A_697 = arith.constant 0 : i32
      %dma_start3A_698 = tpu.memref_slice %arg7[%rem3A_619, %dma_start3A_697] : memref<8x128xi32, #tpu.memory_space<vmem>> -> memref<1x128xi32, #tpu.memory_space<vmem>>
      %dma_start3A_699 = tpu.memref_squeeze %dma_start3A_698 : memref<1x128xi32, #tpu.memory_space<vmem>> -> memref<128xi32, #tpu.memory_space<vmem>>
      %dma_start3A_700 = arith.constant 0 : i32
      %dma_start3A_701 = arith.constant 0 : i32
      %dma_start3A_702 = tpu.memref_slice %arg2[%dma_start3A_700, %dma_start3A_701] : memref<10240x128xf32, #tpu.memory_space<hbm>> -> memref<10240x128xf32, #tpu.memory_space<hbm>>
      tpu.enqueue_indirect_dma source(%dma_start3A_702 : memref<10240x128xf32, #tpu.memory_space<hbm>>) target(%dma_start3A_696 : memref<128x128xf32, #tpu.memory_space<vmem>>) offsets(%dma_start3A_699 : memref<128xi32, #tpu.memory_space<vmem>>) semaphore(%arg11 : memref<!tpu.dma_semaphore, #tpu.memory_space<semaphore_mem>>)
    }
    %scan3A_311 = arith.constant 39 : i32
    %dma_wait3A_312 = arith.constant 0 : i32
    %dma_wait3A_313 = arith.constant 0 : i32
    %dma_wait3A_314 = arith.constant 0 : i32
    %dma_wait3A_315 = tpu.memref_slice %arg9[%dma_wait3A_312, %dma_wait3A_313, %dma_wait3A_314] : memref<2x128x128xf32, #tpu.memory_space<vmem>> -> memref<1x128x128xf32, #tpu.memory_space<vmem>>
    %dma_wait3A_316 = tpu.memref_squeeze %dma_wait3A_315 : memref<1x128x128xf32, #tpu.memory_space<vmem>> -> memref<128x128xf32, #tpu.memory_space<vmem>>
    %dma_wait3A_317 = arith.constant 0 : i32
    %dma_wait3A_318 = arith.constant 0 : i32
    %dma_wait3A_319 = tpu.memref_slice %arg2[%dma_wait3A_317, %dma_wait3A_318] : memref<10240x128xf32, #tpu.memory_space<hbm>> -> memref<128x128xf32, #tpu.memory_space<hbm>>
    %dma_wait3A_320 = arith.constant 0 : i32
    %dma_wait3A_321 = arith.constant 0 : i32
    %dma_wait3A_322 = tpu.memref_slice %arg9[%dma_wait3A_312, %dma_wait3A_320, %dma_wait3A_321] : memref<2x128x128xf32, #tpu.memory_space<vmem>> -> memref<1x128x128xf32, #tpu.memory_space<vmem>>
    %dma_wait3A_323 = tpu.memref_squeeze %dma_wait3A_322 : memref<1x128x128xf32, #tpu.memory_space<vmem>> -> memref<128x128xf32, #tpu.memory_space<vmem>>
    %dma_wait3A_324 = arith.constant 0 : i32
    %dma_wait3A_325 = arith.constant 0 : i32
    %dma_wait3A_326 = tpu.memref_slice %arg2[%dma_wait3A_324, %dma_wait3A_325] : memref<10240x128xf32, #tpu.memory_space<hbm>> -> memref<128x128xf32, #tpu.memory_space<hbm>>
    tpu.wait_dma2 semaphore(%arg11 : memref<!tpu.dma_semaphore, #tpu.memory_space<semaphore_mem>>) src(%dma_wait3A_326 : memref<128x128xf32, #tpu.memory_space<hbm>>) dst(%dma_wait3A_323 : memref<128x128xf32, #tpu.memory_space<vmem>>)
    %run_scoped3A = arith.constant 0 : i32
    %run_scoped3A_327 = arith.constant 6 : i32
    "tpu.region"() ({
      %run_scoped3A_518 = tpu.sem_alloc : memref<!tpu.dma_semaphore, #tpu.memory_space<semaphore_mem>>
      %dma_start3A_519 = arith.constant 0 : i32
      %dma_start3A_520 = arith.constant 0 : i32
      %dma_start3A_521 = tpu.memref_slice %arg9[%run_scoped3A, %dma_start3A_519, %dma_start3A_520] : memref<2x128x128xf32, #tpu.memory_space<vmem>> -> memref<1x128x128xf32, #tpu.memory_space<vmem>>
      %dma_start3A_522 = tpu.memref_squeeze %dma_start3A_521 : memref<1x128x128xf32, #tpu.memory_space<vmem>> -> memref<128x128xf32, #tpu.memory_space<vmem>>
      %dma_start3A_523 = arith.constant 0 : i32
      %dma_start3A_524 = tpu.memref_slice %arg8[%run_scoped3A_327, %dma_start3A_523] : memref<8x128xi32, #tpu.memory_space<vmem>> -> memref<1x128xi32, #tpu.memory_space<vmem>>
      %dma_start3A_525 = tpu.memref_squeeze %dma_start3A_524 : memref<1x128xi32, #tpu.memory_space<vmem>> -> memref<128xi32, #tpu.memory_space<vmem>>
      %dma_start3A_526 = arith.constant 0 : i32
      %dma_start3A_527 = arith.constant 0 : i32
      %dma_start3A_528 = tpu.memref_slice %arg10[%dma_start3A_526, %dma_start3A_527] : memref<10240x128xf32, #tpu.memory_space<vmem_shared>> -> memref<10240x128xf32, #tpu.memory_space<vmem_shared>>
      tpu.enqueue_indirect_dma source(%dma_start3A_522 : memref<128x128xf32, #tpu.memory_space<vmem>>) target(%dma_start3A_528 : memref<10240x128xf32, #tpu.memory_space<vmem_shared>>) offsets(%dma_start3A_525 : memref<128xi32, #tpu.memory_space<vmem>>) semaphore(%run_scoped3A_518 : memref<!tpu.dma_semaphore, #tpu.memory_space<semaphore_mem>>) {add = true}
      %dma_wait3A_529 = arith.constant 0 : i32
      %dma_wait3A_530 = arith.constant 0 : i32
      %dma_wait3A_531 = tpu.memref_slice %arg9[%run_scoped3A, %dma_wait3A_529, %dma_wait3A_530] : memref<2x128x128xf32, #tpu.memory_space<vmem>> -> memref<1x128x128xf32, #tpu.memory_space<vmem>>
      %dma_wait3A_532 = tpu.memref_squeeze %dma_wait3A_531 : memref<1x128x128xf32, #tpu.memory_space<vmem>> -> memref<128x128xf32, #tpu.memory_space<vmem>>
      %dma_wait3A_533 = arith.constant 0 : i32
      %dma_wait3A_534 = tpu.memref_slice %arg8[%run_scoped3A_327, %dma_wait3A_533] : memref<8x128xi32, #tpu.memory_space<vmem>> -> memref<1x128xi32, #tpu.memory_space<vmem>>
      %dma_wait3A_535 = tpu.memref_squeeze %dma_wait3A_534 : memref<1x128xi32, #tpu.memory_space<vmem>> -> memref<128xi32, #tpu.memory_space<vmem>>
      %dma_wait3A_536 = arith.constant 0 : i32
      %dma_wait3A_537 = arith.constant 0 : i32
      %dma_wait3A_538 = tpu.memref_slice %arg10[%dma_wait3A_536, %dma_wait3A_537] : memref<10240x128xf32, #tpu.memory_space<vmem_shared>> -> memref<10240x128xf32, #tpu.memory_space<vmem_shared>>
      tpu.wait_indirect_dma semaphore(%run_scoped3A_518 : memref<!tpu.dma_semaphore, #tpu.memory_space<semaphore_mem>>) src(%dma_wait3A_532 : memref<128x128xf32, #tpu.memory_space<vmem>>) dst(%dma_wait3A_538 : memref<10240x128xf32, #tpu.memory_space<vmem_shared>>)
      tpu.yield
    }) : () -> ()
    %dma_wait3A_328 = arith.constant 1 : i32
    %dma_wait3A_329 = arith.constant 0 : i32
    %dma_wait3A_330 = arith.constant 0 : i32
    %dma_wait3A_331 = tpu.memref_slice %arg9[%dma_wait3A_328, %dma_wait3A_329, %dma_wait3A_330] : memref<2x128x128xf32, #tpu.memory_space<vmem>> -> memref<1x128x128xf32, #tpu.memory_space<vmem>>
    %dma_wait3A_332 = tpu.memref_squeeze %dma_wait3A_331 : memref<1x128x128xf32, #tpu.memory_space<vmem>> -> memref<128x128xf32, #tpu.memory_space<vmem>>
    %dma_wait3A_333 = arith.constant 0 : i32
    %dma_wait3A_334 = arith.constant 0 : i32
    %dma_wait3A_335 = tpu.memref_slice %arg2[%dma_wait3A_333, %dma_wait3A_334] : memref<10240x128xf32, #tpu.memory_space<hbm>> -> memref<128x128xf32, #tpu.memory_space<hbm>>
    %dma_wait3A_336 = arith.constant 0 : i32
    %dma_wait3A_337 = arith.constant 0 : i32
    %dma_wait3A_338 = tpu.memref_slice %arg9[%dma_wait3A_328, %dma_wait3A_336, %dma_wait3A_337] : memref<2x128x128xf32, #tpu.memory_space<vmem>> -> memref<1x128x128xf32, #tpu.memory_space<vmem>>
    %dma_wait3A_339 = tpu.memref_squeeze %dma_wait3A_338 : memref<1x128x128xf32, #tpu.memory_space<vmem>> -> memref<128x128xf32, #tpu.memory_space<vmem>>
    %dma_wait3A_340 = arith.constant 0 : i32
    %dma_wait3A_341 = arith.constant 0 : i32
    %dma_wait3A_342 = tpu.memref_slice %arg2[%dma_wait3A_340, %dma_wait3A_341] : memref<10240x128xf32, #tpu.memory_space<hbm>> -> memref<128x128xf32, #tpu.memory_space<hbm>>
    tpu.wait_dma2 semaphore(%arg11 : memref<!tpu.dma_semaphore, #tpu.memory_space<semaphore_mem>>) src(%dma_wait3A_342 : memref<128x128xf32, #tpu.memory_space<hbm>>) dst(%dma_wait3A_339 : memref<128x128xf32, #tpu.memory_space<vmem>>)
    %run_scoped3A_343 = arith.constant 1 : i32
    %run_scoped3A_344 = arith.constant 7 : i32
    "tpu.region"() ({
      %run_scoped3A_518 = tpu.sem_alloc : memref<!tpu.dma_semaphore, #tpu.memory_space<semaphore_mem>>
      %dma_start3A_519 = arith.constant 0 : i32
      %dma_start3A_520 = arith.constant 0 : i32
      %dma_start3A_521 = tpu.memref_slice %arg9[%run_scoped3A_343, %dma_start3A_519, %dma_start3A_520] : memref<2x128x128xf32, #tpu.memory_space<vmem>> -> memref<1x128x128xf32, #tpu.memory_space<vmem>>
      %dma_start3A_522 = tpu.memref_squeeze %dma_start3A_521 : memref<1x128x128xf32, #tpu.memory_space<vmem>> -> memref<128x128xf32, #tpu.memory_space<vmem>>
      %dma_start3A_523 = arith.constant 0 : i32
      %dma_start3A_524 = tpu.memref_slice %arg8[%run_scoped3A_344, %dma_start3A_523] : memref<8x128xi32, #tpu.memory_space<vmem>> -> memref<1x128xi32, #tpu.memory_space<vmem>>
      %dma_start3A_525 = tpu.memref_squeeze %dma_start3A_524 : memref<1x128xi32, #tpu.memory_space<vmem>> -> memref<128xi32, #tpu.memory_space<vmem>>
      %dma_start3A_526 = arith.constant 0 : i32
      %dma_start3A_527 = arith.constant 0 : i32
      %dma_start3A_528 = tpu.memref_slice %arg10[%dma_start3A_526, %dma_start3A_527] : memref<10240x128xf32, #tpu.memory_space<vmem_shared>> -> memref<10240x128xf32, #tpu.memory_space<vmem_shared>>
      tpu.enqueue_indirect_dma source(%dma_start3A_522 : memref<128x128xf32, #tpu.memory_space<vmem>>) target(%dma_start3A_528 : memref<10240x128xf32, #tpu.memory_space<vmem_shared>>) offsets(%dma_start3A_525 : memref<128xi32, #tpu.memory_space<vmem>>) semaphore(%run_scoped3A_518 : memref<!tpu.dma_semaphore, #tpu.memory_space<semaphore_mem>>) {add = true}
      %dma_wait3A_529 = arith.constant 0 : i32
      %dma_wait3A_530 = arith.constant 0 : i32
      %dma_wait3A_531 = tpu.memref_slice %arg9[%run_scoped3A_343, %dma_wait3A_529, %dma_wait3A_530] : memref<2x128x128xf32, #tpu.memory_space<vmem>> -> memref<1x128x128xf32, #tpu.memory_space<vmem>>
      %dma_wait3A_532 = tpu.memref_squeeze %dma_wait3A_531 : memref<1x128x128xf32, #tpu.memory_space<vmem>> -> memref<128x128xf32, #tpu.memory_space<vmem>>
      %dma_wait3A_533 = arith.constant 0 : i32
      %dma_wait3A_534 = tpu.memref_slice %arg8[%run_scoped3A_344, %dma_wait3A_533] : memref<8x128xi32, #tpu.memory_space<vmem>> -> memref<1x128xi32, #tpu.memory_space<vmem>>
      %dma_wait3A_535 = tpu.memref_squeeze %dma_wait3A_534 : memref<1x128xi32, #tpu.memory_space<vmem>> -> memref<128xi32, #tpu.memory_space<vmem>>
      %dma_wait3A_536 = arith.constant 0 : i32
      %dma_wait3A_537 = arith.constant 0 : i32
      %dma_wait3A_538 = tpu.memref_slice %arg10[%dma_wait3A_536, %dma_wait3A_537] : memref<10240x128xf32, #tpu.memory_space<vmem_shared>> -> memref<10240x128xf32, #tpu.memory_space<vmem_shared>>
      tpu.wait_indirect_dma semaphore(%run_scoped3A_518 : memref<!tpu.dma_semaphore, #tpu.memory_space<semaphore_mem>>) src(%dma_wait3A_532 : memref<128x128xf32, #tpu.memory_space<vmem>>) dst(%dma_wait3A_538 : memref<10240x128xf32, #tpu.memory_space<vmem_shared>>)
      tpu.yield
    }) : () -> ()
    %dma_wait3A_345 = arith.constant 0 : i32
    %dma_wait3A_346 = arith.constant 0 : i32
    %dma_wait3A_347 = arith.constant 0 : i32
    %dma_wait3A_348 = tpu.memref_slice %arg7[%dma_wait3A_346, %dma_wait3A_347] : memref<8x128xi32, #tpu.memory_space<vmem>> -> memref<1x128xi32, #tpu.memory_space<vmem>>
    %dma_wait3A_349 = tpu.memref_squeeze %dma_wait3A_348 : memref<1x128xi32, #tpu.memory_space<vmem>> -> memref<128xi32, #tpu.memory_space<vmem>>
    %dma_wait3A_350 = arith.constant 0 : i32
    %dma_wait3A_351 = tpu.memref_slice %arg3[%add3A, %dma_wait3A_345, %dma_wait3A_350] : memref<32x80x128xi32, #tpu.memory_space<hbm>> -> memref<1x1x128xi32, #tpu.memory_space<hbm>>
    %dma_wait3A_352 = tpu.memref_squeeze %dma_wait3A_351 : memref<1x1x128xi32, #tpu.memory_space<hbm>> -> memref<128xi32, #tpu.memory_space<hbm>>
    %dma_wait3A_353 = arith.constant 0 : i32
    %dma_wait3A_354 = tpu.memref_slice %arg7[%dma_wait3A_346, %dma_wait3A_353] : memref<8x128xi32, #tpu.memory_space<vmem>> -> memref<1x128xi32, #tpu.memory_space<vmem>>
    %dma_wait3A_355 = tpu.memref_squeeze %dma_wait3A_354 : memref<1x128xi32, #tpu.memory_space<vmem>> -> memref<128xi32, #tpu.memory_space<vmem>>
    %dma_wait3A_356 = arith.constant 0 : i32
    %dma_wait3A_357 = tpu.memref_slice %arg3[%add3A, %dma_wait3A_345, %dma_wait3A_356] : memref<32x80x128xi32, #tpu.memory_space<hbm>> -> memref<1x1x128xi32, #tpu.memory_space<hbm>>
    %dma_wait3A_358 = tpu.memref_squeeze %dma_wait3A_357 : memref<1x1x128xi32, #tpu.memory_space<hbm>> -> memref<128xi32, #tpu.memory_space<hbm>>
    tpu.wait_dma2 semaphore(%arg12 : memref<!tpu.dma_semaphore, #tpu.memory_space<semaphore_mem>>) src(%dma_wait3A_358 : memref<128xi32, #tpu.memory_space<hbm>>) dst(%dma_wait3A_355 : memref<128xi32, #tpu.memory_space<vmem>>)
    %dma_wait3A_359 = arith.constant 0 : i32
    %dma_wait3A_360 = arith.constant 0 : i32
    %dma_wait3A_361 = arith.constant 0 : i32
    %dma_wait3A_362 = tpu.memref_slice %arg8[%dma_wait3A_360, %dma_wait3A_361] : memref<8x128xi32, #tpu.memory_space<vmem>> -> memref<1x128xi32, #tpu.memory_space<vmem>>
    %dma_wait3A_363 = tpu.memref_squeeze %dma_wait3A_362 : memref<1x128xi32, #tpu.memory_space<vmem>> -> memref<128xi32, #tpu.memory_space<vmem>>
    %dma_wait3A_364 = arith.constant 0 : i32
    %dma_wait3A_365 = tpu.memref_slice %arg4[%add3A, %dma_wait3A_359, %dma_wait3A_364] : memref<32x80x128xi32, #tpu.memory_space<hbm>> -> memref<1x1x128xi32, #tpu.memory_space<hbm>>
    %dma_wait3A_366 = tpu.memref_squeeze %dma_wait3A_365 : memref<1x1x128xi32, #tpu.memory_space<hbm>> -> memref<128xi32, #tpu.memory_space<hbm>>
    %dma_wait3A_367 = arith.constant 0 : i32
    %dma_wait3A_368 = tpu.memref_slice %arg8[%dma_wait3A_360, %dma_wait3A_367] : memref<8x128xi32, #tpu.memory_space<vmem>> -> memref<1x128xi32, #tpu.memory_space<vmem>>
    %dma_wait3A_369 = tpu.memref_squeeze %dma_wait3A_368 : memref<1x128xi32, #tpu.memory_space<vmem>> -> memref<128xi32, #tpu.memory_space<vmem>>
    %dma_wait3A_370 = arith.constant 0 : i32
    %dma_wait3A_371 = tpu.memref_slice %arg4[%add3A, %dma_wait3A_359, %dma_wait3A_370] : memref<32x80x128xi32, #tpu.memory_space<hbm>> -> memref<1x1x128xi32, #tpu.memory_space<hbm>>
    %dma_wait3A_372 = tpu.memref_squeeze %dma_wait3A_371 : memref<1x1x128xi32, #tpu.memory_space<hbm>> -> memref<128xi32, #tpu.memory_space<hbm>>
    tpu.wait_dma2 semaphore(%arg12 : memref<!tpu.dma_semaphore, #tpu.memory_space<semaphore_mem>>) src(%dma_wait3A_372 : memref<128xi32, #tpu.memory_space<hbm>>) dst(%dma_wait3A_369 : memref<128xi32, #tpu.memory_space<vmem>>)
    %dma_wait3A_373 = arith.constant 0 : i32
    %dma_wait3A_374 = arith.constant 0 : i32
    %dma_wait3A_375 = arith.constant 0 : i32
    %dma_wait3A_376 = tpu.memref_slice %arg7[%dma_wait3A_374, %dma_wait3A_375] : memref<8x128xi32, #tpu.memory_space<vmem>> -> memref<1x128xi32, #tpu.memory_space<vmem>>
    %dma_wait3A_377 = tpu.memref_squeeze %dma_wait3A_376 : memref<1x128xi32, #tpu.memory_space<vmem>> -> memref<128xi32, #tpu.memory_space<vmem>>
    %dma_wait3A_378 = arith.constant 0 : i32
    %dma_wait3A_379 = tpu.memref_slice %arg3[%add3A, %dma_wait3A_373, %dma_wait3A_378] : memref<32x80x128xi32, #tpu.memory_space<hbm>> -> memref<1x1x128xi32, #tpu.memory_space<hbm>>
    %dma_wait3A_380 = tpu.memref_squeeze %dma_wait3A_379 : memref<1x1x128xi32, #tpu.memory_space<hbm>> -> memref<128xi32, #tpu.memory_space<hbm>>
    %dma_wait3A_381 = arith.constant 0 : i32
    %dma_wait3A_382 = tpu.memref_slice %arg7[%dma_wait3A_374, %dma_wait3A_381] : memref<8x128xi32, #tpu.memory_space<vmem>> -> memref<1x128xi32, #tpu.memory_space<vmem>>
    %dma_wait3A_383 = tpu.memref_squeeze %dma_wait3A_382 : memref<1x128xi32, #tpu.memory_space<vmem>> -> memref<128xi32, #tpu.memory_space<vmem>>
    %dma_wait3A_384 = arith.constant 0 : i32
    %dma_wait3A_385 = tpu.memref_slice %arg3[%add3A, %dma_wait3A_373, %dma_wait3A_384] : memref<32x80x128xi32, #tpu.memory_space<hbm>> -> memref<1x1x128xi32, #tpu.memory_space<hbm>>
    %dma_wait3A_386 = tpu.memref_squeeze %dma_wait3A_385 : memref<1x1x128xi32, #tpu.memory_space<hbm>> -> memref<128xi32, #tpu.memory_space<hbm>>
    tpu.wait_dma2 semaphore(%arg12 : memref<!tpu.dma_semaphore, #tpu.memory_space<semaphore_mem>>) src(%dma_wait3A_386 : memref<128xi32, #tpu.memory_space<hbm>>) dst(%dma_wait3A_383 : memref<128xi32, #tpu.memory_space<vmem>>)
    %dma_wait3A_387 = arith.constant 0 : i32
    %dma_wait3A_388 = arith.constant 0 : i32
    %dma_wait3A_389 = arith.constant 0 : i32
    %dma_wait3A_390 = tpu.memref_slice %arg8[%dma_wait3A_388, %dma_wait3A_389] : memref<8x128xi32, #tpu.memory_space<vmem>> -> memref<1x128xi32, #tpu.memory_space<vmem>>
    %dma_wait3A_391 = tpu.memref_squeeze %dma_wait3A_390 : memref<1x128xi32, #tpu.memory_space<vmem>> -> memref<128xi32, #tpu.memory_space<vmem>>
    %dma_wait3A_392 = arith.constant 0 : i32
    %dma_wait3A_393 = tpu.memref_slice %arg4[%add3A, %dma_wait3A_387, %dma_wait3A_392] : memref<32x80x128xi32, #tpu.memory_space<hbm>> -> memref<1x1x128xi32, #tpu.memory_space<hbm>>
    %dma_wait3A_394 = tpu.memref_squeeze %dma_wait3A_393 : memref<1x1x128xi32, #tpu.memory_space<hbm>> -> memref<128xi32, #tpu.memory_space<hbm>>
    %dma_wait3A_395 = arith.constant 0 : i32
    %dma_wait3A_396 = tpu.memref_slice %arg8[%dma_wait3A_388, %dma_wait3A_395] : memref<8x128xi32, #tpu.memory_space<vmem>> -> memref<1x128xi32, #tpu.memory_space<vmem>>
    %dma_wait3A_397 = tpu.memref_squeeze %dma_wait3A_396 : memref<1x128xi32, #tpu.memory_space<vmem>> -> memref<128xi32, #tpu.memory_space<vmem>>
    %dma_wait3A_398 = arith.constant 0 : i32
    %dma_wait3A_399 = tpu.memref_slice %arg4[%add3A, %dma_wait3A_387, %dma_wait3A_398] : memref<32x80x128xi32, #tpu.memory_space<hbm>> -> memref<1x1x128xi32, #tpu.memory_space<hbm>>
    %dma_wait3A_400 = tpu.memref_squeeze %dma_wait3A_399 : memref<1x1x128xi32, #tpu.memory_space<hbm>> -> memref<128xi32, #tpu.memory_space<hbm>>
    tpu.wait_dma2 semaphore(%arg12 : memref<!tpu.dma_semaphore, #tpu.memory_space<semaphore_mem>>) src(%dma_wait3A_400 : memref<128xi32, #tpu.memory_space<hbm>>) dst(%dma_wait3A_397 : memref<128xi32, #tpu.memory_space<vmem>>)
    %dma_wait3A_401 = arith.constant 0 : i32
    %dma_wait3A_402 = arith.constant 0 : i32
    %dma_wait3A_403 = arith.constant 0 : i32
    %dma_wait3A_404 = tpu.memref_slice %arg7[%dma_wait3A_402, %dma_wait3A_403] : memref<8x128xi32, #tpu.memory_space<vmem>> -> memref<1x128xi32, #tpu.memory_space<vmem>>
    %dma_wait3A_405 = tpu.memref_squeeze %dma_wait3A_404 : memref<1x128xi32, #tpu.memory_space<vmem>> -> memref<128xi32, #tpu.memory_space<vmem>>
    %dma_wait3A_406 = arith.constant 0 : i32
    %dma_wait3A_407 = tpu.memref_slice %arg3[%add3A, %dma_wait3A_401, %dma_wait3A_406] : memref<32x80x128xi32, #tpu.memory_space<hbm>> -> memref<1x1x128xi32, #tpu.memory_space<hbm>>
    %dma_wait3A_408 = tpu.memref_squeeze %dma_wait3A_407 : memref<1x1x128xi32, #tpu.memory_space<hbm>> -> memref<128xi32, #tpu.memory_space<hbm>>
    %dma_wait3A_409 = arith.constant 0 : i32
    %dma_wait3A_410 = tpu.memref_slice %arg7[%dma_wait3A_402, %dma_wait3A_409] : memref<8x128xi32, #tpu.memory_space<vmem>> -> memref<1x128xi32, #tpu.memory_space<vmem>>
    %dma_wait3A_411 = tpu.memref_squeeze %dma_wait3A_410 : memref<1x128xi32, #tpu.memory_space<vmem>> -> memref<128xi32, #tpu.memory_space<vmem>>
    %dma_wait3A_412 = arith.constant 0 : i32
    %dma_wait3A_413 = tpu.memref_slice %arg3[%add3A, %dma_wait3A_401, %dma_wait3A_412] : memref<32x80x128xi32, #tpu.memory_space<hbm>> -> memref<1x1x128xi32, #tpu.memory_space<hbm>>
    %dma_wait3A_414 = tpu.memref_squeeze %dma_wait3A_413 : memref<1x1x128xi32, #tpu.memory_space<hbm>> -> memref<128xi32, #tpu.memory_space<hbm>>
    tpu.wait_dma2 semaphore(%arg12 : memref<!tpu.dma_semaphore, #tpu.memory_space<semaphore_mem>>) src(%dma_wait3A_414 : memref<128xi32, #tpu.memory_space<hbm>>) dst(%dma_wait3A_411 : memref<128xi32, #tpu.memory_space<vmem>>)
    %dma_wait3A_415 = arith.constant 0 : i32
    %dma_wait3A_416 = arith.constant 0 : i32
    %dma_wait3A_417 = arith.constant 0 : i32
    %dma_wait3A_418 = tpu.memref_slice %arg8[%dma_wait3A_416, %dma_wait3A_417] : memref<8x128xi32, #tpu.memory_space<vmem>> -> memref<1x128xi32, #tpu.memory_space<vmem>>
    %dma_wait3A_419 = tpu.memref_squeeze %dma_wait3A_418 : memref<1x128xi32, #tpu.memory_space<vmem>> -> memref<128xi32, #tpu.memory_space<vmem>>
    %dma_wait3A_420 = arith.constant 0 : i32
    %dma_wait3A_421 = tpu.memref_slice %arg4[%add3A, %dma_wait3A_415, %dma_wait3A_420] : memref<32x80x128xi32, #tpu.memory_space<hbm>> -> memref<1x1x128xi32, #tpu.memory_space<hbm>>
    %dma_wait3A_422 = tpu.memref_squeeze %dma_wait3A_421 : memref<1x1x128xi32, #tpu.memory_space<hbm>> -> memref<128xi32, #tpu.memory_space<hbm>>
    %dma_wait3A_423 = arith.constant 0 : i32
    %dma_wait3A_424 = tpu.memref_slice %arg8[%dma_wait3A_416, %dma_wait3A_423] : memref<8x128xi32, #tpu.memory_space<vmem>> -> memref<1x128xi32, #tpu.memory_space<vmem>>
    %dma_wait3A_425 = tpu.memref_squeeze %dma_wait3A_424 : memref<1x128xi32, #tpu.memory_space<vmem>> -> memref<128xi32, #tpu.memory_space<vmem>>
    %dma_wait3A_426 = arith.constant 0 : i32
    %dma_wait3A_427 = tpu.memref_slice %arg4[%add3A, %dma_wait3A_415, %dma_wait3A_426] : memref<32x80x128xi32, #tpu.memory_space<hbm>> -> memref<1x1x128xi32, #tpu.memory_space<hbm>>
    %dma_wait3A_428 = tpu.memref_squeeze %dma_wait3A_427 : memref<1x1x128xi32, #tpu.memory_space<hbm>> -> memref<128xi32, #tpu.memory_space<hbm>>
    tpu.wait_dma2 semaphore(%arg12 : memref<!tpu.dma_semaphore, #tpu.memory_space<semaphore_mem>>) src(%dma_wait3A_428 : memref<128xi32, #tpu.memory_space<hbm>>) dst(%dma_wait3A_425 : memref<128xi32, #tpu.memory_space<vmem>>)
    %dma_wait3A_429 = arith.constant 0 : i32
    %dma_wait3A_430 = arith.constant 0 : i32
    %dma_wait3A_431 = arith.constant 0 : i32
    %dma_wait3A_432 = tpu.memref_slice %arg7[%dma_wait3A_430, %dma_wait3A_431] : memref<8x128xi32, #tpu.memory_space<vmem>> -> memref<1x128xi32, #tpu.memory_space<vmem>>
    %dma_wait3A_433 = tpu.memref_squeeze %dma_wait3A_432 : memref<1x128xi32, #tpu.memory_space<vmem>> -> memref<128xi32, #tpu.memory_space<vmem>>
    %dma_wait3A_434 = arith.constant 0 : i32
    %dma_wait3A_435 = tpu.memref_slice %arg3[%add3A, %dma_wait3A_429, %dma_wait3A_434] : memref<32x80x128xi32, #tpu.memory_space<hbm>> -> memref<1x1x128xi32, #tpu.memory_space<hbm>>
    %dma_wait3A_436 = tpu.memref_squeeze %dma_wait3A_435 : memref<1x1x128xi32, #tpu.memory_space<hbm>> -> memref<128xi32, #tpu.memory_space<hbm>>
    %dma_wait3A_437 = arith.constant 0 : i32
    %dma_wait3A_438 = tpu.memref_slice %arg7[%dma_wait3A_430, %dma_wait3A_437] : memref<8x128xi32, #tpu.memory_space<vmem>> -> memref<1x128xi32, #tpu.memory_space<vmem>>
    %dma_wait3A_439 = tpu.memref_squeeze %dma_wait3A_438 : memref<1x128xi32, #tpu.memory_space<vmem>> -> memref<128xi32, #tpu.memory_space<vmem>>
    %dma_wait3A_440 = arith.constant 0 : i32
    %dma_wait3A_441 = tpu.memref_slice %arg3[%add3A, %dma_wait3A_429, %dma_wait3A_440] : memref<32x80x128xi32, #tpu.memory_space<hbm>> -> memref<1x1x128xi32, #tpu.memory_space<hbm>>
    %dma_wait3A_442 = tpu.memref_squeeze %dma_wait3A_441 : memref<1x1x128xi32, #tpu.memory_space<hbm>> -> memref<128xi32, #tpu.memory_space<hbm>>
    tpu.wait_dma2 semaphore(%arg12 : memref<!tpu.dma_semaphore, #tpu.memory_space<semaphore_mem>>) src(%dma_wait3A_442 : memref<128xi32, #tpu.memory_space<hbm>>) dst(%dma_wait3A_439 : memref<128xi32, #tpu.memory_space<vmem>>)
    %dma_wait3A_443 = arith.constant 0 : i32
    %dma_wait3A_444 = arith.constant 0 : i32
    %dma_wait3A_445 = arith.constant 0 : i32
    %dma_wait3A_446 = tpu.memref_slice %arg8[%dma_wait3A_444, %dma_wait3A_445] : memref<8x128xi32, #tpu.memory_space<vmem>> -> memref<1x128xi32, #tpu.memory_space<vmem>>
    %dma_wait3A_447 = tpu.memref_squeeze %dma_wait3A_446 : memref<1x128xi32, #tpu.memory_space<vmem>> -> memref<128xi32, #tpu.memory_space<vmem>>
    %dma_wait3A_448 = arith.constant 0 : i32
    %dma_wait3A_449 = tpu.memref_slice %arg4[%add3A, %dma_wait3A_443, %dma_wait3A_448] : memref<32x80x128xi32, #tpu.memory_space<hbm>> -> memref<1x1x128xi32, #tpu.memory_space<hbm>>
    %dma_wait3A_450 = tpu.memref_squeeze %dma_wait3A_449 : memref<1x1x128xi32, #tpu.memory_space<hbm>> -> memref<128xi32, #tpu.memory_space<hbm>>
    %dma_wait3A_451 = arith.constant 0 : i32
    %dma_wait3A_452 = tpu.memref_slice %arg8[%dma_wait3A_444, %dma_wait3A_451] : memref<8x128xi32, #tpu.memory_space<vmem>> -> memref<1x128xi32, #tpu.memory_space<vmem>>
    %dma_wait3A_453 = tpu.memref_squeeze %dma_wait3A_452 : memref<1x128xi32, #tpu.memory_space<vmem>> -> memref<128xi32, #tpu.memory_space<vmem>>
    %dma_wait3A_454 = arith.constant 0 : i32
    %dma_wait3A_455 = tpu.memref_slice %arg4[%add3A, %dma_wait3A_443, %dma_wait3A_454] : memref<32x80x128xi32, #tpu.memory_space<hbm>> -> memref<1x1x128xi32, #tpu.memory_space<hbm>>
    %dma_wait3A_456 = tpu.memref_squeeze %dma_wait3A_455 : memref<1x1x128xi32, #tpu.memory_space<hbm>> -> memref<128xi32, #tpu.memory_space<hbm>>
    tpu.wait_dma2 semaphore(%arg12 : memref<!tpu.dma_semaphore, #tpu.memory_space<semaphore_mem>>) src(%dma_wait3A_456 : memref<128xi32, #tpu.memory_space<hbm>>) dst(%dma_wait3A_453 : memref<128xi32, #tpu.memory_space<vmem>>)
    %dma_wait3A_457 = arith.constant 0 : i32
    %dma_wait3A_458 = arith.constant 0 : i32
    %dma_wait3A_459 = arith.constant 0 : i32
    %dma_wait3A_460 = tpu.memref_slice %arg7[%dma_wait3A_458, %dma_wait3A_459] : memref<8x128xi32, #tpu.memory_space<vmem>> -> memref<1x128xi32, #tpu.memory_space<vmem>>
    %dma_wait3A_461 = tpu.memref_squeeze %dma_wait3A_460 : memref<1x128xi32, #tpu.memory_space<vmem>> -> memref<128xi32, #tpu.memory_space<vmem>>
    %dma_wait3A_462 = arith.constant 0 : i32
    %dma_wait3A_463 = tpu.memref_slice %arg3[%add3A, %dma_wait3A_457, %dma_wait3A_462] : memref<32x80x128xi32, #tpu.memory_space<hbm>> -> memref<1x1x128xi32, #tpu.memory_space<hbm>>
    %dma_wait3A_464 = tpu.memref_squeeze %dma_wait3A_463 : memref<1x1x128xi32, #tpu.memory_space<hbm>> -> memref<128xi32, #tpu.memory_space<hbm>>
    %dma_wait3A_465 = arith.constant 0 : i32
    %dma_wait3A_466 = tpu.memref_slice %arg7[%dma_wait3A_458, %dma_wait3A_465] : memref<8x128xi32, #tpu.memory_space<vmem>> -> memref<1x128xi32, #tpu.memory_space<vmem>>
    %dma_wait3A_467 = tpu.memref_squeeze %dma_wait3A_466 : memref<1x128xi32, #tpu.memory_space<vmem>> -> memref<128xi32, #tpu.memory_space<vmem>>
    %dma_wait3A_468 = arith.constant 0 : i32
    %dma_wait3A_469 = tpu.memref_slice %arg3[%add3A, %dma_wait3A_457, %dma_wait3A_468] : memref<32x80x128xi32, #tpu.memory_space<hbm>> -> memref<1x1x128xi32, #tpu.memory_space<hbm>>
    %dma_wait3A_470 = tpu.memref_squeeze %dma_wait3A_469 : memref<1x1x128xi32, #tpu.memory_space<hbm>> -> memref<128xi32, #tpu.memory_space<hbm>>
    tpu.wait_dma2 semaphore(%arg12 : memref<!tpu.dma_semaphore, #tpu.memory_space<semaphore_mem>>) src(%dma_wait3A_470 : memref<128xi32, #tpu.memory_space<hbm>>) dst(%dma_wait3A_467 : memref<128xi32, #tpu.memory_space<vmem>>)
    %dma_wait3A_471 = arith.constant 0 : i32
    %dma_wait3A_472 = arith.constant 0 : i32
    %dma_wait3A_473 = arith.constant 0 : i32
    %dma_wait3A_474 = tpu.memref_slice %arg8[%dma_wait3A_472, %dma_wait3A_473] : memref<8x128xi32, #tpu.memory_space<vmem>> -> memref<1x128xi32, #tpu.memory_space<vmem>>
    %dma_wait3A_475 = tpu.memref_squeeze %dma_wait3A_474 : memref<1x128xi32, #tpu.memory_space<vmem>> -> memref<128xi32, #tpu.memory_space<vmem>>
    %dma_wait3A_476 = arith.constant 0 : i32
    %dma_wait3A_477 = tpu.memref_slice %arg4[%add3A, %dma_wait3A_471, %dma_wait3A_476] : memref<32x80x128xi32, #tpu.memory_space<hbm>> -> memref<1x1x128xi32, #tpu.memory_space<hbm>>
    %dma_wait3A_478 = tpu.memref_squeeze %dma_wait3A_477 : memref<1x1x128xi32, #tpu.memory_space<hbm>> -> memref<128xi32, #tpu.memory_space<hbm>>
    %dma_wait3A_479 = arith.constant 0 : i32
    %dma_wait3A_480 = tpu.memref_slice %arg8[%dma_wait3A_472, %dma_wait3A_479] : memref<8x128xi32, #tpu.memory_space<vmem>> -> memref<1x128xi32, #tpu.memory_space<vmem>>
    %dma_wait3A_481 = tpu.memref_squeeze %dma_wait3A_480 : memref<1x128xi32, #tpu.memory_space<vmem>> -> memref<128xi32, #tpu.memory_space<vmem>>
    %dma_wait3A_482 = arith.constant 0 : i32
    %dma_wait3A_483 = tpu.memref_slice %arg4[%add3A, %dma_wait3A_471, %dma_wait3A_482] : memref<32x80x128xi32, #tpu.memory_space<hbm>> -> memref<1x1x128xi32, #tpu.memory_space<hbm>>
    %dma_wait3A_484 = tpu.memref_squeeze %dma_wait3A_483 : memref<1x1x128xi32, #tpu.memory_space<hbm>> -> memref<128xi32, #tpu.memory_space<hbm>>
    tpu.wait_dma2 semaphore(%arg12 : memref<!tpu.dma_semaphore, #tpu.memory_space<semaphore_mem>>) src(%dma_wait3A_484 : memref<128xi32, #tpu.memory_space<hbm>>) dst(%dma_wait3A_481 : memref<128xi32, #tpu.memory_space<vmem>>)
    %dma_wait3A_485 = arith.constant 0 : i32
    %dma_wait3A_486 = arith.constant 0 : i32
    %dma_wait3A_487 = arith.constant 0 : i32
    %dma_wait3A_488 = tpu.memref_slice %arg7[%dma_wait3A_486, %dma_wait3A_487] : memref<8x128xi32, #tpu.memory_space<vmem>> -> memref<1x128xi32, #tpu.memory_space<vmem>>
    %dma_wait3A_489 = tpu.memref_squeeze %dma_wait3A_488 : memref<1x128xi32, #tpu.memory_space<vmem>> -> memref<128xi32, #tpu.memory_space<vmem>>
    %dma_wait3A_490 = arith.constant 0 : i32
    %dma_wait3A_491 = tpu.memref_slice %arg3[%add3A, %dma_wait3A_485, %dma_wait3A_490] : memref<32x80x128xi32, #tpu.memory_space<hbm>> -> memref<1x1x128xi32, #tpu.memory_space<hbm>>
    %dma_wait3A_492 = tpu.memref_squeeze %dma_wait3A_491 : memref<1x1x128xi32, #tpu.memory_space<hbm>> -> memref<128xi32, #tpu.memory_space<hbm>>
    %dma_wait3A_493 = arith.constant 0 : i32
    %dma_wait3A_494 = tpu.memref_slice %arg7[%dma_wait3A_486, %dma_wait3A_493] : memref<8x128xi32, #tpu.memory_space<vmem>> -> memref<1x128xi32, #tpu.memory_space<vmem>>
    %dma_wait3A_495 = tpu.memref_squeeze %dma_wait3A_494 : memref<1x128xi32, #tpu.memory_space<vmem>> -> memref<128xi32, #tpu.memory_space<vmem>>
    %dma_wait3A_496 = arith.constant 0 : i32
    %dma_wait3A_497 = tpu.memref_slice %arg3[%add3A, %dma_wait3A_485, %dma_wait3A_496] : memref<32x80x128xi32, #tpu.memory_space<hbm>> -> memref<1x1x128xi32, #tpu.memory_space<hbm>>
    %dma_wait3A_498 = tpu.memref_squeeze %dma_wait3A_497 : memref<1x1x128xi32, #tpu.memory_space<hbm>> -> memref<128xi32, #tpu.memory_space<hbm>>
    tpu.wait_dma2 semaphore(%arg12 : memref<!tpu.dma_semaphore, #tpu.memory_space<semaphore_mem>>) src(%dma_wait3A_498 : memref<128xi32, #tpu.memory_space<hbm>>) dst(%dma_wait3A_495 : memref<128xi32, #tpu.memory_space<vmem>>)
    %dma_wait3A_499 = arith.constant 0 : i32
    %dma_wait3A_500 = arith.constant 0 : i32
    %dma_wait3A_501 = arith.constant 0 : i32
    %dma_wait3A_502 = tpu.memref_slice %arg8[%dma_wait3A_500, %dma_wait3A_501] : memref<8x128xi32, #tpu.memory_space<vmem>> -> memref<1x128xi32, #tpu.memory_space<vmem>>
    %dma_wait3A_503 = tpu.memref_squeeze %dma_wait3A_502 : memref<1x128xi32, #tpu.memory_space<vmem>> -> memref<128xi32, #tpu.memory_space<vmem>>
    %dma_wait3A_504 = arith.constant 0 : i32
    %dma_wait3A_505 = tpu.memref_slice %arg4[%add3A, %dma_wait3A_499, %dma_wait3A_504] : memref<32x80x128xi32, #tpu.memory_space<hbm>> -> memref<1x1x128xi32, #tpu.memory_space<hbm>>
    %dma_wait3A_506 = tpu.memref_squeeze %dma_wait3A_505 : memref<1x1x128xi32, #tpu.memory_space<hbm>> -> memref<128xi32, #tpu.memory_space<hbm>>
    %dma_wait3A_507 = arith.constant 0 : i32
    %dma_wait3A_508 = tpu.memref_slice %arg8[%dma_wait3A_500, %dma_wait3A_507] : memref<8x128xi32, #tpu.memory_space<vmem>> -> memref<1x128xi32, #tpu.memory_space<vmem>>
    %dma_wait3A_509 = tpu.memref_squeeze %dma_wait3A_508 : memref<1x128xi32, #tpu.memory_space<vmem>> -> memref<128xi32, #tpu.memory_space<vmem>>
    %dma_wait3A_510 = arith.constant 0 : i32
    %dma_wait3A_511 = tpu.memref_slice %arg4[%add3A, %dma_wait3A_499, %dma_wait3A_510] : memref<32x80x128xi32, #tpu.memory_space<hbm>> -> memref<1x1x128xi32, #tpu.memory_space<hbm>>
    %dma_wait3A_512 = tpu.memref_squeeze %dma_wait3A_511 : memref<1x1x128xi32, #tpu.memory_space<hbm>> -> memref<128xi32, #tpu.memory_space<hbm>>
    tpu.wait_dma2 semaphore(%arg12 : memref<!tpu.dma_semaphore, #tpu.memory_space<semaphore_mem>>) src(%dma_wait3A_512 : memref<128xi32, #tpu.memory_space<hbm>>) dst(%dma_wait3A_509 : memref<128xi32, #tpu.memory_space<vmem>>)
    %barrier3A_513 = arith.constant 0 : index
    tpu.barrier barrier_id(%barrier3A_513)
    %mul3A_514 = arith.constant 640 : i32
    %mul3A_515 = arith.muli %arg1, %mul3A_514 : i32
    %mul3A_516 = arith.constant 640 : i32
    %mul3A_517 = arith.muli %arg1, %mul3A_516 : i32
    "tpu.region"() ({
      %run_scoped3A_518 = tpu.sem_alloc : memref<!tpu.dma_semaphore, #tpu.memory_space<semaphore_mem>>
      %dma_start3A_519 = arith.constant 0 : i32
      %dma_start3A_520 = tpu.memref_slice %arg6[%arg0, %mul3A_517, %dma_start3A_519] : memref<2x10240x128xf32, #tpu.memory_space<hbm>> -> memref<1x640x128xf32, #tpu.memory_space<hbm>>
      %dma_start3A_521 = tpu.memref_squeeze %dma_start3A_520 : memref<1x640x128xf32, #tpu.memory_space<hbm>> -> memref<640x128xf32, #tpu.memory_space<hbm>>
      %dma_start3A_522 = arith.constant 0 : i32
      %dma_start3A_523 = tpu.memref_slice %arg10[%mul3A_515, %dma_start3A_522] : memref<10240x128xf32, #tpu.memory_space<vmem_shared>> -> memref<640x128xf32, #tpu.memory_space<vmem_shared>>
      tpu.enqueue_dma source(%dma_start3A_523 : memref<640x128xf32, #tpu.memory_space<vmem_shared>>) target(%dma_start3A_521 : memref<640x128xf32, #tpu.memory_space<hbm>>) target_semaphore(%run_scoped3A_518 : memref<!tpu.dma_semaphore, #tpu.memory_space<semaphore_mem>>)
      %dma_wait3A_524 = arith.constant 0 : i32
      %dma_wait3A_525 = tpu.memref_slice %arg6[%arg0, %mul3A_517, %dma_wait3A_524] : memref<2x10240x128xf32, #tpu.memory_space<hbm>> -> memref<1x640x128xf32, #tpu.memory_space<hbm>>
      %dma_wait3A_526 = tpu.memref_squeeze %dma_wait3A_525 : memref<1x640x128xf32, #tpu.memory_space<hbm>> -> memref<640x128xf32, #tpu.memory_space<hbm>>
      %dma_wait3A_527 = arith.constant 0 : i32
      %dma_wait3A_528 = tpu.memref_slice %arg10[%mul3A_515, %dma_wait3A_527] : memref<10240x128xf32, #tpu.memory_space<vmem_shared>> -> memref<640x128xf32, #tpu.memory_space<vmem_shared>>
      tpu.wait_dma2 semaphore(%run_scoped3A_518 : memref<!tpu.dma_semaphore, #tpu.memory_space<semaphore_mem>>) src(%dma_wait3A_528 : memref<640x128xf32, #tpu.memory_space<vmem_shared>>) dst(%dma_wait3A_526 : memref<640x128xf32, #tpu.memory_space<hbm>>)
      tpu.yield
    }) : () -> ()
    return
  }
}

#map = affine_map<(d0, d1) -> (0, 0)>
#map1 = affine_map<(d0, d1) -> (0, 0, 0)>
module attributes {stable_mosaic.version = 14 : i64} {
  func.func @prop(%arg0: i32, %arg1: i32, %arg2: memref<10240x128xf32, #tpu.memory_space<hbm>>, %arg3: memref<32x80x128xi32, #tpu.memory_space<hbm>>, %arg4: memref<32x80x128xi32, #tpu.memory_space<hbm>>, %arg5: memref<10240x128xf32, #tpu.memory_space<hbm>>, %arg6: memref<2x10240x128xf32, #tpu.memory_space<hbm>>, %arg7: memref<8x128xi32, #tpu.memory_space<vmem>>, %arg8: memref<8x128xi32, #tpu.memory_space<vmem>>, %arg9: memref<2x128x128xf32, #tpu.memory_space<vmem>>, %arg10: memref<10240x128xf32, #tpu.memory_space<vmem_shared>>, %arg11: memref<!tpu.dma_semaphore, #tpu.memory_space<semaphore_mem>>, %arg12: memref<!tpu.dma_semaphore, #tpu.memory_space<semaphore_mem>>) attributes {dimension_semantics = [#tpu.dimension_semantics<core_parallel>, #tpu.dimension_semantics<subcore_parallel>], iteration_bounds = array<i64: 2, 16>, scalar_prefetch = 0 : i64, scratch_operands = 6 : i64, tpu.core_type = #tpu.core_type<sc_vector_subcore>, window_params = [{transform_indices = #map}, {transform_indices = #map1}, {transform_indices = #map1}, {transform_indices = #map}, {transform_indices = #map1}]} {
    %mul3A = arith.constant 16 : i32
    %mul3A_0 = arith.muli %arg0, %mul3A : i32
    %add3A = arith.addi %mul3A_0, %arg1 : i32
    %mul3A_1 = arith.constant 640 : i32
    %mul3A_2 = arith.muli %arg1, %mul3A_1 : i32
    %mul3A_3 = arith.constant 640 : i32
    %mul3A_4 = arith.muli %arg1, %mul3A_3 : i32
    "tpu.region"() ({
      %run_scoped3A_518 = tpu.sem_alloc : memref<!tpu.dma_semaphore, #tpu.memory_space<semaphore_mem>>
      %dma_start3A_519 = arith.constant 0 : i32
      %dma_start3A_520 = tpu.memref_slice %arg10[%mul3A_4, %dma_start3A_519] : memref<10240x128xf32, #tpu.memory_space<vmem_shared>> -> memref<640x128xf32, #tpu.memory_space<vmem_shared>>
      %dma_start3A_521 = arith.constant 0 : i32
      %dma_start3A_522 = tpu.memref_slice %arg5[%mul3A_2, %dma_start3A_521] : memref<10240x128xf32, #tpu.memory_space<hbm>> -> memref<640x128xf32, #tpu.memory_space<hbm>>
      tpu.enqueue_dma source(%dma_start3A_522 : memref<640x128xf32, #tpu.memory_space<hbm>>) target(%dma_start3A_520 : memref<640x128xf32, #tpu.memory_space<vmem_shared>>) target_semaphore(%run_scoped3A_518 : memref<!tpu.dma_semaphore, #tpu.memory_space<semaphore_mem>>)
      %dma_wait3A_523 = arith.constant 0 : i32
      %dma_wait3A_524 = tpu.memref_slice %arg10[%mul3A_4, %dma_wait3A_523] : memref<10240x128xf32, #tpu.memory_space<vmem_shared>> -> memref<640x128xf32, #tpu.memory_space<vmem_shared>>
      %dma_wait3A_525 = arith.constant 0 : i32
      %dma_wait3A_526 = tpu.memref_slice %arg5[%mul3A_2, %dma_wait3A_525] : memref<10240x128xf32, #tpu.memory_space<hbm>> -> memref<640x128xf32, #tpu.memory_space<hbm>>
      tpu.wait_dma2 semaphore(%run_scoped3A_518 : memref<!tpu.dma_semaphore, #tpu.memory_space<semaphore_mem>>) src(%dma_wait3A_526 : memref<640x128xf32, #tpu.memory_space<hbm>>) dst(%dma_wait3A_524 : memref<640x128xf32, #tpu.memory_space<vmem_shared>>)
      tpu.yield
    }) : () -> ()
    %dma_start3A = arith.constant 0 : i32
    %dma_start3A_5 = arith.constant 0 : i32
    %dma_start3A_6 = arith.constant 0 : i32
    %dma_start3A_7 = tpu.memref_slice %arg7[%dma_start3A_5, %dma_start3A_6] : memref<8x128xi32, #tpu.memory_space<vmem>> -> memref<1x128xi32, #tpu.memory_space<vmem>>
    %dma_start3A_8 = tpu.memref_squeeze %dma_start3A_7 : memref<1x128xi32, #tpu.memory_space<vmem>> -> memref<128xi32, #tpu.memory_space<vmem>>
    %dma_start3A_9 = arith.constant 0 : i32
    %dma_start3A_10 = tpu.memref_slice %arg3[%add3A, %dma_start3A, %dma_start3A_9] : memref<32x80x128xi32, #tpu.memory_space<hbm>> -> memref<1x1x128xi32, #tpu.memory_space<hbm>>
    %dma_start3A_11 = tpu.memref_squeeze %dma_start3A_10 : memref<1x1x128xi32, #tpu.memory_space<hbm>> -> memref<128xi32, #tpu.memory_space<hbm>>
    %dma_start3A_12 = arith.constant 0 : i32
    %dma_start3A_13 = tpu.memref_slice %arg7[%dma_start3A_5, %dma_start3A_12] : memref<8x128xi32, #tpu.memory_space<vmem>> -> memref<1x128xi32, #tpu.memory_space<vmem>>
    %dma_start3A_14 = tpu.memref_squeeze %dma_start3A_13 : memref<1x128xi32, #tpu.memory_space<vmem>> -> memref<128xi32, #tpu.memory_space<vmem>>
    %dma_start3A_15 = arith.constant 0 : i32
    %dma_start3A_16 = tpu.memref_slice %arg3[%add3A, %dma_start3A, %dma_start3A_15] : memref<32x80x128xi32, #tpu.memory_space<hbm>> -> memref<1x1x128xi32, #tpu.memory_space<hbm>>
    %dma_start3A_17 = tpu.memref_squeeze %dma_start3A_16 : memref<1x1x128xi32, #tpu.memory_space<hbm>> -> memref<128xi32, #tpu.memory_space<hbm>>
    tpu.enqueue_dma source(%dma_start3A_17 : memref<128xi32, #tpu.memory_space<hbm>>) target(%dma_start3A_14 : memref<128xi32, #tpu.memory_space<vmem>>) target_semaphore(%arg12 : memref<!tpu.dma_semaphore, #tpu.memory_space<semaphore_mem>>)
    %dma_start3A_18 = arith.constant 0 : i32
    %dma_start3A_19 = arith.constant 0 : i32
    %dma_start3A_20 = arith.constant 0 : i32
    %dma_start3A_21 = tpu.memref_slice %arg8[%dma_start3A_19, %dma_start3A_20] : memref<8x128xi32, #tpu.memory_space<vmem>> -> memref<1x128xi32, #tpu.memory_space<vmem>>
    %dma_start3A_22 = tpu.memref_squeeze %dma_start3A_21 : memref<1x128xi32, #tpu.memory_space<vmem>> -> memref<128xi32, #tpu.memory_space<vmem>>
    %dma_start3A_23 = arith.constant 0 : i32
    %dma_start3A_24 = tpu.memref_slice %arg4[%add3A, %dma_start3A_18, %dma_start3A_23] : memref<32x80x128xi32, #tpu.memory_space<hbm>> -> memref<1x1x128xi32, #tpu.memory_space<hbm>>
    %dma_start3A_25 = tpu.memref_squeeze %dma_start3A_24 : memref<1x1x128xi32, #tpu.memory_space<hbm>> -> memref<128xi32, #tpu.memory_space<hbm>>
    %dma_start3A_26 = arith.constant 0 : i32
    %dma_start3A_27 = tpu.memref_slice %arg8[%dma_start3A_19, %dma_start3A_26] : memref<8x128xi32, #tpu.memory_space<vmem>> -> memref<1x128xi32, #tpu.memory_space<vmem>>
    %dma_start3A_28 = tpu.memref_squeeze %dma_start3A_27 : memref<1x128xi32, #tpu.memory_space<vmem>> -> memref<128xi32, #tpu.memory_space<vmem>>
    %dma_start3A_29 = arith.constant 0 : i32
    %dma_start3A_30 = tpu.memref_slice %arg4[%add3A, %dma_start3A_18, %dma_start3A_29] : memref<32x80x128xi32, #tpu.memory_space<hbm>> -> memref<1x1x128xi32, #tpu.memory_space<hbm>>
    %dma_start3A_31 = tpu.memref_squeeze %dma_start3A_30 : memref<1x1x128xi32, #tpu.memory_space<hbm>> -> memref<128xi32, #tpu.memory_space<hbm>>
    tpu.enqueue_dma source(%dma_start3A_31 : memref<128xi32, #tpu.memory_space<hbm>>) target(%dma_start3A_28 : memref<128xi32, #tpu.memory_space<vmem>>) target_semaphore(%arg12 : memref<!tpu.dma_semaphore, #tpu.memory_space<semaphore_mem>>)
    %dma_start3A_32 = arith.constant 1 : i32
    %dma_start3A_33 = arith.constant 1 : i32
    %dma_start3A_34 = arith.constant 0 : i32
    %dma_start3A_35 = tpu.memref_slice %arg7[%dma_start3A_33, %dma_start3A_34] : memref<8x128xi32, #tpu.memory_space<vmem>> -> memref<1x128xi32, #tpu.memory_space<vmem>>
    %dma_start3A_36 = tpu.memref_squeeze %dma_start3A_35 : memref<1x128xi32, #tpu.memory_space<vmem>> -> memref<128xi32, #tpu.memory_space<vmem>>
    %dma_start3A_37 = arith.constant 0 : i32
    %dma_start3A_38 = tpu.memref_slice %arg3[%add3A, %dma_start3A_32, %dma_start3A_37] : memref<32x80x128xi32, #tpu.memory_space<hbm>> -> memref<1x1x128xi32, #tpu.memory_space<hbm>>
    %dma_start3A_39 = tpu.memref_squeeze %dma_start3A_38 : memref<1x1x128xi32, #tpu.memory_space<hbm>> -> memref<128xi32, #tpu.memory_space<hbm>>
    %dma_start3A_40 = arith.constant 0 : i32
    %dma_start3A_41 = tpu.memref_slice %arg7[%dma_start3A_33, %dma_start3A_40] : memref<8x128xi32, #tpu.memory_space<vmem>> -> memref<1x128xi32, #tpu.memory_space<vmem>>
    %dma_start3A_42 = tpu.memref_squeeze %dma_start3A_41 : memref<1x128xi32, #tpu.memory_space<vmem>> -> memref<128xi32, #tpu.memory_space<vmem>>
    %dma_start3A_43 = arith.constant 0 : i32
    %dma_start3A_44 = tpu.memref_slice %arg3[%add3A, %dma_start3A_32, %dma_start3A_43] : memref<32x80x128xi32, #tpu.memory_space<hbm>> -> memref<1x1x128xi32, #tpu.memory_space<hbm>>
    %dma_start3A_45 = tpu.memref_squeeze %dma_start3A_44 : memref<1x1x128xi32, #tpu.memory_space<hbm>> -> memref<128xi32, #tpu.memory_space<hbm>>
    tpu.enqueue_dma source(%dma_start3A_45 : memref<128xi32, #tpu.memory_space<hbm>>) target(%dma_start3A_42 : memref<128xi32, #tpu.memory_space<vmem>>) target_semaphore(%arg12 : memref<!tpu.dma_semaphore, #tpu.memory_space<semaphore_mem>>)
    %dma_start3A_46 = arith.constant 1 : i32
    %dma_start3A_47 = arith.constant 1 : i32
    %dma_start3A_48 = arith.constant 0 : i32
    %dma_start3A_49 = tpu.memref_slice %arg8[%dma_start3A_47, %dma_start3A_48] : memref<8x128xi32, #tpu.memory_space<vmem>> -> memref<1x128xi32, #tpu.memory_space<vmem>>
    %dma_start3A_50 = tpu.memref_squeeze %dma_start3A_49 : memref<1x128xi32, #tpu.memory_space<vmem>> -> memref<128xi32, #tpu.memory_space<vmem>>
    %dma_start3A_51 = arith.constant 0 : i32
    %dma_start3A_52 = tpu.memref_slice %arg4[%add3A, %dma_start3A_46, %dma_start3A_51] : memref<32x80x128xi32, #tpu.memory_space<hbm>> -> memref<1x1x128xi32, #tpu.memory_space<hbm>>
    %dma_start3A_53 = tpu.memref_squeeze %dma_start3A_52 : memref<1x1x128xi32, #tpu.memory_space<hbm>> -> memref<128xi32, #tpu.memory_space<hbm>>
    %dma_start3A_54 = arith.constant 0 : i32
    %dma_start3A_55 = tpu.memref_slice %arg8[%dma_start3A_47, %dma_start3A_54] : memref<8x128xi32, #tpu.memory_space<vmem>> -> memref<1x128xi32, #tpu.memory_space<vmem>>
    %dma_start3A_56 = tpu.memref_squeeze %dma_start3A_55 : memref<1x128xi32, #tpu.memory_space<vmem>> -> memref<128xi32, #tpu.memory_space<vmem>>
    %dma_start3A_57 = arith.constant 0 : i32
    %dma_start3A_58 = tpu.memref_slice %arg4[%add3A, %dma_start3A_46, %dma_start3A_57] : memref<32x80x128xi32, #tpu.memory_space<hbm>> -> memref<1x1x128xi32, #tpu.memory_space<hbm>>
    %dma_start3A_59 = tpu.memref_squeeze %dma_start3A_58 : memref<1x1x128xi32, #tpu.memory_space<hbm>> -> memref<128xi32, #tpu.memory_space<hbm>>
    tpu.enqueue_dma source(%dma_start3A_59 : memref<128xi32, #tpu.memory_space<hbm>>) target(%dma_start3A_56 : memref<128xi32, #tpu.memory_space<vmem>>) target_semaphore(%arg12 : memref<!tpu.dma_semaphore, #tpu.memory_space<semaphore_mem>>)
    %dma_start3A_60 = arith.constant 2 : i32
    %dma_start3A_61 = arith.constant 2 : i32
    %dma_start3A_62 = arith.constant 0 : i32
    %dma_start3A_63 = tpu.memref_slice %arg7[%dma_start3A_61, %dma_start3A_62] : memref<8x128xi32, #tpu.memory_space<vmem>> -> memref<1x128xi32, #tpu.memory_space<vmem>>
    %dma_start3A_64 = tpu.memref_squeeze %dma_start3A_63 : memref<1x128xi32, #tpu.memory_space<vmem>> -> memref<128xi32, #tpu.memory_space<vmem>>
    %dma_start3A_65 = arith.constant 0 : i32
    %dma_start3A_66 = tpu.memref_slice %arg3[%add3A, %dma_start3A_60, %dma_start3A_65] : memref<32x80x128xi32, #tpu.memory_space<hbm>> -> memref<1x1x128xi32, #tpu.memory_space<hbm>>
    %dma_start3A_67 = tpu.memref_squeeze %dma_start3A_66 : memref<1x1x128xi32, #tpu.memory_space<hbm>> -> memref<128xi32, #tpu.memory_space<hbm>>
    %dma_start3A_68 = arith.constant 0 : i32
    %dma_start3A_69 = tpu.memref_slice %arg7[%dma_start3A_61, %dma_start3A_68] : memref<8x128xi32, #tpu.memory_space<vmem>> -> memref<1x128xi32, #tpu.memory_space<vmem>>
    %dma_start3A_70 = tpu.memref_squeeze %dma_start3A_69 : memref<1x128xi32, #tpu.memory_space<vmem>> -> memref<128xi32, #tpu.memory_space<vmem>>
    %dma_start3A_71 = arith.constant 0 : i32
    %dma_start3A_72 = tpu.memref_slice %arg3[%add3A, %dma_start3A_60, %dma_start3A_71] : memref<32x80x128xi32, #tpu.memory_space<hbm>> -> memref<1x1x128xi32, #tpu.memory_space<hbm>>
    %dma_start3A_73 = tpu.memref_squeeze %dma_start3A_72 : memref<1x1x128xi32, #tpu.memory_space<hbm>> -> memref<128xi32, #tpu.memory_space<hbm>>
    tpu.enqueue_dma source(%dma_start3A_73 : memref<128xi32, #tpu.memory_space<hbm>>) target(%dma_start3A_70 : memref<128xi32, #tpu.memory_space<vmem>>) target_semaphore(%arg12 : memref<!tpu.dma_semaphore, #tpu.memory_space<semaphore_mem>>)
    %dma_start3A_74 = arith.constant 2 : i32
    %dma_start3A_75 = arith.constant 2 : i32
    %dma_start3A_76 = arith.constant 0 : i32
    %dma_start3A_77 = tpu.memref_slice %arg8[%dma_start3A_75, %dma_start3A_76] : memref<8x128xi32, #tpu.memory_space<vmem>> -> memref<1x128xi32, #tpu.memory_space<vmem>>
    %dma_start3A_78 = tpu.memref_squeeze %dma_start3A_77 : memref<1x128xi32, #tpu.memory_space<vmem>> -> memref<128xi32, #tpu.memory_space<vmem>>
    %dma_start3A_79 = arith.constant 0 : i32
    %dma_start3A_80 = tpu.memref_slice %arg4[%add3A, %dma_start3A_74, %dma_start3A_79] : memref<32x80x128xi32, #tpu.memory_space<hbm>> -> memref<1x1x128xi32, #tpu.memory_space<hbm>>
    %dma_start3A_81 = tpu.memref_squeeze %dma_start3A_80 : memref<1x1x128xi32, #tpu.memory_space<hbm>> -> memref<128xi32, #tpu.memory_space<hbm>>
    %dma_start3A_82 = arith.constant 0 : i32
    %dma_start3A_83 = tpu.memref_slice %arg8[%dma_start3A_75, %dma_start3A_82] : memref<8x128xi32, #tpu.memory_space<vmem>> -> memref<1x128xi32, #tpu.memory_space<vmem>>
    %dma_start3A_84 = tpu.memref_squeeze %dma_start3A_83 : memref<1x128xi32, #tpu.memory_space<vmem>> -> memref<128xi32, #tpu.memory_space<vmem>>
    %dma_start3A_85 = arith.constant 0 : i32
    %dma_start3A_86 = tpu.memref_slice %arg4[%add3A, %dma_start3A_74, %dma_start3A_85] : memref<32x80x128xi32, #tpu.memory_space<hbm>> -> memref<1x1x128xi32, #tpu.memory_space<hbm>>
    %dma_start3A_87 = tpu.memref_squeeze %dma_start3A_86 : memref<1x1x128xi32, #tpu.memory_space<hbm>> -> memref<128xi32, #tpu.memory_space<hbm>>
    tpu.enqueue_dma source(%dma_start3A_87 : memref<128xi32, #tpu.memory_space<hbm>>) target(%dma_start3A_84 : memref<128xi32, #tpu.memory_space<vmem>>) target_semaphore(%arg12 : memref<!tpu.dma_semaphore, #tpu.memory_space<semaphore_mem>>)
    %dma_start3A_88 = arith.constant 3 : i32
    %dma_start3A_89 = arith.constant 3 : i32
    %dma_start3A_90 = arith.constant 0 : i32
    %dma_start3A_91 = tpu.memref_slice %arg7[%dma_start3A_89, %dma_start3A_90] : memref<8x128xi32, #tpu.memory_space<vmem>> -> memref<1x128xi32, #tpu.memory_space<vmem>>
    %dma_start3A_92 = tpu.memref_squeeze %dma_start3A_91 : memref<1x128xi32, #tpu.memory_space<vmem>> -> memref<128xi32, #tpu.memory_space<vmem>>
    %dma_start3A_93 = arith.constant 0 : i32
    %dma_start3A_94 = tpu.memref_slice %arg3[%add3A, %dma_start3A_88, %dma_start3A_93] : memref<32x80x128xi32, #tpu.memory_space<hbm>> -> memref<1x1x128xi32, #tpu.memory_space<hbm>>
    %dma_start3A_95 = tpu.memref_squeeze %dma_start3A_94 : memref<1x1x128xi32, #tpu.memory_space<hbm>> -> memref<128xi32, #tpu.memory_space<hbm>>
    %dma_start3A_96 = arith.constant 0 : i32
    %dma_start3A_97 = tpu.memref_slice %arg7[%dma_start3A_89, %dma_start3A_96] : memref<8x128xi32, #tpu.memory_space<vmem>> -> memref<1x128xi32, #tpu.memory_space<vmem>>
    %dma_start3A_98 = tpu.memref_squeeze %dma_start3A_97 : memref<1x128xi32, #tpu.memory_space<vmem>> -> memref<128xi32, #tpu.memory_space<vmem>>
    %dma_start3A_99 = arith.constant 0 : i32
    %dma_start3A_100 = tpu.memref_slice %arg3[%add3A, %dma_start3A_88, %dma_start3A_99] : memref<32x80x128xi32, #tpu.memory_space<hbm>> -> memref<1x1x128xi32, #tpu.memory_space<hbm>>
    %dma_start3A_101 = tpu.memref_squeeze %dma_start3A_100 : memref<1x1x128xi32, #tpu.memory_space<hbm>> -> memref<128xi32, #tpu.memory_space<hbm>>
    tpu.enqueue_dma source(%dma_start3A_101 : memref<128xi32, #tpu.memory_space<hbm>>) target(%dma_start3A_98 : memref<128xi32, #tpu.memory_space<vmem>>) target_semaphore(%arg12 : memref<!tpu.dma_semaphore, #tpu.memory_space<semaphore_mem>>)
    %dma_start3A_102 = arith.constant 3 : i32
    %dma_start3A_103 = arith.constant 3 : i32
    %dma_start3A_104 = arith.constant 0 : i32
    %dma_start3A_105 = tpu.memref_slice %arg8[%dma_start3A_103, %dma_start3A_104] : memref<8x128xi32, #tpu.memory_space<vmem>> -> memref<1x128xi32, #tpu.memory_space<vmem>>
    %dma_start3A_106 = tpu.memref_squeeze %dma_start3A_105 : memref<1x128xi32, #tpu.memory_space<vmem>> -> memref<128xi32, #tpu.memory_space<vmem>>
    %dma_start3A_107 = arith.constant 0 : i32
    %dma_start3A_108 = tpu.memref_slice %arg4[%add3A, %dma_start3A_102, %dma_start3A_107] : memref<32x80x128xi32, #tpu.memory_space<hbm>> -> memref<1x1x128xi32, #tpu.memory_space<hbm>>
    %dma_start3A_109 = tpu.memref_squeeze %dma_start3A_108 : memref<1x1x128xi32, #tpu.memory_space<hbm>> -> memref<128xi32, #tpu.memory_space<hbm>>
    %dma_start3A_110 = arith.constant 0 : i32
    %dma_start3A_111 = tpu.memref_slice %arg8[%dma_start3A_103, %dma_start3A_110] : memref<8x128xi32, #tpu.memory_space<vmem>> -> memref<1x128xi32, #tpu.memory_space<vmem>>
    %dma_start3A_112 = tpu.memref_squeeze %dma_start3A_111 : memref<1x128xi32, #tpu.memory_space<vmem>> -> memref<128xi32, #tpu.memory_space<vmem>>
    %dma_start3A_113 = arith.constant 0 : i32
    %dma_start3A_114 = tpu.memref_slice %arg4[%add3A, %dma_start3A_102, %dma_start3A_113] : memref<32x80x128xi32, #tpu.memory_space<hbm>> -> memref<1x1x128xi32, #tpu.memory_space<hbm>>
    %dma_start3A_115 = tpu.memref_squeeze %dma_start3A_114 : memref<1x1x128xi32, #tpu.memory_space<hbm>> -> memref<128xi32, #tpu.memory_space<hbm>>
    tpu.enqueue_dma source(%dma_start3A_115 : memref<128xi32, #tpu.memory_space<hbm>>) target(%dma_start3A_112 : memref<128xi32, #tpu.memory_space<vmem>>) target_semaphore(%arg12 : memref<!tpu.dma_semaphore, #tpu.memory_space<semaphore_mem>>)
    %dma_start3A_116 = arith.constant 4 : i32
    %dma_start3A_117 = arith.constant 4 : i32
    %dma_start3A_118 = arith.constant 0 : i32
    %dma_start3A_119 = tpu.memref_slice %arg7[%dma_start3A_117, %dma_start3A_118] : memref<8x128xi32, #tpu.memory_space<vmem>> -> memref<1x128xi32, #tpu.memory_space<vmem>>
    %dma_start3A_120 = tpu.memref_squeeze %dma_start3A_119 : memref<1x128xi32, #tpu.memory_space<vmem>> -> memref<128xi32, #tpu.memory_space<vmem>>
    %dma_start3A_121 = arith.constant 0 : i32
    %dma_start3A_122 = tpu.memref_slice %arg3[%add3A, %dma_start3A_116, %dma_start3A_121] : memref<32x80x128xi32, #tpu.memory_space<hbm>> -> memref<1x1x128xi32, #tpu.memory_space<hbm>>
    %dma_start3A_123 = tpu.memref_squeeze %dma_start3A_122 : memref<1x1x128xi32, #tpu.memory_space<hbm>> -> memref<128xi32, #tpu.memory_space<hbm>>
    %dma_start3A_124 = arith.constant 0 : i32
    %dma_start3A_125 = tpu.memref_slice %arg7[%dma_start3A_117, %dma_start3A_124] : memref<8x128xi32, #tpu.memory_space<vmem>> -> memref<1x128xi32, #tpu.memory_space<vmem>>
    %dma_start3A_126 = tpu.memref_squeeze %dma_start3A_125 : memref<1x128xi32, #tpu.memory_space<vmem>> -> memref<128xi32, #tpu.memory_space<vmem>>
    %dma_start3A_127 = arith.constant 0 : i32
    %dma_start3A_128 = tpu.memref_slice %arg3[%add3A, %dma_start3A_116, %dma_start3A_127] : memref<32x80x128xi32, #tpu.memory_space<hbm>> -> memref<1x1x128xi32, #tpu.memory_space<hbm>>
    %dma_start3A_129 = tpu.memref_squeeze %dma_start3A_128 : memref<1x1x128xi32, #tpu.memory_space<hbm>> -> memref<128xi32, #tpu.memory_space<hbm>>
    tpu.enqueue_dma source(%dma_start3A_129 : memref<128xi32, #tpu.memory_space<hbm>>) target(%dma_start3A_126 : memref<128xi32, #tpu.memory_space<vmem>>) target_semaphore(%arg12 : memref<!tpu.dma_semaphore, #tpu.memory_space<semaphore_mem>>)
    %dma_start3A_130 = arith.constant 4 : i32
    %dma_start3A_131 = arith.constant 4 : i32
    %dma_start3A_132 = arith.constant 0 : i32
    %dma_start3A_133 = tpu.memref_slice %arg8[%dma_start3A_131, %dma_start3A_132] : memref<8x128xi32, #tpu.memory_space<vmem>> -> memref<1x128xi32, #tpu.memory_space<vmem>>
    %dma_start3A_134 = tpu.memref_squeeze %dma_start3A_133 : memref<1x128xi32, #tpu.memory_space<vmem>> -> memref<128xi32, #tpu.memory_space<vmem>>
    %dma_start3A_135 = arith.constant 0 : i32
    %dma_start3A_136 = tpu.memref_slice %arg4[%add3A, %dma_start3A_130, %dma_start3A_135] : memref<32x80x128xi32, #tpu.memory_space<hbm>> -> memref<1x1x128xi32, #tpu.memory_space<hbm>>
    %dma_start3A_137 = tpu.memref_squeeze %dma_start3A_136 : memref<1x1x128xi32, #tpu.memory_space<hbm>> -> memref<128xi32, #tpu.memory_space<hbm>>
    %dma_start3A_138 = arith.constant 0 : i32
    %dma_start3A_139 = tpu.memref_slice %arg8[%dma_start3A_131, %dma_start3A_138] : memref<8x128xi32, #tpu.memory_space<vmem>> -> memref<1x128xi32, #tpu.memory_space<vmem>>
    %dma_start3A_140 = tpu.memref_squeeze %dma_start3A_139 : memref<1x128xi32, #tpu.memory_space<vmem>> -> memref<128xi32, #tpu.memory_space<vmem>>
    %dma_start3A_141 = arith.constant 0 : i32
    %dma_start3A_142 = tpu.memref_slice %arg4[%add3A, %dma_start3A_130, %dma_start3A_141] : memref<32x80x128xi32, #tpu.memory_space<hbm>> -> memref<1x1x128xi32, #tpu.memory_space<hbm>>
    %dma_start3A_143 = tpu.memref_squeeze %dma_start3A_142 : memref<1x1x128xi32, #tpu.memory_space<hbm>> -> memref<128xi32, #tpu.memory_space<hbm>>
    tpu.enqueue_dma source(%dma_start3A_143 : memref<128xi32, #tpu.memory_space<hbm>>) target(%dma_start3A_140 : memref<128xi32, #tpu.memory_space<vmem>>) target_semaphore(%arg12 : memref<!tpu.dma_semaphore, #tpu.memory_space<semaphore_mem>>)
    %dma_start3A_144 = arith.constant 5 : i32
    %dma_start3A_145 = arith.constant 5 : i32
    %dma_start3A_146 = arith.constant 0 : i32
    %dma_start3A_147 = tpu.memref_slice %arg7[%dma_start3A_145, %dma_start3A_146] : memref<8x128xi32, #tpu.memory_space<vmem>> -> memref<1x128xi32, #tpu.memory_space<vmem>>
    %dma_start3A_148 = tpu.memref_squeeze %dma_start3A_147 : memref<1x128xi32, #tpu.memory_space<vmem>> -> memref<128xi32, #tpu.memory_space<vmem>>
    %dma_start3A_149 = arith.constant 0 : i32
    %dma_start3A_150 = tpu.memref_slice %arg3[%add3A, %dma_start3A_144, %dma_start3A_149] : memref<32x80x128xi32, #tpu.memory_space<hbm>> -> memref<1x1x128xi32, #tpu.memory_space<hbm>>
    %dma_start3A_151 = tpu.memref_squeeze %dma_start3A_150 : memref<1x1x128xi32, #tpu.memory_space<hbm>> -> memref<128xi32, #tpu.memory_space<hbm>>
    %dma_start3A_152 = arith.constant 0 : i32
    %dma_start3A_153 = tpu.memref_slice %arg7[%dma_start3A_145, %dma_start3A_152] : memref<8x128xi32, #tpu.memory_space<vmem>> -> memref<1x128xi32, #tpu.memory_space<vmem>>
    %dma_start3A_154 = tpu.memref_squeeze %dma_start3A_153 : memref<1x128xi32, #tpu.memory_space<vmem>> -> memref<128xi32, #tpu.memory_space<vmem>>
    %dma_start3A_155 = arith.constant 0 : i32
    %dma_start3A_156 = tpu.memref_slice %arg3[%add3A, %dma_start3A_144, %dma_start3A_155] : memref<32x80x128xi32, #tpu.memory_space<hbm>> -> memref<1x1x128xi32, #tpu.memory_space<hbm>>
    %dma_start3A_157 = tpu.memref_squeeze %dma_start3A_156 : memref<1x1x128xi32, #tpu.memory_space<hbm>> -> memref<128xi32, #tpu.memory_space<hbm>>
    tpu.enqueue_dma source(%dma_start3A_157 : memref<128xi32, #tpu.memory_space<hbm>>) target(%dma_start3A_154 : memref<128xi32, #tpu.memory_space<vmem>>) target_semaphore(%arg12 : memref<!tpu.dma_semaphore, #tpu.memory_space<semaphore_mem>>)
    %dma_start3A_158 = arith.constant 5 : i32
    %dma_start3A_159 = arith.constant 5 : i32
    %dma_start3A_160 = arith.constant 0 : i32
    %dma_start3A_161 = tpu.memref_slice %arg8[%dma_start3A_159, %dma_start3A_160] : memref<8x128xi32, #tpu.memory_space<vmem>> -> memref<1x128xi32, #tpu.memory_space<vmem>>
    %dma_start3A_162 = tpu.memref_squeeze %dma_start3A_161 : memref<1x128xi32, #tpu.memory_space<vmem>> -> memref<128xi32, #tpu.memory_space<vmem>>
    %dma_start3A_163 = arith.constant 0 : i32
    %dma_start3A_164 = tpu.memref_slice %arg4[%add3A, %dma_start3A_158, %dma_start3A_163] : memref<32x80x128xi32, #tpu.memory_space<hbm>> -> memref<1x1x128xi32, #tpu.memory_space<hbm>>
    %dma_start3A_165 = tpu.memref_squeeze %dma_start3A_164 : memref<1x1x128xi32, #tpu.memory_space<hbm>> -> memref<128xi32, #tpu.memory_space<hbm>>
    %dma_start3A_166 = arith.constant 0 : i32
    %dma_start3A_167 = tpu.memref_slice %arg8[%dma_start3A_159, %dma_start3A_166] : memref<8x128xi32, #tpu.memory_space<vmem>> -> memref<1x128xi32, #tpu.memory_space<vmem>>
    %dma_start3A_168 = tpu.memref_squeeze %dma_start3A_167 : memref<1x128xi32, #tpu.memory_space<vmem>> -> memref<128xi32, #tpu.memory_space<vmem>>
    %dma_start3A_169 = arith.constant 0 : i32
    %dma_start3A_170 = tpu.memref_slice %arg4[%add3A, %dma_start3A_158, %dma_start3A_169] : memref<32x80x128xi32, #tpu.memory_space<hbm>> -> memref<1x1x128xi32, #tpu.memory_space<hbm>>
    %dma_start3A_171 = tpu.memref_squeeze %dma_start3A_170 : memref<1x1x128xi32, #tpu.memory_space<hbm>> -> memref<128xi32, #tpu.memory_space<hbm>>
    tpu.enqueue_dma source(%dma_start3A_171 : memref<128xi32, #tpu.memory_space<hbm>>) target(%dma_start3A_168 : memref<128xi32, #tpu.memory_space<vmem>>) target_semaphore(%arg12 : memref<!tpu.dma_semaphore, #tpu.memory_space<semaphore_mem>>)
    %dma_start3A_172 = arith.constant 6 : i32
    %dma_start3A_173 = arith.constant 6 : i32
    %dma_start3A_174 = arith.constant 0 : i32
    %dma_start3A_175 = tpu.memref_slice %arg7[%dma_start3A_173, %dma_start3A_174] : memref<8x128xi32, #tpu.memory_space<vmem>> -> memref<1x128xi32, #tpu.memory_space<vmem>>
    %dma_start3A_176 = tpu.memref_squeeze %dma_start3A_175 : memref<1x128xi32, #tpu.memory_space<vmem>> -> memref<128xi32, #tpu.memory_space<vmem>>
    %dma_start3A_177 = arith.constant 0 : i32
    %dma_start3A_178 = tpu.memref_slice %arg3[%add3A, %dma_start3A_172, %dma_start3A_177] : memref<32x80x128xi32, #tpu.memory_space<hbm>> -> memref<1x1x128xi32, #tpu.memory_space<hbm>>
    %dma_start3A_179 = tpu.memref_squeeze %dma_start3A_178 : memref<1x1x128xi32, #tpu.memory_space<hbm>> -> memref<128xi32, #tpu.memory_space<hbm>>
    %dma_start3A_180 = arith.constant 0 : i32
    %dma_start3A_181 = tpu.memref_slice %arg7[%dma_start3A_173, %dma_start3A_180] : memref<8x128xi32, #tpu.memory_space<vmem>> -> memref<1x128xi32, #tpu.memory_space<vmem>>
    %dma_start3A_182 = tpu.memref_squeeze %dma_start3A_181 : memref<1x128xi32, #tpu.memory_space<vmem>> -> memref<128xi32, #tpu.memory_space<vmem>>
    %dma_start3A_183 = arith.constant 0 : i32
    %dma_start3A_184 = tpu.memref_slice %arg3[%add3A, %dma_start3A_172, %dma_start3A_183] : memref<32x80x128xi32, #tpu.memory_space<hbm>> -> memref<1x1x128xi32, #tpu.memory_space<hbm>>
    %dma_start3A_185 = tpu.memref_squeeze %dma_start3A_184 : memref<1x1x128xi32, #tpu.memory_space<hbm>> -> memref<128xi32, #tpu.memory_space<hbm>>
    tpu.enqueue_dma source(%dma_start3A_185 : memref<128xi32, #tpu.memory_space<hbm>>) target(%dma_start3A_182 : memref<128xi32, #tpu.memory_space<vmem>>) target_semaphore(%arg12 : memref<!tpu.dma_semaphore, #tpu.memory_space<semaphore_mem>>)
    %dma_start3A_186 = arith.constant 6 : i32
    %dma_start3A_187 = arith.constant 6 : i32
    %dma_start3A_188 = arith.constant 0 : i32
    %dma_start3A_189 = tpu.memref_slice %arg8[%dma_start3A_187, %dma_start3A_188] : memref<8x128xi32, #tpu.memory_space<vmem>> -> memref<1x128xi32, #tpu.memory_space<vmem>>
    %dma_start3A_190 = tpu.memref_squeeze %dma_start3A_189 : memref<1x128xi32, #tpu.memory_space<vmem>> -> memref<128xi32, #tpu.memory_space<vmem>>
    %dma_start3A_191 = arith.constant 0 : i32
    %dma_start3A_192 = tpu.memref_slice %arg4[%add3A, %dma_start3A_186, %dma_start3A_191] : memref<32x80x128xi32, #tpu.memory_space<hbm>> -> memref<1x1x128xi32, #tpu.memory_space<hbm>>
    %dma_start3A_193 = tpu.memref_squeeze %dma_start3A_192 : memref<1x1x128xi32, #tpu.memory_space<hbm>> -> memref<128xi32, #tpu.memory_space<hbm>>
    %dma_start3A_194 = arith.constant 0 : i32
    %dma_start3A_195 = tpu.memref_slice %arg8[%dma_start3A_187, %dma_start3A_194] : memref<8x128xi32, #tpu.memory_space<vmem>> -> memref<1x128xi32, #tpu.memory_space<vmem>>
    %dma_start3A_196 = tpu.memref_squeeze %dma_start3A_195 : memref<1x128xi32, #tpu.memory_space<vmem>> -> memref<128xi32, #tpu.memory_space<vmem>>
    %dma_start3A_197 = arith.constant 0 : i32
    %dma_start3A_198 = tpu.memref_slice %arg4[%add3A, %dma_start3A_186, %dma_start3A_197] : memref<32x80x128xi32, #tpu.memory_space<hbm>> -> memref<1x1x128xi32, #tpu.memory_space<hbm>>
    %dma_start3A_199 = tpu.memref_squeeze %dma_start3A_198 : memref<1x1x128xi32, #tpu.memory_space<hbm>> -> memref<128xi32, #tpu.memory_space<hbm>>
    tpu.enqueue_dma source(%dma_start3A_199 : memref<128xi32, #tpu.memory_space<hbm>>) target(%dma_start3A_196 : memref<128xi32, #tpu.memory_space<vmem>>) target_semaphore(%arg12 : memref<!tpu.dma_semaphore, #tpu.memory_space<semaphore_mem>>)
    %dma_start3A_200 = arith.constant 7 : i32
    %dma_start3A_201 = arith.constant 7 : i32
    %dma_start3A_202 = arith.constant 0 : i32
    %dma_start3A_203 = tpu.memref_slice %arg7[%dma_start3A_201, %dma_start3A_202] : memref<8x128xi32, #tpu.memory_space<vmem>> -> memref<1x128xi32, #tpu.memory_space<vmem>>
    %dma_start3A_204 = tpu.memref_squeeze %dma_start3A_203 : memref<1x128xi32, #tpu.memory_space<vmem>> -> memref<128xi32, #tpu.memory_space<vmem>>
    %dma_start3A_205 = arith.constant 0 : i32
    %dma_start3A_206 = tpu.memref_slice %arg3[%add3A, %dma_start3A_200, %dma_start3A_205] : memref<32x80x128xi32, #tpu.memory_space<hbm>> -> memref<1x1x128xi32, #tpu.memory_space<hbm>>
    %dma_start3A_207 = tpu.memref_squeeze %dma_start3A_206 : memref<1x1x128xi32, #tpu.memory_space<hbm>> -> memref<128xi32, #tpu.memory_space<hbm>>
    %dma_start3A_208 = arith.constant 0 : i32
    %dma_start3A_209 = tpu.memref_slice %arg7[%dma_start3A_201, %dma_start3A_208] : memref<8x128xi32, #tpu.memory_space<vmem>> -> memref<1x128xi32, #tpu.memory_space<vmem>>
    %dma_start3A_210 = tpu.memref_squeeze %dma_start3A_209 : memref<1x128xi32, #tpu.memory_space<vmem>> -> memref<128xi32, #tpu.memory_space<vmem>>
    %dma_start3A_211 = arith.constant 0 : i32
    %dma_start3A_212 = tpu.memref_slice %arg3[%add3A, %dma_start3A_200, %dma_start3A_211] : memref<32x80x128xi32, #tpu.memory_space<hbm>> -> memref<1x1x128xi32, #tpu.memory_space<hbm>>
    %dma_start3A_213 = tpu.memref_squeeze %dma_start3A_212 : memref<1x1x128xi32, #tpu.memory_space<hbm>> -> memref<128xi32, #tpu.memory_space<hbm>>
    tpu.enqueue_dma source(%dma_start3A_213 : memref<128xi32, #tpu.memory_space<hbm>>) target(%dma_start3A_210 : memref<128xi32, #tpu.memory_space<vmem>>) target_semaphore(%arg12 : memref<!tpu.dma_semaphore, #tpu.memory_space<semaphore_mem>>)
    %dma_start3A_214 = arith.constant 7 : i32
    %dma_start3A_215 = arith.constant 7 : i32
    %dma_start3A_216 = arith.constant 0 : i32
    %dma_start3A_217 = tpu.memref_slice %arg8[%dma_start3A_215, %dma_start3A_216] : memref<8x128xi32, #tpu.memory_space<vmem>> -> memref<1x128xi32, #tpu.memory_space<vmem>>
    %dma_start3A_218 = tpu.memref_squeeze %dma_start3A_217 : memref<1x128xi32, #tpu.memory_space<vmem>> -> memref<128xi32, #tpu.memory_space<vmem>>
    %dma_start3A_219 = arith.constant 0 : i32
    %dma_start3A_220 = tpu.memref_slice %arg4[%add3A, %dma_start3A_214, %dma_start3A_219] : memref<32x80x128xi32, #tpu.memory_space<hbm>> -> memref<1x1x128xi32, #tpu.memory_space<hbm>>
    %dma_start3A_221 = tpu.memref_squeeze %dma_start3A_220 : memref<1x1x128xi32, #tpu.memory_space<hbm>> -> memref<128xi32, #tpu.memory_space<hbm>>
    %dma_start3A_222 = arith.constant 0 : i32
    %dma_start3A_223 = tpu.memref_slice %arg8[%dma_start3A_215, %dma_start3A_222] : memref<8x128xi32, #tpu.memory_space<vmem>> -> memref<1x128xi32, #tpu.memory_space<vmem>>
    %dma_start3A_224 = tpu.memref_squeeze %dma_start3A_223 : memref<1x128xi32, #tpu.memory_space<vmem>> -> memref<128xi32, #tpu.memory_space<vmem>>
    %dma_start3A_225 = arith.constant 0 : i32
    %dma_start3A_226 = tpu.memref_slice %arg4[%add3A, %dma_start3A_214, %dma_start3A_225] : memref<32x80x128xi32, #tpu.memory_space<hbm>> -> memref<1x1x128xi32, #tpu.memory_space<hbm>>
    %dma_start3A_227 = tpu.memref_squeeze %dma_start3A_226 : memref<1x1x128xi32, #tpu.memory_space<hbm>> -> memref<128xi32, #tpu.memory_space<hbm>>
    tpu.enqueue_dma source(%dma_start3A_227 : memref<128xi32, #tpu.memory_space<hbm>>) target(%dma_start3A_224 : memref<128xi32, #tpu.memory_space<vmem>>) target_semaphore(%arg12 : memref<!tpu.dma_semaphore, #tpu.memory_space<semaphore_mem>>)
    %barrier3A = arith.constant 0 : index
    tpu.barrier barrier_id(%barrier3A)
    %dma_wait3A = arith.constant 0 : i32
    %dma_wait3A_228 = arith.constant 0 : i32
    %dma_wait3A_229 = arith.constant 0 : i32
    %dma_wait3A_230 = tpu.memref_slice %arg7[%dma_wait3A_228, %dma_wait3A_229] : memref<8x128xi32, #tpu.memory_space<vmem>> -> memref<1x128xi32, #tpu.memory_space<vmem>>
    %dma_wait3A_231 = tpu.memref_squeeze %dma_wait3A_230 : memref<1x128xi32, #tpu.memory_space<vmem>> -> memref<128xi32, #tpu.memory_space<vmem>>
    %dma_wait3A_232 = arith.constant 0 : i32
    %dma_wait3A_233 = tpu.memref_slice %arg3[%add3A, %dma_wait3A, %dma_wait3A_232] : memref<32x80x128xi32, #tpu.memory_space<hbm>> -> memref<1x1x128xi32, #tpu.memory_space<hbm>>
    %dma_wait3A_234 = tpu.memref_squeeze %dma_wait3A_233 : memref<1x1x128xi32, #tpu.memory_space<hbm>> -> memref<128xi32, #tpu.memory_space<hbm>>
    %dma_wait3A_235 = arith.constant 0 : i32
    %dma_wait3A_236 = tpu.memref_slice %arg7[%dma_wait3A_228, %dma_wait3A_235] : memref<8x128xi32, #tpu.memory_space<vmem>> -> memref<1x128xi32, #tpu.memory_space<vmem>>
    %dma_wait3A_237 = tpu.memref_squeeze %dma_wait3A_236 : memref<1x128xi32, #tpu.memory_space<vmem>> -> memref<128xi32, #tpu.memory_space<vmem>>
    %dma_wait3A_238 = arith.constant 0 : i32
    %dma_wait3A_239 = tpu.memref_slice %arg3[%add3A, %dma_wait3A, %dma_wait3A_238] : memref<32x80x128xi32, #tpu.memory_space<hbm>> -> memref<1x1x128xi32, #tpu.memory_space<hbm>>
    %dma_wait3A_240 = tpu.memref_squeeze %dma_wait3A_239 : memref<1x1x128xi32, #tpu.memory_space<hbm>> -> memref<128xi32, #tpu.memory_space<hbm>>
    tpu.wait_dma2 semaphore(%arg12 : memref<!tpu.dma_semaphore, #tpu.memory_space<semaphore_mem>>) src(%dma_wait3A_240 : memref<128xi32, #tpu.memory_space<hbm>>) dst(%dma_wait3A_237 : memref<128xi32, #tpu.memory_space<vmem>>)
    %dma_wait3A_241 = arith.constant 0 : i32
    %dma_wait3A_242 = arith.constant 0 : i32
    %dma_wait3A_243 = arith.constant 0 : i32
    %dma_wait3A_244 = tpu.memref_slice %arg8[%dma_wait3A_242, %dma_wait3A_243] : memref<8x128xi32, #tpu.memory_space<vmem>> -> memref<1x128xi32, #tpu.memory_space<vmem>>
    %dma_wait3A_245 = tpu.memref_squeeze %dma_wait3A_244 : memref<1x128xi32, #tpu.memory_space<vmem>> -> memref<128xi32, #tpu.memory_space<vmem>>
    %dma_wait3A_246 = arith.constant 0 : i32
    %dma_wait3A_247 = tpu.memref_slice %arg4[%add3A, %dma_wait3A_241, %dma_wait3A_246] : memref<32x80x128xi32, #tpu.memory_space<hbm>> -> memref<1x1x128xi32, #tpu.memory_space<hbm>>
    %dma_wait3A_248 = tpu.memref_squeeze %dma_wait3A_247 : memref<1x1x128xi32, #tpu.memory_space<hbm>> -> memref<128xi32, #tpu.memory_space<hbm>>
    %dma_wait3A_249 = arith.constant 0 : i32
    %dma_wait3A_250 = tpu.memref_slice %arg8[%dma_wait3A_242, %dma_wait3A_249] : memref<8x128xi32, #tpu.memory_space<vmem>> -> memref<1x128xi32, #tpu.memory_space<vmem>>
    %dma_wait3A_251 = tpu.memref_squeeze %dma_wait3A_250 : memref<1x128xi32, #tpu.memory_space<vmem>> -> memref<128xi32, #tpu.memory_space<vmem>>
    %dma_wait3A_252 = arith.constant 0 : i32
    %dma_wait3A_253 = tpu.memref_slice %arg4[%add3A, %dma_wait3A_241, %dma_wait3A_252] : memref<32x80x128xi32, #tpu.memory_space<hbm>> -> memref<1x1x128xi32, #tpu.memory_space<hbm>>
    %dma_wait3A_254 = tpu.memref_squeeze %dma_wait3A_253 : memref<1x1x128xi32, #tpu.memory_space<hbm>> -> memref<128xi32, #tpu.memory_space<hbm>>
    tpu.wait_dma2 semaphore(%arg12 : memref<!tpu.dma_semaphore, #tpu.memory_space<semaphore_mem>>) src(%dma_wait3A_254 : memref<128xi32, #tpu.memory_space<hbm>>) dst(%dma_wait3A_251 : memref<128xi32, #tpu.memory_space<vmem>>)
    %dma_start3A_255 = arith.constant 0 : i32
    %dma_start3A_256 = arith.constant 0 : i32
    %dma_start3A_257 = arith.constant 0 : i32
    %dma_start3A_258 = arith.constant 0 : i32
    %dma_start3A_259 = tpu.memref_slice %arg9[%dma_start3A_256, %dma_start3A_257, %dma_start3A_258] : memref<2x128x128xf32, #tpu.memory_space<vmem>> -> memref<1x128x128xf32, #tpu.memory_space<vmem>>
    %dma_start3A_260 = tpu.memref_squeeze %dma_start3A_259 : memref<1x128x128xf32, #tpu.memory_space<vmem>> -> memref<128x128xf32, #tpu.memory_space<vmem>>
    %dma_start3A_261 = arith.constant 0 : i32
    %dma_start3A_262 = tpu.memref_slice %arg7[%dma_start3A_255, %dma_start3A_261] : memref<8x128xi32, #tpu.memory_space<vmem>> -> memref<1x128xi32, #tpu.memory_space<vmem>>
    %dma_start3A_263 = tpu.memref_squeeze %dma_start3A_262 : memref<1x128xi32, #tpu.memory_space<vmem>> -> memref<128xi32, #tpu.memory_space<vmem>>
    %dma_start3A_264 = arith.constant 0 : i32
    %dma_start3A_265 = arith.constant 0 : i32
    %dma_start3A_266 = tpu.memref_slice %arg2[%dma_start3A_264, %dma_start3A_265] : memref<10240x128xf32, #tpu.memory_space<hbm>> -> memref<10240x128xf32, #tpu.memory_space<hbm>>
    tpu.enqueue_indirect_dma source(%dma_start3A_266 : memref<10240x128xf32, #tpu.memory_space<hbm>>) target(%dma_start3A_260 : memref<128x128xf32, #tpu.memory_space<vmem>>) offsets(%dma_start3A_263 : memref<128xi32, #tpu.memory_space<vmem>>) semaphore(%arg11 : memref<!tpu.dma_semaphore, #tpu.memory_space<semaphore_mem>>)
    %dma_wait3A_267 = arith.constant 1 : i32
    %dma_wait3A_268 = arith.constant 1 : i32
    %dma_wait3A_269 = arith.constant 0 : i32
    %dma_wait3A_270 = tpu.memref_slice %arg7[%dma_wait3A_268, %dma_wait3A_269] : memref<8x128xi32, #tpu.memory_space<vmem>> -> memref<1x128xi32, #tpu.memory_space<vmem>>
    %dma_wait3A_271 = tpu.memref_squeeze %dma_wait3A_270 : memref<1x128xi32, #tpu.memory_space<vmem>> -> memref<128xi32, #tpu.memory_space<vmem>>
    %dma_wait3A_272 = arith.constant 0 : i32
    %dma_wait3A_273 = tpu.memref_slice %arg3[%add3A, %dma_wait3A_267, %dma_wait3A_272] : memref<32x80x128xi32, #tpu.memory_space<hbm>> -> memref<1x1x128xi32, #tpu.memory_space<hbm>>
    %dma_wait3A_274 = tpu.memref_squeeze %dma_wait3A_273 : memref<1x1x128xi32, #tpu.memory_space<hbm>> -> memref<128xi32, #tpu.memory_space<hbm>>
    %dma_wait3A_275 = arith.constant 0 : i32
    %dma_wait3A_276 = tpu.memref_slice %arg7[%dma_wait3A_268, %dma_wait3A_275] : memref<8x128xi32, #tpu.memory_space<vmem>> -> memref<1x128xi32, #tpu.memory_space<vmem>>
    %dma_wait3A_277 = tpu.memref_squeeze %dma_wait3A_276 : memref<1x128xi32, #tpu.memory_space<vmem>> -> memref<128xi32, #tpu.memory_space<vmem>>
    %dma_wait3A_278 = arith.constant 0 : i32
    %dma_wait3A_279 = tpu.memref_slice %arg3[%add3A, %dma_wait3A_267, %dma_wait3A_278] : memref<32x80x128xi32, #tpu.memory_space<hbm>> -> memref<1x1x128xi32, #tpu.memory_space<hbm>>
    %dma_wait3A_280 = tpu.memref_squeeze %dma_wait3A_279 : memref<1x1x128xi32, #tpu.memory_space<hbm>> -> memref<128xi32, #tpu.memory_space<hbm>>
    tpu.wait_dma2 semaphore(%arg12 : memref<!tpu.dma_semaphore, #tpu.memory_space<semaphore_mem>>) src(%dma_wait3A_280 : memref<128xi32, #tpu.memory_space<hbm>>) dst(%dma_wait3A_277 : memref<128xi32, #tpu.memory_space<vmem>>)
    %dma_wait3A_281 = arith.constant 1 : i32
    %dma_wait3A_282 = arith.constant 1 : i32
    %dma_wait3A_283 = arith.constant 0 : i32
    %dma_wait3A_284 = tpu.memref_slice %arg8[%dma_wait3A_282, %dma_wait3A_283] : memref<8x128xi32, #tpu.memory_space<vmem>> -> memref<1x128xi32, #tpu.memory_space<vmem>>
    %dma_wait3A_285 = tpu.memref_squeeze %dma_wait3A_284 : memref<1x128xi32, #tpu.memory_space<vmem>> -> memref<128xi32, #tpu.memory_space<vmem>>
    %dma_wait3A_286 = arith.constant 0 : i32
    %dma_wait3A_287 = tpu.memref_slice %arg4[%add3A, %dma_wait3A_281, %dma_wait3A_286] : memref<32x80x128xi32, #tpu.memory_space<hbm>> -> memref<1x1x128xi32, #tpu.memory_space<hbm>>
    %dma_wait3A_288 = tpu.memref_squeeze %dma_wait3A_287 : memref<1x1x128xi32, #tpu.memory_space<hbm>> -> memref<128xi32, #tpu.memory_space<hbm>>
    %dma_wait3A_289 = arith.constant 0 : i32
    %dma_wait3A_290 = tpu.memref_slice %arg8[%dma_wait3A_282, %dma_wait3A_289] : memref<8x128xi32, #tpu.memory_space<vmem>> -> memref<1x128xi32, #tpu.memory_space<vmem>>
    %dma_wait3A_291 = tpu.memref_squeeze %dma_wait3A_290 : memref<1x128xi32, #tpu.memory_space<vmem>> -> memref<128xi32, #tpu.memory_space<vmem>>
    %dma_wait3A_292 = arith.constant 0 : i32
    %dma_wait3A_293 = tpu.memref_slice %arg4[%add3A, %dma_wait3A_281, %dma_wait3A_292] : memref<32x80x128xi32, #tpu.memory_space<hbm>> -> memref<1x1x128xi32, #tpu.memory_space<hbm>>
    %dma_wait3A_294 = tpu.memref_squeeze %dma_wait3A_293 : memref<1x1x128xi32, #tpu.memory_space<hbm>> -> memref<128xi32, #tpu.memory_space<hbm>>
    tpu.wait_dma2 semaphore(%arg12 : memref<!tpu.dma_semaphore, #tpu.memory_space<semaphore_mem>>) src(%dma_wait3A_294 : memref<128xi32, #tpu.memory_space<hbm>>) dst(%dma_wait3A_291 : memref<128xi32, #tpu.memory_space<vmem>>)
    %dma_start3A_295 = arith.constant 1 : i32
    %dma_start3A_296 = arith.constant 1 : i32
    %dma_start3A_297 = arith.constant 0 : i32
    %dma_start3A_298 = arith.constant 0 : i32
    %dma_start3A_299 = tpu.memref_slice %arg9[%dma_start3A_296, %dma_start3A_297, %dma_start3A_298] : memref<2x128x128xf32, #tpu.memory_space<vmem>> -> memref<1x128x128xf32, #tpu.memory_space<vmem>>
    %dma_start3A_300 = tpu.memref_squeeze %dma_start3A_299 : memref<1x128x128xf32, #tpu.memory_space<vmem>> -> memref<128x128xf32, #tpu.memory_space<vmem>>
    %dma_start3A_301 = arith.constant 0 : i32
    %dma_start3A_302 = tpu.memref_slice %arg7[%dma_start3A_295, %dma_start3A_301] : memref<8x128xi32, #tpu.memory_space<vmem>> -> memref<1x128xi32, #tpu.memory_space<vmem>>
    %dma_start3A_303 = tpu.memref_squeeze %dma_start3A_302 : memref<1x128xi32, #tpu.memory_space<vmem>> -> memref<128xi32, #tpu.memory_space<vmem>>
    %dma_start3A_304 = arith.constant 0 : i32
    %dma_start3A_305 = arith.constant 0 : i32
    %dma_start3A_306 = tpu.memref_slice %arg2[%dma_start3A_304, %dma_start3A_305] : memref<10240x128xf32, #tpu.memory_space<hbm>> -> memref<10240x128xf32, #tpu.memory_space<hbm>>
    tpu.enqueue_indirect_dma source(%dma_start3A_306 : memref<10240x128xf32, #tpu.memory_space<hbm>>) target(%dma_start3A_300 : memref<128x128xf32, #tpu.memory_space<vmem>>) offsets(%dma_start3A_303 : memref<128xi32, #tpu.memory_space<vmem>>) semaphore(%arg11 : memref<!tpu.dma_semaphore, #tpu.memory_space<semaphore_mem>>)
    %scan3A = arith.constant 0 : i32
    %scan3A_307 = arith.constant 0 : i32
    %scan3A_308 = arith.constant 39 : i32
    %scan3A_309 = arith.addi %scan3A_307, %scan3A_308 : i32
    %scan3A_310 = arith.constant 1 : i32
    scf.for %scan3A_518 = %scan3A_307 to %scan3A_309 step %scan3A_310  : i32 {
      %mul3A_519 = arith.constant 2 : i32
      %mul3A_520 = arith.muli %scan3A_518, %mul3A_519 : i32
      %add3A_521 = arith.constant 0 : i32
      %add3A_522 = arith.addi %mul3A_520, %add3A_521 : i32
      %rem3A = arith.constant 8 : i32
      %rem3A_523 = arith.remsi %add3A_522, %rem3A : i32
      %add3A_524 = arith.constant 2 : i32
      %add3A_525 = arith.addi %add3A_522, %add3A_524 : i32
      %rem3A_526 = arith.constant 8 : i32
      %rem3A_527 = arith.remsi %add3A_525, %rem3A_526 : i32
      %dma_wait3A_528 = arith.constant 0 : i32
      %dma_wait3A_529 = arith.constant 0 : i32
      %dma_wait3A_530 = arith.constant 0 : i32
      %dma_wait3A_531 = tpu.memref_slice %arg9[%dma_wait3A_528, %dma_wait3A_529, %dma_wait3A_530] : memref<2x128x128xf32, #tpu.memory_space<vmem>> -> memref<1x128x128xf32, #tpu.memory_space<vmem>>
      %dma_wait3A_532 = tpu.memref_squeeze %dma_wait3A_531 : memref<1x128x128xf32, #tpu.memory_space<vmem>> -> memref<128x128xf32, #tpu.memory_space<vmem>>
      %dma_wait3A_533 = arith.constant 0 : i32
      %dma_wait3A_534 = arith.constant 0 : i32
      %dma_wait3A_535 = tpu.memref_slice %arg2[%dma_wait3A_533, %dma_wait3A_534] : memref<10240x128xf32, #tpu.memory_space<hbm>> -> memref<128x128xf32, #tpu.memory_space<hbm>>
      %dma_wait3A_536 = arith.constant 0 : i32
      %dma_wait3A_537 = arith.constant 0 : i32
      %dma_wait3A_538 = tpu.memref_slice %arg9[%dma_wait3A_528, %dma_wait3A_536, %dma_wait3A_537] : memref<2x128x128xf32, #tpu.memory_space<vmem>> -> memref<1x128x128xf32, #tpu.memory_space<vmem>>
      %dma_wait3A_539 = tpu.memref_squeeze %dma_wait3A_538 : memref<1x128x128xf32, #tpu.memory_space<vmem>> -> memref<128x128xf32, #tpu.memory_space<vmem>>
      %dma_wait3A_540 = arith.constant 0 : i32
      %dma_wait3A_541 = arith.constant 0 : i32
      %dma_wait3A_542 = tpu.memref_slice %arg2[%dma_wait3A_540, %dma_wait3A_541] : memref<10240x128xf32, #tpu.memory_space<hbm>> -> memref<128x128xf32, #tpu.memory_space<hbm>>
      tpu.wait_dma2 semaphore(%arg11 : memref<!tpu.dma_semaphore, #tpu.memory_space<semaphore_mem>>) src(%dma_wait3A_542 : memref<128x128xf32, #tpu.memory_space<hbm>>) dst(%dma_wait3A_539 : memref<128x128xf32, #tpu.memory_space<vmem>>)
      %run_scoped3A_543 = arith.constant 0 : i32
      "tpu.region"() ({
        %run_scoped3A_703 = tpu.sem_alloc : memref<!tpu.dma_semaphore, #tpu.memory_space<semaphore_mem>>
        %dma_start3A_704 = arith.constant 0 : i32
        %dma_start3A_705 = arith.constant 0 : i32
        %dma_start3A_706 = tpu.memref_slice %arg9[%run_scoped3A_543, %dma_start3A_704, %dma_start3A_705] : memref<2x128x128xf32, #tpu.memory_space<vmem>> -> memref<1x128x128xf32, #tpu.memory_space<vmem>>
        %dma_start3A_707 = tpu.memref_squeeze %dma_start3A_706 : memref<1x128x128xf32, #tpu.memory_space<vmem>> -> memref<128x128xf32, #tpu.memory_space<vmem>>
        %dma_start3A_708 = arith.constant 0 : i32
        %dma_start3A_709 = tpu.memref_slice %arg8[%rem3A_523, %dma_start3A_708] : memref<8x128xi32, #tpu.memory_space<vmem>> -> memref<1x128xi32, #tpu.memory_space<vmem>>
        %dma_start3A_710 = tpu.memref_squeeze %dma_start3A_709 : memref<1x128xi32, #tpu.memory_space<vmem>> -> memref<128xi32, #tpu.memory_space<vmem>>
        %dma_start3A_711 = arith.constant 0 : i32
        %dma_start3A_712 = arith.constant 0 : i32
        %dma_start3A_713 = tpu.memref_slice %arg10[%dma_start3A_711, %dma_start3A_712] : memref<10240x128xf32, #tpu.memory_space<vmem_shared>> -> memref<10240x128xf32, #tpu.memory_space<vmem_shared>>
        tpu.enqueue_indirect_dma source(%dma_start3A_707 : memref<128x128xf32, #tpu.memory_space<vmem>>) target(%dma_start3A_713 : memref<10240x128xf32, #tpu.memory_space<vmem_shared>>) offsets(%dma_start3A_710 : memref<128xi32, #tpu.memory_space<vmem>>) semaphore(%run_scoped3A_703 : memref<!tpu.dma_semaphore, #tpu.memory_space<semaphore_mem>>) {add = true}
        %dma_wait3A_714 = arith.constant 0 : i32
        %dma_wait3A_715 = arith.constant 0 : i32
        %dma_wait3A_716 = tpu.memref_slice %arg9[%run_scoped3A_543, %dma_wait3A_714, %dma_wait3A_715] : memref<2x128x128xf32, #tpu.memory_space<vmem>> -> memref<1x128x128xf32, #tpu.memory_space<vmem>>
        %dma_wait3A_717 = tpu.memref_squeeze %dma_wait3A_716 : memref<1x128x128xf32, #tpu.memory_space<vmem>> -> memref<128x128xf32, #tpu.memory_space<vmem>>
        %dma_wait3A_718 = arith.constant 0 : i32
        %dma_wait3A_719 = tpu.memref_slice %arg8[%rem3A_523, %dma_wait3A_718] : memref<8x128xi32, #tpu.memory_space<vmem>> -> memref<1x128xi32, #tpu.memory_space<vmem>>
        %dma_wait3A_720 = tpu.memref_squeeze %dma_wait3A_719 : memref<1x128xi32, #tpu.memory_space<vmem>> -> memref<128xi32, #tpu.memory_space<vmem>>
        %dma_wait3A_721 = arith.constant 0 : i32
        %dma_wait3A_722 = arith.constant 0 : i32
        %dma_wait3A_723 = tpu.memref_slice %arg10[%dma_wait3A_721, %dma_wait3A_722] : memref<10240x128xf32, #tpu.memory_space<vmem_shared>> -> memref<10240x128xf32, #tpu.memory_space<vmem_shared>>
        tpu.wait_indirect_dma semaphore(%run_scoped3A_703 : memref<!tpu.dma_semaphore, #tpu.memory_space<semaphore_mem>>) src(%dma_wait3A_717 : memref<128x128xf32, #tpu.memory_space<vmem>>) dst(%dma_wait3A_723 : memref<10240x128xf32, #tpu.memory_space<vmem_shared>>)
        tpu.yield
      }) : () -> ()
      %add3A_544 = arith.constant 8 : i32
      %add3A_545 = arith.addi %add3A_522, %add3A_544 : i32
      %min3A = arith.constant 79 : i32
      %min3A_546 = arith.minsi %add3A_545, %min3A : i32
      %dma_start3A_547 = arith.constant 0 : i32
      %dma_start3A_548 = tpu.memref_slice %arg7[%rem3A_523, %dma_start3A_547] : memref<8x128xi32, #tpu.memory_space<vmem>> -> memref<1x128xi32, #tpu.memory_space<vmem>>
      %dma_start3A_549 = tpu.memref_squeeze %dma_start3A_548 : memref<1x128xi32, #tpu.memory_space<vmem>> -> memref<128xi32, #tpu.memory_space<vmem>>
      %dma_start3A_550 = arith.constant 0 : i32
      %dma_start3A_551 = tpu.memref_slice %arg3[%add3A, %min3A_546, %dma_start3A_550] : memref<32x80x128xi32, #tpu.memory_space<hbm>> -> memref<1x1x128xi32, #tpu.memory_space<hbm>>
      %dma_start3A_552 = tpu.memref_squeeze %dma_start3A_551 : memref<1x1x128xi32, #tpu.memory_space<hbm>> -> memref<128xi32, #tpu.memory_space<hbm>>
      %dma_start3A_553 = arith.constant 0 : i32
      %dma_start3A_554 = tpu.memref_slice %arg7[%rem3A_523, %dma_start3A_553] : memref<8x128xi32, #tpu.memory_space<vmem>> -> memref<1x128xi32, #tpu.memory_space<vmem>>
      %dma_start3A_555 = tpu.memref_squeeze %dma_start3A_554 : memref<1x128xi32, #tpu.memory_space<vmem>> -> memref<128xi32, #tpu.memory_space<vmem>>
      %dma_start3A_556 = arith.constant 0 : i32
      %dma_start3A_557 = tpu.memref_slice %arg3[%add3A, %min3A_546, %dma_start3A_556] : memref<32x80x128xi32, #tpu.memory_space<hbm>> -> memref<1x1x128xi32, #tpu.memory_space<hbm>>
      %dma_start3A_558 = tpu.memref_squeeze %dma_start3A_557 : memref<1x1x128xi32, #tpu.memory_space<hbm>> -> memref<128xi32, #tpu.memory_space<hbm>>
      tpu.enqueue_dma source(%dma_start3A_558 : memref<128xi32, #tpu.memory_space<hbm>>) target(%dma_start3A_555 : memref<128xi32, #tpu.memory_space<vmem>>) target_semaphore(%arg12 : memref<!tpu.dma_semaphore, #tpu.memory_space<semaphore_mem>>)
      %dma_start3A_559 = arith.constant 0 : i32
      %dma_start3A_560 = tpu.memref_slice %arg8[%rem3A_523, %dma_start3A_559] : memref<8x128xi32, #tpu.memory_space<vmem>> -> memref<1x128xi32, #tpu.memory_space<vmem>>
      %dma_start3A_561 = tpu.memref_squeeze %dma_start3A_560 : memref<1x128xi32, #tpu.memory_space<vmem>> -> memref<128xi32, #tpu.memory_space<vmem>>
      %dma_start3A_562 = arith.constant 0 : i32
      %dma_start3A_563 = tpu.memref_slice %arg4[%add3A, %min3A_546, %dma_start3A_562] : memref<32x80x128xi32, #tpu.memory_space<hbm>> -> memref<1x1x128xi32, #tpu.memory_space<hbm>>
      %dma_start3A_564 = tpu.memref_squeeze %dma_start3A_563 : memref<1x1x128xi32, #tpu.memory_space<hbm>> -> memref<128xi32, #tpu.memory_space<hbm>>
      %dma_start3A_565 = arith.constant 0 : i32
      %dma_start3A_566 = tpu.memref_slice %arg8[%rem3A_523, %dma_start3A_565] : memref<8x128xi32, #tpu.memory_space<vmem>> -> memref<1x128xi32, #tpu.memory_space<vmem>>
      %dma_start3A_567 = tpu.memref_squeeze %dma_start3A_566 : memref<1x128xi32, #tpu.memory_space<vmem>> -> memref<128xi32, #tpu.memory_space<vmem>>
      %dma_start3A_568 = arith.constant 0 : i32
      %dma_start3A_569 = tpu.memref_slice %arg4[%add3A, %min3A_546, %dma_start3A_568] : memref<32x80x128xi32, #tpu.memory_space<hbm>> -> memref<1x1x128xi32, #tpu.memory_space<hbm>>
      %dma_start3A_570 = tpu.memref_squeeze %dma_start3A_569 : memref<1x1x128xi32, #tpu.memory_space<hbm>> -> memref<128xi32, #tpu.memory_space<hbm>>
      tpu.enqueue_dma source(%dma_start3A_570 : memref<128xi32, #tpu.memory_space<hbm>>) target(%dma_start3A_567 : memref<128xi32, #tpu.memory_space<vmem>>) target_semaphore(%arg12 : memref<!tpu.dma_semaphore, #tpu.memory_space<semaphore_mem>>)
      %dma_wait3A_571 = arith.constant 0 : i32
      %dma_wait3A_572 = arith.constant 0 : i32
      %dma_wait3A_573 = arith.constant 0 : i32
      %dma_wait3A_574 = tpu.memref_slice %arg7[%dma_wait3A_572, %dma_wait3A_573] : memref<8x128xi32, #tpu.memory_space<vmem>> -> memref<1x128xi32, #tpu.memory_space<vmem>>
      %dma_wait3A_575 = tpu.memref_squeeze %dma_wait3A_574 : memref<1x128xi32, #tpu.memory_space<vmem>> -> memref<128xi32, #tpu.memory_space<vmem>>
      %dma_wait3A_576 = arith.constant 0 : i32
      %dma_wait3A_577 = tpu.memref_slice %arg3[%add3A, %dma_wait3A_571, %dma_wait3A_576] : memref<32x80x128xi32, #tpu.memory_space<hbm>> -> memref<1x1x128xi32, #tpu.memory_space<hbm>>
      %dma_wait3A_578 = tpu.memref_squeeze %dma_wait3A_577 : memref<1x1x128xi32, #tpu.memory_space<hbm>> -> memref<128xi32, #tpu.memory_space<hbm>>
      %dma_wait3A_579 = arith.constant 0 : i32
      %dma_wait3A_580 = tpu.memref_slice %arg7[%dma_wait3A_572, %dma_wait3A_579] : memref<8x128xi32, #tpu.memory_space<vmem>> -> memref<1x128xi32, #tpu.memory_space<vmem>>
      %dma_wait3A_581 = tpu.memref_squeeze %dma_wait3A_580 : memref<1x128xi32, #tpu.memory_space<vmem>> -> memref<128xi32, #tpu.memory_space<vmem>>
      %dma_wait3A_582 = arith.constant 0 : i32
      %dma_wait3A_583 = tpu.memref_slice %arg3[%add3A, %dma_wait3A_571, %dma_wait3A_582] : memref<32x80x128xi32, #tpu.memory_space<hbm>> -> memref<1x1x128xi32, #tpu.memory_space<hbm>>
      %dma_wait3A_584 = tpu.memref_squeeze %dma_wait3A_583 : memref<1x1x128xi32, #tpu.memory_space<hbm>> -> memref<128xi32, #tpu.memory_space<hbm>>
      tpu.wait_dma2 semaphore(%arg12 : memref<!tpu.dma_semaphore, #tpu.memory_space<semaphore_mem>>) src(%dma_wait3A_584 : memref<128xi32, #tpu.memory_space<hbm>>) dst(%dma_wait3A_581 : memref<128xi32, #tpu.memory_space<vmem>>)
      %dma_wait3A_585 = arith.constant 0 : i32
      %dma_wait3A_586 = arith.constant 0 : i32
      %dma_wait3A_587 = arith.constant 0 : i32
      %dma_wait3A_588 = tpu.memref_slice %arg8[%dma_wait3A_586, %dma_wait3A_587] : memref<8x128xi32, #tpu.memory_space<vmem>> -> memref<1x128xi32, #tpu.memory_space<vmem>>
      %dma_wait3A_589 = tpu.memref_squeeze %dma_wait3A_588 : memref<1x128xi32, #tpu.memory_space<vmem>> -> memref<128xi32, #tpu.memory_space<vmem>>
      %dma_wait3A_590 = arith.constant 0 : i32
      %dma_wait3A_591 = tpu.memref_slice %arg4[%add3A, %dma_wait3A_585, %dma_wait3A_590] : memref<32x80x128xi32, #tpu.memory_space<hbm>> -> memref<1x1x128xi32, #tpu.memory_space<hbm>>
      %dma_wait3A_592 = tpu.memref_squeeze %dma_wait3A_591 : memref<1x1x128xi32, #tpu.memory_space<hbm>> -> memref<128xi32, #tpu.memory_space<hbm>>
      %dma_wait3A_593 = arith.constant 0 : i32
      %dma_wait3A_594 = tpu.memref_slice %arg8[%dma_wait3A_586, %dma_wait3A_593] : memref<8x128xi32, #tpu.memory_space<vmem>> -> memref<1x128xi32, #tpu.memory_space<vmem>>
      %dma_wait3A_595 = tpu.memref_squeeze %dma_wait3A_594 : memref<1x128xi32, #tpu.memory_space<vmem>> -> memref<128xi32, #tpu.memory_space<vmem>>
      %dma_wait3A_596 = arith.constant 0 : i32
      %dma_wait3A_597 = tpu.memref_slice %arg4[%add3A, %dma_wait3A_585, %dma_wait3A_596] : memref<32x80x128xi32, #tpu.memory_space<hbm>> -> memref<1x1x128xi32, #tpu.memory_space<hbm>>
      %dma_wait3A_598 = tpu.memref_squeeze %dma_wait3A_597 : memref<1x1x128xi32, #tpu.memory_space<hbm>> -> memref<128xi32, #tpu.memory_space<hbm>>
      tpu.wait_dma2 semaphore(%arg12 : memref<!tpu.dma_semaphore, #tpu.memory_space<semaphore_mem>>) src(%dma_wait3A_598 : memref<128xi32, #tpu.memory_space<hbm>>) dst(%dma_wait3A_595 : memref<128xi32, #tpu.memory_space<vmem>>)
      %dma_start3A_599 = arith.constant 0 : i32
      %dma_start3A_600 = arith.constant 0 : i32
      %dma_start3A_601 = arith.constant 0 : i32
      %dma_start3A_602 = tpu.memref_slice %arg9[%dma_start3A_599, %dma_start3A_600, %dma_start3A_601] : memref<2x128x128xf32, #tpu.memory_space<vmem>> -> memref<1x128x128xf32, #tpu.memory_space<vmem>>
      %dma_start3A_603 = tpu.memref_squeeze %dma_start3A_602 : memref<1x128x128xf32, #tpu.memory_space<vmem>> -> memref<128x128xf32, #tpu.memory_space<vmem>>
      %dma_start3A_604 = arith.constant 0 : i32
      %dma_start3A_605 = tpu.memref_slice %arg7[%rem3A_527, %dma_start3A_604] : memref<8x128xi32, #tpu.memory_space<vmem>> -> memref<1x128xi32, #tpu.memory_space<vmem>>
      %dma_start3A_606 = tpu.memref_squeeze %dma_start3A_605 : memref<1x128xi32, #tpu.memory_space<vmem>> -> memref<128xi32, #tpu.memory_space<vmem>>
      %dma_start3A_607 = arith.constant 0 : i32
      %dma_start3A_608 = arith.constant 0 : i32
      %dma_start3A_609 = tpu.memref_slice %arg2[%dma_start3A_607, %dma_start3A_608] : memref<10240x128xf32, #tpu.memory_space<hbm>> -> memref<10240x128xf32, #tpu.memory_space<hbm>>
      tpu.enqueue_indirect_dma source(%dma_start3A_609 : memref<10240x128xf32, #tpu.memory_space<hbm>>) target(%dma_start3A_603 : memref<128x128xf32, #tpu.memory_space<vmem>>) offsets(%dma_start3A_606 : memref<128xi32, #tpu.memory_space<vmem>>) semaphore(%arg11 : memref<!tpu.dma_semaphore, #tpu.memory_space<semaphore_mem>>)
      %mul3A_610 = arith.constant 2 : i32
      %mul3A_611 = arith.muli %scan3A_518, %mul3A_610 : i32
      %add3A_612 = arith.constant 1 : i32
      %add3A_613 = arith.addi %mul3A_611, %add3A_612 : i32
      %rem3A_614 = arith.constant 8 : i32
      %rem3A_615 = arith.remsi %add3A_613, %rem3A_614 : i32
      %add3A_616 = arith.constant 2 : i32
      %add3A_617 = arith.addi %add3A_613, %add3A_616 : i32
      %rem3A_618 = arith.constant 8 : i32
      %rem3A_619 = arith.remsi %add3A_617, %rem3A_618 : i32
      %dma_wait3A_620 = arith.constant 1 : i32
      %dma_wait3A_621 = arith.constant 0 : i32
      %dma_wait3A_622 = arith.constant 0 : i32
      %dma_wait3A_623 = tpu.memref_slice %arg9[%dma_wait3A_620, %dma_wait3A_621, %dma_wait3A_622] : memref<2x128x128xf32, #tpu.memory_space<vmem>> -> memref<1x128x128xf32, #tpu.memory_space<vmem>>
      %dma_wait3A_624 = tpu.memref_squeeze %dma_wait3A_623 : memref<1x128x128xf32, #tpu.memory_space<vmem>> -> memref<128x128xf32, #tpu.memory_space<vmem>>
      %dma_wait3A_625 = arith.constant 0 : i32
      %dma_wait3A_626 = arith.constant 0 : i32
      %dma_wait3A_627 = tpu.memref_slice %arg2[%dma_wait3A_625, %dma_wait3A_626] : memref<10240x128xf32, #tpu.memory_space<hbm>> -> memref<128x128xf32, #tpu.memory_space<hbm>>
      %dma_wait3A_628 = arith.constant 0 : i32
      %dma_wait3A_629 = arith.constant 0 : i32
      %dma_wait3A_630 = tpu.memref_slice %arg9[%dma_wait3A_620, %dma_wait3A_628, %dma_wait3A_629] : memref<2x128x128xf32, #tpu.memory_space<vmem>> -> memref<1x128x128xf32, #tpu.memory_space<vmem>>
      %dma_wait3A_631 = tpu.memref_squeeze %dma_wait3A_630 : memref<1x128x128xf32, #tpu.memory_space<vmem>> -> memref<128x128xf32, #tpu.memory_space<vmem>>
      %dma_wait3A_632 = arith.constant 0 : i32
      %dma_wait3A_633 = arith.constant 0 : i32
      %dma_wait3A_634 = tpu.memref_slice %arg2[%dma_wait3A_632, %dma_wait3A_633] : memref<10240x128xf32, #tpu.memory_space<hbm>> -> memref<128x128xf32, #tpu.memory_space<hbm>>
      tpu.wait_dma2 semaphore(%arg11 : memref<!tpu.dma_semaphore, #tpu.memory_space<semaphore_mem>>) src(%dma_wait3A_634 : memref<128x128xf32, #tpu.memory_space<hbm>>) dst(%dma_wait3A_631 : memref<128x128xf32, #tpu.memory_space<vmem>>)
      %run_scoped3A_635 = arith.constant 1 : i32
      "tpu.region"() ({
        %run_scoped3A_703 = tpu.sem_alloc : memref<!tpu.dma_semaphore, #tpu.memory_space<semaphore_mem>>
        %dma_start3A_704 = arith.constant 0 : i32
        %dma_start3A_705 = arith.constant 0 : i32
        %dma_start3A_706 = tpu.memref_slice %arg9[%run_scoped3A_635, %dma_start3A_704, %dma_start3A_705] : memref<2x128x128xf32, #tpu.memory_space<vmem>> -> memref<1x128x128xf32, #tpu.memory_space<vmem>>
        %dma_start3A_707 = tpu.memref_squeeze %dma_start3A_706 : memref<1x128x128xf32, #tpu.memory_space<vmem>> -> memref<128x128xf32, #tpu.memory_space<vmem>>
        %dma_start3A_708 = arith.constant 0 : i32
        %dma_start3A_709 = tpu.memref_slice %arg8[%rem3A_615, %dma_start3A_708] : memref<8x128xi32, #tpu.memory_space<vmem>> -> memref<1x128xi32, #tpu.memory_space<vmem>>
        %dma_start3A_710 = tpu.memref_squeeze %dma_start3A_709 : memref<1x128xi32, #tpu.memory_space<vmem>> -> memref<128xi32, #tpu.memory_space<vmem>>
        %dma_start3A_711 = arith.constant 0 : i32
        %dma_start3A_712 = arith.constant 0 : i32
        %dma_start3A_713 = tpu.memref_slice %arg10[%dma_start3A_711, %dma_start3A_712] : memref<10240x128xf32, #tpu.memory_space<vmem_shared>> -> memref<10240x128xf32, #tpu.memory_space<vmem_shared>>
        tpu.enqueue_indirect_dma source(%dma_start3A_707 : memref<128x128xf32, #tpu.memory_space<vmem>>) target(%dma_start3A_713 : memref<10240x128xf32, #tpu.memory_space<vmem_shared>>) offsets(%dma_start3A_710 : memref<128xi32, #tpu.memory_space<vmem>>) semaphore(%run_scoped3A_703 : memref<!tpu.dma_semaphore, #tpu.memory_space<semaphore_mem>>) {add = true}
        %dma_wait3A_714 = arith.constant 0 : i32
        %dma_wait3A_715 = arith.constant 0 : i32
        %dma_wait3A_716 = tpu.memref_slice %arg9[%run_scoped3A_635, %dma_wait3A_714, %dma_wait3A_715] : memref<2x128x128xf32, #tpu.memory_space<vmem>> -> memref<1x128x128xf32, #tpu.memory_space<vmem>>
        %dma_wait3A_717 = tpu.memref_squeeze %dma_wait3A_716 : memref<1x128x128xf32, #tpu.memory_space<vmem>> -> memref<128x128xf32, #tpu.memory_space<vmem>>
        %dma_wait3A_718 = arith.constant 0 : i32
        %dma_wait3A_719 = tpu.memref_slice %arg8[%rem3A_615, %dma_wait3A_718] : memref<8x128xi32, #tpu.memory_space<vmem>> -> memref<1x128xi32, #tpu.memory_space<vmem>>
        %dma_wait3A_720 = tpu.memref_squeeze %dma_wait3A_719 : memref<1x128xi32, #tpu.memory_space<vmem>> -> memref<128xi32, #tpu.memory_space<vmem>>
        %dma_wait3A_721 = arith.constant 0 : i32
        %dma_wait3A_722 = arith.constant 0 : i32
        %dma_wait3A_723 = tpu.memref_slice %arg10[%dma_wait3A_721, %dma_wait3A_722] : memref<10240x128xf32, #tpu.memory_space<vmem_shared>> -> memref<10240x128xf32, #tpu.memory_space<vmem_shared>>
        tpu.wait_indirect_dma semaphore(%run_scoped3A_703 : memref<!tpu.dma_semaphore, #tpu.memory_space<semaphore_mem>>) src(%dma_wait3A_717 : memref<128x128xf32, #tpu.memory_space<vmem>>) dst(%dma_wait3A_723 : memref<10240x128xf32, #tpu.memory_space<vmem_shared>>)
        tpu.yield
      }) : () -> ()
      %add3A_636 = arith.constant 8 : i32
      %add3A_637 = arith.addi %add3A_613, %add3A_636 : i32
      %min3A_638 = arith.constant 79 : i32
      %min3A_639 = arith.minsi %add3A_637, %min3A_638 : i32
      %dma_start3A_640 = arith.constant 0 : i32
      %dma_start3A_641 = tpu.memref_slice %arg7[%rem3A_615, %dma_start3A_640] : memref<8x128xi32, #tpu.memory_space<vmem>> -> memref<1x128xi32, #tpu.memory_space<vmem>>
      %dma_start3A_642 = tpu.memref_squeeze %dma_start3A_641 : memref<1x128xi32, #tpu.memory_space<vmem>> -> memref<128xi32, #tpu.memory_space<vmem>>
      %dma_start3A_643 = arith.constant 0 : i32
      %dma_start3A_644 = tpu.memref_slice %arg3[%add3A, %min3A_639, %dma_start3A_643] : memref<32x80x128xi32, #tpu.memory_space<hbm>> -> memref<1x1x128xi32, #tpu.memory_space<hbm>>
      %dma_start3A_645 = tpu.memref_squeeze %dma_start3A_644 : memref<1x1x128xi32, #tpu.memory_space<hbm>> -> memref<128xi32, #tpu.memory_space<hbm>>
      %dma_start3A_646 = arith.constant 0 : i32
      %dma_start3A_647 = tpu.memref_slice %arg7[%rem3A_615, %dma_start3A_646] : memref<8x128xi32, #tpu.memory_space<vmem>> -> memref<1x128xi32, #tpu.memory_space<vmem>>
      %dma_start3A_648 = tpu.memref_squeeze %dma_start3A_647 : memref<1x128xi32, #tpu.memory_space<vmem>> -> memref<128xi32, #tpu.memory_space<vmem>>
      %dma_start3A_649 = arith.constant 0 : i32
      %dma_start3A_650 = tpu.memref_slice %arg3[%add3A, %min3A_639, %dma_start3A_649] : memref<32x80x128xi32, #tpu.memory_space<hbm>> -> memref<1x1x128xi32, #tpu.memory_space<hbm>>
      %dma_start3A_651 = tpu.memref_squeeze %dma_start3A_650 : memref<1x1x128xi32, #tpu.memory_space<hbm>> -> memref<128xi32, #tpu.memory_space<hbm>>
      tpu.enqueue_dma source(%dma_start3A_651 : memref<128xi32, #tpu.memory_space<hbm>>) target(%dma_start3A_648 : memref<128xi32, #tpu.memory_space<vmem>>) target_semaphore(%arg12 : memref<!tpu.dma_semaphore, #tpu.memory_space<semaphore_mem>>)
      %dma_start3A_652 = arith.constant 0 : i32
      %dma_start3A_653 = tpu.memref_slice %arg8[%rem3A_615, %dma_start3A_652] : memref<8x128xi32, #tpu.memory_space<vmem>> -> memref<1x128xi32, #tpu.memory_space<vmem>>
      %dma_start3A_654 = tpu.memref_squeeze %dma_start3A_653 : memref<1x128xi32, #tpu.memory_space<vmem>> -> memref<128xi32, #tpu.memory_space<vmem>>
      %dma_start3A_655 = arith.constant 0 : i32
      %dma_start3A_656 = tpu.memref_slice %arg4[%add3A, %min3A_639, %dma_start3A_655] : memref<32x80x128xi32, #tpu.memory_space<hbm>> -> memref<1x1x128xi32, #tpu.memory_space<hbm>>
      %dma_start3A_657 = tpu.memref_squeeze %dma_start3A_656 : memref<1x1x128xi32, #tpu.memory_space<hbm>> -> memref<128xi32, #tpu.memory_space<hbm>>
      %dma_start3A_658 = arith.constant 0 : i32
      %dma_start3A_659 = tpu.memref_slice %arg8[%rem3A_615, %dma_start3A_658] : memref<8x128xi32, #tpu.memory_space<vmem>> -> memref<1x128xi32, #tpu.memory_space<vmem>>
      %dma_start3A_660 = tpu.memref_squeeze %dma_start3A_659 : memref<1x128xi32, #tpu.memory_space<vmem>> -> memref<128xi32, #tpu.memory_space<vmem>>
      %dma_start3A_661 = arith.constant 0 : i32
      %dma_start3A_662 = tpu.memref_slice %arg4[%add3A, %min3A_639, %dma_start3A_661] : memref<32x80x128xi32, #tpu.memory_space<hbm>> -> memref<1x1x128xi32, #tpu.memory_space<hbm>>
      %dma_start3A_663 = tpu.memref_squeeze %dma_start3A_662 : memref<1x1x128xi32, #tpu.memory_space<hbm>> -> memref<128xi32, #tpu.memory_space<hbm>>
      tpu.enqueue_dma source(%dma_start3A_663 : memref<128xi32, #tpu.memory_space<hbm>>) target(%dma_start3A_660 : memref<128xi32, #tpu.memory_space<vmem>>) target_semaphore(%arg12 : memref<!tpu.dma_semaphore, #tpu.memory_space<semaphore_mem>>)
      %dma_wait3A_664 = arith.constant 0 : i32
      %dma_wait3A_665 = arith.constant 0 : i32
      %dma_wait3A_666 = arith.constant 0 : i32
      %dma_wait3A_667 = tpu.memref_slice %arg7[%dma_wait3A_665, %dma_wait3A_666] : memref<8x128xi32, #tpu.memory_space<vmem>> -> memref<1x128xi32, #tpu.memory_space<vmem>>
      %dma_wait3A_668 = tpu.memref_squeeze %dma_wait3A_667 : memref<1x128xi32, #tpu.memory_space<vmem>> -> memref<128xi32, #tpu.memory_space<vmem>>
      %dma_wait3A_669 = arith.constant 0 : i32
      %dma_wait3A_670 = tpu.memref_slice %arg3[%add3A, %dma_wait3A_664, %dma_wait3A_669] : memref<32x80x128xi32, #tpu.memory_space<hbm>> -> memref<1x1x128xi32, #tpu.memory_space<hbm>>
      %dma_wait3A_671 = tpu.memref_squeeze %dma_wait3A_670 : memref<1x1x128xi32, #tpu.memory_space<hbm>> -> memref<128xi32, #tpu.memory_space<hbm>>
      %dma_wait3A_672 = arith.constant 0 : i32
      %dma_wait3A_673 = tpu.memref_slice %arg7[%dma_wait3A_665, %dma_wait3A_672] : memref<8x128xi32, #tpu.memory_space<vmem>> -> memref<1x128xi32, #tpu.memory_space<vmem>>
      %dma_wait3A_674 = tpu.memref_squeeze %dma_wait3A_673 : memref<1x128xi32, #tpu.memory_space<vmem>> -> memref<128xi32, #tpu.memory_space<vmem>>
      %dma_wait3A_675 = arith.constant 0 : i32
      %dma_wait3A_676 = tpu.memref_slice %arg3[%add3A, %dma_wait3A_664, %dma_wait3A_675] : memref<32x80x128xi32, #tpu.memory_space<hbm>> -> memref<1x1x128xi32, #tpu.memory_space<hbm>>
      %dma_wait3A_677 = tpu.memref_squeeze %dma_wait3A_676 : memref<1x1x128xi32, #tpu.memory_space<hbm>> -> memref<128xi32, #tpu.memory_space<hbm>>
      tpu.wait_dma2 semaphore(%arg12 : memref<!tpu.dma_semaphore, #tpu.memory_space<semaphore_mem>>) src(%dma_wait3A_677 : memref<128xi32, #tpu.memory_space<hbm>>) dst(%dma_wait3A_674 : memref<128xi32, #tpu.memory_space<vmem>>)
      %dma_wait3A_678 = arith.constant 0 : i32
      %dma_wait3A_679 = arith.constant 0 : i32
      %dma_wait3A_680 = arith.constant 0 : i32
      %dma_wait3A_681 = tpu.memref_slice %arg8[%dma_wait3A_679, %dma_wait3A_680] : memref<8x128xi32, #tpu.memory_space<vmem>> -> memref<1x128xi32, #tpu.memory_space<vmem>>
      %dma_wait3A_682 = tpu.memref_squeeze %dma_wait3A_681 : memref<1x128xi32, #tpu.memory_space<vmem>> -> memref<128xi32, #tpu.memory_space<vmem>>
      %dma_wait3A_683 = arith.constant 0 : i32
      %dma_wait3A_684 = tpu.memref_slice %arg4[%add3A, %dma_wait3A_678, %dma_wait3A_683] : memref<32x80x128xi32, #tpu.memory_space<hbm>> -> memref<1x1x128xi32, #tpu.memory_space<hbm>>
      %dma_wait3A_685 = tpu.memref_squeeze %dma_wait3A_684 : memref<1x1x128xi32, #tpu.memory_space<hbm>> -> memref<128xi32, #tpu.memory_space<hbm>>
      %dma_wait3A_686 = arith.constant 0 : i32
      %dma_wait3A_687 = tpu.memref_slice %arg8[%dma_wait3A_679, %dma_wait3A_686] : memref<8x128xi32, #tpu.memory_space<vmem>> -> memref<1x128xi32, #tpu.memory_space<vmem>>
      %dma_wait3A_688 = tpu.memref_squeeze %dma_wait3A_687 : memref<1x128xi32, #tpu.memory_space<vmem>> -> memref<128xi32, #tpu.memory_space<vmem>>
      %dma_wait3A_689 = arith.constant 0 : i32
      %dma_wait3A_690 = tpu.memref_slice %arg4[%add3A, %dma_wait3A_678, %dma_wait3A_689] : memref<32x80x128xi32, #tpu.memory_space<hbm>> -> memref<1x1x128xi32, #tpu.memory_space<hbm>>
      %dma_wait3A_691 = tpu.memref_squeeze %dma_wait3A_690 : memref<1x1x128xi32, #tpu.memory_space<hbm>> -> memref<128xi32, #tpu.memory_space<hbm>>
      tpu.wait_dma2 semaphore(%arg12 : memref<!tpu.dma_semaphore, #tpu.memory_space<semaphore_mem>>) src(%dma_wait3A_691 : memref<128xi32, #tpu.memory_space<hbm>>) dst(%dma_wait3A_688 : memref<128xi32, #tpu.memory_space<vmem>>)
      %dma_start3A_692 = arith.constant 1 : i32
      %dma_start3A_693 = arith.constant 0 : i32
      %dma_start3A_694 = arith.constant 0 : i32
      %dma_start3A_695 = tpu.memref_slice %arg9[%dma_start3A_692, %dma_start3A_693, %dma_start3A_694] : memref<2x128x128xf32, #tpu.memory_space<vmem>> -> memref<1x128x128xf32, #tpu.memory_space<vmem>>
      %dma_start3A_696 = tpu.memref_squeeze %dma_start3A_695 : memref<1x128x128xf32, #tpu.memory_space<vmem>> -> memref<128x128xf32, #tpu.memory_space<vmem>>
      %dma_start3A_697 = arith.constant 0 : i32
      %dma_start3A_698 = tpu.memref_slice %arg7[%rem3A_619, %dma_start3A_697] : memref<8x128xi32, #tpu.memory_space<vmem>> -> memref<1x128xi32, #tpu.memory_space<vmem>>
      %dma_start3A_699 = tpu.memref_squeeze %dma_start3A_698 : memref<1x128xi32, #tpu.memory_space<vmem>> -> memref<128xi32, #tpu.memory_space<vmem>>
      %dma_start3A_700 = arith.constant 0 : i32
      %dma_start3A_701 = arith.constant 0 : i32
      %dma_start3A_702 = tpu.memref_slice %arg2[%dma_start3A_700, %dma_start3A_701] : memref<10240x128xf32, #tpu.memory_space<hbm>> -> memref<10240x128xf32, #tpu.memory_space<hbm>>
      tpu.enqueue_indirect_dma source(%dma_start3A_702 : memref<10240x128xf32, #tpu.memory_space<hbm>>) target(%dma_start3A_696 : memref<128x128xf32, #tpu.memory_space<vmem>>) offsets(%dma_start3A_699 : memref<128xi32, #tpu.memory_space<vmem>>) semaphore(%arg11 : memref<!tpu.dma_semaphore, #tpu.memory_space<semaphore_mem>>)
    }
    %scan3A_311 = arith.constant 39 : i32
    %dma_wait3A_312 = arith.constant 0 : i32
    %dma_wait3A_313 = arith.constant 0 : i32
    %dma_wait3A_314 = arith.constant 0 : i32
    %dma_wait3A_315 = tpu.memref_slice %arg9[%dma_wait3A_312, %dma_wait3A_313, %dma_wait3A_314] : memref<2x128x128xf32, #tpu.memory_space<vmem>> -> memref<1x128x128xf32, #tpu.memory_space<vmem>>
    %dma_wait3A_316 = tpu.memref_squeeze %dma_wait3A_315 : memref<1x128x128xf32, #tpu.memory_space<vmem>> -> memref<128x128xf32, #tpu.memory_space<vmem>>
    %dma_wait3A_317 = arith.constant 0 : i32
    %dma_wait3A_318 = arith.constant 0 : i32
    %dma_wait3A_319 = tpu.memref_slice %arg2[%dma_wait3A_317, %dma_wait3A_318] : memref<10240x128xf32, #tpu.memory_space<hbm>> -> memref<128x128xf32, #tpu.memory_space<hbm>>
    %dma_wait3A_320 = arith.constant 0 : i32
    %dma_wait3A_321 = arith.constant 0 : i32
    %dma_wait3A_322 = tpu.memref_slice %arg9[%dma_wait3A_312, %dma_wait3A_320, %dma_wait3A_321] : memref<2x128x128xf32, #tpu.memory_space<vmem>> -> memref<1x128x128xf32, #tpu.memory_space<vmem>>
    %dma_wait3A_323 = tpu.memref_squeeze %dma_wait3A_322 : memref<1x128x128xf32, #tpu.memory_space<vmem>> -> memref<128x128xf32, #tpu.memory_space<vmem>>
    %dma_wait3A_324 = arith.constant 0 : i32
    %dma_wait3A_325 = arith.constant 0 : i32
    %dma_wait3A_326 = tpu.memref_slice %arg2[%dma_wait3A_324, %dma_wait3A_325] : memref<10240x128xf32, #tpu.memory_space<hbm>> -> memref<128x128xf32, #tpu.memory_space<hbm>>
    tpu.wait_dma2 semaphore(%arg11 : memref<!tpu.dma_semaphore, #tpu.memory_space<semaphore_mem>>) src(%dma_wait3A_326 : memref<128x128xf32, #tpu.memory_space<hbm>>) dst(%dma_wait3A_323 : memref<128x128xf32, #tpu.memory_space<vmem>>)
    %run_scoped3A = arith.constant 0 : i32
    %run_scoped3A_327 = arith.constant 6 : i32
    "tpu.region"() ({
      %run_scoped3A_518 = tpu.sem_alloc : memref<!tpu.dma_semaphore, #tpu.memory_space<semaphore_mem>>
      %dma_start3A_519 = arith.constant 0 : i32
      %dma_start3A_520 = arith.constant 0 : i32
      %dma_start3A_521 = tpu.memref_slice %arg9[%run_scoped3A, %dma_start3A_519, %dma_start3A_520] : memref<2x128x128xf32, #tpu.memory_space<vmem>> -> memref<1x128x128xf32, #tpu.memory_space<vmem>>
      %dma_start3A_522 = tpu.memref_squeeze %dma_start3A_521 : memref<1x128x128xf32, #tpu.memory_space<vmem>> -> memref<128x128xf32, #tpu.memory_space<vmem>>
      %dma_start3A_523 = arith.constant 0 : i32
      %dma_start3A_524 = tpu.memref_slice %arg8[%run_scoped3A_327, %dma_start3A_523] : memref<8x128xi32, #tpu.memory_space<vmem>> -> memref<1x128xi32, #tpu.memory_space<vmem>>
      %dma_start3A_525 = tpu.memref_squeeze %dma_start3A_524 : memref<1x128xi32, #tpu.memory_space<vmem>> -> memref<128xi32, #tpu.memory_space<vmem>>
      %dma_start3A_526 = arith.constant 0 : i32
      %dma_start3A_527 = arith.constant 0 : i32
      %dma_start3A_528 = tpu.memref_slice %arg10[%dma_start3A_526, %dma_start3A_527] : memref<10240x128xf32, #tpu.memory_space<vmem_shared>> -> memref<10240x128xf32, #tpu.memory_space<vmem_shared>>
      tpu.enqueue_indirect_dma source(%dma_start3A_522 : memref<128x128xf32, #tpu.memory_space<vmem>>) target(%dma_start3A_528 : memref<10240x128xf32, #tpu.memory_space<vmem_shared>>) offsets(%dma_start3A_525 : memref<128xi32, #tpu.memory_space<vmem>>) semaphore(%run_scoped3A_518 : memref<!tpu.dma_semaphore, #tpu.memory_space<semaphore_mem>>) {add = true}
      %dma_wait3A_529 = arith.constant 0 : i32
      %dma_wait3A_530 = arith.constant 0 : i32
      %dma_wait3A_531 = tpu.memref_slice %arg9[%run_scoped3A, %dma_wait3A_529, %dma_wait3A_530] : memref<2x128x128xf32, #tpu.memory_space<vmem>> -> memref<1x128x128xf32, #tpu.memory_space<vmem>>
      %dma_wait3A_532 = tpu.memref_squeeze %dma_wait3A_531 : memref<1x128x128xf32, #tpu.memory_space<vmem>> -> memref<128x128xf32, #tpu.memory_space<vmem>>
      %dma_wait3A_533 = arith.constant 0 : i32
      %dma_wait3A_534 = tpu.memref_slice %arg8[%run_scoped3A_327, %dma_wait3A_533] : memref<8x128xi32, #tpu.memory_space<vmem>> -> memref<1x128xi32, #tpu.memory_space<vmem>>
      %dma_wait3A_535 = tpu.memref_squeeze %dma_wait3A_534 : memref<1x128xi32, #tpu.memory_space<vmem>> -> memref<128xi32, #tpu.memory_space<vmem>>
      %dma_wait3A_536 = arith.constant 0 : i32
      %dma_wait3A_537 = arith.constant 0 : i32
      %dma_wait3A_538 = tpu.memref_slice %arg10[%dma_wait3A_536, %dma_wait3A_537] : memref<10240x128xf32, #tpu.memory_space<vmem_shared>> -> memref<10240x128xf32, #tpu.memory_space<vmem_shared>>
      tpu.wait_indirect_dma semaphore(%run_scoped3A_518 : memref<!tpu.dma_semaphore, #tpu.memory_space<semaphore_mem>>) src(%dma_wait3A_532 : memref<128x128xf32, #tpu.memory_space<vmem>>) dst(%dma_wait3A_538 : memref<10240x128xf32, #tpu.memory_space<vmem_shared>>)
      tpu.yield
    }) : () -> ()
    %dma_wait3A_328 = arith.constant 1 : i32
    %dma_wait3A_329 = arith.constant 0 : i32
    %dma_wait3A_330 = arith.constant 0 : i32
    %dma_wait3A_331 = tpu.memref_slice %arg9[%dma_wait3A_328, %dma_wait3A_329, %dma_wait3A_330] : memref<2x128x128xf32, #tpu.memory_space<vmem>> -> memref<1x128x128xf32, #tpu.memory_space<vmem>>
    %dma_wait3A_332 = tpu.memref_squeeze %dma_wait3A_331 : memref<1x128x128xf32, #tpu.memory_space<vmem>> -> memref<128x128xf32, #tpu.memory_space<vmem>>
    %dma_wait3A_333 = arith.constant 0 : i32
    %dma_wait3A_334 = arith.constant 0 : i32
    %dma_wait3A_335 = tpu.memref_slice %arg2[%dma_wait3A_333, %dma_wait3A_334] : memref<10240x128xf32, #tpu.memory_space<hbm>> -> memref<128x128xf32, #tpu.memory_space<hbm>>
    %dma_wait3A_336 = arith.constant 0 : i32
    %dma_wait3A_337 = arith.constant 0 : i32
    %dma_wait3A_338 = tpu.memref_slice %arg9[%dma_wait3A_328, %dma_wait3A_336, %dma_wait3A_337] : memref<2x128x128xf32, #tpu.memory_space<vmem>> -> memref<1x128x128xf32, #tpu.memory_space<vmem>>
    %dma_wait3A_339 = tpu.memref_squeeze %dma_wait3A_338 : memref<1x128x128xf32, #tpu.memory_space<vmem>> -> memref<128x128xf32, #tpu.memory_space<vmem>>
    %dma_wait3A_340 = arith.constant 0 : i32
    %dma_wait3A_341 = arith.constant 0 : i32
    %dma_wait3A_342 = tpu.memref_slice %arg2[%dma_wait3A_340, %dma_wait3A_341] : memref<10240x128xf32, #tpu.memory_space<hbm>> -> memref<128x128xf32, #tpu.memory_space<hbm>>
    tpu.wait_dma2 semaphore(%arg11 : memref<!tpu.dma_semaphore, #tpu.memory_space<semaphore_mem>>) src(%dma_wait3A_342 : memref<128x128xf32, #tpu.memory_space<hbm>>) dst(%dma_wait3A_339 : memref<128x128xf32, #tpu.memory_space<vmem>>)
    %run_scoped3A_343 = arith.constant 1 : i32
    %run_scoped3A_344 = arith.constant 7 : i32
    "tpu.region"() ({
      %run_scoped3A_518 = tpu.sem_alloc : memref<!tpu.dma_semaphore, #tpu.memory_space<semaphore_mem>>
      %dma_start3A_519 = arith.constant 0 : i32
      %dma_start3A_520 = arith.constant 0 : i32
      %dma_start3A_521 = tpu.memref_slice %arg9[%run_scoped3A_343, %dma_start3A_519, %dma_start3A_520] : memref<2x128x128xf32, #tpu.memory_space<vmem>> -> memref<1x128x128xf32, #tpu.memory_space<vmem>>
      %dma_start3A_522 = tpu.memref_squeeze %dma_start3A_521 : memref<1x128x128xf32, #tpu.memory_space<vmem>> -> memref<128x128xf32, #tpu.memory_space<vmem>>
      %dma_start3A_523 = arith.constant 0 : i32
      %dma_start3A_524 = tpu.memref_slice %arg8[%run_scoped3A_344, %dma_start3A_523] : memref<8x128xi32, #tpu.memory_space<vmem>> -> memref<1x128xi32, #tpu.memory_space<vmem>>
      %dma_start3A_525 = tpu.memref_squeeze %dma_start3A_524 : memref<1x128xi32, #tpu.memory_space<vmem>> -> memref<128xi32, #tpu.memory_space<vmem>>
      %dma_start3A_526 = arith.constant 0 : i32
      %dma_start3A_527 = arith.constant 0 : i32
      %dma_start3A_528 = tpu.memref_slice %arg10[%dma_start3A_526, %dma_start3A_527] : memref<10240x128xf32, #tpu.memory_space<vmem_shared>> -> memref<10240x128xf32, #tpu.memory_space<vmem_shared>>
      tpu.enqueue_indirect_dma source(%dma_start3A_522 : memref<128x128xf32, #tpu.memory_space<vmem>>) target(%dma_start3A_528 : memref<10240x128xf32, #tpu.memory_space<vmem_shared>>) offsets(%dma_start3A_525 : memref<128xi32, #tpu.memory_space<vmem>>) semaphore(%run_scoped3A_518 : memref<!tpu.dma_semaphore, #tpu.memory_space<semaphore_mem>>) {add = true}
      %dma_wait3A_529 = arith.constant 0 : i32
      %dma_wait3A_530 = arith.constant 0 : i32
      %dma_wait3A_531 = tpu.memref_slice %arg9[%run_scoped3A_343, %dma_wait3A_529, %dma_wait3A_530] : memref<2x128x128xf32, #tpu.memory_space<vmem>> -> memref<1x128x128xf32, #tpu.memory_space<vmem>>
      %dma_wait3A_532 = tpu.memref_squeeze %dma_wait3A_531 : memref<1x128x128xf32, #tpu.memory_space<vmem>> -> memref<128x128xf32, #tpu.memory_space<vmem>>
      %dma_wait3A_533 = arith.constant 0 : i32
      %dma_wait3A_534 = tpu.memref_slice %arg8[%run_scoped3A_344, %dma_wait3A_533] : memref<8x128xi32, #tpu.memory_space<vmem>> -> memref<1x128xi32, #tpu.memory_space<vmem>>
      %dma_wait3A_535 = tpu.memref_squeeze %dma_wait3A_534 : memref<1x128xi32, #tpu.memory_space<vmem>> -> memref<128xi32, #tpu.memory_space<vmem>>
      %dma_wait3A_536 = arith.constant 0 : i32
      %dma_wait3A_537 = arith.constant 0 : i32
      %dma_wait3A_538 = tpu.memref_slice %arg10[%dma_wait3A_536, %dma_wait3A_537] : memref<10240x128xf32, #tpu.memory_space<vmem_shared>> -> memref<10240x128xf32, #tpu.memory_space<vmem_shared>>
      tpu.wait_indirect_dma semaphore(%run_scoped3A_518 : memref<!tpu.dma_semaphore, #tpu.memory_space<semaphore_mem>>) src(%dma_wait3A_532 : memref<128x128xf32, #tpu.memory_space<vmem>>) dst(%dma_wait3A_538 : memref<10240x128xf32, #tpu.memory_space<vmem_shared>>)
      tpu.yield
    }) : () -> ()
    %dma_wait3A_345 = arith.constant 0 : i32
    %dma_wait3A_346 = arith.constant 0 : i32
    %dma_wait3A_347 = arith.constant 0 : i32
    %dma_wait3A_348 = tpu.memref_slice %arg7[%dma_wait3A_346, %dma_wait3A_347] : memref<8x128xi32, #tpu.memory_space<vmem>> -> memref<1x128xi32, #tpu.memory_space<vmem>>
    %dma_wait3A_349 = tpu.memref_squeeze %dma_wait3A_348 : memref<1x128xi32, #tpu.memory_space<vmem>> -> memref<128xi32, #tpu.memory_space<vmem>>
    %dma_wait3A_350 = arith.constant 0 : i32
    %dma_wait3A_351 = tpu.memref_slice %arg3[%add3A, %dma_wait3A_345, %dma_wait3A_350] : memref<32x80x128xi32, #tpu.memory_space<hbm>> -> memref<1x1x128xi32, #tpu.memory_space<hbm>>
    %dma_wait3A_352 = tpu.memref_squeeze %dma_wait3A_351 : memref<1x1x128xi32, #tpu.memory_space<hbm>> -> memref<128xi32, #tpu.memory_space<hbm>>
    %dma_wait3A_353 = arith.constant 0 : i32
    %dma_wait3A_354 = tpu.memref_slice %arg7[%dma_wait3A_346, %dma_wait3A_353] : memref<8x128xi32, #tpu.memory_space<vmem>> -> memref<1x128xi32, #tpu.memory_space<vmem>>
    %dma_wait3A_355 = tpu.memref_squeeze %dma_wait3A_354 : memref<1x128xi32, #tpu.memory_space<vmem>> -> memref<128xi32, #tpu.memory_space<vmem>>
    %dma_wait3A_356 = arith.constant 0 : i32
    %dma_wait3A_357 = tpu.memref_slice %arg3[%add3A, %dma_wait3A_345, %dma_wait3A_356] : memref<32x80x128xi32, #tpu.memory_space<hbm>> -> memref<1x1x128xi32, #tpu.memory_space<hbm>>
    %dma_wait3A_358 = tpu.memref_squeeze %dma_wait3A_357 : memref<1x1x128xi32, #tpu.memory_space<hbm>> -> memref<128xi32, #tpu.memory_space<hbm>>
    tpu.wait_dma2 semaphore(%arg12 : memref<!tpu.dma_semaphore, #tpu.memory_space<semaphore_mem>>) src(%dma_wait3A_358 : memref<128xi32, #tpu.memory_space<hbm>>) dst(%dma_wait3A_355 : memref<128xi32, #tpu.memory_space<vmem>>)
    %dma_wait3A_359 = arith.constant 0 : i32
    %dma_wait3A_360 = arith.constant 0 : i32
    %dma_wait3A_361 = arith.constant 0 : i32
    %dma_wait3A_362 = tpu.memref_slice %arg8[%dma_wait3A_360, %dma_wait3A_361] : memref<8x128xi32, #tpu.memory_space<vmem>> -> memref<1x128xi32, #tpu.memory_space<vmem>>
    %dma_wait3A_363 = tpu.memref_squeeze %dma_wait3A_362 : memref<1x128xi32, #tpu.memory_space<vmem>> -> memref<128xi32, #tpu.memory_space<vmem>>
    %dma_wait3A_364 = arith.constant 0 : i32
    %dma_wait3A_365 = tpu.memref_slice %arg4[%add3A, %dma_wait3A_359, %dma_wait3A_364] : memref<32x80x128xi32, #tpu.memory_space<hbm>> -> memref<1x1x128xi32, #tpu.memory_space<hbm>>
    %dma_wait3A_366 = tpu.memref_squeeze %dma_wait3A_365 : memref<1x1x128xi32, #tpu.memory_space<hbm>> -> memref<128xi32, #tpu.memory_space<hbm>>
    %dma_wait3A_367 = arith.constant 0 : i32
    %dma_wait3A_368 = tpu.memref_slice %arg8[%dma_wait3A_360, %dma_wait3A_367] : memref<8x128xi32, #tpu.memory_space<vmem>> -> memref<1x128xi32, #tpu.memory_space<vmem>>
    %dma_wait3A_369 = tpu.memref_squeeze %dma_wait3A_368 : memref<1x128xi32, #tpu.memory_space<vmem>> -> memref<128xi32, #tpu.memory_space<vmem>>
    %dma_wait3A_370 = arith.constant 0 : i32
    %dma_wait3A_371 = tpu.memref_slice %arg4[%add3A, %dma_wait3A_359, %dma_wait3A_370] : memref<32x80x128xi32, #tpu.memory_space<hbm>> -> memref<1x1x128xi32, #tpu.memory_space<hbm>>
    %dma_wait3A_372 = tpu.memref_squeeze %dma_wait3A_371 : memref<1x1x128xi32, #tpu.memory_space<hbm>> -> memref<128xi32, #tpu.memory_space<hbm>>
    tpu.wait_dma2 semaphore(%arg12 : memref<!tpu.dma_semaphore, #tpu.memory_space<semaphore_mem>>) src(%dma_wait3A_372 : memref<128xi32, #tpu.memory_space<hbm>>) dst(%dma_wait3A_369 : memref<128xi32, #tpu.memory_space<vmem>>)
    %dma_wait3A_373 = arith.constant 0 : i32
    %dma_wait3A_374 = arith.constant 0 : i32
    %dma_wait3A_375 = arith.constant 0 : i32
    %dma_wait3A_376 = tpu.memref_slice %arg7[%dma_wait3A_374, %dma_wait3A_375] : memref<8x128xi32, #tpu.memory_space<vmem>> -> memref<1x128xi32, #tpu.memory_space<vmem>>
    %dma_wait3A_377 = tpu.memref_squeeze %dma_wait3A_376 : memref<1x128xi32, #tpu.memory_space<vmem>> -> memref<128xi32, #tpu.memory_space<vmem>>
    %dma_wait3A_378 = arith.constant 0 : i32
    %dma_wait3A_379 = tpu.memref_slice %arg3[%add3A, %dma_wait3A_373, %dma_wait3A_378] : memref<32x80x128xi32, #tpu.memory_space<hbm>> -> memref<1x1x128xi32, #tpu.memory_space<hbm>>
    %dma_wait3A_380 = tpu.memref_squeeze %dma_wait3A_379 : memref<1x1x128xi32, #tpu.memory_space<hbm>> -> memref<128xi32, #tpu.memory_space<hbm>>
    %dma_wait3A_381 = arith.constant 0 : i32
    %dma_wait3A_382 = tpu.memref_slice %arg7[%dma_wait3A_374, %dma_wait3A_381] : memref<8x128xi32, #tpu.memory_space<vmem>> -> memref<1x128xi32, #tpu.memory_space<vmem>>
    %dma_wait3A_383 = tpu.memref_squeeze %dma_wait3A_382 : memref<1x128xi32, #tpu.memory_space<vmem>> -> memref<128xi32, #tpu.memory_space<vmem>>
    %dma_wait3A_384 = arith.constant 0 : i32
    %dma_wait3A_385 = tpu.memref_slice %arg3[%add3A, %dma_wait3A_373, %dma_wait3A_384] : memref<32x80x128xi32, #tpu.memory_space<hbm>> -> memref<1x1x128xi32, #tpu.memory_space<hbm>>
    %dma_wait3A_386 = tpu.memref_squeeze %dma_wait3A_385 : memref<1x1x128xi32, #tpu.memory_space<hbm>> -> memref<128xi32, #tpu.memory_space<hbm>>
    tpu.wait_dma2 semaphore(%arg12 : memref<!tpu.dma_semaphore, #tpu.memory_space<semaphore_mem>>) src(%dma_wait3A_386 : memref<128xi32, #tpu.memory_space<hbm>>) dst(%dma_wait3A_383 : memref<128xi32, #tpu.memory_space<vmem>>)
    %dma_wait3A_387 = arith.constant 0 : i32
    %dma_wait3A_388 = arith.constant 0 : i32
    %dma_wait3A_389 = arith.constant 0 : i32
    %dma_wait3A_390 = tpu.memref_slice %arg8[%dma_wait3A_388, %dma_wait3A_389] : memref<8x128xi32, #tpu.memory_space<vmem>> -> memref<1x128xi32, #tpu.memory_space<vmem>>
    %dma_wait3A_391 = tpu.memref_squeeze %dma_wait3A_390 : memref<1x128xi32, #tpu.memory_space<vmem>> -> memref<128xi32, #tpu.memory_space<vmem>>
    %dma_wait3A_392 = arith.constant 0 : i32
    %dma_wait3A_393 = tpu.memref_slice %arg4[%add3A, %dma_wait3A_387, %dma_wait3A_392] : memref<32x80x128xi32, #tpu.memory_space<hbm>> -> memref<1x1x128xi32, #tpu.memory_space<hbm>>
    %dma_wait3A_394 = tpu.memref_squeeze %dma_wait3A_393 : memref<1x1x128xi32, #tpu.memory_space<hbm>> -> memref<128xi32, #tpu.memory_space<hbm>>
    %dma_wait3A_395 = arith.constant 0 : i32
    %dma_wait3A_396 = tpu.memref_slice %arg8[%dma_wait3A_388, %dma_wait3A_395] : memref<8x128xi32, #tpu.memory_space<vmem>> -> memref<1x128xi32, #tpu.memory_space<vmem>>
    %dma_wait3A_397 = tpu.memref_squeeze %dma_wait3A_396 : memref<1x128xi32, #tpu.memory_space<vmem>> -> memref<128xi32, #tpu.memory_space<vmem>>
    %dma_wait3A_398 = arith.constant 0 : i32
    %dma_wait3A_399 = tpu.memref_slice %arg4[%add3A, %dma_wait3A_387, %dma_wait3A_398] : memref<32x80x128xi32, #tpu.memory_space<hbm>> -> memref<1x1x128xi32, #tpu.memory_space<hbm>>
    %dma_wait3A_400 = tpu.memref_squeeze %dma_wait3A_399 : memref<1x1x128xi32, #tpu.memory_space<hbm>> -> memref<128xi32, #tpu.memory_space<hbm>>
    tpu.wait_dma2 semaphore(%arg12 : memref<!tpu.dma_semaphore, #tpu.memory_space<semaphore_mem>>) src(%dma_wait3A_400 : memref<128xi32, #tpu.memory_space<hbm>>) dst(%dma_wait3A_397 : memref<128xi32, #tpu.memory_space<vmem>>)
    %dma_wait3A_401 = arith.constant 0 : i32
    %dma_wait3A_402 = arith.constant 0 : i32
    %dma_wait3A_403 = arith.constant 0 : i32
    %dma_wait3A_404 = tpu.memref_slice %arg7[%dma_wait3A_402, %dma_wait3A_403] : memref<8x128xi32, #tpu.memory_space<vmem>> -> memref<1x128xi32, #tpu.memory_space<vmem>>
    %dma_wait3A_405 = tpu.memref_squeeze %dma_wait3A_404 : memref<1x128xi32, #tpu.memory_space<vmem>> -> memref<128xi32, #tpu.memory_space<vmem>>
    %dma_wait3A_406 = arith.constant 0 : i32
    %dma_wait3A_407 = tpu.memref_slice %arg3[%add3A, %dma_wait3A_401, %dma_wait3A_406] : memref<32x80x128xi32, #tpu.memory_space<hbm>> -> memref<1x1x128xi32, #tpu.memory_space<hbm>>
    %dma_wait3A_408 = tpu.memref_squeeze %dma_wait3A_407 : memref<1x1x128xi32, #tpu.memory_space<hbm>> -> memref<128xi32, #tpu.memory_space<hbm>>
    %dma_wait3A_409 = arith.constant 0 : i32
    %dma_wait3A_410 = tpu.memref_slice %arg7[%dma_wait3A_402, %dma_wait3A_409] : memref<8x128xi32, #tpu.memory_space<vmem>> -> memref<1x128xi32, #tpu.memory_space<vmem>>
    %dma_wait3A_411 = tpu.memref_squeeze %dma_wait3A_410 : memref<1x128xi32, #tpu.memory_space<vmem>> -> memref<128xi32, #tpu.memory_space<vmem>>
    %dma_wait3A_412 = arith.constant 0 : i32
    %dma_wait3A_413 = tpu.memref_slice %arg3[%add3A, %dma_wait3A_401, %dma_wait3A_412] : memref<32x80x128xi32, #tpu.memory_space<hbm>> -> memref<1x1x128xi32, #tpu.memory_space<hbm>>
    %dma_wait3A_414 = tpu.memref_squeeze %dma_wait3A_413 : memref<1x1x128xi32, #tpu.memory_space<hbm>> -> memref<128xi32, #tpu.memory_space<hbm>>
    tpu.wait_dma2 semaphore(%arg12 : memref<!tpu.dma_semaphore, #tpu.memory_space<semaphore_mem>>) src(%dma_wait3A_414 : memref<128xi32, #tpu.memory_space<hbm>>) dst(%dma_wait3A_411 : memref<128xi32, #tpu.memory_space<vmem>>)
    %dma_wait3A_415 = arith.constant 0 : i32
    %dma_wait3A_416 = arith.constant 0 : i32
    %dma_wait3A_417 = arith.constant 0 : i32
    %dma_wait3A_418 = tpu.memref_slice %arg8[%dma_wait3A_416, %dma_wait3A_417] : memref<8x128xi32, #tpu.memory_space<vmem>> -> memref<1x128xi32, #tpu.memory_space<vmem>>
    %dma_wait3A_419 = tpu.memref_squeeze %dma_wait3A_418 : memref<1x128xi32, #tpu.memory_space<vmem>> -> memref<128xi32, #tpu.memory_space<vmem>>
    %dma_wait3A_420 = arith.constant 0 : i32
    %dma_wait3A_421 = tpu.memref_slice %arg4[%add3A, %dma_wait3A_415, %dma_wait3A_420] : memref<32x80x128xi32, #tpu.memory_space<hbm>> -> memref<1x1x128xi32, #tpu.memory_space<hbm>>
    %dma_wait3A_422 = tpu.memref_squeeze %dma_wait3A_421 : memref<1x1x128xi32, #tpu.memory_space<hbm>> -> memref<128xi32, #tpu.memory_space<hbm>>
    %dma_wait3A_423 = arith.constant 0 : i32
    %dma_wait3A_424 = tpu.memref_slice %arg8[%dma_wait3A_416, %dma_wait3A_423] : memref<8x128xi32, #tpu.memory_space<vmem>> -> memref<1x128xi32, #tpu.memory_space<vmem>>
    %dma_wait3A_425 = tpu.memref_squeeze %dma_wait3A_424 : memref<1x128xi32, #tpu.memory_space<vmem>> -> memref<128xi32, #tpu.memory_space<vmem>>
    %dma_wait3A_426 = arith.constant 0 : i32
    %dma_wait3A_427 = tpu.memref_slice %arg4[%add3A, %dma_wait3A_415, %dma_wait3A_426] : memref<32x80x128xi32, #tpu.memory_space<hbm>> -> memref<1x1x128xi32, #tpu.memory_space<hbm>>
    %dma_wait3A_428 = tpu.memref_squeeze %dma_wait3A_427 : memref<1x1x128xi32, #tpu.memory_space<hbm>> -> memref<128xi32, #tpu.memory_space<hbm>>
    tpu.wait_dma2 semaphore(%arg12 : memref<!tpu.dma_semaphore, #tpu.memory_space<semaphore_mem>>) src(%dma_wait3A_428 : memref<128xi32, #tpu.memory_space<hbm>>) dst(%dma_wait3A_425 : memref<128xi32, #tpu.memory_space<vmem>>)
    %dma_wait3A_429 = arith.constant 0 : i32
    %dma_wait3A_430 = arith.constant 0 : i32
    %dma_wait3A_431 = arith.constant 0 : i32
    %dma_wait3A_432 = tpu.memref_slice %arg7[%dma_wait3A_430, %dma_wait3A_431] : memref<8x128xi32, #tpu.memory_space<vmem>> -> memref<1x128xi32, #tpu.memory_space<vmem>>
    %dma_wait3A_433 = tpu.memref_squeeze %dma_wait3A_432 : memref<1x128xi32, #tpu.memory_space<vmem>> -> memref<128xi32, #tpu.memory_space<vmem>>
    %dma_wait3A_434 = arith.constant 0 : i32
    %dma_wait3A_435 = tpu.memref_slice %arg3[%add3A, %dma_wait3A_429, %dma_wait3A_434] : memref<32x80x128xi32, #tpu.memory_space<hbm>> -> memref<1x1x128xi32, #tpu.memory_space<hbm>>
    %dma_wait3A_436 = tpu.memref_squeeze %dma_wait3A_435 : memref<1x1x128xi32, #tpu.memory_space<hbm>> -> memref<128xi32, #tpu.memory_space<hbm>>
    %dma_wait3A_437 = arith.constant 0 : i32
    %dma_wait3A_438 = tpu.memref_slice %arg7[%dma_wait3A_430, %dma_wait3A_437] : memref<8x128xi32, #tpu.memory_space<vmem>> -> memref<1x128xi32, #tpu.memory_space<vmem>>
    %dma_wait3A_439 = tpu.memref_squeeze %dma_wait3A_438 : memref<1x128xi32, #tpu.memory_space<vmem>> -> memref<128xi32, #tpu.memory_space<vmem>>
    %dma_wait3A_440 = arith.constant 0 : i32
    %dma_wait3A_441 = tpu.memref_slice %arg3[%add3A, %dma_wait3A_429, %dma_wait3A_440] : memref<32x80x128xi32, #tpu.memory_space<hbm>> -> memref<1x1x128xi32, #tpu.memory_space<hbm>>
    %dma_wait3A_442 = tpu.memref_squeeze %dma_wait3A_441 : memref<1x1x128xi32, #tpu.memory_space<hbm>> -> memref<128xi32, #tpu.memory_space<hbm>>
    tpu.wait_dma2 semaphore(%arg12 : memref<!tpu.dma_semaphore, #tpu.memory_space<semaphore_mem>>) src(%dma_wait3A_442 : memref<128xi32, #tpu.memory_space<hbm>>) dst(%dma_wait3A_439 : memref<128xi32, #tpu.memory_space<vmem>>)
    %dma_wait3A_443 = arith.constant 0 : i32
    %dma_wait3A_444 = arith.constant 0 : i32
    %dma_wait3A_445 = arith.constant 0 : i32
    %dma_wait3A_446 = tpu.memref_slice %arg8[%dma_wait3A_444, %dma_wait3A_445] : memref<8x128xi32, #tpu.memory_space<vmem>> -> memref<1x128xi32, #tpu.memory_space<vmem>>
    %dma_wait3A_447 = tpu.memref_squeeze %dma_wait3A_446 : memref<1x128xi32, #tpu.memory_space<vmem>> -> memref<128xi32, #tpu.memory_space<vmem>>
    %dma_wait3A_448 = arith.constant 0 : i32
    %dma_wait3A_449 = tpu.memref_slice %arg4[%add3A, %dma_wait3A_443, %dma_wait3A_448] : memref<32x80x128xi32, #tpu.memory_space<hbm>> -> memref<1x1x128xi32, #tpu.memory_space<hbm>>
    %dma_wait3A_450 = tpu.memref_squeeze %dma_wait3A_449 : memref<1x1x128xi32, #tpu.memory_space<hbm>> -> memref<128xi32, #tpu.memory_space<hbm>>
    %dma_wait3A_451 = arith.constant 0 : i32
    %dma_wait3A_452 = tpu.memref_slice %arg8[%dma_wait3A_444, %dma_wait3A_451] : memref<8x128xi32, #tpu.memory_space<vmem>> -> memref<1x128xi32, #tpu.memory_space<vmem>>
    %dma_wait3A_453 = tpu.memref_squeeze %dma_wait3A_452 : memref<1x128xi32, #tpu.memory_space<vmem>> -> memref<128xi32, #tpu.memory_space<vmem>>
    %dma_wait3A_454 = arith.constant 0 : i32
    %dma_wait3A_455 = tpu.memref_slice %arg4[%add3A, %dma_wait3A_443, %dma_wait3A_454] : memref<32x80x128xi32, #tpu.memory_space<hbm>> -> memref<1x1x128xi32, #tpu.memory_space<hbm>>
    %dma_wait3A_456 = tpu.memref_squeeze %dma_wait3A_455 : memref<1x1x128xi32, #tpu.memory_space<hbm>> -> memref<128xi32, #tpu.memory_space<hbm>>
    tpu.wait_dma2 semaphore(%arg12 : memref<!tpu.dma_semaphore, #tpu.memory_space<semaphore_mem>>) src(%dma_wait3A_456 : memref<128xi32, #tpu.memory_space<hbm>>) dst(%dma_wait3A_453 : memref<128xi32, #tpu.memory_space<vmem>>)
    %dma_wait3A_457 = arith.constant 0 : i32
    %dma_wait3A_458 = arith.constant 0 : i32
    %dma_wait3A_459 = arith.constant 0 : i32
    %dma_wait3A_460 = tpu.memref_slice %arg7[%dma_wait3A_458, %dma_wait3A_459] : memref<8x128xi32, #tpu.memory_space<vmem>> -> memref<1x128xi32, #tpu.memory_space<vmem>>
    %dma_wait3A_461 = tpu.memref_squeeze %dma_wait3A_460 : memref<1x128xi32, #tpu.memory_space<vmem>> -> memref<128xi32, #tpu.memory_space<vmem>>
    %dma_wait3A_462 = arith.constant 0 : i32
    %dma_wait3A_463 = tpu.memref_slice %arg3[%add3A, %dma_wait3A_457, %dma_wait3A_462] : memref<32x80x128xi32, #tpu.memory_space<hbm>> -> memref<1x1x128xi32, #tpu.memory_space<hbm>>
    %dma_wait3A_464 = tpu.memref_squeeze %dma_wait3A_463 : memref<1x1x128xi32, #tpu.memory_space<hbm>> -> memref<128xi32, #tpu.memory_space<hbm>>
    %dma_wait3A_465 = arith.constant 0 : i32
    %dma_wait3A_466 = tpu.memref_slice %arg7[%dma_wait3A_458, %dma_wait3A_465] : memref<8x128xi32, #tpu.memory_space<vmem>> -> memref<1x128xi32, #tpu.memory_space<vmem>>
    %dma_wait3A_467 = tpu.memref_squeeze %dma_wait3A_466 : memref<1x128xi32, #tpu.memory_space<vmem>> -> memref<128xi32, #tpu.memory_space<vmem>>
    %dma_wait3A_468 = arith.constant 0 : i32
    %dma_wait3A_469 = tpu.memref_slice %arg3[%add3A, %dma_wait3A_457, %dma_wait3A_468] : memref<32x80x128xi32, #tpu.memory_space<hbm>> -> memref<1x1x128xi32, #tpu.memory_space<hbm>>
    %dma_wait3A_470 = tpu.memref_squeeze %dma_wait3A_469 : memref<1x1x128xi32, #tpu.memory_space<hbm>> -> memref<128xi32, #tpu.memory_space<hbm>>
    tpu.wait_dma2 semaphore(%arg12 : memref<!tpu.dma_semaphore, #tpu.memory_space<semaphore_mem>>) src(%dma_wait3A_470 : memref<128xi32, #tpu.memory_space<hbm>>) dst(%dma_wait3A_467 : memref<128xi32, #tpu.memory_space<vmem>>)
    %dma_wait3A_471 = arith.constant 0 : i32
    %dma_wait3A_472 = arith.constant 0 : i32
    %dma_wait3A_473 = arith.constant 0 : i32
    %dma_wait3A_474 = tpu.memref_slice %arg8[%dma_wait3A_472, %dma_wait3A_473] : memref<8x128xi32, #tpu.memory_space<vmem>> -> memref<1x128xi32, #tpu.memory_space<vmem>>
    %dma_wait3A_475 = tpu.memref_squeeze %dma_wait3A_474 : memref<1x128xi32, #tpu.memory_space<vmem>> -> memref<128xi32, #tpu.memory_space<vmem>>
    %dma_wait3A_476 = arith.constant 0 : i32
    %dma_wait3A_477 = tpu.memref_slice %arg4[%add3A, %dma_wait3A_471, %dma_wait3A_476] : memref<32x80x128xi32, #tpu.memory_space<hbm>> -> memref<1x1x128xi32, #tpu.memory_space<hbm>>
    %dma_wait3A_478 = tpu.memref_squeeze %dma_wait3A_477 : memref<1x1x128xi32, #tpu.memory_space<hbm>> -> memref<128xi32, #tpu.memory_space<hbm>>
    %dma_wait3A_479 = arith.constant 0 : i32
    %dma_wait3A_480 = tpu.memref_slice %arg8[%dma_wait3A_472, %dma_wait3A_479] : memref<8x128xi32, #tpu.memory_space<vmem>> -> memref<1x128xi32, #tpu.memory_space<vmem>>
    %dma_wait3A_481 = tpu.memref_squeeze %dma_wait3A_480 : memref<1x128xi32, #tpu.memory_space<vmem>> -> memref<128xi32, #tpu.memory_space<vmem>>
    %dma_wait3A_482 = arith.constant 0 : i32
    %dma_wait3A_483 = tpu.memref_slice %arg4[%add3A, %dma_wait3A_471, %dma_wait3A_482] : memref<32x80x128xi32, #tpu.memory_space<hbm>> -> memref<1x1x128xi32, #tpu.memory_space<hbm>>
    %dma_wait3A_484 = tpu.memref_squeeze %dma_wait3A_483 : memref<1x1x128xi32, #tpu.memory_space<hbm>> -> memref<128xi32, #tpu.memory_space<hbm>>
    tpu.wait_dma2 semaphore(%arg12 : memref<!tpu.dma_semaphore, #tpu.memory_space<semaphore_mem>>) src(%dma_wait3A_484 : memref<128xi32, #tpu.memory_space<hbm>>) dst(%dma_wait3A_481 : memref<128xi32, #tpu.memory_space<vmem>>)
    %dma_wait3A_485 = arith.constant 0 : i32
    %dma_wait3A_486 = arith.constant 0 : i32
    %dma_wait3A_487 = arith.constant 0 : i32
    %dma_wait3A_488 = tpu.memref_slice %arg7[%dma_wait3A_486, %dma_wait3A_487] : memref<8x128xi32, #tpu.memory_space<vmem>> -> memref<1x128xi32, #tpu.memory_space<vmem>>
    %dma_wait3A_489 = tpu.memref_squeeze %dma_wait3A_488 : memref<1x128xi32, #tpu.memory_space<vmem>> -> memref<128xi32, #tpu.memory_space<vmem>>
    %dma_wait3A_490 = arith.constant 0 : i32
    %dma_wait3A_491 = tpu.memref_slice %arg3[%add3A, %dma_wait3A_485, %dma_wait3A_490] : memref<32x80x128xi32, #tpu.memory_space<hbm>> -> memref<1x1x128xi32, #tpu.memory_space<hbm>>
    %dma_wait3A_492 = tpu.memref_squeeze %dma_wait3A_491 : memref<1x1x128xi32, #tpu.memory_space<hbm>> -> memref<128xi32, #tpu.memory_space<hbm>>
    %dma_wait3A_493 = arith.constant 0 : i32
    %dma_wait3A_494 = tpu.memref_slice %arg7[%dma_wait3A_486, %dma_wait3A_493] : memref<8x128xi32, #tpu.memory_space<vmem>> -> memref<1x128xi32, #tpu.memory_space<vmem>>
    %dma_wait3A_495 = tpu.memref_squeeze %dma_wait3A_494 : memref<1x128xi32, #tpu.memory_space<vmem>> -> memref<128xi32, #tpu.memory_space<vmem>>
    %dma_wait3A_496 = arith.constant 0 : i32
    %dma_wait3A_497 = tpu.memref_slice %arg3[%add3A, %dma_wait3A_485, %dma_wait3A_496] : memref<32x80x128xi32, #tpu.memory_space<hbm>> -> memref<1x1x128xi32, #tpu.memory_space<hbm>>
    %dma_wait3A_498 = tpu.memref_squeeze %dma_wait3A_497 : memref<1x1x128xi32, #tpu.memory_space<hbm>> -> memref<128xi32, #tpu.memory_space<hbm>>
    tpu.wait_dma2 semaphore(%arg12 : memref<!tpu.dma_semaphore, #tpu.memory_space<semaphore_mem>>) src(%dma_wait3A_498 : memref<128xi32, #tpu.memory_space<hbm>>) dst(%dma_wait3A_495 : memref<128xi32, #tpu.memory_space<vmem>>)
    %dma_wait3A_499 = arith.constant 0 : i32
    %dma_wait3A_500 = arith.constant 0 : i32
    %dma_wait3A_501 = arith.constant 0 : i32
    %dma_wait3A_502 = tpu.memref_slice %arg8[%dma_wait3A_500, %dma_wait3A_501] : memref<8x128xi32, #tpu.memory_space<vmem>> -> memref<1x128xi32, #tpu.memory_space<vmem>>
    %dma_wait3A_503 = tpu.memref_squeeze %dma_wait3A_502 : memref<1x128xi32, #tpu.memory_space<vmem>> -> memref<128xi32, #tpu.memory_space<vmem>>
    %dma_wait3A_504 = arith.constant 0 : i32
    %dma_wait3A_505 = tpu.memref_slice %arg4[%add3A, %dma_wait3A_499, %dma_wait3A_504] : memref<32x80x128xi32, #tpu.memory_space<hbm>> -> memref<1x1x128xi32, #tpu.memory_space<hbm>>
    %dma_wait3A_506 = tpu.memref_squeeze %dma_wait3A_505 : memref<1x1x128xi32, #tpu.memory_space<hbm>> -> memref<128xi32, #tpu.memory_space<hbm>>
    %dma_wait3A_507 = arith.constant 0 : i32
    %dma_wait3A_508 = tpu.memref_slice %arg8[%dma_wait3A_500, %dma_wait3A_507] : memref<8x128xi32, #tpu.memory_space<vmem>> -> memref<1x128xi32, #tpu.memory_space<vmem>>
    %dma_wait3A_509 = tpu.memref_squeeze %dma_wait3A_508 : memref<1x128xi32, #tpu.memory_space<vmem>> -> memref<128xi32, #tpu.memory_space<vmem>>
    %dma_wait3A_510 = arith.constant 0 : i32
    %dma_wait3A_511 = tpu.memref_slice %arg4[%add3A, %dma_wait3A_499, %dma_wait3A_510] : memref<32x80x128xi32, #tpu.memory_space<hbm>> -> memref<1x1x128xi32, #tpu.memory_space<hbm>>
    %dma_wait3A_512 = tpu.memref_squeeze %dma_wait3A_511 : memref<1x1x128xi32, #tpu.memory_space<hbm>> -> memref<128xi32, #tpu.memory_space<hbm>>
    tpu.wait_dma2 semaphore(%arg12 : memref<!tpu.dma_semaphore, #tpu.memory_space<semaphore_mem>>) src(%dma_wait3A_512 : memref<128xi32, #tpu.memory_space<hbm>>) dst(%dma_wait3A_509 : memref<128xi32, #tpu.memory_space<vmem>>)
    %barrier3A_513 = arith.constant 0 : index
    tpu.barrier barrier_id(%barrier3A_513)
    %mul3A_514 = arith.constant 640 : i32
    %mul3A_515 = arith.muli %arg1, %mul3A_514 : i32
    %mul3A_516 = arith.constant 640 : i32
    %mul3A_517 = arith.muli %arg1, %mul3A_516 : i32
    "tpu.region"() ({
      %run_scoped3A_518 = tpu.sem_alloc : memref<!tpu.dma_semaphore, #tpu.memory_space<semaphore_mem>>
      %dma_start3A_519 = arith.constant 0 : i32
      %dma_start3A_520 = tpu.memref_slice %arg6[%arg0, %mul3A_517, %dma_start3A_519] : memref<2x10240x128xf32, #tpu.memory_space<hbm>> -> memref<1x640x128xf32, #tpu.memory_space<hbm>>
      %dma_start3A_521 = tpu.memref_squeeze %dma_start3A_520 : memref<1x640x128xf32, #tpu.memory_space<hbm>> -> memref<640x128xf32, #tpu.memory_space<hbm>>
      %dma_start3A_522 = arith.constant 0 : i32
      %dma_start3A_523 = tpu.memref_slice %arg10[%mul3A_515, %dma_start3A_522] : memref<10240x128xf32, #tpu.memory_space<vmem_shared>> -> memref<640x128xf32, #tpu.memory_space<vmem_shared>>
      tpu.enqueue_dma source(%dma_start3A_523 : memref<640x128xf32, #tpu.memory_space<vmem_shared>>) target(%dma_start3A_521 : memref<640x128xf32, #tpu.memory_space<hbm>>) target_semaphore(%run_scoped3A_518 : memref<!tpu.dma_semaphore, #tpu.memory_space<semaphore_mem>>)
      %dma_wait3A_524 = arith.constant 0 : i32
      %dma_wait3A_525 = tpu.memref_slice %arg6[%arg0, %mul3A_517, %dma_wait3A_524] : memref<2x10240x128xf32, #tpu.memory_space<hbm>> -> memref<1x640x128xf32, #tpu.memory_space<hbm>>
      %dma_wait3A_526 = tpu.memref_squeeze %dma_wait3A_525 : memref<1x640x128xf32, #tpu.memory_space<hbm>> -> memref<640x128xf32, #tpu.memory_space<hbm>>
      %dma_wait3A_527 = arith.constant 0 : i32
      %dma_wait3A_528 = tpu.memref_slice %arg10[%mul3A_515, %dma_wait3A_527] : memref<10240x128xf32, #tpu.memory_space<vmem_shared>> -> memref<640x128xf32, #tpu.memory_space<vmem_shared>>
      tpu.wait_dma2 semaphore(%run_scoped3A_518 : memref<!tpu.dma_semaphore, #tpu.memory_space<semaphore_mem>>) src(%dma_wait3A_528 : memref<640x128xf32, #tpu.memory_space<vmem_shared>>) dst(%dma_wait3A_526 : memref<640x128xf32, #tpu.memory_space<hbm>>)
      tpu.yield
    }) : () -> ()
    return
  }
}

module attributes {stable_mosaic.version = 14 : i64} {
  func.func @body(%arg0: i32, %arg1: memref<1024x128xf32, #tpu.memory_space<vmem>>, %arg2: memref<128x128xf32, #tpu.memory_space<vmem>>, %arg3: memref<2x1024x128xf32, #tpu.memory_space<vmem>>, %arg4: memref<1024x128xf32, #tpu.memory_space<vmem>>, %arg5: memref<1024x1xf32, #tpu.memory_space<vmem>>) attributes {dimension_semantics = [#tpu.dimension_semantics<arbitrary>], iteration_bounds = array<i64: 10>, scalar_prefetch = 0 : i64, scratch_operands = 0 : i64, tpu.core_type = #tpu.core_type<tc>, window_params = [{transform_indices = @transform_0, window_bounds = array<i64: 1024, 128>}, {pipeline_mode = #tpu.pipeline_mode<synchronous>, transform_indices = @transform_1, window_bounds = array<i64: 128, 128>}, {transform_indices = @transform_2, window_bounds = array<i64: 2, 1024, 128>}, {transform_indices = @transform_3, window_bounds = array<i64: 1024, 128>}, {transform_indices = @transform_4, window_bounds = array<i64: 1024, 1>}]} {
    %get3A = arith.constant 0 : index
    %get3A_0 = arith.constant 0 : index
    %get3A_1 = vector.load %arg1[%get3A, %get3A_0] : memref<1024x128xf32, #tpu.memory_space<vmem>>, vector<1024x128xf32>
    %get3A_2 = arith.constant 0 : index
    %get3A_3 = arith.constant 0 : index
    %get3A_4 = vector.load %arg2[%get3A_2, %get3A_3] : memref<128x128xf32, #tpu.memory_space<vmem>>, vector<128x128xf32>
    %dot_general3A = arith.constant dense<0.000000e+00> : vector<1024x128xf32>
    %dot_general3A_5 = tpu.matmul %get3A_1, %get3A_4, %dot_general3A {dimension_numbers = #tpu.dot_dimension_numbers<[1], [0], [0], [1], [0, 0, 1, 1], [], []>, transpose_lhs_hint = false} : vector<1024x128xf32>, vector<128x128xf32>, vector<1024x128xf32> -> vector<1024x128xf32>
    %get3A_6 = arith.constant 0 : index
    %get3A_7 = arith.constant 0 : index
    %get3A_8 = arith.constant 0 : index
    %get3A_9 = vector.load %arg3[%get3A_6, %get3A_7, %get3A_8] : memref<2x1024x128xf32, #tpu.memory_space<vmem>>, vector<1x1024x1xf32>
    %get3A_10 = vector.shape_cast %get3A_9 : vector<1x1024x1xf32> to vector<1024xf32>
    %get3A_11 = arith.constant 1 : index
    %get3A_12 = arith.constant 0 : index
    %get3A_13 = arith.constant 0 : index
    %get3A_14 = vector.load %arg3[%get3A_11, %get3A_12, %get3A_13] : memref<2x1024x128xf32, #tpu.memory_space<vmem>>, vector<1x1024x1xf32>
    %get3A_15 = vector.shape_cast %get3A_14 : vector<1x1024x1xf32> to vector<1024xf32>
    %add3A = arith.addf %get3A_10, %get3A_15 : vector<1024xf32>
    %add3A_16 = arith.constant 1.000000e+00 : f32
    %add3A_17 = vector.broadcast %add3A_16 : f32 to vector<1024xf32>
    %add3A_18 = arith.addf %add3A, %add3A_17 : vector<1024xf32>
    %rsqrt3A = math.rsqrt %add3A_18 : vector<1024xf32>
    %broadcast_in_dim3A = vector.shape_cast %rsqrt3A : vector<1024xf32> to vector<1024x1xf32>
    %mul3A = vector.broadcast %broadcast_in_dim3A : vector<1024x1xf32> to vector<1024x128xf32>
    %mul3A_19 = arith.mulf %dot_general3A_5, %mul3A : vector<1024x128xf32>
    %swap3A = arith.constant 0 : index
    %swap3A_20 = arith.constant 0 : index
    %swap3A_21 = vector.load %arg4[%swap3A, %swap3A_20] : memref<1024x128xf32, #tpu.memory_space<vmem>>, vector<1024x128xf32>
    tpu.vector_store %arg4[%swap3A, %swap3A_20], %mul3A_19 {strides = array<i32>} : memref<1024x128xf32, #tpu.memory_space<vmem>>, vector<1024x128xf32>,
    %broadcast_in_dim3A_22 = vector.shape_cast %rsqrt3A : vector<1024xf32> to vector<1024x1xf32>
    %swap3A_23 = arith.constant 0 : index
    %swap3A_24 = arith.constant 0 : index
    %swap3A_25 = vector.load %arg5[%swap3A_23, %swap3A_24] : memref<1024x1xf32, #tpu.memory_space<vmem>>, vector<1024x1xf32>
    tpu.vector_store %arg5[%swap3A_23, %swap3A_24], %broadcast_in_dim3A_22 {strides = array<i32>} : memref<1024x1xf32, #tpu.memory_space<vmem>>, vector<1024x1xf32>,
    return
  }
  func.func @transform_0(%arg0: i32) -> (i32, i32) {
    %c0_i32 = arith.constant 0 : i32
    %c0_i32_0 = arith.constant 0 : i32
    return %arg0, %c0_i32 : i32, i32
  }
  func.func @transform_1(%arg0: i32) -> (i32, i32) {
    %c0_i32 = arith.constant 0 : i32
    %c0_i32_0 = arith.constant 0 : i32
    %c0_i32_1 = arith.constant 0 : i32
    return %c0_i32, %c0_i32_0 : i32, i32
  }
  func.func @transform_2(%arg0: i32) -> (i32, i32, i32) {
    %c0_i32 = arith.constant 0 : i32
    %c0_i32_0 = arith.constant 0 : i32
    %c0_i32_1 = arith.constant 0 : i32
    return %c0_i32, %arg0, %c0_i32_0 : i32, i32, i32
  }
  func.func @transform_3(%arg0: i32) -> (i32, i32) {
    %c0_i32 = arith.constant 0 : i32
    %c0_i32_0 = arith.constant 0 : i32
    return %arg0, %c0_i32 : i32, i32
  }
  func.func @transform_4(%arg0: i32) -> (i32, i32) {
    %c0_i32 = arith.constant 0 : i32
    %c0_i32_0 = arith.constant 0 : i32
    return %arg0, %c0_i32 : i32, i32
  }
}

module attributes {stable_mosaic.version = 14 : i64} {
  func.func @body(%arg0: i32, %arg1: memref<2x1024x128xf32, #tpu.memory_space<vmem>>, %arg2: memref<1024x128xf32, #tpu.memory_space<vmem>>, %arg3: memref<1024x1xf32, #tpu.memory_space<vmem>>, %arg4: memref<1x128xf32, #tpu.memory_space<vmem>>, %arg5: memref<128x128xf32, #tpu.memory_space<vmem>>, %arg6: memref<1024x128xf32, #tpu.memory_space<vmem>>) attributes {dimension_semantics = [#tpu.dimension_semantics<arbitrary>], iteration_bounds = array<i64: 10>, scalar_prefetch = 0 : i64, scratch_operands = 0 : i64, tpu.core_type = #tpu.core_type<tc>, window_params = [{transform_indices = @transform_0, window_bounds = array<i64: 2, 1024, 128>}, {transform_indices = @transform_1, window_bounds = array<i64: 1024, 128>}, {transform_indices = @transform_2, window_bounds = array<i64: 1024, 1>}, {pipeline_mode = #tpu.pipeline_mode<synchronous>, transform_indices = @transform_3, window_bounds = array<i64: 1, 128>}, {pipeline_mode = #tpu.pipeline_mode<synchronous>, transform_indices = @transform_4, window_bounds = array<i64: 128, 128>}, {transform_indices = @transform_5, window_bounds = array<i64: 1024, 128>}]} {
    %get3A = arith.constant 0 : index
    %get3A_0 = arith.constant 0 : index
    %get3A_1 = vector.load %arg3[%get3A, %get3A_0] : memref<1024x1xf32, #tpu.memory_space<vmem>>, vector<1024x1xf32>
    %get3A_2 = arith.constant 0 : index
    %get3A_3 = arith.constant 0 : index
    %get3A_4 = arith.constant 0 : index
    %get3A_5 = vector.load %arg1[%get3A_2, %get3A_3, %get3A_4] : memref<2x1024x128xf32, #tpu.memory_space<vmem>>, vector<1x1024x128xf32>
    %get3A_6 = vector.shape_cast %get3A_5 : vector<1x1024x128xf32> to vector<1024x128xf32>
    %get3A_7 = arith.constant 1 : index
    %get3A_8 = arith.constant 0 : index
    %get3A_9 = arith.constant 0 : index
    %get3A_10 = vector.load %arg1[%get3A_7, %get3A_8, %get3A_9] : memref<2x1024x128xf32, #tpu.memory_space<vmem>>, vector<1x1024x128xf32>
    %get3A_11 = vector.shape_cast %get3A_10 : vector<1x1024x128xf32> to vector<1024x128xf32>
    %add3A = arith.addf %get3A_6, %get3A_11 : vector<1024x128xf32>
    %get3A_12 = arith.constant 0 : index
    %get3A_13 = arith.constant 0 : index
    %get3A_14 = vector.load %arg2[%get3A_12, %get3A_13] : memref<1024x128xf32, #tpu.memory_space<vmem>>, vector<1024x128xf32>
    %add3A_15 = arith.addf %add3A, %get3A_14 : vector<1024x128xf32>
    %mul3A = vector.broadcast %get3A_1 : vector<1024x1xf32> to vector<1024x128xf32>
    %mul3A_16 = arith.mulf %mul3A, %add3A_15 : vector<1024x128xf32>
    %get3A_17 = arith.constant 0 : index
    %get3A_18 = arith.constant 0 : index
    %get3A_19 = vector.load %arg4[%get3A_17, %get3A_18] : memref<1x128xf32, #tpu.memory_space<vmem>>, vector<1x128xf32>
    %add3A_20 = vector.broadcast %get3A_19 : vector<1x128xf32> to vector<1024x128xf32>
    %add3A_21 = arith.addf %mul3A_16, %add3A_20 : vector<1024x128xf32>
    %tanh3A = math.tanh %add3A_21 : vector<1024x128xf32>
    %get3A_22 = arith.constant 0 : index
    %get3A_23 = arith.constant 0 : index
    %get3A_24 = vector.load %arg3[%get3A_22, %get3A_23] : memref<1024x1xf32, #tpu.memory_space<vmem>>, vector<1024x1xf32>
    %get3A_25 = arith.constant 0 : index
    %get3A_26 = arith.constant 0 : index
    %get3A_27 = vector.load %arg5[%get3A_25, %get3A_26] : memref<128x128xf32, #tpu.memory_space<vmem>>, vector<128x128xf32>
    %dot_general3A = arith.constant dense<0.000000e+00> : vector<1024x128xf32>
    %dot_general3A_28 = tpu.matmul %tanh3A, %get3A_27, %dot_general3A {dimension_numbers = #tpu.dot_dimension_numbers<[1], [0], [0], [1], [0, 0, 1, 1], [], []>, transpose_lhs_hint = false} : vector<1024x128xf32>, vector<128x128xf32>, vector<1024x128xf32> -> vector<1024x128xf32>
    %mul3A_29 = vector.broadcast %get3A_24 : vector<1024x1xf32> to vector<1024x128xf32>
    %mul3A_30 = arith.mulf %mul3A_29, %dot_general3A_28 : vector<1024x128xf32>
    %swap3A = arith.constant 0 : index
    %swap3A_31 = arith.constant 0 : index
    %swap3A_32 = vector.load %arg6[%swap3A, %swap3A_31] : memref<1024x128xf32, #tpu.memory_space<vmem>>, vector<1024x128xf32>
    tpu.vector_store %arg6[%swap3A, %swap3A_31], %mul3A_30 {strides = array<i32>} : memref<1024x128xf32, #tpu.memory_space<vmem>>, vector<1024x128xf32>,
    return
  }
  func.func @transform_0(%arg0: i32) -> (i32, i32, i32) {
    %c0_i32 = arith.constant 0 : i32
    %c0_i32_0 = arith.constant 0 : i32
    %c0_i32_1 = arith.constant 0 : i32
    return %c0_i32, %arg0, %c0_i32_0 : i32, i32, i32
  }
  func.func @transform_1(%arg0: i32) -> (i32, i32) {
    %c0_i32 = arith.constant 0 : i32
    %c0_i32_0 = arith.constant 0 : i32
    return %arg0, %c0_i32 : i32, i32
  }
  func.func @transform_2(%arg0: i32) -> (i32, i32) {
    %c0_i32 = arith.constant 0 : i32
    %c0_i32_0 = arith.constant 0 : i32
    return %arg0, %c0_i32 : i32, i32
  }
  func.func @transform_3(%arg0: i32) -> (i32, i32) {
    %c0_i32 = arith.constant 0 : i32
    %c0_i32_0 = arith.constant 0 : i32
    %c0_i32_1 = arith.constant 0 : i32
    return %c0_i32, %c0_i32_0 : i32, i32
  }
  func.func @transform_4(%arg0: i32) -> (i32, i32) {
    %c0_i32 = arith.constant 0 : i32
    %c0_i32_0 = arith.constant 0 : i32
    %c0_i32_1 = arith.constant 0 : i32
    return %c0_i32, %c0_i32_0 : i32, i32
  }
  func.func @transform_5(%arg0: i32) -> (i32, i32) {
    %c0_i32 = arith.constant 0 : i32
    %c0_i32_0 = arith.constant 0 : i32
    return %arg0, %c0_i32 : i32, i32
  }
}

module attributes {stable_mosaic.version = 14 : i64} {
  func.func @body(%arg0: i32, %arg1: memref<2x1000x128xf32, #tpu.memory_space<vmem>>, %arg2: memref<1000x128xf32, #tpu.memory_space<vmem>>, %arg3: memref<1000x1xf32, #tpu.memory_space<vmem>>, %arg4: memref<1x64xf32, #tpu.memory_space<vmem>>, %arg5: memref<1000x64xf32, #tpu.memory_space<vmem>>) attributes {dimension_semantics = [#tpu.dimension_semantics<arbitrary>], iteration_bounds = array<i64: 10>, scalar_prefetch = 0 : i64, scratch_operands = 0 : i64, tpu.core_type = #tpu.core_type<tc>, window_params = [{transform_indices = @transform_0, window_bounds = array<i64: 2, 1000, 128>}, {transform_indices = @transform_1, window_bounds = array<i64: 1000, 128>}, {transform_indices = @transform_2, window_bounds = array<i64: 1000, 1>}, {pipeline_mode = #tpu.pipeline_mode<synchronous>, transform_indices = @transform_3, window_bounds = array<i64: 1, 64>}, {transform_indices = @transform_4, window_bounds = array<i64: 1000, 64>}]} {
    %get3A = arith.constant 0 : index
    %get3A_0 = arith.constant 0 : index
    %get3A_1 = vector.load %arg3[%get3A, %get3A_0] : memref<1000x1xf32, #tpu.memory_space<vmem>>, vector<1000x1xf32>
    %get3A_2 = arith.constant 0 : index
    %get3A_3 = arith.constant 0 : index
    %get3A_4 = arith.constant 0 : index
    %get3A_5 = vector.load %arg1[%get3A_2, %get3A_3, %get3A_4] : memref<2x1000x128xf32, #tpu.memory_space<vmem>>, vector<1x1000x128xf32>
    %get3A_6 = vector.shape_cast %get3A_5 : vector<1x1000x128xf32> to vector<1000x128xf32>
    %get3A_7 = arith.constant 1 : index
    %get3A_8 = arith.constant 0 : index
    %get3A_9 = arith.constant 0 : index
    %get3A_10 = vector.load %arg1[%get3A_7, %get3A_8, %get3A_9] : memref<2x1000x128xf32, #tpu.memory_space<vmem>>, vector<1x1000x128xf32>
    %get3A_11 = vector.shape_cast %get3A_10 : vector<1x1000x128xf32> to vector<1000x128xf32>
    %add3A = arith.addf %get3A_6, %get3A_11 : vector<1000x128xf32>
    %get3A_12 = arith.constant 0 : index
    %get3A_13 = arith.constant 0 : index
    %get3A_14 = vector.load %arg2[%get3A_12, %get3A_13] : memref<1000x128xf32, #tpu.memory_space<vmem>>, vector<1000x128xf32>
    %add3A_15 = arith.addf %add3A, %get3A_14 : vector<1000x128xf32>
    %mul3A = vector.broadcast %get3A_1 : vector<1000x1xf32> to vector<1000x128xf32>
    %mul3A_16 = arith.mulf %mul3A, %add3A_15 : vector<1000x128xf32>
    %slice3A = vector.extract_strided_slice %mul3A_16 {offsets = [0, 0], sizes = [1000, 64], strides = [1, 1]} : vector<1000x128xf32> to vector<1000x64xf32>
    %get3A_17 = arith.constant 0 : index
    %get3A_18 = arith.constant 0 : index
    %get3A_19 = vector.load %arg4[%get3A_17, %get3A_18] : memref<1x64xf32, #tpu.memory_space<vmem>>, vector<1x64xf32>
    %add3A_20 = vector.broadcast %get3A_19 : vector<1x64xf32> to vector<1000x64xf32>
    %add3A_21 = arith.addf %slice3A, %add3A_20 : vector<1000x64xf32>
    %swap3A = arith.constant 0 : index
    %swap3A_22 = arith.constant 0 : index
    %swap3A_23 = vector.load %arg5[%swap3A, %swap3A_22] : memref<1000x64xf32, #tpu.memory_space<vmem>>, vector<1000x64xf32>
    tpu.vector_store %arg5[%swap3A, %swap3A_22], %add3A_21 {strides = array<i32>} : memref<1000x64xf32, #tpu.memory_space<vmem>>, vector<1000x64xf32>,
    return
  }
  func.func @transform_0(%arg0: i32) -> (i32, i32, i32) {
    %c0_i32 = arith.constant 0 : i32
    %c0_i32_0 = arith.constant 0 : i32
    %c0_i32_1 = arith.constant 0 : i32
    return %c0_i32, %arg0, %c0_i32_0 : i32, i32, i32
  }
  func.func @transform_1(%arg0: i32) -> (i32, i32) {
    %c0_i32 = arith.constant 0 : i32
    %c0_i32_0 = arith.constant 0 : i32
    return %arg0, %c0_i32 : i32, i32
  }
  func.func @transform_2(%arg0: i32) -> (i32, i32) {
    %c0_i32 = arith.constant 0 : i32
    %c0_i32_0 = arith.constant 0 : i32
    return %arg0, %c0_i32 : i32, i32
  }
  func.func @transform_3(%arg0: i32) -> (i32, i32) {
    %c0_i32 = arith.constant 0 : i32
    %c0_i32_0 = arith.constant 0 : i32
    %c0_i32_1 = arith.constant 0 : i32
    return %c0_i32, %c0_i32_0 : i32, i32
  }
  func.func @transform_4(%arg0: i32) -> (i32, i32) {
    %c0_i32 = arith.constant 0 : i32
    %c0_i32_0 = arith.constant 0 : i32
    return %arg0, %c0_i32 : i32, i32
  }
}

</mosaic_0001>

<sc_bundles>
// kernel: kernel.10.cloned.1.call-start
scs
__scs_entry_jumppad:
0x0: {  	(pc) =	sbr.rel $0x88, $3  }
0x1: {  	(tag) =	ssettag $0x0;
	lr =	simm.s32 $0x1  }
0x2: {  	[smem:$0x3F99] =	sst lr;
	_ =	strace $0xD0000000  }
0x3: {  	_ = 	snop  }
0x4: {  	_ = 	snop  }
0x5: {  	_ = 	snop  }
0x6: {  	_ = 	snop  }
0x7: {  	_ = 	snop  }
__scs_overlays_trampoline_lowered:
0x8: {  	[smem:$0x3FA8] =	sst s0  }
0x9: {  	[smem:$0x3FA9] =	sst s1  }
0xa: {  	[smem:$0x3FAA] =	sst s2  }
0xb: {  	[smem:$0x3FAB] =	sst s3  }
0xc: {  	[smem:$0x3FAC] =	sst s4  }
0xd: {  	[smem:$0x3FAD] =	sst s5  }
0xe: {  	[smem:$0x3FAE] =	sst s6  }
0xf: {  	[smem:$0x3FAF] =	sst s7  }
0x10: {  	[smem:$0x3FB0] =	sst s8  }
0x11: {  	[smem:$0x3FB1] =	sst s9;
	s0 =	simm.s32 @!p0 $0x0  }
0x12: {  	s1 =	sld [smem:$0x3F97];
	s0 =	simm.s32 @p0 $0x1  }
0x13: {  	[smem:$0x3FB2] =	sst s0;
	s0 =	simm.s32 @!p1 $0x0  }
0x14: {  	s2 =	sld [smem:$0x3F96];
	s0 =	simm.s32 @p1 $0x1  }
0x15: {  	[smem:$0x3FB3] =	sst s0;
	s0 =	simm.s32 @!p2 $0x0  }
0x16: {  	s3 =	sld [smem:$0x3FDB];
	s0 =	simm.s32 @p2 $0x1  }
0x17: {  	s4 =	simm.s32 $0x1BF5;
	[smem:$0x3FB5] =	sst s0  }
0x18: {  	s0 =	sld [smem:$0x3F98];
	_ =	swait.ge [sflag:s4], $0x0  }
0x19: {  	s7 =	sld [smem:$0x3F99]  }
0x1a: {  	s8 =	sadd.s32 $0xFFFFE003, lr  }
0x1b: {  	s9 =	sadd.s32 $0xFFFFFEF7, lr;
	s5 =	simm.s32 $0xFFFFFFFF;
	p2 =	slt.u32 s8, $0xFFFFF086  }
0x1c: {  	p1 =	slt.u32 s9, $0xF7A;
	s5 =	simm.s32 @!p2 $0x0  }
0x1d: {  	s5 =	simm.s32 @p1 $0x1;
	p0 =	seq.s32 s7, s2  }
0x1e: {  	s7 =	smul.u32 @!p0 $0xF7A, s2;
	p2 =	seq.s32 @!p0 s5, $0x0  }
0x1f: {  	s9 =	smul.u32 $0xF7A, s1;
	s8 =	simm.s32 @!p0 $0x1BF5;
	p2 =	por !p2, p0  }
0x20: {  	[sflag:s8] =	ssyncset.s32 @!p0 $0xFFFFF086;
	s6 =	sadd.s32 @!p0 s3, s7;
	s7 =	simm.s32 @!p0 $0x108  }
0x21: {  	s3 =	sadd.s32 s3, s9;
	s6 =	sadd.s32 @!p0 $0x88, s6;
	s7 =	simm.s32 @p2 $0x1082  }
0x22: {  	[simem:s7], [sflag:s8] =	dma.local @!p0 [hbm:s6], $0xF7A  }
0x23: {  	s9 =	sor.u32 $0xD0000000, s2;
	s6 =	simm.s32 $0x108;
	_ =	swait.ge @!p0 [sflag:s8], $0x0  }
0x24: {  	s3 =	sadd.s32 $0x88, s3;
	s6 =	simm.s32 @!p1 $0x1082;
	[sflag:s4] =	ssyncset.s32 $0xFFFFF086  }
0x25: {  	[simem:s6], [sflag:s4] =	dma.local [hbm:s3], $0xF7A  }
0x26: {  	[smem:$0x3F99] =	sst s1;
	(tag) =	ssettag s2;
	_ =	strace s9  }
0x27: {  	s1 =	sld [smem:$0x3FA9]  }
0x28: {  	s2 =	sld [smem:$0x3FAA]  }
0x29: {  	s4 =	sld [smem:$0x3FAC]  }
0x2a: {  	p0 =	seq.s32 s5, $0x0;
	s5 =	sld [smem:$0x3FAD]  }
0x2b: {  	s6 =	sld [smem:$0x3FAE]  }
0x2c: {  	s7 =	sld [smem:$0x3FAF]  }
0x2d: {  	s3 =	simm.s32 $0x108;
	s8 =	sld [smem:$0x3FB0]  }
0x2e: {  	s3 =	simm.s32 @!p0 $0x1082;
	s9 =	sld [smem:$0x3FB1]  }
0x2f: {  	lr =	sadd.s32 s0, s3;
	s0 =	sld [smem:$0x3FA8]  }
0x30: {  	s3 =	sld [smem:$0x3FAB]  }
0x31: {  	[smem:$0x3FB4] =	sst s10  }
0x32: {  	s10 =	sld [smem:$0x3FB2];
	_ =	sdelay $0x3  }
0x33: {  	p0 =	seq.s32 s10, $0x1;
	s10 =	sld [smem:$0x3FB4];
	_ =	sdelay $0x3  }
0x34: {  	[smem:$0x3FB4] =	sst s10  }
0x35: {  	s10 =	sld [smem:$0x3FB3];
	_ =	sdelay $0x3  }
0x36: {  	p1 =	seq.s32 s10, $0x1;
	s10 =	sld [smem:$0x3FB4];
	_ =	sdelay $0x3  }
0x37: {  	[smem:$0x3FB4] =	sst s10  }
0x38: {  	s10 =	sld [smem:$0x3FB5]  }
0x39: {  	_ = 	snop;
	(pc) =	sbr.ind lr, $3  }
0x3a: {  	_ = 	snop  }
0x3b: {  	_ = 	snop  }
0x3c: {  	p2 =	seq.s32 s10, $0x1;
	s10 =	sld [smem:$0x3FB4]  }
0x3d: {  	_ =	shalt  }
0x3e: {  	_ =	shalt  }
0x3f: {  	_ =	shalt  }
0x40: {  	_ =	shalt  }
0x41: {  	_ =	shalt  }
0x42: {  	_ =	shalt  }
0x43: {  	_ =	shalt  }
0x44: {  	_ =	shalt  }
0x45: {  	_ =	shalt  }
0x46: {  	_ =	shalt  }
0x47: {  	_ =	shalt  }
0x48: {  	_ =	shalt  }
0x49: {  	_ =	shalt  }
0x4a: {  	_ =	shalt  }
0x4b: {  	_ =	shalt  }
0x4c: {  	_ =	shalt  }
0x4d: {  	_ =	shalt  }
0x4e: {  	_ =	shalt  }
0x4f: {  	_ =	shalt  }
0x50: {  	_ =	shalt  }
0x51: {  	_ =	shalt  }
0x52: {  	_ =	shalt  }
0x53: {  	_ =	shalt  }
0x54: {  	_ =	shalt  }
0x55: {  	_ =	shalt  }
0x56: {  	_ =	shalt  }
0x57: {  	_ =	shalt  }
0x58: {  	_ =	shalt  }
0x59: {  	_ =	shalt  }
0x5a: {  	_ =	shalt  }
0x5b: {  	_ =	shalt  }
0x5c: {  	_ =	shalt  }
0x5d: {  	_ =	shalt  }
0x5e: {  	_ =	shalt  }
0x5f: {  	_ =	shalt  }
0x60: {  	_ =	shalt  }
0x61: {  	_ =	shalt  }
0x62: {  	_ =	shalt  }
0x63: {  	_ =	shalt  }
0x64: {  	_ =	shalt  }
0x65: {  	_ =	shalt  }
0x66: {  	_ =	shalt  }
0x67: {  	_ =	shalt  }
0x68: {  	_ =	shalt  }
0x69: {  	_ =	shalt  }
0x6a: {  	_ =	shalt  }
0x6b: {  	_ =	shalt  }
0x6c: {  	_ =	shalt  }
0x6d: {  	_ =	shalt  }
0x6e: {  	_ =	shalt  }
0x6f: {  	_ =	shalt  }
0x70: {  	_ =	shalt  }
0x71: {  	_ =	shalt  }
0x72: {  	_ =	shalt  }
0x73: {  	_ =	shalt  }
0x74: {  	_ =	shalt  }
0x75: {  	_ =	shalt  }
0x76: {  	_ =	shalt  }
0x77: {  	_ =	shalt  }
0x78: {  	_ =	shalt  }
0x79: {  	_ =	shalt  }
0x7a: {  	_ =	shalt  }
0x7b: {  	_ =	shalt  }
0x7c: {  	_ =	shalt  }
0x7d: {  	_ =	shalt  }
0x7e: {  	_ =	shalt  }
0x7f: {  	_ =	shalt  }
0x80: {  	_ =	shalt  }
0x81: {  	_ =	shalt  }
0x82: {  	_ =	shalt  }
0x83: {  	_ =	shalt  }
0x84: {  	_ =	shalt  }
0x85: {  	_ =	shalt  }
0x86: {  	_ =	shalt  }
0x87: {  	_ =	shalt  }
.Lfunc_end0:
.L_simem_size_0:
called_computation_lowered:
.L_overlay_start_0:
0x88: {  	s2 =	sld [smem:$0x3FD9]  }
0x89: {  	s3 =	sld [smem:$0x3FFE];
	_ =	sdelay $0x1  }
0x8a: {  	s1 =	srdreg.scid  }
0x8b: {  	s0 =	sand.u32 $0x1, s1  }
0x8c: {  	s16 =	sshll.u32 s0, $0xA;
	s2 =	sadd.s32 s3, s2  }
0x8d: {  	s2 =	sadd.s32 s2, s16  }
0x8e: {  	[smem:$0x3FC0] =	sst s2  }
0x8f: {  	_ = 	snop  }
0x90: {  	(tm) =	ssettm $0x1  }
0x91: {  	s17 =	sld [smem:$0x3FFB];
	_ =	sdelay $0x3  }
0x92: {  	_ =	strace s17  }
0x93: {  	s2 =	sld [smem:$0x3FFC];
	_ =	sdelay $0x3  }
0x94: {  	_ =	strace s2  }
0x95: {  	s2 =	sld [smem:$0x3FFD];
	_ =	sdelay $0x3  }
0x96: {  	_ =	strace s2  }
0x97: {  	_ =	strace $0x8FFFFFFF  }
0x98: {  	s18 =	sld [smem:$0x3FDB];
	_ =	sdelay $0x1  }
0x99: {  	s19 =	simm.s32 $_scs_section_size  }
0x9a: {  	s4 =	simm.s32 $_size__tile_overlayer_lowered;
	s5 =	simm.s32 $_tile_overlayer_lowered  }
0x9b: {  	s22 =	simm.s32 $0x1BFF;
	s21 =	sshll.u32 s5, $0x1;
	s2 =	sadd.s32 s19, s18  }
0x9c: {  	s6 =	simm.s32 $0x0;
	s20 =	sshll.u32 s4, $0x1;
	s4 =	sadd.s32 s21, s2  }
0x9d: {  	[timem:s6], [sflag:s22] =	dma.local [hbm:s4], s20  }
0x9e: {  	_ =	swait.ge [sflag:s22], s20  }
0x9f: {  	s3 =	ssub.s32 $0x0, s20;
	[sflag:s22] =	ssyncset.done $0x0  }
0xa0: {  	[sflag:s22] =	ssyncadd.s32 s3;
	_ =	sdelay $0x1  }
0xa1: {  	s23 =	simm.s32 $0x1B8B  }
0xa2: {  	_ =	swait.ge [sflag:s23], $0x1  }
0xa3: {  	[sflag:s23] =	ssyncset.done $0x0  }
0xa4: {  	s25 =	simm.s32 $0x1B8E;
	s24 =	sld [smem:$0x3FFE];
	[sflag:s23] =	ssyncadd.s32 $0xFFFFFFFF  }
0xa5: {  	s26 =	simm.s32 $execute0_lowered;
	[smem:$0x3FD2] =	sst s25  }
0xa6: {  	s4 =	sshll.u32 s26, $0x1;
	_ =	strace $0x80000046;
	[dreg:$0x1] =	wrdreg $0xFFFFFFFF  }
0xa7: {  	s28 =	simm.s32 $_size_execute0_lowered;
	s2 =	sadd.s32 s2, s4;
	[dreg:$0x0] =	wrdreg $0x0  }
0xa8: {  	s4 =	sshll.u32 s28, $0x1;
	[dreg:$0x2] =	wrdreg s2  }
0xa9: {  	[dreg:$0x3] =	wrdreg s4  }
0xaa: {  	[dreg:$0x4] =	wrdreg $0xC0  }
0xab: {  	_ =	task [dreg:s6], $0x5FFFF  }
0xac: {  	[dreg:$0x1] =	wrdreg $0xFFFFFFFF  }
0xad: {  	[dreg:$0x0] =	wrdreg $0x60  }
0xae: {  	[dreg:$0x2] =	wrdreg s24  }
0xaf: {  	[dreg:$0x3] =	wrdreg $0x68000  }
0xb0: {  	[dreg:$0x4] =	wrdreg $0x9  }
0xb1: {  	_ =	task.clear_ibuf [dreg:s6], $0x5FFFF;
	_ =	strace $0x90000046  }
0xb2: {  	s29 =	simm.s32 $0x9;
	_ =	strace $0x80000048  }
0xb3: {  	_ =	swait.ge [sflag:s29], $0x1  }
0xb4: {  	[sflag:s29] =	ssyncadd.s32 $0xFFFFFFFF  }
0xb5: {  	_ =	strace $0x90000048  }
0xb6: {  	_ =	sfence  }
0xb7: {  	s30 =	sld [smem:$0x0];
	_ =	sdelay $0x2  }
0xb8: {  	s31 =	sshll.u32 s1, $0xD;
	s1 =	sshrl.u32 s1, $0x2  }
0xb9: {  	s3 =	sand.u32 $0x4000, s31;
	s1 =	sadd.s32 s1, s30  }
0xba: {  	s0 =	sor.u32 s3, s0;
	s1 =	sshll.u32 s1, $0x11  }
0xbb: {  	s0 =	sor.u32 s1, s0  }
0xbc: {  	s0 =	sadd.s32 $0x8F2B, s0  }
0xbd: {  	[sflag:s0] =	ssyncadd.remote.s32 $0x1  }
0xbe: {  	_ =	sfence.sel $0xFFFF  }
0xbf: {  	[dreg:$0x0] =	wrdreg $0xFFFFFFFF;
	(pc) =	sbr.abs _section_cstart, $3  }
0xc0: {  	[dreg:$0x1] =	wrdreg $0xFFFFFFFF  }
0xc1: {  	_ =	task.clear_ibuf [dreg:s6], $0x2FFFF;
	_ =	strace $0x9FFFFFFF  }
0xc2: {  	(tm) =	ssettm $0x7FFFFFFF  }
0xc3: {  	_ =	shalt  }
tec
execute0_lowered:
.L_overlay_start_1:
0x0: {  	(tag) =	ssettag $0x1  }
0x1: {  	s6 =	rddreg [dreg:$0x0]  }
0x2: {  	s0 =	srdreg.scid;
	s2 =	rddreg [dreg:$0x1]  }
0x3: {  	s3 =	simm.s32 $0x0;
	s5 =	sand.u32 $0x1, s0;
	s0 =	stileid.u32  }
0x4: {  	s13 =	simm.s32 $0x80;
	s14 =	simm.s32 $0x1;
	s7 =	smul.u32 $0x14000, s0  }
0x5: {  	s15 =	simm.s32 $0x0;
	[smem:$0x7FF] =	sst s3;
	s8 =	smul.u32 $0x140000, s5  }
0x6: {  	s1 =	sshll.u32 s5, $0x4;
	s5 =	ssub.s32 $0x2, s5;
	s28 =	smul.u32 $0x50000, s0  }
0x7: {  	s31 =	sshll.u32 s0, $0x6;
	s1 =	sor.u32 s0, s1;
	s29 =	sshrl.u32 s5, $0x1  }
0x8: {  	s4 =	smul.u32 $0x500, s1;
	s1 =	rddreg [dreg:$0x2];
	_ =	strace $0x80000047  }
0x9: {  	s10 =	sshrl.u32 s7, $0x3;
	s7 =	sadd.s32 s7, s8;
	s11 =	ssub.s32 s5, s29  }
0xa: {  	s30 =	sshrl.u32 s28, $0x2;
	s7 =	sshrl.u32 s7, $0x3;
	s10 =	sadd.s32 s10, s6  }
0xb: {  	s12 =	sadd.s32 s30, s2;
	s8 =	smax.u32 s11, $0x1;
	s11 =	sor.u32 $0x1C02, s31  }
0xc: {  	s9 =	sadd.s32 s4, s6;
	s4 =	sadd.s32 $0x35200, s6;
	s7 =	sadd.s32 s7, s6  }
0xd: {  	s6 =	sadd.s32 $0xD200, s10;
	s10 =	simm.s32 $0x2;
	s12 =	sshrl.u32 s12, $0x3  }
0xe: {  	s5 =	sadd.s32 $0x3200, s9;
	s7 =	sadd.s32 $0x35A00, s7;
	s9 =	simm.s32 $0x2800  }
.LBB2_1:
0xf: {  	[tilespmem:s9], [sflag:$0x2] =	stream.linear.gather [hbm4b:s4+s3], $0x4000, $0x38;
	[tilespmem:$0x1A800] =	vst v63  }
0x10: {  	_ =	swait.ge [sflag:s10], $0x4000  }
0x11: {  	[sflag:s10] =	ssyncset.done $0x0  }
0x12: {  	[sflag:s10] =	ssyncadd.s32 $0xFFFFC000  }
0x13: {  	[tilespmem:s3], [sflag:$0x2] =	stream.linear.gather [hbm4b:s5+s3], $0x2800, $0x38;
	[tilespmem:$0x1A800] =	vst v63  }
0x14: {  	_ =	swait.ge [sflag:s10], $0x2800  }
0x15: {  	[sflag:s10] =	ssyncset.done $0x0  }
0x16: {  	[sflag:s10] =	ssyncadd.s32 $0xFFFFD800  }
0x17: {  	[spmem:s12], [sflag:s11] =	dma.local [hbm:s6], $0x2800  }
0x18: {  	_ =	swait.ge [sflag:s10], $0x2800  }
0x19: {  	[sflag:s10] =	ssyncset.done $0x0  }
0x1a: {  	[sflag:s10] =	ssyncadd.s32 $0xFFFFD800  }
0x1b: {  	s16 =	simm.s32 $0x0;
	[bflag:$0x0] =	sbarrier.arrive $0xFFFF  }
0x1c: {  	[spmem:s2] =	stream.indirect.scatter.add.f32 [tilespmem:s9], [sflag:$0x1], $0x80, s16, s13, $0xb8;
	[tilespmem:$0x1A800] =	vst v63  }
0x1d: {  	s24 =	simm.s32 $0x80  }
0x1e: {  	[spmem:s2] =	stream.indirect.scatter.add.f32 [tilespmem:s9], [sflag:$0x1], $0x80, s24, s13, $0xb8;
	[tilespmem:$0x1A800] =	vst v63  }
0x1f: {  	s25 =	simm.s32 $0x100  }
0x20: {  	[spmem:s2] =	stream.indirect.scatter.add.f32 [tilespmem:s9], [sflag:$0x1], $0x80, s25, s13, $0xb8;
	[tilespmem:$0x1A800] =	vst v63  }
0x21: {  	s26 =	simm.s32 $0x180  }
0x22: {  	[spmem:s2] =	stream.indirect.scatter.add.f32 [tilespmem:s9], [sflag:$0x1], $0x80, s26, s13, $0xb8;
	[tilespmem:$0x1A800] =	vst v63  }
0x23: {  	s28 =	simm.s32 $0x200  }
0x24: {  	[spmem:s2] =	stream.indirect.scatter.add.f32 [tilespmem:s9], [sflag:$0x1], $0x80, s28, s13, $0xb8;
	[tilespmem:$0x1A800] =	vst v63  }
0x25: {  	s29 =	simm.s32 $0x280  }
0x26: {  	[spmem:s2] =	stream.indirect.scatter.add.f32 [tilespmem:s9], [sflag:$0x1], $0x80, s29, s13, $0xb8;
	[tilespmem:$0x1A800] =	vst v63  }
0x27: {  	s30 =	simm.s32 $0x300  }
0x28: {  	[spmem:s2] =	stream.indirect.scatter.add.f32 [tilespmem:s9], [sflag:$0x1], $0x80, s30, s13, $0xb8;
	[tilespmem:$0x1A800] =	vst v63  }
0x29: {  	s31 =	simm.s32 $0x380  }
0x2a: {  	[spmem:s2] =	stream.indirect.scatter.add.f32 [tilespmem:s9], [sflag:$0x1], $0x80, s31, s13, $0xb8;
	[tilespmem:$0x1A800] =	vst v63  }
0x2b: {  	_ =	swait.ge [sflag:s14], $0x4000  }
0x2c: {  	[sflag:s14] =	ssyncset.done $0x0  }
0x2d: {  	[sflag:s14] =	ssyncadd.s32 $0xFFFFC000  }
0x2e: {  	_ =	swait.ge [sflag:s14], $0x4000  }
0x2f: {  	[sflag:s14] =	ssyncset.done $0x0  }
0x30: {  	[sflag:s14] =	ssyncadd.s32 $0xFFFFC000  }
0x31: {  	_ =	swait.ge [sflag:s14], $0x4000  }
0x32: {  	[sflag:s14] =	ssyncset.done $0x0  }
0x33: {  	[sflag:s14] =	ssyncadd.s32 $0xFFFFC000  }
0x34: {  	_ =	swait.ge [sflag:s14], $0x4000  }
0x35: {  	[sflag:s14] =	ssyncset.done $0x0  }
0x36: {  	[sflag:s14] =	ssyncadd.s32 $0xFFFFC000  }
0x37: {  	_ =	swait.ge [sflag:s14], $0x4000  }
0x38: {  	[sflag:s14] =	ssyncset.done $0x0  }
0x39: {  	[sflag:s14] =	ssyncadd.s32 $0xFFFFC000  }
0x3a: {  	_ =	swait.ge [sflag:s14], $0x4000  }
0x3b: {  	[sflag:s14] =	ssyncset.done $0x0  }
0x3c: {  	[sflag:s14] =	ssyncadd.s32 $0xFFFFC000  }
0x3d: {  	_ =	swait.ge [sflag:s14], $0x4000  }
0x3e: {  	[sflag:s14] =	ssyncset.done $0x0  }
0x3f: {  	[sflag:s14] =	ssyncadd.s32 $0xFFFFC000  }
0x40: {  	_ =	swait.ge [sflag:s14], $0x4000  }
0x41: {  	s18 =	simm.s32 $0x2000;
	s16 =	simm.s32 $0x1000;
	[sflag:s14] =	ssyncset.done $0x0  }
.LBB2_2:
0x42: {  	s19 =	sshra.s32 s16, $0x2  }
0x43: {  	[sflag:s14] =	ssyncadd.s32 $0xFFFFC000;
	s16 =	smov.u32 s18;
	s17 =	sadd.s32 $0x1000, s18  }
0x44: {  	[spmem:s2] =	stream.indirect.scatter.add.f32 [tilespmem:s9], [sflag:$0x1], $0x80, s19, s13, $0xb8;
	[tilespmem:$0x1A800] =	vst v63  }
0x45: {  	p0 =	sne.s32 s18, $0x9000;
	s18 =	sadd.s32 $0x80, s19  }
0x46: {  	[spmem:s2] =	stream.indirect.scatter.add.f32 [tilespmem:s9], [sflag:$0x1], $0x80, s18, s13, $0xb8;
	[tilespmem:$0x1A800] =	vst v63  }
0x47: {  	s18 =	sadd.s32 $0x100, s19  }
0x48: {  	[spmem:s2] =	stream.indirect.scatter.add.f32 [tilespmem:s9], [sflag:$0x1], $0x80, s18, s13, $0xb8;
	[tilespmem:$0x1A800] =	vst v63  }
0x49: {  	s18 =	sadd.s32 $0x180, s19  }
0x4a: {  	[spmem:s2] =	stream.indirect.scatter.add.f32 [tilespmem:s9], [sflag:$0x1], $0x80, s18, s13, $0xb8;
	[tilespmem:$0x1A800] =	vst v63  }
0x4b: {  	s18 =	sadd.s32 $0x200, s19  }
0x4c: {  	[spmem:s2] =	stream.indirect.scatter.add.f32 [tilespmem:s9], [sflag:$0x1], $0x80, s18, s13, $0xb8;
	[tilespmem:$0x1A800] =	vst v63  }
0x4d: {  	s18 =	sadd.s32 $0x280, s19  }
0x4e: {  	[spmem:s2] =	stream.indirect.scatter.add.f32 [tilespmem:s9], [sflag:$0x1], $0x80, s18, s13, $0xb8;
	[tilespmem:$0x1A800] =	vst v63  }
0x4f: {  	s18 =	sadd.s32 $0x300, s19  }
0x50: {  	[spmem:s2] =	stream.indirect.scatter.add.f32 [tilespmem:s9], [sflag:$0x1], $0x80, s18, s13, $0xb8;
	[tilespmem:$0x1A800] =	vst v63  }
0x51: {  	s18 =	sadd.s32 $0x380, s19  }
0x52: {  	[spmem:s2] =	stream.indirect.scatter.add.f32 [tilespmem:s9], [sflag:$0x1], $0x80, s18, s13, $0xb8;
	[tilespmem:$0x1A800] =	vst v63  }
0x53: {  	_ =	swait.ge [sflag:s14], $0x4000  }
0x54: {  	[sflag:s14] =	ssyncset.done $0x0  }
0x55: {  	[sflag:s14] =	ssyncadd.s32 $0xFFFFC000  }
0x56: {  	_ =	swait.ge [sflag:s14], $0x4000  }
0x57: {  	[sflag:s14] =	ssyncset.done $0x0  }
0x58: {  	[sflag:s14] =	ssyncadd.s32 $0xFFFFC000  }
0x59: {  	_ =	swait.ge [sflag:s14], $0x4000  }
0x5a: {  	[sflag:s14] =	ssyncset.done $0x0  }
0x5b: {  	[sflag:s14] =	ssyncadd.s32 $0xFFFFC000  }
0x5c: {  	_ =	swait.ge [sflag:s14], $0x4000  }
0x5d: {  	[sflag:s14] =	ssyncset.done $0x0  }
0x5e: {  	[sflag:s14] =	ssyncadd.s32 $0xFFFFC000  }
0x5f: {  	_ =	swait.ge [sflag:s14], $0x4000  }
0x60: {  	[sflag:s14] =	ssyncset.done $0x0  }
0x61: {  	[sflag:s14] =	ssyncadd.s32 $0xFFFFC000  }
0x62: {  	_ =	swait.ge [sflag:s14], $0x4000  }
0x63: {  	[sflag:s14] =	ssyncset.done $0x0  }
0x64: {  	[sflag:s14] =	ssyncadd.s32 $0xFFFFC000  }
.Ltmp0:
0x65: {  	_ =	swait.ge [sflag:s14], $0x4000;
	(pc) =	sbr.rel @p0 .LBB2_2-.Ltmp0, $4  }
0x66: {  	[sflag:s14] =	ssyncset.done $0x0  }
0x67: {  	[sflag:s14] =	ssyncadd.s32 $0xFFFFC000  }
0x68: {  	_ =	swait.ge [sflag:s14], $0x4000  }
0x69: {  	s18 =	smov.u32 s17;
	[sflag:s14] =	ssyncset.done $0x0  }
0x6a: {  	s16 =	sshra.s32 s16, $0x2;
	[sflag:s14] =	ssyncadd.s32 $0xFFFFC000  }
0x6b: {  	[spmem:s2] =	stream.indirect.scatter.add.f32 [tilespmem:s9], [sflag:$0x1], $0x80, s16, s13, $0xb8;
	[tilespmem:$0x1A800] =	vst v63  }
0x6c: {  	s17 =	sadd.s32 $0x80, s16  }
0x6d: {  	[spmem:s2] =	stream.indirect.scatter.add.f32 [tilespmem:s9], [sflag:$0x1], $0x80, s17, s13, $0xb8;
	[tilespmem:$0x1A800] =	vst v63  }
0x6e: {  	s26 =	sadd.s32 $0x100, s16  }
0x6f: {  	[spmem:s2] =	stream.indirect.scatter.add.f32 [tilespmem:s9], [sflag:$0x1], $0x80, s26, s13, $0xb8;
	[tilespmem:$0x1A800] =	vst v63  }
0x70: {  	s28 =	sadd.s32 $0x180, s16  }
0x71: {  	[spmem:s2] =	stream.indirect.scatter.add.f32 [tilespmem:s9], [sflag:$0x1], $0x80, s28, s13, $0xb8;
	[tilespmem:$0x1A800] =	vst v63  }
0x72: {  	s29 =	sadd.s32 $0x200, s16  }
0x73: {  	[spmem:s2] =	stream.indirect.scatter.add.f32 [tilespmem:s9], [sflag:$0x1], $0x80, s29, s13, $0xb8;
	[tilespmem:$0x1A800] =	vst v63  }
0x74: {  	s30 =	sadd.s32 $0x280, s16  }
0x75: {  	[spmem:s2] =	stream.indirect.scatter.add.f32 [tilespmem:s9], [sflag:$0x1], $0x80, s30, s13, $0xb8;
	[tilespmem:$0x1A800] =	vst v63  }
0x76: {  	s31 =	sadd.s32 $0x300, s16  }
0x77: {  	[spmem:s2] =	stream.indirect.scatter.add.f32 [tilespmem:s9], [sflag:$0x1], $0x80, s31, s13, $0xb8;
	[tilespmem:$0x1A800] =	vst v63  }
0x78: {  	s16 =	sadd.s32 $0x380, s16  }
0x79: {  	[spmem:s2] =	stream.indirect.scatter.add.f32 [tilespmem:s9], [sflag:$0x1], $0x80, s16, s13, $0xb8;
	[tilespmem:$0x1A800] =	vst v63  }
0x7a: {  	_ =	swait.ge [sflag:s14], $0x4000  }
0x7b: {  	[sflag:s14] =	ssyncset.done $0x0  }
0x7c: {  	[sflag:s14] =	ssyncadd.s32 $0xFFFFC000  }
0x7d: {  	_ =	swait.ge [sflag:s14], $0x4000  }
0x7e: {  	[sflag:s14] =	ssyncset.done $0x0  }
0x7f: {  	[sflag:s14] =	ssyncadd.s32 $0xFFFFC000  }
0x80: {  	_ =	swait.ge [sflag:s14], $0x4000  }
0x81: {  	[sflag:s14] =	ssyncset.done $0x0  }
0x82: {  	[sflag:s14] =	ssyncadd.s32 $0xFFFFC000  }
0x83: {  	_ =	swait.ge [sflag:s14], $0x4000  }
0x84: {  	[sflag:s14] =	ssyncset.done $0x0  }
0x85: {  	[sflag:s14] =	ssyncadd.s32 $0xFFFFC000  }
0x86: {  	_ =	swait.ge [sflag:s14], $0x4000  }
0x87: {  	[sflag:s14] =	ssyncset.done $0x0  }
0x88: {  	[sflag:s14] =	ssyncadd.s32 $0xFFFFC000  }
0x89: {  	_ =	swait.ge [sflag:s14], $0x4000  }
0x8a: {  	[sflag:s14] =	ssyncset.done $0x0  }
0x8b: {  	[sflag:s14] =	ssyncadd.s32 $0xFFFFC000  }
0x8c: {  	_ =	swait.ge [sflag:s14], $0x4000  }
0x8d: {  	[sflag:s14] =	ssyncset.done $0x0  }
0x8e: {  	[sflag:s14] =	ssyncadd.s32 $0xFFFFC000  }
0x8f: {  	_ =	swait.ge [sflag:s14], $0x4000  }
0x90: {  	s15 =	sadd.s32 $0x1, s15;
	[sflag:s14] =	ssyncset.done $0x0  }
0x91: {  	p0 =	sne.s32 s15, s8;
	[sflag:s14] =	ssyncadd.s32 $0xFFFFC000  }
.Ltmp1:
0x92: {  	[bflag:$0x0] =	sbarrier.arrive $0xFFFF;
	(pc) =	sbr.rel @p0 .LBB2_1-.Ltmp1, $4  }
0x93: {  	[hbm:s7], [sflag:s11] =	dma.local [spmem:s12], $0x2800  }
0x94: {  	_ =	swait.ge [sflag:s10], $0x2800  }
0x95: {  	[sflag:s10] =	ssyncset.done $0x0  }
0x96: {  	[sflag:s10] =	ssyncadd.s32 $0xFFFFD800  }
0x97: {  	_ =	sfence.sel $0x180000  }
0x98: {  	[bflag:$0x0] =	sbarrier.arrive $0xFFFF  }
0x99: {  	p0 =	sne.s32 s0, $0x0;
	_ =	strace $0x90000047  }
0x9a: {  	s0 =	sadd.s32 @!p0 $0x100000, s1;
	[bflag:$0x2] =	sbarrier.arrive $0xFFFF  }
0x9b: {  	[sflag:s0] =	ssyncadd.tile.s32 @!p0 $0x1;
	_ =	shalt  }
.Lfunc_end2:
_tile_overlayer_lowered:
.L_overlay_start_2:
0x9c: {  	(tag) =	ssettag $0x2  }
0x9d: {  	s0 =	rddreg [dreg:$0x0];
	s2 =	stileid.u32  }
0x9e: {  	s1 =	rddreg [dreg:$0x1];
	p0 =	sne.s32 s2, $0x0  }
0x9f: {  	s3 =	rddreg [dreg:$0x2];
	[bflag:$0x3] =	sbarrier.arrive $0xFFFF;
	s2 =	simm.s32 @!p0 $0x1C02  }
0xa0: {  	[timem:s3], [sflag:s2] =	dma.local @!p0 [hbm:s0], s1  }
0xa1: {  	s0 =	simm.s32 @!p0 $0x2  }
0xa2: {  	_ =	swait.ge @!p0 [sflag:s0], s1  }
0xa3: {  	s1 =	ssub.s32 @!p0 $0x0, s1;
	[sflag:s0] =	ssyncset.done @!p0 $0x0  }
0xa4: {  	[sflag:s0] =	ssyncadd.s32 @!p0 s1  }
0xa5: {  	[bflag:$0x3] =	sbarrier.arrive $0xFFFF  }
0xa6: {  	_ =	shalt  }

// kernel: kernel.13.cloned.1.call-start
scs
__scs_entry_jumppad:
0x0: {  	(pc) =	sbr.rel $0x88, $3  }
0x1: {  	(tag) =	ssettag $0x0;
	lr =	simm.s32 $0x1  }
0x2: {  	[smem:$0x3F99] =	sst lr;
	_ =	strace $0xD0000000  }
0x3: {  	_ = 	snop  }
0x4: {  	_ = 	snop  }
0x5: {  	_ = 	snop  }
0x6: {  	_ = 	snop  }
0x7: {  	_ = 	snop  }
__scs_overlays_trampoline_lowered:
0x8: {  	[smem:$0x3FA8] =	sst s0  }
0x9: {  	[smem:$0x3FA9] =	sst s1  }
0xa: {  	[smem:$0x3FAA] =	sst s2  }
0xb: {  	[smem:$0x3FAB] =	sst s3  }
0xc: {  	[smem:$0x3FAC] =	sst s4  }
0xd: {  	[smem:$0x3FAD] =	sst s5  }
0xe: {  	[smem:$0x3FAE] =	sst s6  }
0xf: {  	[smem:$0x3FAF] =	sst s7  }
0x10: {  	[smem:$0x3FB0] =	sst s8  }
0x11: {  	[smem:$0x3FB1] =	sst s9;
	s0 =	simm.s32 @!p0 $0x0  }
0x12: {  	s1 =	sld [smem:$0x3F97];
	s0 =	simm.s32 @p0 $0x1  }
0x13: {  	[smem:$0x3FB2] =	sst s0;
	s0 =	simm.s32 @!p1 $0x0  }
0x14: {  	s2 =	sld [smem:$0x3F96];
	s0 =	simm.s32 @p1 $0x1  }
0x15: {  	[smem:$0x3FB3] =	sst s0;
	s0 =	simm.s32 @!p2 $0x0  }
0x16: {  	s3 =	sld [smem:$0x3FDB];
	s0 =	simm.s32 @p2 $0x1  }
0x17: {  	s4 =	simm.s32 $0x1BF5;
	[smem:$0x3FB5] =	sst s0  }
0x18: {  	s0 =	sld [smem:$0x3F98];
	_ =	swait.ge [sflag:s4], $0x0  }
0x19: {  	s7 =	sld [smem:$0x3F99]  }
0x1a: {  	s8 =	sadd.s32 $0xFFFFE003, lr  }
0x1b: {  	s9 =	sadd.s32 $0xFFFFFEF7, lr;
	s5 =	simm.s32 $0xFFFFFFFF;
	p2 =	slt.u32 s8, $0xFFFFF086  }
0x1c: {  	p1 =	slt.u32 s9, $0xF7A;
	s5 =	simm.s32 @!p2 $0x0  }
0x1d: {  	s5 =	simm.s32 @p1 $0x1;
	p0 =	seq.s32 s7, s2  }
0x1e: {  	s7 =	smul.u32 @!p0 $0xF7A, s2;
	p2 =	seq.s32 @!p0 s5, $0x0  }
0x1f: {  	s9 =	smul.u32 $0xF7A, s1;
	s8 =	simm.s32 @!p0 $0x1BF5;
	p2 =	por !p2, p0  }
0x20: {  	[sflag:s8] =	ssyncset.s32 @!p0 $0xFFFFF086;
	s6 =	sadd.s32 @!p0 s3, s7;
	s7 =	simm.s32 @!p0 $0x108  }
0x21: {  	s3 =	sadd.s32 s3, s9;
	s6 =	sadd.s32 @!p0 $0x88, s6;
	s7 =	simm.s32 @p2 $0x1082  }
0x22: {  	[simem:s7], [sflag:s8] =	dma.local @!p0 [hbm:s6], $0xF7A  }
0x23: {  	s9 =	sor.u32 $0xD0000000, s2;
	s6 =	simm.s32 $0x108;
	_ =	swait.ge @!p0 [sflag:s8], $0x0  }
0x24: {  	s3 =	sadd.s32 $0x88, s3;
	s6 =	simm.s32 @!p1 $0x1082;
	[sflag:s4] =	ssyncset.s32 $0xFFFFF086  }
0x25: {  	[simem:s6], [sflag:s4] =	dma.local [hbm:s3], $0xF7A  }
0x26: {  	[smem:$0x3F99] =	sst s1;
	(tag) =	ssettag s2;
	_ =	strace s9  }
0x27: {  	s1 =	sld [smem:$0x3FA9]  }
0x28: {  	s2 =	sld [smem:$0x3FAA]  }
0x29: {  	s4 =	sld [smem:$0x3FAC]  }
0x2a: {  	p0 =	seq.s32 s5, $0x0;
	s5 =	sld [smem:$0x3FAD]  }
0x2b: {  	s6 =	sld [smem:$0x3FAE]  }
0x2c: {  	s7 =	sld [smem:$0x3FAF]  }
0x2d: {  	s3 =	simm.s32 $0x108;
	s8 =	sld [smem:$0x3FB0]  }
0x2e: {  	s3 =	simm.s32 @!p0 $0x1082;
	s9 =	sld [smem:$0x3FB1]  }
0x2f: {  	lr =	sadd.s32 s0, s3;
	s0 =	sld [smem:$0x3FA8]  }
0x30: {  	s3 =	sld [smem:$0x3FAB]  }
0x31: {  	[smem:$0x3FB4] =	sst s10  }
0x32: {  	s10 =	sld [smem:$0x3FB2];
	_ =	sdelay $0x3  }
0x33: {  	p0 =	seq.s32 s10, $0x1;
	s10 =	sld [smem:$0x3FB4];
	_ =	sdelay $0x3  }
0x34: {  	[smem:$0x3FB4] =	sst s10  }
0x35: {  	s10 =	sld [smem:$0x3FB3];
	_ =	sdelay $0x3  }
0x36: {  	p1 =	seq.s32 s10, $0x1;
	s10 =	sld [smem:$0x3FB4];
	_ =	sdelay $0x3  }
0x37: {  	[smem:$0x3FB4] =	sst s10  }
0x38: {  	s10 =	sld [smem:$0x3FB5]  }
0x39: {  	_ = 	snop;
	(pc) =	sbr.ind lr, $3  }
0x3a: {  	_ = 	snop  }
0x3b: {  	_ = 	snop  }
0x3c: {  	p2 =	seq.s32 s10, $0x1;
	s10 =	sld [smem:$0x3FB4]  }
0x3d: {  	_ =	shalt  }
0x3e: {  	_ =	shalt  }
0x3f: {  	_ =	shalt  }
0x40: {  	_ =	shalt  }
0x41: {  	_ =	shalt  }
0x42: {  	_ =	shalt  }
0x43: {  	_ =	shalt  }
0x44: {  	_ =	shalt  }
0x45: {  	_ =	shalt  }
0x46: {  	_ =	shalt  }
0x47: {  	_ =	shalt  }
0x48: {  	_ =	shalt  }
0x49: {  	_ =	shalt  }
0x4a: {  	_ =	shalt  }
0x4b: {  	_ =	shalt  }
0x4c: {  	_ =	shalt  }
0x4d: {  	_ =	shalt  }
0x4e: {  	_ =	shalt  }
0x4f: {  	_ =	shalt  }
0x50: {  	_ =	shalt  }
0x51: {  	_ =	shalt  }
0x52: {  	_ =	shalt  }
0x53: {  	_ =	shalt  }
0x54: {  	_ =	shalt  }
0x55: {  	_ =	shalt  }
0x56: {  	_ =	shalt  }
0x57: {  	_ =	shalt  }
0x58: {  	_ =	shalt  }
0x59: {  	_ =	shalt  }
0x5a: {  	_ =	shalt  }
0x5b: {  	_ =	shalt  }
0x5c: {  	_ =	shalt  }
0x5d: {  	_ =	shalt  }
0x5e: {  	_ =	shalt  }
0x5f: {  	_ =	shalt  }
0x60: {  	_ =	shalt  }
0x61: {  	_ =	shalt  }
0x62: {  	_ =	shalt  }
0x63: {  	_ =	shalt  }
0x64: {  	_ =	shalt  }
0x65: {  	_ =	shalt  }
0x66: {  	_ =	shalt  }
0x67: {  	_ =	shalt  }
0x68: {  	_ =	shalt  }
0x69: {  	_ =	shalt  }
0x6a: {  	_ =	shalt  }
0x6b: {  	_ =	shalt  }
0x6c: {  	_ =	shalt  }
0x6d: {  	_ =	shalt  }
0x6e: {  	_ =	shalt  }
0x6f: {  	_ =	shalt  }
0x70: {  	_ =	shalt  }
0x71: {  	_ =	shalt  }
0x72: {  	_ =	shalt  }
0x73: {  	_ =	shalt  }
0x74: {  	_ =	shalt  }
0x75: {  	_ =	shalt  }
0x76: {  	_ =	shalt  }
0x77: {  	_ =	shalt  }
0x78: {  	_ =	shalt  }
0x79: {  	_ =	shalt  }
0x7a: {  	_ =	shalt  }
0x7b: {  	_ =	shalt  }
0x7c: {  	_ =	shalt  }
0x7d: {  	_ =	shalt  }
0x7e: {  	_ =	shalt  }
0x7f: {  	_ =	shalt  }
0x80: {  	_ =	shalt  }
0x81: {  	_ =	shalt  }
0x82: {  	_ =	shalt  }
0x83: {  	_ =	shalt  }
0x84: {  	_ =	shalt  }
0x85: {  	_ =	shalt  }
0x86: {  	_ =	shalt  }
0x87: {  	_ =	shalt  }
.Lfunc_end0:
.L_simem_size_0:
called_computation.1_lowered:
.L_overlay_start_0:
0x88: {  	s2 =	sld [smem:$0x3FD9]  }
0x89: {  	s3 =	sld [smem:$0x3FFE];
	_ =	sdelay $0x1  }
0x8a: {  	s1 =	srdreg.scid  }
0x8b: {  	s0 =	sand.u32 $0x1, s1  }
0x8c: {  	s17 =	sshll.u32 s0, $0xA;
	s2 =	sadd.s32 s3, s2  }
0x8d: {  	s2 =	sadd.s32 s2, s17  }
0x8e: {  	[smem:$0x3FC0] =	sst s2  }
0x8f: {  	_ = 	snop  }
0x90: {  	s2 =	sld [smem:$0x3FD0];
	(tm) =	ssettm $0x1  }
0x91: {  	s18 =	sld [smem:$0x3FFB];
	_ =	sdelay $0x3  }
0x92: {  	_ =	strace s18  }
0x93: {  	s3 =	sld [smem:$0x3FFC];
	_ =	sdelay $0x3  }
0x94: {  	_ =	strace s3  }
0x95: {  	s3 =	sld [smem:$0x3FFD];
	_ =	sdelay $0x3  }
0x96: {  	_ =	strace s3  }
0x97: {  	_ =	strace $0x8FFFFFFF  }
0x98: {  	s19 =	sld [smem:$0x3FDB];
	_ =	sdelay $0x1  }
0x99: {  	s4 =	simm.s32 $_scs_section_size  }
0x9a: {  	s5 =	simm.s32 $_size__tile_overlayer_lowered;
	s6 =	simm.s32 $_tile_overlayer_lowered  }
0x9b: {  	s22 =	simm.s32 $0x1BFF;
	s21 =	sshll.u32 s6, $0x1;
	s3 =	sadd.s32 s4, s19  }
0x9c: {  	s7 =	simm.s32 $0x0;
	s20 =	sshll.u32 s5, $0x1;
	s5 =	sadd.s32 s21, s3  }
0x9d: {  	[timem:s7], [sflag:s22] =	dma.local [hbm:s5], s20  }
0x9e: {  	_ =	swait.ge [sflag:s22], s20  }
0x9f: {  	s4 =	ssub.s32 $0x0, s20;
	[sflag:s22] =	ssyncset.done $0x0  }
0xa0: {  	[sflag:s22] =	ssyncadd.s32 s4;
	_ =	sdelay $0x1  }
0xa1: {  	s23 =	simm.s32 $0x1B8B  }
0xa2: {  	_ =	swait.ge [sflag:s23], $0x1  }
0xa3: {  	[sflag:s23] =	ssyncset.done $0x0  }
0xa4: {  	s25 =	simm.s32 $0x1B8E;
	s24 =	sld [smem:$0x3FFE];
	[sflag:s23] =	ssyncadd.s32 $0xFFFFFFFF  }
0xa5: {  	s26 =	simm.s32 $execute0_lowered;
	[smem:$0x3FD2] =	sst s25  }
0xa6: {  	s5 =	sshll.u32 s26, $0x1;
	_ =	strace $0x80000049;
	[dreg:$0x1] =	wrdreg $0xFFFFFFFF  }
0xa7: {  	s28 =	simm.s32 $_size_execute0_lowered;
	s3 =	sadd.s32 s3, s5;
	[dreg:$0x0] =	wrdreg $0x0  }
0xa8: {  	s5 =	sshll.u32 s28, $0x1;
	[dreg:$0x2] =	wrdreg s3  }
0xa9: {  	[dreg:$0x3] =	wrdreg s5  }
0xaa: {  	[dreg:$0x4] =	wrdreg $0xC0  }
0xab: {  	_ =	task [dreg:s7], $0x5FFFF  }
0xac: {  	[dreg:$0x1] =	wrdreg $0xFFFFFFFF  }
0xad: {  	[dreg:$0x0] =	wrdreg $0x60  }
0xae: {  	[dreg:$0x2] =	wrdreg s24  }
0xaf: {  	[dreg:$0x3] =	wrdreg s2  }
0xb0: {  	[dreg:$0x4] =	wrdreg $0x88000  }
0xb1: {  	[dreg:$0x5] =	wrdreg $0x9  }
0xb2: {  	_ =	task.clear_ibuf [dreg:s7], $0x6FFFF;
	_ =	strace $0x90000049  }
0xb3: {  	s29 =	simm.s32 $0x9;
	_ =	strace $0x8000004B  }
0xb4: {  	_ =	swait.ge [sflag:s29], $0x1  }
0xb5: {  	[sflag:s29] =	ssyncadd.s32 $0xFFFFFFFF  }
0xb6: {  	_ =	strace $0x9000004B  }
0xb7: {  	_ =	sfence  }
0xb8: {  	s30 =	sld [smem:$0x0];
	_ =	sdelay $0x2  }
0xb9: {  	s31 =	sshll.u32 s1, $0xD;
	s1 =	sshrl.u32 s1, $0x2  }
0xba: {  	s3 =	sand.u32 $0x4000, s31;
	s1 =	sadd.s32 s1, s30  }
0xbb: {  	s0 =	sor.u32 s3, s0;
	s1 =	sshll.u32 s1, $0x11  }
0xbc: {  	s0 =	sor.u32 s1, s0  }
0xbd: {  	s0 =	sadd.s32 $0x8F2B, s0  }
0xbe: {  	[sflag:s0] =	ssyncadd.remote.s32 $0x1  }
0xbf: {  	_ =	sfence.sel $0xFFFF  }
0xc0: {  	[dreg:$0x0] =	wrdreg $0xFFFFFFFF;
	(pc) =	sbr.abs _section_cstart, $3  }
0xc1: {  	[dreg:$0x1] =	wrdreg $0xFFFFFFFF  }
0xc2: {  	_ =	task.clear_ibuf [dreg:s7], $0x2FFFF;
	_ =	strace $0x9FFFFFFF  }
0xc3: {  	(tm) =	ssettm $0x7FFFFFFF  }
tec
execute0_lowered:
.L_overlay_start_1:
0x0: {  	(tag) =	ssettag $0x1  }
0x1: {  	s0 =	rddreg [dreg:$0x0]  }
0x2: {  	s1 =	rddreg [dreg:$0x1]  }
0x3: {  	s3 =	rddreg [dreg:$0x2];
	s4 =	simm.s32 $0x0  }
0x4: {  	s12 =	stileid.u32;
	s5 =	srdreg.scid;
	s30 =	simm.s32 $0x3  }
0x5: {  	s31 =	simm.s32 $0x700;
	[smem:$0x7FF] =	sst s4;
	s2 =	smul.u32 $0x14000, s12  }
0x6: {  	s7 =	sand.u32 $0x1, s5;
	s5 =	sadd.s32 $0x35200, s0;
	s6 =	sadd.s32 $0x3200, s0  }
0x7: {  	s24 =	smul.u32 $0x50000, s12;
	s13 =	sshll.u32 s12, $0x6;
	_ =	strace $0x8000004A  }
0x8: {  	s9 =	smul.u32 $0x140000, s7;
	s10 =	sshll.u32 s7, $0x4;
	s11 =	ssub.s32 $0x2, s7  }
0x9: {  	s8 =	sshrl.u32 s2, $0x3;
	s10 =	sor.u32 s12, s10;
	s25 =	sshrl.u32 s11, $0x1  }
0xa: {  	s12 =	simm.s32 $0x1;
	s8 =	sadd.s32 s8, s0;
	s2 =	sadd.s32 s2, s9  }
0xb: {  	s7 =	smul.u32 $0x2800, s10;
	s9 =	sshrl.u32 s24, $0x2;
	s10 =	sor.u32 $0x1C03, s13  }
0xc: {  	s13 =	simm.s32 $0x0;
	s2 =	sshrl.u32 s2, $0x3;
	s9 =	sadd.s32 s9, s3  }
0xd: {  	s8 =	sadd.s32 $0xD200, s8;
	s0 =	sadd.s32 s2, s0;
	s26 =	sshrl.u32 s7, $0x3  }
0xe: {  	s2 =	ssub.s32 s11, s25;
	[dreg:$0x4] =	wrdreg s9;
	s14 =	sor.u32 $0x10, s26  }
0xf: {  	[dreg:$0x5] =	wrdreg s8;
	s9 =	simm.s32 $0x800;
	s15 =	sadd.s32 s1, s14  }
0x10: {  	s16 =	sor.u32 $0x20, s26;
	s11 =	sadd.s32 s6, s14;
	[dreg:$0x6] =	wrdreg s15  }
0x11: {  	s18 =	sor.u32 $0x30, s26;
	s17 =	sadd.s32 s1, s16;
	[dreg:$0x7] =	wrdreg s11  }
0x12: {  	s20 =	sor.u32 $0x40, s26;
	s8 =	sadd.s32 s6, s16;
	[dreg:$0x8] =	wrdreg s17  }
0x13: {  	s22 =	sor.u32 $0x50, s26;
	s19 =	sadd.s32 s1, s18;
	[dreg:$0x9] =	wrdreg s8  }
0x14: {  	s24 =	sor.u32 $0x60, s26;
	s21 =	sadd.s32 s1, s20;
	[dreg:$0xa] =	wrdreg s19  }
0x15: {  	s28 =	sadd.s32 $0x5D200, s0;
	s23 =	sadd.s32 s1, s22;
	[dreg:$0xc] =	wrdreg s21  }
0x16: {  	s29 =	smax.u32 s2, $0x1;
	s25 =	sadd.s32 s1, s24;
	[dreg:$0xe] =	wrdreg s23  }
0x17: {  	s0 =	simm.s32 $0x80;
	s11 =	sadd.s32 s6, s18;
	[dreg:$0x10] =	wrdreg s25  }
0x18: {  	s8 =	sadd.s32 s6, s20;
	s23 =	sadd.s32 s1, s26;
	[dreg:$0xb] =	wrdreg s11  }
0x19: {  	[dreg:$0xd] =	wrdreg s8;
	s11 =	sadd.s32 s6, s22;
	s8 =	sadd.s32 s6, s24  }
0x1a: {  	s24 =	sadd.s32 s6, s26;
	s26 =	sor.u32 $0x70, s26;
	[dreg:$0xf] =	wrdreg s11  }
0x1b: {  	s2 =	simm.s32 $0x780;
	[dreg:$0x11] =	wrdreg s8;
	s25 =	sadd.s32 s1, s26  }
0x1c: {  	s26 =	sadd.s32 s6, s26;
	s8 =	simm.s32 $0x2;
	s11 =	simm.s32 $0x4800  }
.LBB2_1:
0x1d: {  	s14 =	rddreg [dreg:$0x4]  }
0x1e: {  	s15 =	rddreg [dreg:$0x5];
	s14 =	sshrl.u32 s14, $0x3  }
0x1f: {  	[spmem:s14], [sflag:s10] =	dma.local [hbm:s15], $0x2800  }
0x20: {  	_ =	swait.ge [sflag:s30], $0x2800  }
0x21: {  	[sflag:s30] =	ssyncset.done $0x0  }
0x22: {  	[sflag:s30] =	ssyncadd.s32 $0xFFFFD800  }
0x23: {  	[tilespmem:s4], [sflag:$0x2] =	stream.linear.gather [hbm4b:s23+s4], $0x80, $0x38;
	[tilespmem:$0x1C800] =	vst v63  }
0x24: {  	s20 =	simm.s32 $0x400  }
0x25: {  	[tilespmem:s20], [sflag:$0x2] =	stream.linear.gather [hbm4b:s24+s4], $0x80, $0x38;
	[tilespmem:$0x1C800] =	vst v63  }
0x26: {  	s21 =	rddreg [dreg:$0x6]  }
0x27: {  	[tilespmem:s0], [sflag:$0x2] =	stream.linear.gather [hbm4b:s21+s4], $0x80, $0x38;
	[tilespmem:$0x1C800] =	vst v63  }
0x28: {  	s16 =	simm.s32 $0x480;
	s22 =	rddreg [dreg:$0x7]  }
0x29: {  	[tilespmem:s16], [sflag:$0x2] =	stream.linear.gather [hbm4b:s22+s4], $0x80, $0x38;
	[tilespmem:$0x1C800] =	vst v63  }
0x2a: {  	s18 =	simm.s32 $0x100;
	s17 =	rddreg [dreg:$0x8]  }
0x2b: {  	[tilespmem:s18], [sflag:$0x2] =	stream.linear.gather [hbm4b:s17+s4], $0x80, $0x38;
	[tilespmem:$0x1C800] =	vst v63  }
0x2c: {  	s19 =	rddreg [dreg:$0x9];
	s20 =	simm.s32 $0x500  }
0x2d: {  	[tilespmem:s20], [sflag:$0x2] =	stream.linear.gather [hbm4b:s19+s4], $0x80, $0x38;
	[tilespmem:$0x1C800] =	vst v63  }
0x2e: {  	s21 =	rddreg [dreg:$0xa];
	s22 =	simm.s32 $0x180  }
0x2f: {  	[tilespmem:s22], [sflag:$0x2] =	stream.linear.gather [hbm4b:s21+s4], $0x80, $0x38;
	[tilespmem:$0x1C800] =	vst v63  }
0x30: {  	s17 =	rddreg [dreg:$0xb];
	s18 =	simm.s32 $0x580  }
0x31: {  	[tilespmem:s18], [sflag:$0x2] =	stream.linear.gather [hbm4b:s17+s4], $0x80, $0x38;
	[tilespmem:$0x1C800] =	vst v63  }
0x32: {  	s19 =	rddreg [dreg:$0xc];
	s20 =	simm.s32 $0x200  }
0x33: {  	[tilespmem:s20], [sflag:$0x2] =	stream.linear.gather [hbm4b:s19+s4], $0x80, $0x38;
	[tilespmem:$0x1C800] =	vst v63  }
0x34: {  	s15 =	simm.s32 $0x600;
	s21 =	rddreg [dreg:$0xd]  }
0x35: {  	[tilespmem:s15], [sflag:$0x2] =	stream.linear.gather [hbm4b:s21+s4], $0x80, $0x38;
	[tilespmem:$0x1C800] =	vst v63  }
0x36: {  	s22 =	rddreg [dreg:$0xe];
	s17 =	simm.s32 $0x280  }
0x37: {  	[tilespmem:s17], [sflag:$0x2] =	stream.linear.gather [hbm4b:s22+s4], $0x80, $0x38;
	[tilespmem:$0x1C800] =	vst v63  }
0x38: {  	s18 =	rddreg [dreg:$0xf];
	s19 =	simm.s32 $0x680  }
0x39: {  	[tilespmem:s19], [sflag:$0x2] =	stream.linear.gather [hbm4b:s18+s4], $0x80, $0x38;
	[tilespmem:$0x1C800] =	vst v63  }
0x3a: {  	s20 =	rddreg [dreg:$0x10];
	s21 =	simm.s32 $0x300  }
0x3b: {  	[tilespmem:s21], [sflag:$0x2] =	stream.linear.gather [hbm4b:s20+s4], $0x80, $0x38;
	[tilespmem:$0x1C800] =	vst v63  }
0x3c: {  	s22 =	rddreg [dreg:$0x11]  }
0x3d: {  	[tilespmem:s31], [sflag:$0x2] =	stream.linear.gather [hbm4b:s22+s4], $0x80, $0x38;
	[tilespmem:$0x1C800] =	vst v63  }
0x3e: {  	s17 =	simm.s32 $0x380  }
0x3f: {  	[tilespmem:s17], [sflag:$0x2] =	stream.linear.gather [hbm4b:s25+s4], $0x80, $0x38;
	[tilespmem:$0x1C800] =	vst v63  }
0x40: {  	_ = 	snop  }
0x41: {  	[tilespmem:s2], [sflag:$0x2] =	stream.linear.gather [hbm4b:s26+s4], $0x80, $0x38;
	[tilespmem:$0x1C800] =	vst v63  }
0x42: {  	[bflag:$0x0] =	sbarrier.arrive $0xFFFF  }
0x43: {  	_ =	swait.ge [sflag:s8], $0x80  }
0x44: {  	[sflag:s8] =	ssyncset.done $0x0  }
0x45: {  	[sflag:s8] =	ssyncadd.s32 $0xFFFFFF80  }
0x46: {  	_ =	swait.ge [sflag:s8], $0x80  }
0x47: {  	[sflag:s8] =	ssyncset.done $0x0  }
0x48: {  	[sflag:s8] =	ssyncadd.s32 $0xFFFFFF80  }
0x49: {  	[tilespmem:s9], [sflag:$0x1] =	stream.indirect.gather [hbm4b:s5+s0], $0x80, s4, s0, $0xb8;
	[tilespmem:$0x1C800] =	vst v63  }
0x4a: {  	_ =	swait.ge [sflag:s8], $0x80  }
0x4b: {  	[sflag:s8] =	ssyncset.done $0x0  }
0x4c: {  	[sflag:s8] =	ssyncadd.s32 $0xFFFFFF80  }
0x4d: {  	_ =	swait.ge [sflag:s8], $0x80  }
0x4e: {  	s18 =	smin.u32 s4, $0x47;
	[sflag:s8] =	ssyncset.done $0x0  }
0x4f: {  	s16 =	sshll.u32 s18, $0x7;
	[sflag:s8] =	ssyncadd.s32 $0xFFFFFF80  }
0x50: {  	[tilespmem:s11], [sflag:$0x1] =	stream.indirect.gather [hbm4b:s5+s0], $0x80, s0, s0, $0xb8;
	[tilespmem:$0x1C800] =	vst v63  }
0x51: {  	s18 =	sand.u32 $0x300, s4;
	s19 =	sadd.s32 $0x400, s16;
	_ =	swait.ge [sflag:s12], $0x4000  }
0x52: {  	s16 =	sand.u32 $0x380, s16;
	s17 =	sand.u32 $0x7C00, s19;
	[sflag:s12] =	ssyncset.done $0x0  }
0x53: {  	s19 =	sor.u32 $0x400, s18;
	s17 =	sadd.s32 s7, s17;
	[sflag:s12] =	ssyncadd.s32 $0xFFFFC000  }
0x54: {  	[spmem:s3] =	stream.indirect.scatter.add.f32 [tilespmem:s9], [sflag:$0x3], $0x80, s19, s0, $0xb8;
	[tilespmem:$0x1C800] =	vst v63  }
0x55: {  	s16 =	sor.u32 s16, s17;
	_ =	swait.ge [sflag:s30], $0x4000  }
0x56: {  	s16 =	sshrl.u32 s16, $0x3;
	[sflag:s30] =	ssyncset.done $0x0  }
0x57: {  	s20 =	sadd.s32 s1, s16;
	[sflag:s30] =	ssyncadd.s32 $0xFFFFC000  }
0x58: {  	[tilespmem:s18], [sflag:$0x2] =	stream.linear.gather [hbm4b:s20+s4], $0x80, $0x38;
	[tilespmem:$0x1C800] =	vst v63  }
0x59: {  	s16 =	sadd.s32 s6, s16  }
0x5a: {  	[tilespmem:s19], [sflag:$0x2] =	stream.linear.gather [hbm4b:s16+s4], $0x80, $0x38;
	[tilespmem:$0x1C800] =	vst v63  }
0x5b: {  	_ =	swait.ge [sflag:s8], $0x80  }
0x5c: {  	[sflag:s8] =	ssyncset.done $0x0  }
0x5d: {  	[sflag:s8] =	ssyncadd.s32 $0xFFFFFF80  }
0x5e: {  	s21 =	simm.s32 $0x400;
	_ =	swait.ge [sflag:s8], $0x80  }
0x5f: {  	s22 =	smin.u32 s4, $0x46;
	s16 =	sand.u32 $0xC00, s21;
	[sflag:s8] =	ssyncset.done $0x0  }
0x60: {  	s19 =	sshll.u32 s22, $0x7;
	s16 =	sshrl.u32 s16, $0x2;
	[sflag:s8] =	ssyncadd.s32 $0xFFFFFF80  }
0x61: {  	[tilespmem:s9], [sflag:$0x1] =	stream.indirect.gather [hbm4b:s5+s0], $0x80, s16, s0, $0xb8;
	[tilespmem:$0x1C800] =	vst v63  }
0x62: {  	s16 =	sadd.s32 $0x480, s19;
	_ =	swait.ge [sflag:s12], $0x4000  }
0x63: {  	s20 =	sor.u32 $0x480, s18;
	s21 =	sand.u32 $0x7C00, s16;
	[sflag:s12] =	ssyncset.done $0x0  }
0x64: {  	s16 =	sand.u32 $0x380, s16;
	s19 =	sadd.s32 s7, s21;
	[sflag:s12] =	ssyncadd.s32 $0xFFFFC000  }
0x65: {  	[spmem:s3] =	stream.indirect.scatter.add.f32 [tilespmem:s11], [sflag:$0x3], $0x80, s20, s0, $0xb8;
	[tilespmem:$0x1C800] =	vst v63  }
0x66: {  	s16 =	sor.u32 s16, s19;
	_ =	swait.ge [sflag:s30], $0x4000  }
0x67: {  	s16 =	sshrl.u32 s16, $0x3;
	[sflag:s30] =	ssyncset.done $0x0  }
0x68: {  	s18 =	sor.u32 $0x80, s18;
	s22 =	sadd.s32 s1, s16;
	[sflag:s30] =	ssyncadd.s32 $0xFFFFC000  }
0x69: {  	[tilespmem:s18], [sflag:$0x2] =	stream.linear.gather [hbm4b:s22+s4], $0x80, $0x38;
	[tilespmem:$0x1C800] =	vst v63  }
0x6a: {  	s17 =	simm.s32 $0x0;
	s16 =	sadd.s32 s6, s16  }
0x6b: {  	[tilespmem:s20], [sflag:$0x2] =	stream.linear.gather [hbm4b:s16+s4], $0x80, $0x38;
	[tilespmem:$0x1C800] =	vst v63  }
0x6c: {  	s18 =	simm.s32 $0x0;
	s16 =	simm.s32 $0xA00;
	_ =	swait.ge [sflag:s8], $0x80  }
.LBB2_2:
0x6d: {  	[sflag:s8] =	ssyncset.done $0x0  }
0x6e: {  	s17 =	sadd.s32 $0x2, s17;
	s18 =	sadd.s32 $0x100, s18;
	s19 =	smov.u32 s16  }
0x6f: {  	p0 =	sne.s32 s16, $0x9E00;
	s20 =	smin.u32 s17, $0x47;
	[sflag:s8] =	ssyncadd.s32 $0xFFFFFF80  }
0x70: {  	s16 =	sadd.s32 $0x400, s16;
	s20 =	sshll.u32 s20, $0x7;
	_ =	swait.ge [sflag:s8], $0x80  }
0x71: {  	s15 =	sand.u32 $0xE00, s15;
	s21 =	sadd.s32 $0x400, s20;
	[sflag:s8] =	ssyncset.done $0x0  }
0x72: {  	s15 =	sshrl.u32 s15, $0x2;
	s21 =	sand.u32 $0x7C00, s21;
	[sflag:s8] =	ssyncadd.s32 $0xFFFFFF80  }
0x73: {  	[tilespmem:s11], [sflag:$0x1] =	stream.indirect.gather [hbm4b:s5+s0], $0x80, s15, s0, $0xb8;
	[tilespmem:$0x1C800] =	vst v63  }
0x74: {  	s20 =	sand.u32 $0x380, s20;
	s15 =	sadd.s32 s7, s21;
	_ =	swait.ge [sflag:s12], $0x4000  }
0x75: {  	s21 =	sand.u32 $0x300, s18;
	s15 =	sor.u32 s20, s15;
	[sflag:s12] =	ssyncset.done $0x0  }
0x76: {  	s20 =	sor.u32 $0x400, s21;
	s22 =	sshrl.u32 s15, $0x3;
	[sflag:s12] =	ssyncadd.s32 $0xFFFFC000  }
0x77: {  	[spmem:s3] =	stream.indirect.scatter.add.f32 [tilespmem:s9], [sflag:$0x3], $0x80, s20, s0, $0xb8;
	[tilespmem:$0x1C800] =	vst v63  }
0x78: {  	s15 =	smov.u32 s19;
	_ =	swait.ge [sflag:s30], $0x4000  }
0x79: {  	[sflag:s30] =	ssyncset.done $0x0  }
0x7a: {  	s19 =	sadd.s32 s1, s22;
	[sflag:s30] =	ssyncadd.s32 $0xFFFFC000  }
0x7b: {  	[tilespmem:s21], [sflag:$0x2] =	stream.linear.gather [hbm4b:s19+s4], $0x80, $0x38;
	[tilespmem:$0x1C800] =	vst v63  }
0x7c: {  	s19 =	sadd.s32 s6, s22  }
0x7d: {  	[tilespmem:s20], [sflag:$0x2] =	stream.linear.gather [hbm4b:s19+s4], $0x80, $0x38;
	[tilespmem:$0x1C800] =	vst v63  }
0x7e: {  	_ =	swait.ge [sflag:s8], $0x80  }
0x7f: {  	[sflag:s8] =	ssyncset.done $0x0  }
0x80: {  	[sflag:s8] =	ssyncadd.s32 $0xFFFFFF80  }
0x81: {  	s19 =	sadd.s32 $0xFFFFFE00, s15;
	_ =	swait.ge [sflag:s8], $0x80  }
0x82: {  	s19 =	sand.u32 $0xC00, s19;
	[sflag:s8] =	ssyncset.done $0x0  }
0x83: {  	s20 =	smin.u32 s17, $0x46;
	s19 =	sshrl.u32 s19, $0x2;
	[sflag:s8] =	ssyncadd.s32 $0xFFFFFF80  }
0x84: {  	[tilespmem:s9], [sflag:$0x1] =	stream.indirect.gather [hbm4b:s5+s0], $0x80, s19, s0, $0xb8;
	[tilespmem:$0x1C800] =	vst v63  }
0x85: {  	s19 =	sshll.u32 s20, $0x7;
	_ =	swait.ge [sflag:s12], $0x4000  }
0x86: {  	s19 =	sadd.s32 $0x480, s19;
	[sflag:s12] =	ssyncset.done $0x0  }
0x87: {  	s20 =	sor.u32 $0x480, s21;
	s22 =	sand.u32 $0x7C00, s19;
	[sflag:s12] =	ssyncadd.s32 $0xFFFFC000  }
0x88: {  	[spmem:s3] =	stream.indirect.scatter.add.f32 [tilespmem:s11], [sflag:$0x3], $0x80, s20, s0, $0xb8;
	[tilespmem:$0x1C800] =	vst v63  }
0x89: {  	s19 =	sand.u32 $0x380, s19;
	s22 =	sadd.s32 s7, s22;
	_ =	swait.ge [sflag:s30], $0x4000  }
0x8a: {  	s19 =	sor.u32 s19, s22;
	[sflag:s30] =	ssyncset.done $0x0  }
0x8b: {  	s21 =	sor.u32 $0x80, s21;
	s19 =	sshrl.u32 s19, $0x3;
	[sflag:s30] =	ssyncadd.s32 $0xFFFFC000  }
.Ltmp0:
0x8c: {  	s22 =	sadd.s32 s1, s19;
	(pc) =	sbr.rel @p0 .LBB2_2-.Ltmp0, $4  }
0x8d: {  	[tilespmem:s21], [sflag:$0x2] =	stream.linear.gather [hbm4b:s22+s4], $0x80, $0x38;
	[tilespmem:$0x1C800] =	vst v63  }
0x8e: {  	s19 =	sadd.s32 s6, s19  }
0x8f: {  	[tilespmem:s20], [sflag:$0x2] =	stream.linear.gather [hbm4b:s19+s4], $0x80, $0x38;
	[tilespmem:$0x1C800] =	vst v63  }
0x90: {  	_ =	swait.ge [sflag:s8], $0x80  }
0x91: {  	[sflag:s8] =	ssyncset.done $0x0  }
0x92: {  	[sflag:s8] =	ssyncadd.s32 $0xFFFFFF80  }
0x93: {  	_ =	swait.ge [sflag:s8], $0x80  }
0x94: {  	s15 =	sand.u32 $0xE00, s15;
	[sflag:s8] =	ssyncset.done $0x0  }
0x95: {  	s15 =	sshrl.u32 s15, $0x2;
	[sflag:s8] =	ssyncadd.s32 $0xFFFFFF80  }
0x96: {  	[tilespmem:s11], [sflag:$0x1] =	stream.indirect.gather [hbm4b:s5+s0], $0x80, s15, s0, $0xb8;
	[tilespmem:$0x1C800] =	vst v63  }
0x97: {  	_ =	swait.ge [sflag:s12], $0x4000  }
0x98: {  	[sflag:s12] =	ssyncset.done $0x0  }
0x99: {  	[sflag:s12] =	ssyncadd.s32 $0xFFFFC000  }
0x9a: {  	[spmem:s3] =	stream.indirect.scatter.add.f32 [tilespmem:s9], [sflag:$0x3], $0x80, s31, s0, $0xb8;
	[tilespmem:$0x1C800] =	vst v63  }
0x9b: {  	_ =	swait.ge [sflag:s30], $0x4000  }
0x9c: {  	[sflag:s30] =	ssyncset.done $0x0  }
0x9d: {  	[sflag:s30] =	ssyncadd.s32 $0xFFFFC000  }
0x9e: {  	_ =	swait.ge [sflag:s12], $0x4000  }
0x9f: {  	[sflag:s12] =	ssyncset.done $0x0  }
0xa0: {  	[sflag:s12] =	ssyncadd.s32 $0xFFFFC000  }
0xa1: {  	[spmem:s3] =	stream.indirect.scatter.add.f32 [tilespmem:s11], [sflag:$0x3], $0x80, s2, s0, $0xb8;
	[tilespmem:$0x1C800] =	vst v63  }
0xa2: {  	_ =	swait.ge [sflag:s30], $0x4000  }
0xa3: {  	[sflag:s30] =	ssyncset.done $0x0  }
0xa4: {  	[sflag:s30] =	ssyncadd.s32 $0xFFFFC000  }
0xa5: {  	_ =	swait.ge [sflag:s8], $0x80  }
0xa6: {  	[sflag:s8] =	ssyncset.done $0x0  }
0xa7: {  	[sflag:s8] =	ssyncadd.s32 $0xFFFFFF80  }
0xa8: {  	_ =	swait.ge [sflag:s8], $0x80  }
0xa9: {  	[sflag:s8] =	ssyncset.done $0x0  }
0xaa: {  	[sflag:s8] =	ssyncadd.s32 $0xFFFFFF80  }
0xab: {  	_ =	swait.ge [sflag:s8], $0x80  }
0xac: {  	[sflag:s8] =	ssyncset.done $0x0  }
0xad: {  	[sflag:s8] =	ssyncadd.s32 $0xFFFFFF80  }
0xae: {  	_ =	swait.ge [sflag:s8], $0x80  }
0xaf: {  	[sflag:s8] =	ssyncset.done $0x0  }
0xb0: {  	[sflag:s8] =	ssyncadd.s32 $0xFFFFFF80  }
0xb1: {  	_ =	swait.ge [sflag:s8], $0x80  }
0xb2: {  	[sflag:s8] =	ssyncset.done $0x0  }
0xb3: {  	[sflag:s8] =	ssyncadd.s32 $0xFFFFFF80  }
0xb4: {  	_ =	swait.ge [sflag:s8], $0x80  }
0xb5: {  	[sflag:s8] =	ssyncset.done $0x0  }
0xb6: {  	[sflag:s8] =	ssyncadd.s32 $0xFFFFFF80  }
0xb7: {  	_ =	swait.ge [sflag:s8], $0x80  }
0xb8: {  	[sflag:s8] =	ssyncset.done $0x0  }
0xb9: {  	[sflag:s8] =	ssyncadd.s32 $0xFFFFFF80  }
0xba: {  	_ =	swait.ge [sflag:s8], $0x80  }
0xbb: {  	[sflag:s8] =	ssyncset.done $0x0  }
0xbc: {  	[sflag:s8] =	ssyncadd.s32 $0xFFFFFF80  }
0xbd: {  	_ =	swait.ge [sflag:s8], $0x80  }
0xbe: {  	[sflag:s8] =	ssyncset.done $0x0  }
0xbf: {  	[sflag:s8] =	ssyncadd.s32 $0xFFFFFF80  }
0xc0: {  	_ =	swait.ge [sflag:s8], $0x80  }
0xc1: {  	[sflag:s8] =	ssyncset.done $0x0  }
0xc2: {  	[sflag:s8] =	ssyncadd.s32 $0xFFFFFF80  }
0xc3: {  	_ =	swait.ge [sflag:s8], $0x80  }
0xc4: {  	[sflag:s8] =	ssyncset.done $0x0  }
0xc5: {  	[sflag:s8] =	ssyncadd.s32 $0xFFFFFF80  }
0xc6: {  	_ =	swait.ge [sflag:s8], $0x80  }
0xc7: {  	s13 =	sadd.s32 $0x1, s13;
	[sflag:s8] =	ssyncset.done $0x0  }
0xc8: {  	p0 =	sne.s32 s13, s29;
	[sflag:s8] =	ssyncadd.s32 $0xFFFFFF80  }
.Ltmp1:
0xc9: {  	[bflag:$0x0] =	sbarrier.arrive $0xFFFF;
	(pc) =	sbr.rel @p0 .LBB2_1-.Ltmp1, $4  }
0xca: {  	[hbm:s28], [sflag:s10] =	dma.local [spmem:s14], $0x2800  }
0xcb: {  	_ =	swait.ge [sflag:s30], $0x2800  }
0xcc: {  	[sflag:s30] =	ssyncset.done $0x0  }
0xcd: {  	[sflag:s30] =	ssyncadd.s32 $0xFFFFD800  }
0xce: {  	_ =	sfence.sel $0x180000  }
0xcf: {  	[bflag:$0x0] =	sbarrier.arrive $0xFFFF  }
0xd0: {  	_ =	strace $0x9000004A  }
0xd1: {  	s0 =	stileid.u32;
	[bflag:$0x2] =	sbarrier.arrive $0xFFFF  }
0xd2: {  	p0 =	sne.s32 s0, $0x0;
	s0 =	rddreg [dreg:$0x3]  }
0xd3: {  	s0 =	sadd.s32 @!p0 $0x100000, s0  }
0xd4: {  	[sflag:s0] =	ssyncadd.tile.s32 @!p0 $0x1;
	_ =	shalt  }
.Lfunc_end2:
_tile_overlayer_lowered:
.L_overlay_start_2:
0xd5: {  	(tag) =	ssettag $0x2  }
0xd6: {  	s0 =	rddreg [dreg:$0x0];
	s2 =	stileid.u32  }
0xd7: {  	s1 =	rddreg [dreg:$0x1];
	p0 =	sne.s32 s2, $0x0  }
0xd8: {  	s3 =	rddreg [dreg:$0x2];
	[bflag:$0x3] =	sbarrier.arrive $0xFFFF;
	s2 =	simm.s32 @!p0 $0x1C03  }
0xd9: {  	[timem:s3], [sflag:s2] =	dma.local @!p0 [hbm:s0], s1  }
0xda: {  	s0 =	simm.s32 @!p0 $0x3  }
0xdb: {  	_ =	swait.ge @!p0 [sflag:s0], s1  }
0xdc: {  	s1 =	ssub.s32 @!p0 $0x0, s1;
	[sflag:s0] =	ssyncset.done @!p0 $0x0  }
0xdd: {  	[sflag:s0] =	ssyncadd.s32 @!p0 s1  }
0xde: {  	[bflag:$0x3] =	sbarrier.arrive $0xFFFF  }
0xdf: {  	_ =	shalt  }

// kernel: kernel.16.cloned.1.call-start
scs
__scs_entry_jumppad:
0x0: {  	(pc) =	sbr.rel $0x88, $3  }
0x1: {  	(tag) =	ssettag $0x0;
	lr =	simm.s32 $0x1  }
0x2: {  	[smem:$0x3F99] =	sst lr;
	_ =	strace $0xD0000000  }
0x3: {  	_ = 	snop  }
0x4: {  	_ = 	snop  }
0x5: {  	_ = 	snop  }
0x6: {  	_ = 	snop  }
0x7: {  	_ = 	snop  }
__scs_overlays_trampoline_lowered:
0x8: {  	[smem:$0x3FA8] =	sst s0  }
0x9: {  	[smem:$0x3FA9] =	sst s1  }
0xa: {  	[smem:$0x3FAA] =	sst s2  }
0xb: {  	[smem:$0x3FAB] =	sst s3  }
0xc: {  	[smem:$0x3FAC] =	sst s4  }
0xd: {  	[smem:$0x3FAD] =	sst s5  }
0xe: {  	[smem:$0x3FAE] =	sst s6  }
0xf: {  	[smem:$0x3FAF] =	sst s7  }
0x10: {  	[smem:$0x3FB0] =	sst s8  }
0x11: {  	[smem:$0x3FB1] =	sst s9;
	s0 =	simm.s32 @!p0 $0x0  }
0x12: {  	s1 =	sld [smem:$0x3F97];
	s0 =	simm.s32 @p0 $0x1  }
0x13: {  	[smem:$0x3FB2] =	sst s0;
	s0 =	simm.s32 @!p1 $0x0  }
0x14: {  	s2 =	sld [smem:$0x3F96];
	s0 =	simm.s32 @p1 $0x1  }
0x15: {  	[smem:$0x3FB3] =	sst s0;
	s0 =	simm.s32 @!p2 $0x0  }
0x16: {  	s3 =	sld [smem:$0x3FDB];
	s0 =	simm.s32 @p2 $0x1  }
0x17: {  	s4 =	simm.s32 $0x1BF5;
	[smem:$0x3FB5] =	sst s0  }
0x18: {  	s0 =	sld [smem:$0x3F98];
	_ =	swait.ge [sflag:s4], $0x0  }
0x19: {  	s7 =	sld [smem:$0x3F99]  }
0x1a: {  	s8 =	sadd.s32 $0xFFFFE003, lr  }
0x1b: {  	s9 =	sadd.s32 $0xFFFFFEF7, lr;
	s5 =	simm.s32 $0xFFFFFFFF;
	p2 =	slt.u32 s8, $0xFFFFF086  }
0x1c: {  	p1 =	slt.u32 s9, $0xF7A;
	s5 =	simm.s32 @!p2 $0x0  }
0x1d: {  	s5 =	simm.s32 @p1 $0x1;
	p0 =	seq.s32 s7, s2  }
0x1e: {  	s7 =	smul.u32 @!p0 $0xF7A, s2;
	p2 =	seq.s32 @!p0 s5, $0x0  }
0x1f: {  	s9 =	smul.u32 $0xF7A, s1;
	s8 =	simm.s32 @!p0 $0x1BF5;
	p2 =	por !p2, p0  }
0x20: {  	[sflag:s8] =	ssyncset.s32 @!p0 $0xFFFFF086;
	s6 =	sadd.s32 @!p0 s3, s7;
	s7 =	simm.s32 @!p0 $0x108  }
0x21: {  	s3 =	sadd.s32 s3, s9;
	s6 =	sadd.s32 @!p0 $0x88, s6;
	s7 =	simm.s32 @p2 $0x1082  }
0x22: {  	[simem:s7], [sflag:s8] =	dma.local @!p0 [hbm:s6], $0xF7A  }
0x23: {  	s9 =	sor.u32 $0xD0000000, s2;
	s6 =	simm.s32 $0x108;
	_ =	swait.ge @!p0 [sflag:s8], $0x0  }
0x24: {  	s3 =	sadd.s32 $0x88, s3;
	s6 =	simm.s32 @!p1 $0x1082;
	[sflag:s4] =	ssyncset.s32 $0xFFFFF086  }
0x25: {  	[simem:s6], [sflag:s4] =	dma.local [hbm:s3], $0xF7A  }
0x26: {  	[smem:$0x3F99] =	sst s1;
	(tag) =	ssettag s2;
	_ =	strace s9  }
0x27: {  	s1 =	sld [smem:$0x3FA9]  }
0x28: {  	s2 =	sld [smem:$0x3FAA]  }
0x29: {  	s4 =	sld [smem:$0x3FAC]  }
0x2a: {  	p0 =	seq.s32 s5, $0x0;
	s5 =	sld [smem:$0x3FAD]  }
0x2b: {  	s6 =	sld [smem:$0x3FAE]  }
0x2c: {  	s7 =	sld [smem:$0x3FAF]  }
0x2d: {  	s3 =	simm.s32 $0x108;
	s8 =	sld [smem:$0x3FB0]  }
0x2e: {  	s3 =	simm.s32 @!p0 $0x1082;
	s9 =	sld [smem:$0x3FB1]  }
0x2f: {  	lr =	sadd.s32 s0, s3;
	s0 =	sld [smem:$0x3FA8]  }
0x30: {  	s3 =	sld [smem:$0x3FAB]  }
0x31: {  	[smem:$0x3FB4] =	sst s10  }
0x32: {  	s10 =	sld [smem:$0x3FB2];
	_ =	sdelay $0x3  }
0x33: {  	p0 =	seq.s32 s10, $0x1;
	s10 =	sld [smem:$0x3FB4];
	_ =	sdelay $0x3  }
0x34: {  	[smem:$0x3FB4] =	sst s10  }
0x35: {  	s10 =	sld [smem:$0x3FB3];
	_ =	sdelay $0x3  }
0x36: {  	p1 =	seq.s32 s10, $0x1;
	s10 =	sld [smem:$0x3FB4];
	_ =	sdelay $0x3  }
0x37: {  	[smem:$0x3FB4] =	sst s10  }
0x38: {  	s10 =	sld [smem:$0x3FB5]  }
0x39: {  	_ = 	snop;
	(pc) =	sbr.ind lr, $3  }
0x3a: {  	_ = 	snop  }
0x3b: {  	_ = 	snop  }
0x3c: {  	p2 =	seq.s32 s10, $0x1;
	s10 =	sld [smem:$0x3FB4]  }
0x3d: {  	_ =	shalt  }
0x3e: {  	_ =	shalt  }
0x3f: {  	_ =	shalt  }
0x40: {  	_ =	shalt  }
0x41: {  	_ =	shalt  }
0x42: {  	_ =	shalt  }
0x43: {  	_ =	shalt  }
0x44: {  	_ =	shalt  }
0x45: {  	_ =	shalt  }
0x46: {  	_ =	shalt  }
0x47: {  	_ =	shalt  }
0x48: {  	_ =	shalt  }
0x49: {  	_ =	shalt  }
0x4a: {  	_ =	shalt  }
0x4b: {  	_ =	shalt  }
0x4c: {  	_ =	shalt  }
0x4d: {  	_ =	shalt  }
0x4e: {  	_ =	shalt  }
0x4f: {  	_ =	shalt  }
0x50: {  	_ =	shalt  }
0x51: {  	_ =	shalt  }
0x52: {  	_ =	shalt  }
0x53: {  	_ =	shalt  }
0x54: {  	_ =	shalt  }
0x55: {  	_ =	shalt  }
0x56: {  	_ =	shalt  }
0x57: {  	_ =	shalt  }
0x58: {  	_ =	shalt  }
0x59: {  	_ =	shalt  }
0x5a: {  	_ =	shalt  }
0x5b: {  	_ =	shalt  }
0x5c: {  	_ =	shalt  }
0x5d: {  	_ =	shalt  }
0x5e: {  	_ =	shalt  }
0x5f: {  	_ =	shalt  }
0x60: {  	_ =	shalt  }
0x61: {  	_ =	shalt  }
0x62: {  	_ =	shalt  }
0x63: {  	_ =	shalt  }
0x64: {  	_ =	shalt  }
0x65: {  	_ =	shalt  }
0x66: {  	_ =	shalt  }
0x67: {  	_ =	shalt  }
0x68: {  	_ =	shalt  }
0x69: {  	_ =	shalt  }
0x6a: {  	_ =	shalt  }
0x6b: {  	_ =	shalt  }
0x6c: {  	_ =	shalt  }
0x6d: {  	_ =	shalt  }
0x6e: {  	_ =	shalt  }
0x6f: {  	_ =	shalt  }
0x70: {  	_ =	shalt  }
0x71: {  	_ =	shalt  }
0x72: {  	_ =	shalt  }
0x73: {  	_ =	shalt  }
0x74: {  	_ =	shalt  }
0x75: {  	_ =	shalt  }
0x76: {  	_ =	shalt  }
0x77: {  	_ =	shalt  }
0x78: {  	_ =	shalt  }
0x79: {  	_ =	shalt  }
0x7a: {  	_ =	shalt  }
0x7b: {  	_ =	shalt  }
0x7c: {  	_ =	shalt  }
0x7d: {  	_ =	shalt  }
0x7e: {  	_ =	shalt  }
0x7f: {  	_ =	shalt  }
0x80: {  	_ =	shalt  }
0x81: {  	_ =	shalt  }
0x82: {  	_ =	shalt  }
0x83: {  	_ =	shalt  }
0x84: {  	_ =	shalt  }
0x85: {  	_ =	shalt  }
0x86: {  	_ =	shalt  }
0x87: {  	_ =	shalt  }
.Lfunc_end0:
.L_simem_size_0:
called_computation.2_lowered:
.L_overlay_start_0:
0x88: {  	s2 =	sld [smem:$0x3FD9]  }
0x89: {  	s3 =	sld [smem:$0x3FFE];
	_ =	sdelay $0x1  }
0x8a: {  	s1 =	srdreg.scid  }
0x8b: {  	s0 =	sand.u32 $0x1, s1  }
0x8c: {  	s17 =	sshll.u32 s0, $0xA;
	s2 =	sadd.s32 s3, s2  }
0x8d: {  	s2 =	sadd.s32 s2, s17  }
0x8e: {  	[smem:$0x3FC0] =	sst s2  }
0x8f: {  	_ = 	snop  }
0x90: {  	s2 =	sld [smem:$0x3FD0];
	(tm) =	ssettm $0x1  }
0x91: {  	s18 =	sld [smem:$0x3FFB];
	_ =	sdelay $0x3  }
0x92: {  	_ =	strace s18  }
0x93: {  	s3 =	sld [smem:$0x3FFC];
	_ =	sdelay $0x3  }
0x94: {  	_ =	strace s3  }
0x95: {  	s3 =	sld [smem:$0x3FFD];
	_ =	sdelay $0x3  }
0x96: {  	_ =	strace s3  }
0x97: {  	_ =	strace $0x8FFFFFFF  }
0x98: {  	s19 =	sld [smem:$0x3FDB];
	_ =	sdelay $0x1  }
0x99: {  	s4 =	simm.s32 $_scs_section_size  }
0x9a: {  	s5 =	simm.s32 $_size__tile_overlayer_lowered;
	s6 =	simm.s32 $_tile_overlayer_lowered  }
0x9b: {  	s22 =	simm.s32 $0x1BFF;
	s21 =	sshll.u32 s6, $0x1;
	s3 =	sadd.s32 s4, s19  }
0x9c: {  	s7 =	simm.s32 $0x0;
	s20 =	sshll.u32 s5, $0x1;
	s5 =	sadd.s32 s21, s3  }
0x9d: {  	[timem:s7], [sflag:s22] =	dma.local [hbm:s5], s20  }
0x9e: {  	_ =	swait.ge [sflag:s22], s20  }
0x9f: {  	s4 =	ssub.s32 $0x0, s20;
	[sflag:s22] =	ssyncset.done $0x0  }
0xa0: {  	[sflag:s22] =	ssyncadd.s32 s4;
	_ =	sdelay $0x1  }
0xa1: {  	s23 =	simm.s32 $0x1B8B  }
0xa2: {  	_ =	swait.ge [sflag:s23], $0x1  }
0xa3: {  	[sflag:s23] =	ssyncset.done $0x0  }
0xa4: {  	s25 =	simm.s32 $0x1B8E;
	s24 =	sld [smem:$0x3FFE];
	[sflag:s23] =	ssyncadd.s32 $0xFFFFFFFF  }
0xa5: {  	s26 =	simm.s32 $execute0_lowered;
	[smem:$0x3FD2] =	sst s25  }
0xa6: {  	s5 =	sshll.u32 s26, $0x1;
	_ =	strace $0x8000004C;
	[dreg:$0x1] =	wrdreg $0xFFFFFFFF  }
0xa7: {  	s28 =	simm.s32 $_size_execute0_lowered;
	s3 =	sadd.s32 s3, s5;
	[dreg:$0x0] =	wrdreg $0x0  }
0xa8: {  	s5 =	sshll.u32 s28, $0x1;
	[dreg:$0x2] =	wrdreg s3  }
0xa9: {  	[dreg:$0x3] =	wrdreg s5  }
0xaa: {  	[dreg:$0x4] =	wrdreg $0xC0  }
0xab: {  	_ =	task [dreg:s7], $0x5FFFF  }
0xac: {  	[dreg:$0x1] =	wrdreg $0xFFFFFFFF  }
0xad: {  	[dreg:$0x0] =	wrdreg $0x60  }
0xae: {  	[dreg:$0x2] =	wrdreg s24  }
0xaf: {  	[dreg:$0x3] =	wrdreg s2  }
0xb0: {  	[dreg:$0x4] =	wrdreg $0x88000  }
0xb1: {  	[dreg:$0x5] =	wrdreg $0x9  }
0xb2: {  	_ =	task.clear_ibuf [dreg:s7], $0x6FFFF;
	_ =	strace $0x9000004C  }
0xb3: {  	s29 =	simm.s32 $0x9;
	_ =	strace $0x8000004E  }
0xb4: {  	_ =	swait.ge [sflag:s29], $0x1  }
0xb5: {  	[sflag:s29] =	ssyncadd.s32 $0xFFFFFFFF  }
0xb6: {  	_ =	strace $0x9000004E  }
0xb7: {  	_ =	sfence  }
0xb8: {  	s30 =	sld [smem:$0x0];
	_ =	sdelay $0x2  }
0xb9: {  	s31 =	sshll.u32 s1, $0xD;
	s1 =	sshrl.u32 s1, $0x2  }
0xba: {  	s3 =	sand.u32 $0x4000, s31;
	s1 =	sadd.s32 s1, s30  }
0xbb: {  	s0 =	sor.u32 s3, s0;
	s1 =	sshll.u32 s1, $0x11  }
0xbc: {  	s0 =	sor.u32 s1, s0  }
0xbd: {  	s0 =	sadd.s32 $0x8F2B, s0  }
0xbe: {  	[sflag:s0] =	ssyncadd.remote.s32 $0x1  }
0xbf: {  	_ =	sfence.sel $0xFFFF  }
0xc0: {  	[dreg:$0x0] =	wrdreg $0xFFFFFFFF;
	(pc) =	sbr.abs _section_cstart, $3  }
0xc1: {  	[dreg:$0x1] =	wrdreg $0xFFFFFFFF  }
0xc2: {  	_ =	task.clear_ibuf [dreg:s7], $0x2FFFF;
	_ =	strace $0x9FFFFFFF  }
0xc3: {  	(tm) =	ssettm $0x7FFFFFFF  }
tec
execute0_lowered:
.L_overlay_start_1:
0x0: {  	(tag) =	ssettag $0x1  }
0x1: {  	s0 =	rddreg [dreg:$0x0]  }
0x2: {  	s1 =	rddreg [dreg:$0x1]  }
0x3: {  	s3 =	rddreg [dreg:$0x2];
	s4 =	simm.s32 $0x0  }
0x4: {  	s12 =	stileid.u32;
	s5 =	srdreg.scid;
	s30 =	simm.s32 $0x3  }
0x5: {  	s31 =	simm.s32 $0x700;
	[smem:$0x7FF] =	sst s4;
	s2 =	smul.u32 $0x14000, s12  }
0x6: {  	s7 =	sand.u32 $0x1, s5;
	s5 =	sadd.s32 $0x35200, s0;
	s6 =	sadd.s32 $0x3200, s0  }
0x7: {  	s24 =	smul.u32 $0x50000, s12;
	s13 =	sshll.u32 s12, $0x6;
	_ =	strace $0x8000004D  }
0x8: {  	s9 =	smul.u32 $0x140000, s7;
	s10 =	sshll.u32 s7, $0x4;
	s11 =	ssub.s32 $0x2, s7  }
0x9: {  	s8 =	sshrl.u32 s2, $0x3;
	s10 =	sor.u32 s12, s10;
	s25 =	sshrl.u32 s11, $0x1  }
0xa: {  	s12 =	simm.s32 $0x1;
	s8 =	sadd.s32 s8, s0;
	s2 =	sadd.s32 s2, s9  }
0xb: {  	s7 =	smul.u32 $0x2800, s10;
	s9 =	sshrl.u32 s24, $0x2;
	s10 =	sor.u32 $0x1C03, s13  }
0xc: {  	s13 =	simm.s32 $0x0;
	s2 =	sshrl.u32 s2, $0x3;
	s9 =	sadd.s32 s9, s3  }
0xd: {  	s8 =	sadd.s32 $0xD200, s8;
	s0 =	sadd.s32 s2, s0;
	s26 =	sshrl.u32 s7, $0x3  }
0xe: {  	s2 =	ssub.s32 s11, s25;
	[dreg:$0x4] =	wrdreg s9;
	s14 =	sor.u32 $0x10, s26  }
0xf: {  	[dreg:$0x5] =	wrdreg s8;
	s9 =	simm.s32 $0x800;
	s15 =	sadd.s32 s1, s14  }
0x10: {  	s16 =	sor.u32 $0x20, s26;
	s11 =	sadd.s32 s6, s14;
	[dreg:$0x6] =	wrdreg s15  }
0x11: {  	s18 =	sor.u32 $0x30, s26;
	s17 =	sadd.s32 s1, s16;
	[dreg:$0x7] =	wrdreg s11  }
0x12: {  	s20 =	sor.u32 $0x40, s26;
	s8 =	sadd.s32 s6, s16;
	[dreg:$0x8] =	wrdreg s17  }
0x13: {  	s22 =	sor.u32 $0x50, s26;
	s19 =	sadd.s32 s1, s18;
	[dreg:$0x9] =	wrdreg s8  }
0x14: {  	s24 =	sor.u32 $0x60, s26;
	s21 =	sadd.s32 s1, s20;
	[dreg:$0xa] =	wrdreg s19  }
0x15: {  	s28 =	sadd.s32 $0x5D200, s0;
	s23 =	sadd.s32 s1, s22;
	[dreg:$0xc] =	wrdreg s21  }
0x16: {  	s29 =	smax.u32 s2, $0x1;
	s25 =	sadd.s32 s1, s24;
	[dreg:$0xe] =	wrdreg s23  }
0x17: {  	s0 =	simm.s32 $0x80;
	s11 =	sadd.s32 s6, s18;
	[dreg:$0x10] =	wrdreg s25  }
0x18: {  	s8 =	sadd.s32 s6, s20;
	s23 =	sadd.s32 s1, s26;
	[dreg:$0xb] =	wrdreg s11  }
0x19: {  	[dreg:$0xd] =	wrdreg s8;
	s11 =	sadd.s32 s6, s22;
	s8 =	sadd.s32 s6, s24  }
0x1a: {  	s24 =	sadd.s32 s6, s26;
	s26 =	sor.u32 $0x70, s26;
	[dreg:$0xf] =	wrdreg s11  }
0x1b: {  	s2 =	simm.s32 $0x780;
	[dreg:$0x11] =	wrdreg s8;
	s25 =	sadd.s32 s1, s26  }
0x1c: {  	s26 =	sadd.s32 s6, s26;
	s8 =	simm.s32 $0x2;
	s11 =	simm.s32 $0x4800  }
.LBB2_1:
0x1d: {  	s14 =	rddreg [dreg:$0x4]  }
0x1e: {  	s15 =	rddreg [dreg:$0x5];
	s14 =	sshrl.u32 s14, $0x3  }
0x1f: {  	[spmem:s14], [sflag:s10] =	dma.local [hbm:s15], $0x2800  }
0x20: {  	_ =	swait.ge [sflag:s30], $0x2800  }
0x21: {  	[sflag:s30] =	ssyncset.done $0x0  }
0x22: {  	[sflag:s30] =	ssyncadd.s32 $0xFFFFD800  }
0x23: {  	[tilespmem:s4], [sflag:$0x2] =	stream.linear.gather [hbm4b:s23+s4], $0x80, $0x38;
	[tilespmem:$0x1C800] =	vst v63  }
0x24: {  	s20 =	simm.s32 $0x400  }
0x25: {  	[tilespmem:s20], [sflag:$0x2] =	stream.linear.gather [hbm4b:s24+s4], $0x80, $0x38;
	[tilespmem:$0x1C800] =	vst v63  }
0x26: {  	s21 =	rddreg [dreg:$0x6]  }
0x27: {  	[tilespmem:s0], [sflag:$0x2] =	stream.linear.gather [hbm4b:s21+s4], $0x80, $0x38;
	[tilespmem:$0x1C800] =	vst v63  }
0x28: {  	s16 =	simm.s32 $0x480;
	s22 =	rddreg [dreg:$0x7]  }
0x29: {  	[tilespmem:s16], [sflag:$0x2] =	stream.linear.gather [hbm4b:s22+s4], $0x80, $0x38;
	[tilespmem:$0x1C800] =	vst v63  }
0x2a: {  	s18 =	simm.s32 $0x100;
	s17 =	rddreg [dreg:$0x8]  }
0x2b: {  	[tilespmem:s18], [sflag:$0x2] =	stream.linear.gather [hbm4b:s17+s4], $0x80, $0x38;
	[tilespmem:$0x1C800] =	vst v63  }
0x2c: {  	s19 =	rddreg [dreg:$0x9];
	s20 =	simm.s32 $0x500  }
0x2d: {  	[tilespmem:s20], [sflag:$0x2] =	stream.linear.gather [hbm4b:s19+s4], $0x80, $0x38;
	[tilespmem:$0x1C800] =	vst v63  }
0x2e: {  	s21 =	rddreg [dreg:$0xa];
	s22 =	simm.s32 $0x180  }
0x2f: {  	[tilespmem:s22], [sflag:$0x2] =	stream.linear.gather [hbm4b:s21+s4], $0x80, $0x38;
	[tilespmem:$0x1C800] =	vst v63  }
0x30: {  	s17 =	rddreg [dreg:$0xb];
	s18 =	simm.s32 $0x580  }
0x31: {  	[tilespmem:s18], [sflag:$0x2] =	stream.linear.gather [hbm4b:s17+s4], $0x80, $0x38;
	[tilespmem:$0x1C800] =	vst v63  }
0x32: {  	s19 =	rddreg [dreg:$0xc];
	s20 =	simm.s32 $0x200  }
0x33: {  	[tilespmem:s20], [sflag:$0x2] =	stream.linear.gather [hbm4b:s19+s4], $0x80, $0x38;
	[tilespmem:$0x1C800] =	vst v63  }
0x34: {  	s15 =	simm.s32 $0x600;
	s21 =	rddreg [dreg:$0xd]  }
0x35: {  	[tilespmem:s15], [sflag:$0x2] =	stream.linear.gather [hbm4b:s21+s4], $0x80, $0x38;
	[tilespmem:$0x1C800] =	vst v63  }
0x36: {  	s22 =	rddreg [dreg:$0xe];
	s17 =	simm.s32 $0x280  }
0x37: {  	[tilespmem:s17], [sflag:$0x2] =	stream.linear.gather [hbm4b:s22+s4], $0x80, $0x38;
	[tilespmem:$0x1C800] =	vst v63  }
0x38: {  	s18 =	rddreg [dreg:$0xf];
	s19 =	simm.s32 $0x680  }
0x39: {  	[tilespmem:s19], [sflag:$0x2] =	stream.linear.gather [hbm4b:s18+s4], $0x80, $0x38;
	[tilespmem:$0x1C800] =	vst v63  }
0x3a: {  	s20 =	rddreg [dreg:$0x10];
	s21 =	simm.s32 $0x300  }
0x3b: {  	[tilespmem:s21], [sflag:$0x2] =	stream.linear.gather [hbm4b:s20+s4], $0x80, $0x38;
	[tilespmem:$0x1C800] =	vst v63  }
0x3c: {  	s22 =	rddreg [dreg:$0x11]  }
0x3d: {  	[tilespmem:s31], [sflag:$0x2] =	stream.linear.gather [hbm4b:s22+s4], $0x80, $0x38;
	[tilespmem:$0x1C800] =	vst v63  }
0x3e: {  	s17 =	simm.s32 $0x380  }
0x3f: {  	[tilespmem:s17], [sflag:$0x2] =	stream.linear.gather [hbm4b:s25+s4], $0x80, $0x38;
	[tilespmem:$0x1C800] =	vst v63  }
0x40: {  	_ = 	snop  }
0x41: {  	[tilespmem:s2], [sflag:$0x2] =	stream.linear.gather [hbm4b:s26+s4], $0x80, $0x38;
	[tilespmem:$0x1C800] =	vst v63  }
0x42: {  	[bflag:$0x0] =	sbarrier.arrive $0xFFFF  }
0x43: {  	_ =	swait.ge [sflag:s8], $0x80  }
0x44: {  	[sflag:s8] =	ssyncset.done $0x0  }
0x45: {  	[sflag:s8] =	ssyncadd.s32 $0xFFFFFF80  }
0x46: {  	_ =	swait.ge [sflag:s8], $0x80  }
0x47: {  	[sflag:s8] =	ssyncset.done $0x0  }
0x48: {  	[sflag:s8] =	ssyncadd.s32 $0xFFFFFF80  }
0x49: {  	[tilespmem:s9], [sflag:$0x1] =	stream.indirect.gather [hbm4b:s5+s0], $0x80, s4, s0, $0xb8;
	[tilespmem:$0x1C800] =	vst v63  }
0x4a: {  	_ =	swait.ge [sflag:s8], $0x80  }
0x4b: {  	[sflag:s8] =	ssyncset.done $0x0  }
0x4c: {  	[sflag:s8] =	ssyncadd.s32 $0xFFFFFF80  }
0x4d: {  	_ =	swait.ge [sflag:s8], $0x80  }
0x4e: {  	s18 =	smin.u32 s4, $0x47;
	[sflag:s8] =	ssyncset.done $0x0  }
0x4f: {  	s16 =	sshll.u32 s18, $0x7;
	[sflag:s8] =	ssyncadd.s32 $0xFFFFFF80  }
0x50: {  	[tilespmem:s11], [sflag:$0x1] =	stream.indirect.gather [hbm4b:s5+s0], $0x80, s0, s0, $0xb8;
	[tilespmem:$0x1C800] =	vst v63  }
0x51: {  	s18 =	sand.u32 $0x300, s4;
	s19 =	sadd.s32 $0x400, s16;
	_ =	swait.ge [sflag:s12], $0x4000  }
0x52: {  	s16 =	sand.u32 $0x380, s16;
	s17 =	sand.u32 $0x7C00, s19;
	[sflag:s12] =	ssyncset.done $0x0  }
0x53: {  	s19 =	sor.u32 $0x400, s18;
	s17 =	sadd.s32 s7, s17;
	[sflag:s12] =	ssyncadd.s32 $0xFFFFC000  }
0x54: {  	[spmem:s3] =	stream.indirect.scatter.add.f32 [tilespmem:s9], [sflag:$0x3], $0x80, s19, s0, $0xb8;
	[tilespmem:$0x1C800] =	vst v63  }
0x55: {  	s16 =	sor.u32 s16, s17;
	_ =	swait.ge [sflag:s30], $0x4000  }
0x56: {  	s16 =	sshrl.u32 s16, $0x3;
	[sflag:s30] =	ssyncset.done $0x0  }
0x57: {  	s20 =	sadd.s32 s1, s16;
	[sflag:s30] =	ssyncadd.s32 $0xFFFFC000  }
0x58: {  	[tilespmem:s18], [sflag:$0x2] =	stream.linear.gather [hbm4b:s20+s4], $0x80, $0x38;
	[tilespmem:$0x1C800] =	vst v63  }
0x59: {  	s16 =	sadd.s32 s6, s16  }
0x5a: {  	[tilespmem:s19], [sflag:$0x2] =	stream.linear.gather [hbm4b:s16+s4], $0x80, $0x38;
	[tilespmem:$0x1C800] =	vst v63  }
0x5b: {  	_ =	swait.ge [sflag:s8], $0x80  }
0x5c: {  	[sflag:s8] =	ssyncset.done $0x0  }
0x5d: {  	[sflag:s8] =	ssyncadd.s32 $0xFFFFFF80  }
0x5e: {  	s21 =	simm.s32 $0x400;
	_ =	swait.ge [sflag:s8], $0x80  }
0x5f: {  	s22 =	smin.u32 s4, $0x46;
	s16 =	sand.u32 $0xC00, s21;
	[sflag:s8] =	ssyncset.done $0x0  }
0x60: {  	s19 =	sshll.u32 s22, $0x7;
	s16 =	sshrl.u32 s16, $0x2;
	[sflag:s8] =	ssyncadd.s32 $0xFFFFFF80  }
0x61: {  	[tilespmem:s9], [sflag:$0x1] =	stream.indirect.gather [hbm4b:s5+s0], $0x80, s16, s0, $0xb8;
	[tilespmem:$0x1C800] =	vst v63  }
0x62: {  	s16 =	sadd.s32 $0x480, s19;
	_ =	swait.ge [sflag:s12], $0x4000  }
0x63: {  	s20 =	sor.u32 $0x480, s18;
	s21 =	sand.u32 $0x7C00, s16;
	[sflag:s12] =	ssyncset.done $0x0  }
0x64: {  	s16 =	sand.u32 $0x380, s16;
	s19 =	sadd.s32 s7, s21;
	[sflag:s12] =	ssyncadd.s32 $0xFFFFC000  }
0x65: {  	[spmem:s3] =	stream.indirect.scatter.add.f32 [tilespmem:s11], [sflag:$0x3], $0x80, s20, s0, $0xb8;
	[tilespmem:$0x1C800] =	vst v63  }
0x66: {  	s16 =	sor.u32 s16, s19;
	_ =	swait.ge [sflag:s30], $0x4000  }
0x67: {  	s16 =	sshrl.u32 s16, $0x3;
	[sflag:s30] =	ssyncset.done $0x0  }
0x68: {  	s18 =	sor.u32 $0x80, s18;
	s22 =	sadd.s32 s1, s16;
	[sflag:s30] =	ssyncadd.s32 $0xFFFFC000  }
0x69: {  	[tilespmem:s18], [sflag:$0x2] =	stream.linear.gather [hbm4b:s22+s4], $0x80, $0x38;
	[tilespmem:$0x1C800] =	vst v63  }
0x6a: {  	s17 =	simm.s32 $0x0;
	s16 =	sadd.s32 s6, s16  }
0x6b: {  	[tilespmem:s20], [sflag:$0x2] =	stream.linear.gather [hbm4b:s16+s4], $0x80, $0x38;
	[tilespmem:$0x1C800] =	vst v63  }
0x6c: {  	s18 =	simm.s32 $0x0;
	s16 =	simm.s32 $0xA00;
	_ =	swait.ge [sflag:s8], $0x80  }
.LBB2_2:
0x6d: {  	[sflag:s8] =	ssyncset.done $0x0  }
0x6e: {  	s17 =	sadd.s32 $0x2, s17;
	s18 =	sadd.s32 $0x100, s18;
	s19 =	smov.u32 s16  }
0x6f: {  	p0 =	sne.s32 s16, $0x9E00;
	s20 =	smin.u32 s17, $0x47;
	[sflag:s8] =	ssyncadd.s32 $0xFFFFFF80  }
0x70: {  	s16 =	sadd.s32 $0x400, s16;
	s20 =	sshll.u32 s20, $0x7;
	_ =	swait.ge [sflag:s8], $0x80  }
0x71: {  	s15 =	sand.u32 $0xE00, s15;
	s21 =	sadd.s32 $0x400, s20;
	[sflag:s8] =	ssyncset.done $0x0  }
0x72: {  	s15 =	sshrl.u32 s15, $0x2;
	s21 =	sand.u32 $0x7C00, s21;
	[sflag:s8] =	ssyncadd.s32 $0xFFFFFF80  }
0x73: {  	[tilespmem:s11], [sflag:$0x1] =	stream.indirect.gather [hbm4b:s5+s0], $0x80, s15, s0, $0xb8;
	[tilespmem:$0x1C800] =	vst v63  }
0x74: {  	s20 =	sand.u32 $0x380, s20;
	s15 =	sadd.s32 s7, s21;
	_ =	swait.ge [sflag:s12], $0x4000  }
0x75: {  	s21 =	sand.u32 $0x300, s18;
	s15 =	sor.u32 s20, s15;
	[sflag:s12] =	ssyncset.done $0x0  }
0x76: {  	s20 =	sor.u32 $0x400, s21;
	s22 =	sshrl.u32 s15, $0x3;
	[sflag:s12] =	ssyncadd.s32 $0xFFFFC000  }
0x77: {  	[spmem:s3] =	stream.indirect.scatter.add.f32 [tilespmem:s9], [sflag:$0x3], $0x80, s20, s0, $0xb8;
	[tilespmem:$0x1C800] =	vst v63  }
0x78: {  	s15 =	smov.u32 s19;
	_ =	swait.ge [sflag:s30], $0x4000  }
0x79: {  	[sflag:s30] =	ssyncset.done $0x0  }
0x7a: {  	s19 =	sadd.s32 s1, s22;
	[sflag:s30] =	ssyncadd.s32 $0xFFFFC000  }
0x7b: {  	[tilespmem:s21], [sflag:$0x2] =	stream.linear.gather [hbm4b:s19+s4], $0x80, $0x38;
	[tilespmem:$0x1C800] =	vst v63  }
0x7c: {  	s19 =	sadd.s32 s6, s22  }
0x7d: {  	[tilespmem:s20], [sflag:$0x2] =	stream.linear.gather [hbm4b:s19+s4], $0x80, $0x38;
	[tilespmem:$0x1C800] =	vst v63  }
0x7e: {  	_ =	swait.ge [sflag:s8], $0x80  }
0x7f: {  	[sflag:s8] =	ssyncset.done $0x0  }
0x80: {  	[sflag:s8] =	ssyncadd.s32 $0xFFFFFF80  }
0x81: {  	s19 =	sadd.s32 $0xFFFFFE00, s15;
	_ =	swait.ge [sflag:s8], $0x80  }
0x82: {  	s19 =	sand.u32 $0xC00, s19;
	[sflag:s8] =	ssyncset.done $0x0  }
0x83: {  	s20 =	smin.u32 s17, $0x46;
	s19 =	sshrl.u32 s19, $0x2;
	[sflag:s8] =	ssyncadd.s32 $0xFFFFFF80  }
0x84: {  	[tilespmem:s9], [sflag:$0x1] =	stream.indirect.gather [hbm4b:s5+s0], $0x80, s19, s0, $0xb8;
	[tilespmem:$0x1C800] =	vst v63  }
0x85: {  	s19 =	sshll.u32 s20, $0x7;
	_ =	swait.ge [sflag:s12], $0x4000  }
0x86: {  	s19 =	sadd.s32 $0x480, s19;
	[sflag:s12] =	ssyncset.done $0x0  }
0x87: {  	s20 =	sor.u32 $0x480, s21;
	s22 =	sand.u32 $0x7C00, s19;
	[sflag:s12] =	ssyncadd.s32 $0xFFFFC000  }
0x88: {  	[spmem:s3] =	stream.indirect.scatter.add.f32 [tilespmem:s11], [sflag:$0x3], $0x80, s20, s0, $0xb8;
	[tilespmem:$0x1C800] =	vst v63  }
0x89: {  	s19 =	sand.u32 $0x380, s19;
	s22 =	sadd.s32 s7, s22;
	_ =	swait.ge [sflag:s30], $0x4000  }
0x8a: {  	s19 =	sor.u32 s19, s22;
	[sflag:s30] =	ssyncset.done $0x0  }
0x8b: {  	s21 =	sor.u32 $0x80, s21;
	s19 =	sshrl.u32 s19, $0x3;
	[sflag:s30] =	ssyncadd.s32 $0xFFFFC000  }
.Ltmp0:
0x8c: {  	s22 =	sadd.s32 s1, s19;
	(pc) =	sbr.rel @p0 .LBB2_2-.Ltmp0, $4  }
0x8d: {  	[tilespmem:s21], [sflag:$0x2] =	stream.linear.gather [hbm4b:s22+s4], $0x80, $0x38;
	[tilespmem:$0x1C800] =	vst v63  }
0x8e: {  	s19 =	sadd.s32 s6, s19  }
0x8f: {  	[tilespmem:s20], [sflag:$0x2] =	stream.linear.gather [hbm4b:s19+s4], $0x80, $0x38;
	[tilespmem:$0x1C800] =	vst v63  }
0x90: {  	_ =	swait.ge [sflag:s8], $0x80  }
0x91: {  	[sflag:s8] =	ssyncset.done $0x0  }
0x92: {  	[sflag:s8] =	ssyncadd.s32 $0xFFFFFF80  }
0x93: {  	_ =	swait.ge [sflag:s8], $0x80  }
0x94: {  	s15 =	sand.u32 $0xE00, s15;
	[sflag:s8] =	ssyncset.done $0x0  }
0x95: {  	s15 =	sshrl.u32 s15, $0x2;
	[sflag:s8] =	ssyncadd.s32 $0xFFFFFF80  }
0x96: {  	[tilespmem:s11], [sflag:$0x1] =	stream.indirect.gather [hbm4b:s5+s0], $0x80, s15, s0, $0xb8;
	[tilespmem:$0x1C800] =	vst v63  }
0x97: {  	_ =	swait.ge [sflag:s12], $0x4000  }
0x98: {  	[sflag:s12] =	ssyncset.done $0x0  }
0x99: {  	[sflag:s12] =	ssyncadd.s32 $0xFFFFC000  }
0x9a: {  	[spmem:s3] =	stream.indirect.scatter.add.f32 [tilespmem:s9], [sflag:$0x3], $0x80, s31, s0, $0xb8;
	[tilespmem:$0x1C800] =	vst v63  }
0x9b: {  	_ =	swait.ge [sflag:s30], $0x4000  }
0x9c: {  	[sflag:s30] =	ssyncset.done $0x0  }
0x9d: {  	[sflag:s30] =	ssyncadd.s32 $0xFFFFC000  }
0x9e: {  	_ =	swait.ge [sflag:s12], $0x4000  }
0x9f: {  	[sflag:s12] =	ssyncset.done $0x0  }
0xa0: {  	[sflag:s12] =	ssyncadd.s32 $0xFFFFC000  }
0xa1: {  	[spmem:s3] =	stream.indirect.scatter.add.f32 [tilespmem:s11], [sflag:$0x3], $0x80, s2, s0, $0xb8;
	[tilespmem:$0x1C800] =	vst v63  }
0xa2: {  	_ =	swait.ge [sflag:s30], $0x4000  }
0xa3: {  	[sflag:s30] =	ssyncset.done $0x0  }
0xa4: {  	[sflag:s30] =	ssyncadd.s32 $0xFFFFC000  }
0xa5: {  	_ =	swait.ge [sflag:s8], $0x80  }
0xa6: {  	[sflag:s8] =	ssyncset.done $0x0  }
0xa7: {  	[sflag:s8] =	ssyncadd.s32 $0xFFFFFF80  }
0xa8: {  	_ =	swait.ge [sflag:s8], $0x80  }
0xa9: {  	[sflag:s8] =	ssyncset.done $0x0  }
0xaa: {  	[sflag:s8] =	ssyncadd.s32 $0xFFFFFF80  }
0xab: {  	_ =	swait.ge [sflag:s8], $0x80  }
0xac: {  	[sflag:s8] =	ssyncset.done $0x0  }
0xad: {  	[sflag:s8] =	ssyncadd.s32 $0xFFFFFF80  }
0xae: {  	_ =	swait.ge [sflag:s8], $0x80  }
0xaf: {  	[sflag:s8] =	ssyncset.done $0x0  }
0xb0: {  	[sflag:s8] =	ssyncadd.s32 $0xFFFFFF80  }
0xb1: {  	_ =	swait.ge [sflag:s8], $0x80  }
0xb2: {  	[sflag:s8] =	ssyncset.done $0x0  }
0xb3: {  	[sflag:s8] =	ssyncadd.s32 $0xFFFFFF80  }
0xb4: {  	_ =	swait.ge [sflag:s8], $0x80  }
0xb5: {  	[sflag:s8] =	ssyncset.done $0x0  }
0xb6: {  	[sflag:s8] =	ssyncadd.s32 $0xFFFFFF80  }
0xb7: {  	_ =	swait.ge [sflag:s8], $0x80  }
0xb8: {  	[sflag:s8] =	ssyncset.done $0x0  }
0xb9: {  	[sflag:s8] =	ssyncadd.s32 $0xFFFFFF80  }
0xba: {  	_ =	swait.ge [sflag:s8], $0x80  }
0xbb: {  	[sflag:s8] =	ssyncset.done $0x0  }
0xbc: {  	[sflag:s8] =	ssyncadd.s32 $0xFFFFFF80  }
0xbd: {  	_ =	swait.ge [sflag:s8], $0x80  }
0xbe: {  	[sflag:s8] =	ssyncset.done $0x0  }
0xbf: {  	[sflag:s8] =	ssyncadd.s32 $0xFFFFFF80  }
0xc0: {  	_ =	swait.ge [sflag:s8], $0x80  }
0xc1: {  	[sflag:s8] =	ssyncset.done $0x0  }
0xc2: {  	[sflag:s8] =	ssyncadd.s32 $0xFFFFFF80  }
0xc3: {  	_ =	swait.ge [sflag:s8], $0x80  }
0xc4: {  	[sflag:s8] =	ssyncset.done $0x0  }
0xc5: {  	[sflag:s8] =	ssyncadd.s32 $0xFFFFFF80  }
0xc6: {  	_ =	swait.ge [sflag:s8], $0x80  }
0xc7: {  	s13 =	sadd.s32 $0x1, s13;
	[sflag:s8] =	ssyncset.done $0x0  }
0xc8: {  	p0 =	sne.s32 s13, s29;
	[sflag:s8] =	ssyncadd.s32 $0xFFFFFF80  }
.Ltmp1:
0xc9: {  	[bflag:$0x0] =	sbarrier.arrive $0xFFFF;
	(pc) =	sbr.rel @p0 .LBB2_1-.Ltmp1, $4  }
0xca: {  	[hbm:s28], [sflag:s10] =	dma.local [spmem:s14], $0x2800  }
0xcb: {  	_ =	swait.ge [sflag:s30], $0x2800  }
0xcc: {  	[sflag:s30] =	ssyncset.done $0x0  }
0xcd: {  	[sflag:s30] =	ssyncadd.s32 $0xFFFFD800  }
0xce: {  	_ =	sfence.sel $0x180000  }
0xcf: {  	[bflag:$0x0] =	sbarrier.arrive $0xFFFF  }
0xd0: {  	_ =	strace $0x9000004D  }
0xd1: {  	s0 =	stileid.u32;
	[bflag:$0x2] =	sbarrier.arrive $0xFFFF  }
0xd2: {  	p0 =	sne.s32 s0, $0x0;
	s0 =	rddreg [dreg:$0x3]  }
0xd3: {  	s0 =	sadd.s32 @!p0 $0x100000, s0  }
0xd4: {  	[sflag:s0] =	ssyncadd.tile.s32 @!p0 $0x1;
	_ =	shalt  }
.Lfunc_end2:
_tile_overlayer_lowered:
.L_overlay_start_2:
0xd5: {  	(tag) =	ssettag $0x2  }
0xd6: {  	s0 =	rddreg [dreg:$0x0];
	s2 =	stileid.u32  }
0xd7: {  	s1 =	rddreg [dreg:$0x1];
	p0 =	sne.s32 s2, $0x0  }
0xd8: {  	s3 =	rddreg [dreg:$0x2];
	[bflag:$0x3] =	sbarrier.arrive $0xFFFF;
	s2 =	simm.s32 @!p0 $0x1C03  }
0xd9: {  	[timem:s3], [sflag:s2] =	dma.local @!p0 [hbm:s0], s1  }
0xda: {  	s0 =	simm.s32 @!p0 $0x3  }
0xdb: {  	_ =	swait.ge @!p0 [sflag:s0], s1  }
0xdc: {  	s1 =	ssub.s32 @!p0 $0x0, s1;
	[sflag:s0] =	ssyncset.done @!p0 $0x0  }
0xdd: {  	[sflag:s0] =	ssyncadd.s32 @!p0 s1  }
0xde: {  	[bflag:$0x3] =	sbarrier.arrive $0xFFFF  }
0xdf: {  	_ =	shalt  }

// kernel: kernel.19.cloned.1.call-start
scs
__scs_entry_jumppad:
0x0: {  	(pc) =	sbr.rel $0x88, $3  }
0x1: {  	(tag) =	ssettag $0x0;
	lr =	simm.s32 $0x1  }
0x2: {  	[smem:$0x3F99] =	sst lr;
	_ =	strace $0xD0000000  }
0x3: {  	_ = 	snop  }
0x4: {  	_ = 	snop  }
0x5: {  	_ = 	snop  }
0x6: {  	_ = 	snop  }
0x7: {  	_ = 	snop  }
__scs_overlays_trampoline_lowered:
0x8: {  	[smem:$0x3FA8] =	sst s0  }
0x9: {  	[smem:$0x3FA9] =	sst s1  }
0xa: {  	[smem:$0x3FAA] =	sst s2  }
0xb: {  	[smem:$0x3FAB] =	sst s3  }
0xc: {  	[smem:$0x3FAC] =	sst s4  }
0xd: {  	[smem:$0x3FAD] =	sst s5  }
0xe: {  	[smem:$0x3FAE] =	sst s6  }
0xf: {  	[smem:$0x3FAF] =	sst s7  }
0x10: {  	[smem:$0x3FB0] =	sst s8  }
0x11: {  	[smem:$0x3FB1] =	sst s9;
	s0 =	simm.s32 @!p0 $0x0  }
0x12: {  	s1 =	sld [smem:$0x3F97];
	s0 =	simm.s32 @p0 $0x1  }
0x13: {  	[smem:$0x3FB2] =	sst s0;
	s0 =	simm.s32 @!p1 $0x0  }
0x14: {  	s2 =	sld [smem:$0x3F96];
	s0 =	simm.s32 @p1 $0x1  }
0x15: {  	[smem:$0x3FB3] =	sst s0;
	s0 =	simm.s32 @!p2 $0x0  }
0x16: {  	s3 =	sld [smem:$0x3FDB];
	s0 =	simm.s32 @p2 $0x1  }
0x17: {  	s4 =	simm.s32 $0x1BF5;
	[smem:$0x3FB5] =	sst s0  }
0x18: {  	s0 =	sld [smem:$0x3F98];
	_ =	swait.ge [sflag:s4], $0x0  }
0x19: {  	s7 =	sld [smem:$0x3F99]  }
0x1a: {  	s8 =	sadd.s32 $0xFFFFE003, lr  }
0x1b: {  	s9 =	sadd.s32 $0xFFFFFEF7, lr;
	s5 =	simm.s32 $0xFFFFFFFF;
	p2 =	slt.u32 s8, $0xFFFFF086  }
0x1c: {  	p1 =	slt.u32 s9, $0xF7A;
	s5 =	simm.s32 @!p2 $0x0  }
0x1d: {  	s5 =	simm.s32 @p1 $0x1;
	p0 =	seq.s32 s7, s2  }
0x1e: {  	s7 =	smul.u32 @!p0 $0xF7A, s2;
	p2 =	seq.s32 @!p0 s5, $0x0  }
0x1f: {  	s9 =	smul.u32 $0xF7A, s1;
	s8 =	simm.s32 @!p0 $0x1BF5;
	p2 =	por !p2, p0  }
0x20: {  	[sflag:s8] =	ssyncset.s32 @!p0 $0xFFFFF086;
	s6 =	sadd.s32 @!p0 s3, s7;
	s7 =	simm.s32 @!p0 $0x108  }
0x21: {  	s3 =	sadd.s32 s3, s9;
	s6 =	sadd.s32 @!p0 $0x88, s6;
	s7 =	simm.s32 @p2 $0x1082  }
0x22: {  	[simem:s7], [sflag:s8] =	dma.local @!p0 [hbm:s6], $0xF7A  }
0x23: {  	s9 =	sor.u32 $0xD0000000, s2;
	s6 =	simm.s32 $0x108;
	_ =	swait.ge @!p0 [sflag:s8], $0x0  }
0x24: {  	s3 =	sadd.s32 $0x88, s3;
	s6 =	simm.s32 @!p1 $0x1082;
	[sflag:s4] =	ssyncset.s32 $0xFFFFF086  }
0x25: {  	[simem:s6], [sflag:s4] =	dma.local [hbm:s3], $0xF7A  }
0x26: {  	[smem:$0x3F99] =	sst s1;
	(tag) =	ssettag s2;
	_ =	strace s9  }
0x27: {  	s1 =	sld [smem:$0x3FA9]  }
0x28: {  	s2 =	sld [smem:$0x3FAA]  }
0x29: {  	s4 =	sld [smem:$0x3FAC]  }
0x2a: {  	p0 =	seq.s32 s5, $0x0;
	s5 =	sld [smem:$0x3FAD]  }
0x2b: {  	s6 =	sld [smem:$0x3FAE]  }
0x2c: {  	s7 =	sld [smem:$0x3FAF]  }
0x2d: {  	s3 =	simm.s32 $0x108;
	s8 =	sld [smem:$0x3FB0]  }
0x2e: {  	s3 =	simm.s32 @!p0 $0x1082;
	s9 =	sld [smem:$0x3FB1]  }
0x2f: {  	lr =	sadd.s32 s0, s3;
	s0 =	sld [smem:$0x3FA8]  }
0x30: {  	s3 =	sld [smem:$0x3FAB]  }
0x31: {  	[smem:$0x3FB4] =	sst s10  }
0x32: {  	s10 =	sld [smem:$0x3FB2];
	_ =	sdelay $0x3  }
0x33: {  	p0 =	seq.s32 s10, $0x1;
	s10 =	sld [smem:$0x3FB4];
	_ =	sdelay $0x3  }
0x34: {  	[smem:$0x3FB4] =	sst s10  }
0x35: {  	s10 =	sld [smem:$0x3FB3];
	_ =	sdelay $0x3  }
0x36: {  	p1 =	seq.s32 s10, $0x1;
	s10 =	sld [smem:$0x3FB4];
	_ =	sdelay $0x3  }
0x37: {  	[smem:$0x3FB4] =	sst s10  }
0x38: {  	s10 =	sld [smem:$0x3FB5]  }
0x39: {  	_ = 	snop;
	(pc) =	sbr.ind lr, $3  }
0x3a: {  	_ = 	snop  }
0x3b: {  	_ = 	snop  }
0x3c: {  	p2 =	seq.s32 s10, $0x1;
	s10 =	sld [smem:$0x3FB4]  }
0x3d: {  	_ =	shalt  }
0x3e: {  	_ =	shalt  }
0x3f: {  	_ =	shalt  }
0x40: {  	_ =	shalt  }
0x41: {  	_ =	shalt  }
0x42: {  	_ =	shalt  }
0x43: {  	_ =	shalt  }
0x44: {  	_ =	shalt  }
0x45: {  	_ =	shalt  }
0x46: {  	_ =	shalt  }
0x47: {  	_ =	shalt  }
0x48: {  	_ =	shalt  }
0x49: {  	_ =	shalt  }
0x4a: {  	_ =	shalt  }
0x4b: {  	_ =	shalt  }
0x4c: {  	_ =	shalt  }
0x4d: {  	_ =	shalt  }
0x4e: {  	_ =	shalt  }
0x4f: {  	_ =	shalt  }
0x50: {  	_ =	shalt  }
0x51: {  	_ =	shalt  }
0x52: {  	_ =	shalt  }
0x53: {  	_ =	shalt  }
0x54: {  	_ =	shalt  }
0x55: {  	_ =	shalt  }
0x56: {  	_ =	shalt  }
0x57: {  	_ =	shalt  }
0x58: {  	_ =	shalt  }
0x59: {  	_ =	shalt  }
0x5a: {  	_ =	shalt  }
0x5b: {  	_ =	shalt  }
0x5c: {  	_ =	shalt  }
0x5d: {  	_ =	shalt  }
0x5e: {  	_ =	shalt  }
0x5f: {  	_ =	shalt  }
0x60: {  	_ =	shalt  }
0x61: {  	_ =	shalt  }
0x62: {  	_ =	shalt  }
0x63: {  	_ =	shalt  }
0x64: {  	_ =	shalt  }
0x65: {  	_ =	shalt  }
0x66: {  	_ =	shalt  }
0x67: {  	_ =	shalt  }
0x68: {  	_ =	shalt  }
0x69: {  	_ =	shalt  }
0x6a: {  	_ =	shalt  }
0x6b: {  	_ =	shalt  }
0x6c: {  	_ =	shalt  }
0x6d: {  	_ =	shalt  }
0x6e: {  	_ =	shalt  }
0x6f: {  	_ =	shalt  }
0x70: {  	_ =	shalt  }
0x71: {  	_ =	shalt  }
0x72: {  	_ =	shalt  }
0x73: {  	_ =	shalt  }
0x74: {  	_ =	shalt  }
0x75: {  	_ =	shalt  }
0x76: {  	_ =	shalt  }
0x77: {  	_ =	shalt  }
0x78: {  	_ =	shalt  }
0x79: {  	_ =	shalt  }
0x7a: {  	_ =	shalt  }
0x7b: {  	_ =	shalt  }
0x7c: {  	_ =	shalt  }
0x7d: {  	_ =	shalt  }
0x7e: {  	_ =	shalt  }
0x7f: {  	_ =	shalt  }
0x80: {  	_ =	shalt  }
0x81: {  	_ =	shalt  }
0x82: {  	_ =	shalt  }
0x83: {  	_ =	shalt  }
0x84: {  	_ =	shalt  }
0x85: {  	_ =	shalt  }
0x86: {  	_ =	shalt  }
0x87: {  	_ =	shalt  }
.Lfunc_end0:
.L_simem_size_0:
called_computation.3_lowered:
.L_overlay_start_0:
0x88: {  	s2 =	sld [smem:$0x3FD9]  }
0x89: {  	s3 =	sld [smem:$0x3FFE];
	_ =	sdelay $0x1  }
0x8a: {  	s1 =	srdreg.scid  }
0x8b: {  	s0 =	sand.u32 $0x1, s1  }
0x8c: {  	s17 =	sshll.u32 s0, $0xA;
	s2 =	sadd.s32 s3, s2  }
0x8d: {  	s2 =	sadd.s32 s2, s17  }
0x8e: {  	[smem:$0x3FC0] =	sst s2  }
0x8f: {  	_ = 	snop  }
0x90: {  	s2 =	sld [smem:$0x3FD0];
	(tm) =	ssettm $0x1  }
0x91: {  	s18 =	sld [smem:$0x3FFB];
	_ =	sdelay $0x3  }
0x92: {  	_ =	strace s18  }
0x93: {  	s3 =	sld [smem:$0x3FFC];
	_ =	sdelay $0x3  }
0x94: {  	_ =	strace s3  }
0x95: {  	s3 =	sld [smem:$0x3FFD];
	_ =	sdelay $0x3  }
0x96: {  	_ =	strace s3  }
0x97: {  	_ =	strace $0x8FFFFFFF  }
0x98: {  	s19 =	sld [smem:$0x3FDB];
	_ =	sdelay $0x1  }
0x99: {  	s4 =	simm.s32 $_scs_section_size  }
0x9a: {  	s5 =	simm.s32 $_size__tile_overlayer_lowered;
	s6 =	simm.s32 $_tile_overlayer_lowered  }
0x9b: {  	s22 =	simm.s32 $0x1BFF;
	s21 =	sshll.u32 s6, $0x1;
	s3 =	sadd.s32 s4, s19  }
0x9c: {  	s7 =	simm.s32 $0x0;
	s20 =	sshll.u32 s5, $0x1;
	s5 =	sadd.s32 s21, s3  }
0x9d: {  	[timem:s7], [sflag:s22] =	dma.local [hbm:s5], s20  }
0x9e: {  	_ =	swait.ge [sflag:s22], s20  }
0x9f: {  	s4 =	ssub.s32 $0x0, s20;
	[sflag:s22] =	ssyncset.done $0x0  }
0xa0: {  	[sflag:s22] =	ssyncadd.s32 s4;
	_ =	sdelay $0x1  }
0xa1: {  	s23 =	simm.s32 $0x1B8B  }
0xa2: {  	_ =	swait.ge [sflag:s23], $0x1  }
0xa3: {  	[sflag:s23] =	ssyncset.done $0x0  }
0xa4: {  	s25 =	simm.s32 $0x1B8E;
	s24 =	sld [smem:$0x3FFE];
	[sflag:s23] =	ssyncadd.s32 $0xFFFFFFFF  }
0xa5: {  	s26 =	simm.s32 $execute0_lowered;
	[smem:$0x3FD2] =	sst s25  }
0xa6: {  	s5 =	sshll.u32 s26, $0x1;
	_ =	strace $0x8000004F;
	[dreg:$0x1] =	wrdreg $0xFFFFFFFF  }
0xa7: {  	s28 =	simm.s32 $_size_execute0_lowered;
	s3 =	sadd.s32 s3, s5;
	[dreg:$0x0] =	wrdreg $0x0  }
0xa8: {  	s5 =	sshll.u32 s28, $0x1;
	[dreg:$0x2] =	wrdreg s3  }
0xa9: {  	[dreg:$0x3] =	wrdreg s5  }
0xaa: {  	[dreg:$0x4] =	wrdreg $0xC0  }
0xab: {  	_ =	task [dreg:s7], $0x5FFFF  }
0xac: {  	[dreg:$0x1] =	wrdreg $0xFFFFFFFF  }
0xad: {  	[dreg:$0x0] =	wrdreg $0x60  }
0xae: {  	[dreg:$0x2] =	wrdreg s24  }
0xaf: {  	[dreg:$0x3] =	wrdreg s2  }
0xb0: {  	[dreg:$0x4] =	wrdreg $0x88000  }
0xb1: {  	[dreg:$0x5] =	wrdreg $0x9  }
0xb2: {  	_ =	task.clear_ibuf [dreg:s7], $0x6FFFF;
	_ =	strace $0x9000004F  }
0xb3: {  	s29 =	simm.s32 $0x9;
	_ =	strace $0x80000051  }
0xb4: {  	_ =	swait.ge [sflag:s29], $0x1  }
0xb5: {  	[sflag:s29] =	ssyncadd.s32 $0xFFFFFFFF  }
0xb6: {  	_ =	strace $0x90000051  }
0xb7: {  	_ =	sfence  }
0xb8: {  	s30 =	sld [smem:$0x0];
	_ =	sdelay $0x2  }
0xb9: {  	s31 =	sshll.u32 s1, $0xD;
	s1 =	sshrl.u32 s1, $0x2  }
0xba: {  	s3 =	sand.u32 $0x4000, s31;
	s1 =	sadd.s32 s1, s30  }
0xbb: {  	s0 =	sor.u32 s3, s0;
	s1 =	sshll.u32 s1, $0x11  }
0xbc: {  	s0 =	sor.u32 s1, s0  }
0xbd: {  	s0 =	sadd.s32 $0x8F2B, s0  }
0xbe: {  	[sflag:s0] =	ssyncadd.remote.s32 $0x1  }
0xbf: {  	_ =	sfence.sel $0xFFFF  }
0xc0: {  	[dreg:$0x0] =	wrdreg $0xFFFFFFFF;
	(pc) =	sbr.abs _section_cstart, $3  }
0xc1: {  	[dreg:$0x1] =	wrdreg $0xFFFFFFFF  }
0xc2: {  	_ =	task.clear_ibuf [dreg:s7], $0x2FFFF;
	_ =	strace $0x9FFFFFFF  }
0xc3: {  	(tm) =	ssettm $0x7FFFFFFF  }
tec
execute0_lowered:
.L_overlay_start_1:
0x0: {  	(tag) =	ssettag $0x1  }
0x1: {  	s0 =	rddreg [dreg:$0x0]  }
0x2: {  	s1 =	rddreg [dreg:$0x1]  }
0x3: {  	s3 =	rddreg [dreg:$0x2];
	s4 =	simm.s32 $0x0  }
0x4: {  	s12 =	stileid.u32;
	s5 =	srdreg.scid;
	s30 =	simm.s32 $0x3  }
0x5: {  	s31 =	simm.s32 $0x700;
	[smem:$0x7FF] =	sst s4;
	s2 =	smul.u32 $0x14000, s12  }
0x6: {  	s7 =	sand.u32 $0x1, s5;
	s5 =	sadd.s32 $0x35200, s0;
	s6 =	sadd.s32 $0x3200, s0  }
0x7: {  	s24 =	smul.u32 $0x50000, s12;
	s13 =	sshll.u32 s12, $0x6;
	_ =	strace $0x80000050  }
0x8: {  	s9 =	smul.u32 $0x140000, s7;
	s10 =	sshll.u32 s7, $0x4;
	s11 =	ssub.s32 $0x2, s7  }
0x9: {  	s8 =	sshrl.u32 s2, $0x3;
	s10 =	sor.u32 s12, s10;
	s25 =	sshrl.u32 s11, $0x1  }
0xa: {  	s12 =	simm.s32 $0x1;
	s8 =	sadd.s32 s8, s0;
	s2 =	sadd.s32 s2, s9  }
0xb: {  	s7 =	smul.u32 $0x2800, s10;
	s9 =	sshrl.u32 s24, $0x2;
	s10 =	sor.u32 $0x1C03, s13  }
0xc: {  	s13 =	simm.s32 $0x0;
	s2 =	sshrl.u32 s2, $0x3;
	s9 =	sadd.s32 s9, s3  }
0xd: {  	s8 =	sadd.s32 $0xD200, s8;
	s0 =	sadd.s32 s2, s0;
	s26 =	sshrl.u32 s7, $0x3  }
0xe: {  	s2 =	ssub.s32 s11, s25;
	[dreg:$0x4] =	wrdreg s9;
	s14 =	sor.u32 $0x10, s26  }
0xf: {  	[dreg:$0x5] =	wrdreg s8;
	s9 =	simm.s32 $0x800;
	s15 =	sadd.s32 s1, s14  }
0x10: {  	s16 =	sor.u32 $0x20, s26;
	s11 =	sadd.s32 s6, s14;
	[dreg:$0x6] =	wrdreg s15  }
0x11: {  	s18 =	sor.u32 $0x30, s26;
	s17 =	sadd.s32 s1, s16;
	[dreg:$0x7] =	wrdreg s11  }
0x12: {  	s20 =	sor.u32 $0x40, s26;
	s8 =	sadd.s32 s6, s16;
	[dreg:$0x8] =	wrdreg s17  }
0x13: {  	s22 =	sor.u32 $0x50, s26;
	s19 =	sadd.s32 s1, s18;
	[dreg:$0x9] =	wrdreg s8  }
0x14: {  	s24 =	sor.u32 $0x60, s26;
	s21 =	sadd.s32 s1, s20;
	[dreg:$0xa] =	wrdreg s19  }
0x15: {  	s28 =	sadd.s32 $0x5D200, s0;
	s23 =	sadd.s32 s1, s22;
	[dreg:$0xc] =	wrdreg s21  }
0x16: {  	s29 =	smax.u32 s2, $0x1;
	s25 =	sadd.s32 s1, s24;
	[dreg:$0xe] =	wrdreg s23  }
0x17: {  	s0 =	simm.s32 $0x80;
	s11 =	sadd.s32 s6, s18;
	[dreg:$0x10] =	wrdreg s25  }
0x18: {  	s8 =	sadd.s32 s6, s20;
	s23 =	sadd.s32 s1, s26;
	[dreg:$0xb] =	wrdreg s11  }
0x19: {  	[dreg:$0xd] =	wrdreg s8;
	s11 =	sadd.s32 s6, s22;
	s8 =	sadd.s32 s6, s24  }
0x1a: {  	s24 =	sadd.s32 s6, s26;
	s26 =	sor.u32 $0x70, s26;
	[dreg:$0xf] =	wrdreg s11  }
0x1b: {  	s2 =	simm.s32 $0x780;
	[dreg:$0x11] =	wrdreg s8;
	s25 =	sadd.s32 s1, s26  }
0x1c: {  	s26 =	sadd.s32 s6, s26;
	s8 =	simm.s32 $0x2;
	s11 =	simm.s32 $0x4800  }
.LBB2_1:
0x1d: {  	s14 =	rddreg [dreg:$0x4]  }
0x1e: {  	s15 =	rddreg [dreg:$0x5];
	s14 =	sshrl.u32 s14, $0x3  }
0x1f: {  	[spmem:s14], [sflag:s10] =	dma.local [hbm:s15], $0x2800  }
0x20: {  	_ =	swait.ge [sflag:s30], $0x2800  }
0x21: {  	[sflag:s30] =	ssyncset.done $0x0  }
0x22: {  	[sflag:s30] =	ssyncadd.s32 $0xFFFFD800  }
0x23: {  	[tilespmem:s4], [sflag:$0x2] =	stream.linear.gather [hbm4b:s23+s4], $0x80, $0x38;
	[tilespmem:$0x1C800] =	vst v63  }
0x24: {  	s20 =	simm.s32 $0x400  }
0x25: {  	[tilespmem:s20], [sflag:$0x2] =	stream.linear.gather [hbm4b:s24+s4], $0x80, $0x38;
	[tilespmem:$0x1C800] =	vst v63  }
0x26: {  	s21 =	rddreg [dreg:$0x6]  }
0x27: {  	[tilespmem:s0], [sflag:$0x2] =	stream.linear.gather [hbm4b:s21+s4], $0x80, $0x38;
	[tilespmem:$0x1C800] =	vst v63  }
0x28: {  	s16 =	simm.s32 $0x480;
	s22 =	rddreg [dreg:$0x7]  }
0x29: {  	[tilespmem:s16], [sflag:$0x2] =	stream.linear.gather [hbm4b:s22+s4], $0x80, $0x38;
	[tilespmem:$0x1C800] =	vst v63  }
0x2a: {  	s18 =	simm.s32 $0x100;
	s17 =	rddreg [dreg:$0x8]  }
0x2b: {  	[tilespmem:s18], [sflag:$0x2] =	stream.linear.gather [hbm4b:s17+s4], $0x80, $0x38;
	[tilespmem:$0x1C800] =	vst v63  }
0x2c: {  	s19 =	rddreg [dreg:$0x9];
	s20 =	simm.s32 $0x500  }
0x2d: {  	[tilespmem:s20], [sflag:$0x2] =	stream.linear.gather [hbm4b:s19+s4], $0x80, $0x38;
	[tilespmem:$0x1C800] =	vst v63  }
0x2e: {  	s21 =	rddreg [dreg:$0xa];
	s22 =	simm.s32 $0x180  }
0x2f: {  	[tilespmem:s22], [sflag:$0x2] =	stream.linear.gather [hbm4b:s21+s4], $0x80, $0x38;
	[tilespmem:$0x1C800] =	vst v63  }
0x30: {  	s17 =	rddreg [dreg:$0xb];
	s18 =	simm.s32 $0x580  }
0x31: {  	[tilespmem:s18], [sflag:$0x2] =	stream.linear.gather [hbm4b:s17+s4], $0x80, $0x38;
	[tilespmem:$0x1C800] =	vst v63  }
0x32: {  	s19 =	rddreg [dreg:$0xc];
	s20 =	simm.s32 $0x200  }
0x33: {  	[tilespmem:s20], [sflag:$0x2] =	stream.linear.gather [hbm4b:s19+s4], $0x80, $0x38;
	[tilespmem:$0x1C800] =	vst v63  }
0x34: {  	s15 =	simm.s32 $0x600;
	s21 =	rddreg [dreg:$0xd]  }
0x35: {  	[tilespmem:s15], [sflag:$0x2] =	stream.linear.gather [hbm4b:s21+s4], $0x80, $0x38;
	[tilespmem:$0x1C800] =	vst v63  }
0x36: {  	s22 =	rddreg [dreg:$0xe];
	s17 =	simm.s32 $0x280  }
0x37: {  	[tilespmem:s17], [sflag:$0x2] =	stream.linear.gather [hbm4b:s22+s4], $0x80, $0x38;
	[tilespmem:$0x1C800] =	vst v63  }
0x38: {  	s18 =	rddreg [dreg:$0xf];
	s19 =	simm.s32 $0x680  }
0x39: {  	[tilespmem:s19], [sflag:$0x2] =	stream.linear.gather [hbm4b:s18+s4], $0x80, $0x38;
	[tilespmem:$0x1C800] =	vst v63  }
0x3a: {  	s20 =	rddreg [dreg:$0x10];
	s21 =	simm.s32 $0x300  }
0x3b: {  	[tilespmem:s21], [sflag:$0x2] =	stream.linear.gather [hbm4b:s20+s4], $0x80, $0x38;
	[tilespmem:$0x1C800] =	vst v63  }
0x3c: {  	s22 =	rddreg [dreg:$0x11]  }
0x3d: {  	[tilespmem:s31], [sflag:$0x2] =	stream.linear.gather [hbm4b:s22+s4], $0x80, $0x38;
	[tilespmem:$0x1C800] =	vst v63  }
0x3e: {  	s17 =	simm.s32 $0x380  }
0x3f: {  	[tilespmem:s17], [sflag:$0x2] =	stream.linear.gather [hbm4b:s25+s4], $0x80, $0x38;
	[tilespmem:$0x1C800] =	vst v63  }
0x40: {  	_ = 	snop  }
0x41: {  	[tilespmem:s2], [sflag:$0x2] =	stream.linear.gather [hbm4b:s26+s4], $0x80, $0x38;
	[tilespmem:$0x1C800] =	vst v63  }
0x42: {  	[bflag:$0x0] =	sbarrier.arrive $0xFFFF  }
0x43: {  	_ =	swait.ge [sflag:s8], $0x80  }
0x44: {  	[sflag:s8] =	ssyncset.done $0x0  }
0x45: {  	[sflag:s8] =	ssyncadd.s32 $0xFFFFFF80  }
0x46: {  	_ =	swait.ge [sflag:s8], $0x80  }
0x47: {  	[sflag:s8] =	ssyncset.done $0x0  }
0x48: {  	[sflag:s8] =	ssyncadd.s32 $0xFFFFFF80  }
0x49: {  	[tilespmem:s9], [sflag:$0x1] =	stream.indirect.gather [hbm4b:s5+s0], $0x80, s4, s0, $0xb8;
	[tilespmem:$0x1C800] =	vst v63  }
0x4a: {  	_ =	swait.ge [sflag:s8], $0x80  }
0x4b: {  	[sflag:s8] =	ssyncset.done $0x0  }
0x4c: {  	[sflag:s8] =	ssyncadd.s32 $0xFFFFFF80  }
0x4d: {  	_ =	swait.ge [sflag:s8], $0x80  }
0x4e: {  	s18 =	smin.u32 s4, $0x47;
	[sflag:s8] =	ssyncset.done $0x0  }
0x4f: {  	s16 =	sshll.u32 s18, $0x7;
	[sflag:s8] =	ssyncadd.s32 $0xFFFFFF80  }
0x50: {  	[tilespmem:s11], [sflag:$0x1] =	stream.indirect.gather [hbm4b:s5+s0], $0x80, s0, s0, $0xb8;
	[tilespmem:$0x1C800] =	vst v63  }
0x51: {  	s18 =	sand.u32 $0x300, s4;
	s19 =	sadd.s32 $0x400, s16;
	_ =	swait.ge [sflag:s12], $0x4000  }
0x52: {  	s16 =	sand.u32 $0x380, s16;
	s17 =	sand.u32 $0x7C00, s19;
	[sflag:s12] =	ssyncset.done $0x0  }
0x53: {  	s19 =	sor.u32 $0x400, s18;
	s17 =	sadd.s32 s7, s17;
	[sflag:s12] =	ssyncadd.s32 $0xFFFFC000  }
0x54: {  	[spmem:s3] =	stream.indirect.scatter.add.f32 [tilespmem:s9], [sflag:$0x3], $0x80, s19, s0, $0xb8;
	[tilespmem:$0x1C800] =	vst v63  }
0x55: {  	s16 =	sor.u32 s16, s17;
	_ =	swait.ge [sflag:s30], $0x4000  }
0x56: {  	s16 =	sshrl.u32 s16, $0x3;
	[sflag:s30] =	ssyncset.done $0x0  }
0x57: {  	s20 =	sadd.s32 s1, s16;
	[sflag:s30] =	ssyncadd.s32 $0xFFFFC000  }
0x58: {  	[tilespmem:s18], [sflag:$0x2] =	stream.linear.gather [hbm4b:s20+s4], $0x80, $0x38;
	[tilespmem:$0x1C800] =	vst v63  }
0x59: {  	s16 =	sadd.s32 s6, s16  }
0x5a: {  	[tilespmem:s19], [sflag:$0x2] =	stream.linear.gather [hbm4b:s16+s4], $0x80, $0x38;
	[tilespmem:$0x1C800] =	vst v63  }
0x5b: {  	_ =	swait.ge [sflag:s8], $0x80  }
0x5c: {  	[sflag:s8] =	ssyncset.done $0x0  }
0x5d: {  	[sflag:s8] =	ssyncadd.s32 $0xFFFFFF80  }
0x5e: {  	s21 =	simm.s32 $0x400;
	_ =	swait.ge [sflag:s8], $0x80  }
0x5f: {  	s22 =	smin.u32 s4, $0x46;
	s16 =	sand.u32 $0xC00, s21;
	[sflag:s8] =	ssyncset.done $0x0  }
0x60: {  	s19 =	sshll.u32 s22, $0x7;
	s16 =	sshrl.u32 s16, $0x2;
	[sflag:s8] =	ssyncadd.s32 $0xFFFFFF80  }
0x61: {  	[tilespmem:s9], [sflag:$0x1] =	stream.indirect.gather [hbm4b:s5+s0], $0x80, s16, s0, $0xb8;
	[tilespmem:$0x1C800] =	vst v63  }
0x62: {  	s16 =	sadd.s32 $0x480, s19;
	_ =	swait.ge [sflag:s12], $0x4000  }
0x63: {  	s20 =	sor.u32 $0x480, s18;
	s21 =	sand.u32 $0x7C00, s16;
	[sflag:s12] =	ssyncset.done $0x0  }
0x64: {  	s16 =	sand.u32 $0x380, s16;
	s19 =	sadd.s32 s7, s21;
	[sflag:s12] =	ssyncadd.s32 $0xFFFFC000  }
0x65: {  	[spmem:s3] =	stream.indirect.scatter.add.f32 [tilespmem:s11], [sflag:$0x3], $0x80, s20, s0, $0xb8;
	[tilespmem:$0x1C800] =	vst v63  }
0x66: {  	s16 =	sor.u32 s16, s19;
	_ =	swait.ge [sflag:s30], $0x4000  }
0x67: {  	s16 =	sshrl.u32 s16, $0x3;
	[sflag:s30] =	ssyncset.done $0x0  }
0x68: {  	s18 =	sor.u32 $0x80, s18;
	s22 =	sadd.s32 s1, s16;
	[sflag:s30] =	ssyncadd.s32 $0xFFFFC000  }
0x69: {  	[tilespmem:s18], [sflag:$0x2] =	stream.linear.gather [hbm4b:s22+s4], $0x80, $0x38;
	[tilespmem:$0x1C800] =	vst v63  }
0x6a: {  	s17 =	simm.s32 $0x0;
	s16 =	sadd.s32 s6, s16  }
0x6b: {  	[tilespmem:s20], [sflag:$0x2] =	stream.linear.gather [hbm4b:s16+s4], $0x80, $0x38;
	[tilespmem:$0x1C800] =	vst v63  }
0x6c: {  	s18 =	simm.s32 $0x0;
	s16 =	simm.s32 $0xA00;
	_ =	swait.ge [sflag:s8], $0x80  }
.LBB2_2:
0x6d: {  	[sflag:s8] =	ssyncset.done $0x0  }
0x6e: {  	s17 =	sadd.s32 $0x2, s17;
	s18 =	sadd.s32 $0x100, s18;
	s19 =	smov.u32 s16  }
0x6f: {  	p0 =	sne.s32 s16, $0x9E00;
	s20 =	smin.u32 s17, $0x47;
	[sflag:s8] =	ssyncadd.s32 $0xFFFFFF80  }
0x70: {  	s16 =	sadd.s32 $0x400, s16;
	s20 =	sshll.u32 s20, $0x7;
	_ =	swait.ge [sflag:s8], $0x80  }
0x71: {  	s15 =	sand.u32 $0xE00, s15;
	s21 =	sadd.s32 $0x400, s20;
	[sflag:s8] =	ssyncset.done $0x0  }
0x72: {  	s15 =	sshrl.u32 s15, $0x2;
	s21 =	sand.u32 $0x7C00, s21;
	[sflag:s8] =	ssyncadd.s32 $0xFFFFFF80  }
0x73: {  	[tilespmem:s11], [sflag:$0x1] =	stream.indirect.gather [hbm4b:s5+s0], $0x80, s15, s0, $0xb8;
	[tilespmem:$0x1C800] =	vst v63  }
0x74: {  	s20 =	sand.u32 $0x380, s20;
	s15 =	sadd.s32 s7, s21;
	_ =	swait.ge [sflag:s12], $0x4000  }
0x75: {  	s21 =	sand.u32 $0x300, s18;
	s15 =	sor.u32 s20, s15;
	[sflag:s12] =	ssyncset.done $0x0  }
0x76: {  	s20 =	sor.u32 $0x400, s21;
	s22 =	sshrl.u32 s15, $0x3;
	[sflag:s12] =	ssyncadd.s32 $0xFFFFC000  }
0x77: {  	[spmem:s3] =	stream.indirect.scatter.add.f32 [tilespmem:s9], [sflag:$0x3], $0x80, s20, s0, $0xb8;
	[tilespmem:$0x1C800] =	vst v63  }
0x78: {  	s15 =	smov.u32 s19;
	_ =	swait.ge [sflag:s30], $0x4000  }
0x79: {  	[sflag:s30] =	ssyncset.done $0x0  }
0x7a: {  	s19 =	sadd.s32 s1, s22;
	[sflag:s30] =	ssyncadd.s32 $0xFFFFC000  }
0x7b: {  	[tilespmem:s21], [sflag:$0x2] =	stream.linear.gather [hbm4b:s19+s4], $0x80, $0x38;
	[tilespmem:$0x1C800] =	vst v63  }
0x7c: {  	s19 =	sadd.s32 s6, s22  }
0x7d: {  	[tilespmem:s20], [sflag:$0x2] =	stream.linear.gather [hbm4b:s19+s4], $0x80, $0x38;
	[tilespmem:$0x1C800] =	vst v63  }
0x7e: {  	_ =	swait.ge [sflag:s8], $0x80  }
0x7f: {  	[sflag:s8] =	ssyncset.done $0x0  }
0x80: {  	[sflag:s8] =	ssyncadd.s32 $0xFFFFFF80  }
0x81: {  	s19 =	sadd.s32 $0xFFFFFE00, s15;
	_ =	swait.ge [sflag:s8], $0x80  }
0x82: {  	s19 =	sand.u32 $0xC00, s19;
	[sflag:s8] =	ssyncset.done $0x0  }
0x83: {  	s20 =	smin.u32 s17, $0x46;
	s19 =	sshrl.u32 s19, $0x2;
	[sflag:s8] =	ssyncadd.s32 $0xFFFFFF80  }
0x84: {  	[tilespmem:s9], [sflag:$0x1] =	stream.indirect.gather [hbm4b:s5+s0], $0x80, s19, s0, $0xb8;
	[tilespmem:$0x1C800] =	vst v63  }
0x85: {  	s19 =	sshll.u32 s20, $0x7;
	_ =	swait.ge [sflag:s12], $0x4000  }
0x86: {  	s19 =	sadd.s32 $0x480, s19;
	[sflag:s12] =	ssyncset.done $0x0  }
0x87: {  	s20 =	sor.u32 $0x480, s21;
	s22 =	sand.u32 $0x7C00, s19;
	[sflag:s12] =	ssyncadd.s32 $0xFFFFC000  }
0x88: {  	[spmem:s3] =	stream.indirect.scatter.add.f32 [tilespmem:s11], [sflag:$0x3], $0x80, s20, s0, $0xb8;
	[tilespmem:$0x1C800] =	vst v63  }
0x89: {  	s19 =	sand.u32 $0x380, s19;
	s22 =	sadd.s32 s7, s22;
	_ =	swait.ge [sflag:s30], $0x4000  }
0x8a: {  	s19 =	sor.u32 s19, s22;
	[sflag:s30] =	ssyncset.done $0x0  }
0x8b: {  	s21 =	sor.u32 $0x80, s21;
	s19 =	sshrl.u32 s19, $0x3;
	[sflag:s30] =	ssyncadd.s32 $0xFFFFC000  }
.Ltmp0:
0x8c: {  	s22 =	sadd.s32 s1, s19;
	(pc) =	sbr.rel @p0 .LBB2_2-.Ltmp0, $4  }
0x8d: {  	[tilespmem:s21], [sflag:$0x2] =	stream.linear.gather [hbm4b:s22+s4], $0x80, $0x38;
	[tilespmem:$0x1C800] =	vst v63  }
0x8e: {  	s19 =	sadd.s32 s6, s19  }
0x8f: {  	[tilespmem:s20], [sflag:$0x2] =	stream.linear.gather [hbm4b:s19+s4], $0x80, $0x38;
	[tilespmem:$0x1C800] =	vst v63  }
0x90: {  	_ =	swait.ge [sflag:s8], $0x80  }
0x91: {  	[sflag:s8] =	ssyncset.done $0x0  }
0x92: {  	[sflag:s8] =	ssyncadd.s32 $0xFFFFFF80  }
0x93: {  	_ =	swait.ge [sflag:s8], $0x80  }
0x94: {  	s15 =	sand.u32 $0xE00, s15;
	[sflag:s8] =	ssyncset.done $0x0  }
0x95: {  	s15 =	sshrl.u32 s15, $0x2;
	[sflag:s8] =	ssyncadd.s32 $0xFFFFFF80  }
0x96: {  	[tilespmem:s11], [sflag:$0x1] =	stream.indirect.gather [hbm4b:s5+s0], $0x80, s15, s0, $0xb8;
	[tilespmem:$0x1C800] =	vst v63  }
0x97: {  	_ =	swait.ge [sflag:s12], $0x4000  }
0x98: {  	[sflag:s12] =	ssyncset.done $0x0  }
0x99: {  	[sflag:s12] =	ssyncadd.s32 $0xFFFFC000  }
0x9a: {  	[spmem:s3] =	stream.indirect.scatter.add.f32 [tilespmem:s9], [sflag:$0x3], $0x80, s31, s0, $0xb8;
	[tilespmem:$0x1C800] =	vst v63  }
0x9b: {  	_ =	swait.ge [sflag:s30], $0x4000  }
0x9c: {  	[sflag:s30] =	ssyncset.done $0x0  }
0x9d: {  	[sflag:s30] =	ssyncadd.s32 $0xFFFFC000  }
0x9e: {  	_ =	swait.ge [sflag:s12], $0x4000  }
0x9f: {  	[sflag:s12] =	ssyncset.done $0x0  }
0xa0: {  	[sflag:s12] =	ssyncadd.s32 $0xFFFFC000  }
0xa1: {  	[spmem:s3] =	stream.indirect.scatter.add.f32 [tilespmem:s11], [sflag:$0x3], $0x80, s2, s0, $0xb8;
	[tilespmem:$0x1C800] =	vst v63  }
0xa2: {  	_ =	swait.ge [sflag:s30], $0x4000  }
0xa3: {  	[sflag:s30] =	ssyncset.done $0x0  }
0xa4: {  	[sflag:s30] =	ssyncadd.s32 $0xFFFFC000  }
0xa5: {  	_ =	swait.ge [sflag:s8], $0x80  }
0xa6: {  	[sflag:s8] =	ssyncset.done $0x0  }
0xa7: {  	[sflag:s8] =	ssyncadd.s32 $0xFFFFFF80  }
0xa8: {  	_ =	swait.ge [sflag:s8], $0x80  }
0xa9: {  	[sflag:s8] =	ssyncset.done $0x0  }
0xaa: {  	[sflag:s8] =	ssyncadd.s32 $0xFFFFFF80  }
0xab: {  	_ =	swait.ge [sflag:s8], $0x80  }
0xac: {  	[sflag:s8] =	ssyncset.done $0x0  }
0xad: {  	[sflag:s8] =	ssyncadd.s32 $0xFFFFFF80  }
0xae: {  	_ =	swait.ge [sflag:s8], $0x80  }
0xaf: {  	[sflag:s8] =	ssyncset.done $0x0  }
0xb0: {  	[sflag:s8] =	ssyncadd.s32 $0xFFFFFF80  }
0xb1: {  	_ =	swait.ge [sflag:s8], $0x80  }
0xb2: {  	[sflag:s8] =	ssyncset.done $0x0  }
0xb3: {  	[sflag:s8] =	ssyncadd.s32 $0xFFFFFF80  }
0xb4: {  	_ =	swait.ge [sflag:s8], $0x80  }
0xb5: {  	[sflag:s8] =	ssyncset.done $0x0  }
0xb6: {  	[sflag:s8] =	ssyncadd.s32 $0xFFFFFF80  }
0xb7: {  	_ =	swait.ge [sflag:s8], $0x80  }
0xb8: {  	[sflag:s8] =	ssyncset.done $0x0  }
0xb9: {  	[sflag:s8] =	ssyncadd.s32 $0xFFFFFF80  }
0xba: {  	_ =	swait.ge [sflag:s8], $0x80  }
0xbb: {  	[sflag:s8] =	ssyncset.done $0x0  }
0xbc: {  	[sflag:s8] =	ssyncadd.s32 $0xFFFFFF80  }
0xbd: {  	_ =	swait.ge [sflag:s8], $0x80  }
0xbe: {  	[sflag:s8] =	ssyncset.done $0x0  }
0xbf: {  	[sflag:s8] =	ssyncadd.s32 $0xFFFFFF80  }
0xc0: {  	_ =	swait.ge [sflag:s8], $0x80  }
0xc1: {  	[sflag:s8] =	ssyncset.done $0x0  }
0xc2: {  	[sflag:s8] =	ssyncadd.s32 $0xFFFFFF80  }
0xc3: {  	_ =	swait.ge [sflag:s8], $0x80  }
0xc4: {  	[sflag:s8] =	ssyncset.done $0x0  }
0xc5: {  	[sflag:s8] =	ssyncadd.s32 $0xFFFFFF80  }
0xc6: {  	_ =	swait.ge [sflag:s8], $0x80  }
0xc7: {  	s13 =	sadd.s32 $0x1, s13;
	[sflag:s8] =	ssyncset.done $0x0  }
0xc8: {  	p0 =	sne.s32 s13, s29;
	[sflag:s8] =	ssyncadd.s32 $0xFFFFFF80  }
.Ltmp1:
0xc9: {  	[bflag:$0x0] =	sbarrier.arrive $0xFFFF;
	(pc) =	sbr.rel @p0 .LBB2_1-.Ltmp1, $4  }
0xca: {  	[hbm:s28], [sflag:s10] =	dma.local [spmem:s14], $0x2800  }
0xcb: {  	_ =	swait.ge [sflag:s30], $0x2800  }
0xcc: {  	[sflag:s30] =	ssyncset.done $0x0  }
0xcd: {  	[sflag:s30] =	ssyncadd.s32 $0xFFFFD800  }
0xce: {  	_ =	sfence.sel $0x180000  }
0xcf: {  	[bflag:$0x0] =	sbarrier.arrive $0xFFFF  }
0xd0: {  	_ =	strace $0x90000050  }
0xd1: {  	s0 =	stileid.u32;
	[bflag:$0x2] =	sbarrier.arrive $0xFFFF  }
0xd2: {  	p0 =	sne.s32 s0, $0x0;
	s0 =	rddreg [dreg:$0x3]  }
0xd3: {  	s0 =	sadd.s32 @!p0 $0x100000, s0  }
0xd4: {  	[sflag:s0] =	ssyncadd.tile.s32 @!p0 $0x1;
	_ =	shalt  }
.Lfunc_end2:
_tile_overlayer_lowered:
.L_overlay_start_2:
0xd5: {  	(tag) =	ssettag $0x2  }
0xd6: {  	s0 =	rddreg [dreg:$0x0];
	s2 =	stileid.u32  }
0xd7: {  	s1 =	rddreg [dreg:$0x1];
	p0 =	sne.s32 s2, $0x0  }
0xd8: {  	s3 =	rddreg [dreg:$0x2];
	[bflag:$0x3] =	sbarrier.arrive $0xFFFF;
	s2 =	simm.s32 @!p0 $0x1C03  }
0xd9: {  	[timem:s3], [sflag:s2] =	dma.local @!p0 [hbm:s0], s1  }
0xda: {  	s0 =	simm.s32 @!p0 $0x3  }
0xdb: {  	_ =	swait.ge @!p0 [sflag:s0], s1  }
0xdc: {  	s1 =	ssub.s32 @!p0 $0x0, s1;
	[sflag:s0] =	ssyncset.done @!p0 $0x0  }
0xdd: {  	[sflag:s0] =	ssyncadd.s32 @!p0 s1  }
0xde: {  	[bflag:$0x3] =	sbarrier.arrive $0xFFFF  }
0xdf: {  	_ =	shalt  }

</sc_bundles>
